<compile_context>
chip_gen: v7x
topology: tpu7x:2x2x1
jax: 0.10.2.dev20260603
libtpu: 0.0.44.dev20260713+nightly
codegen_flags: <defaults>
</compile_context>

<pallas_src>
import functools

import jax
import jax.numpy as jnp
import numpy as np
from jax import lax
from jax.experimental import pallas as pl
from jax.experimental.pallas import tpu as pltpu
from jax.experimental.pallas import tpu_sc as plsc

N_CLS = 3
N_PROP = 20000
PAD = 20480
NTILE = 16
PER_TILE = PAD // NTILE
CHUNKS = PER_TILE // 16
NDET = 100
ROWS = PAD // 128
LOGMAX = float(np.log(1000.0 / 16.0))
SCORE_THRESH = 0.05
NMS_THRESH = 0.5


def _prep_body(img_ref, cl_ref, br_ref, pr_ref, out_ref):
    img = img_ref[0, 0]
    l0 = cl_ref[0]
    l1 = cl_ref[1]
    l2 = cl_ref[2]
    m = jnp.maximum(jnp.maximum(l0, l1), l2)
    e0 = jnp.exp(l0 - m)
    e1 = jnp.exp(l1 - m)
    e2 = jnp.exp(l2 - m)
    den = e0 + e1 + e2

    px1 = pr_ref[0]
    py1 = pr_ref[1]
    px2 = pr_ref[2]
    py2 = pr_ref[3]
    wdt = px2 - px1
    hgt = py2 - py1
    cx = px1 + 0.5 * wdt
    cy = py1 + 0.5 * hgt

    r0 = lax.broadcasted_iota(jnp.int32, (ROWS, 128), 0)
    r1 = lax.broadcasted_iota(jnp.int32, (ROWS, 128), 1)
    valid = (r0 * 128 + r1) < N_PROP

    for li in range(2):
        sc = (e1 if li == 0 else e2) / den
        sc = jnp.where(sc > SCORE_THRESH, sc, -1.0)
        sc = jnp.where(valid, sc, -3.0)
        dx = br_ref[4 * li + 0] / 10.0
        dy = br_ref[4 * li + 1] / 10.0
        dw = jnp.minimum(br_ref[4 * li + 2] / 5.0, LOGMAX)
        dh = jnp.minimum(br_ref[4 * li + 3] / 5.0, LOGMAX)
        pcx = dx * wdt + cx
        pcy = dy * hgt + cy
        pw = jnp.exp(dw) * wdt
        ph = jnp.exp(dh) * hgt
        x1 = jnp.clip(pcx - 0.5 * pw, 0.0, img)
        y1 = jnp.clip(pcy - 0.5 * ph, 0.0, img)
        x2 = jnp.clip(pcx + 0.5 * pw, 0.0, img)
        y2 = jnp.clip(pcy + 0.5 * ph, 0.0, img)
        out_ref[li, 0] = x1
        out_ref[li, 1] = y1
        out_ref[li, 2] = x2
        out_ref[li, 3] = y2
        out_ref[li, 4] = sc
        out_ref[li, 5] = (x2 - x1) * (y2 - y1)


def _splat_i(x):
    return jnp.full((16,), x, dtype=jnp.int32)


@functools.partial(
    pl.kernel,
    out_type=jax.ShapeDtypeStruct((2, NDET * 16), jnp.float32),
    mesh=plsc.VectorSubcoreMesh(core_axis_name="c", subcore_axis_name="s"),
    compiler_params=pltpu.CompilerParams(needs_layout_passes=False),
    scratch_types=[
        pltpu.VMEM((4 * PER_TILE,), jnp.float32),
        pltpu.VMEM((PER_TILE,), jnp.float32),
        pltpu.VMEM((PER_TILE,), jnp.float32),
        pltpu.VMEM((16,), jnp.float32),
        pltpu.VMEM((NTILE * 16,), jnp.float32),
        pltpu.VMEM((NDET * 16,), jnp.float32),
        pltpu.VMEM_SHARED((2 * NTILE * 16,), jnp.float32),
    ],
)
def _nms_sc(mega_hbm, out_hbm, boxes_v, score_v, area_v, pub_v, loc_v, outb_v, shared_v):
    c = lax.axis_index("c")
    s = lax.axis_index("s")
    base = s * PER_TILE
    for j in range(4):
        pltpu.sync_copy(
            mega_hbm.at[c, j, pl.ds(base, PER_TILE)],
            boxes_v.at[pl.ds(j * PER_TILE, PER_TILE)],
        )
    pltpu.sync_copy(mega_hbm.at[c, 4, pl.ds(base, PER_TILE)], score_v)
    pltpu.sync_copy(mega_hbm.at[c, 5, pl.ds(base, PER_TILE)], area_v)
    lane = lax.iota(jnp.int32, 16)

    vm0 = score_v[pl.ds(0, 16)]
    ci0 = jnp.zeros((16,), jnp.int32)
    for ch in range(1, CHUNKS):
        v = score_v[pl.ds(ch * 16, 16)]
        upd = v > vm0
        vm0 = jnp.where(upd, v, vm0)
        ci0 = jnp.where(upd, ch, ci0)

    def step(i, carry):
        vm, ci = carry
        m_loc = jnp.max(vm)
        cand = jnp.where(vm == m_loc, ci * 16 + lane, jnp.int32(1 << 30))
        lidx = jnp.min(cand)
        recb = plsc.load_gather(boxes_v, [jnp.minimum(lane, 3) * PER_TILE + lidx])
        recs = plsc.load_gather(score_v, [_splat_i(lidx)])
        pub_v[...] = jnp.where(lane >= 4, recs, recb)
        par = (i & 1) * (NTILE * 16)
        pltpu.sync_copy(pub_v, shared_v.at[pl.ds(par + s * 16, 16)])
        plsc.subcore_barrier()
        pltpu.sync_copy(shared_v.at[pl.ds(par, NTILE * 16)], loc_v)
        tsc = plsc.load_gather(loc_v, [lane * 16 + 4])
        m_g = jnp.max(tsc)
        pos = jnp.min(jnp.where(tsc == m_g, lane, jnp.int32(63)))
        pbase = pos * 16
        wx1 = plsc.load_gather(loc_v, [_splat_i(pbase)])
        wy1 = plsc.load_gather(loc_v, [_splat_i(pbase + 1)])
        wx2 = plsc.load_gather(loc_v, [_splat_i(pbase + 2)])
        wy2 = plsc.load_gather(loc_v, [_splat_i(pbase + 3)])
        war = (wx2 - wx1) * (wy2 - wy1)

        @pl.when(pos == s)
        def _mark():
            plsc.store_scatter(
                score_v,
                [_splat_i(lidx)],
                jnp.full((16,), -1.0, jnp.float32),
                mask=lane == 0,
            )

        @pl.when(s == 0)
        def _emit():
            ov = plsc.load_gather(loc_v, [pbase + lane])
            ov = jnp.where(lane < 5, ov, 0.0)
            ov = ov * jnp.where(m_g > 0.0, 1.0, 0.0)
            plsc.store_scatter(outb_v, [i * 16 + lane], ov)

        nvm = jnp.full((16,), -4.0, jnp.float32)
        nci = jnp.zeros((16,), jnp.int32)
        for ch in range(CHUNKS):
            o = ch * 16
            x1 = boxes_v[pl.ds(o, 16)]
            y1 = boxes_v[pl.ds(PER_TILE + o, 16)]
            x2 = boxes_v[pl.ds(2 * PER_TILE + o, 16)]
            y2 = boxes_v[pl.ds(3 * PER_TILE + o, 16)]
            ar = area_v[pl.ds(o, 16)]
            sc = score_v[pl.ds(o, 16)]
            w = jnp.maximum(jnp.minimum(x2, wx2) - jnp.maximum(x1, wx1), 0.0)
            h = jnp.maximum(jnp.minimum(y2, wy2) - jnp.maximum(y1, wy1), 0.0)
            inter = w * h
            iou = inter / (war + ar - inter + 1e-6)
            nsc = jnp.where(iou >= NMS_THRESH, -1.0, sc)
            score_v[pl.ds(o, 16)] = nsc
            upd = nsc > nvm
            nvm = jnp.where(upd, nsc, nvm)
            nci = jnp.where(upd, ch, nci)
        return nvm, nci

    lax.fori_loop(0, NDET, step, (vm0, ci0))

    @pl.when(s == 0)
    def _flush():
        pltpu.sync_copy(outb_v, out_hbm.at[c])


def kernel(class_logit, box_regression, proposals, image_shape):
    padn = PAD - N_PROP
    cl = jnp.pad(class_logit.astype(jnp.float32), ((0, padn), (0, 0)))
    br = jnp.pad(box_regression.astype(jnp.float32), ((0, padn), (0, 0)))
    pr = jnp.pad(proposals.astype(jnp.float32), ((0, padn), (0, 0)))
    clt = cl.T.reshape(N_CLS, ROWS, 128)
    brt = br.T.reshape(N_CLS * 4, ROWS, 128)[4:]
    prt = pr.T.reshape(4, ROWS, 128)
    img = jnp.asarray(image_shape, jnp.float32).reshape(1, 1)
    mega = pl.pallas_call(
        _prep_body,
        out_shape=jax.ShapeDtypeStruct((2, 6, ROWS, 128), jnp.float32),
    )(img, clt, brt, prt)
    out = _nms_sc(mega.reshape(2, 6, PAD))
    return out.reshape(2, NDET, 16)[:, :, :5].reshape(2 * NDET, 5)

# --- scband reference (transcript-rebuilt; emitter-appended) ---
"""Pipeline reference for scband-ro-iheads-fpn-35416300323750 (READ-ONLY COPY).

The authoritative reference and input builder live on the scoring server;
editing this copy changes nothing except your own understanding.
"""

import jax, jax.numpy as jnp
import numpy as np

NUM_CLASSES = 3
SCORE_THRESH = 0.05
NMS_THRESH = 0.5
NUM_DET = 100
N_PROPOSALS = 20000


def setup_inputs(seed: int = 0) -> dict:
    key = jax.random.key(seed)
    k1, k2, k3, k4 = jax.random.split(key, 4)
    class_logit = jax.random.normal(k1, (N_PROPOSALS, NUM_CLASSES), dtype=jnp.float32)
    box_regression = jax.random.normal(k2, (N_PROPOSALS, NUM_CLASSES * 4), dtype=jnp.float32) * 0.1
    xy = jax.random.uniform(k3, (N_PROPOSALS, 2), dtype=jnp.float32) * 700.0
    wh = jax.random.uniform(k4, (N_PROPOSALS, 2), dtype=jnp.float32) * 100.0 + 1.0
    proposals = jnp.concatenate([xy, xy + wh], axis=1)
    return {"class_logit": class_logit, "box_regression": box_regression, "proposals": proposals, "image_shape": 800}


def _decode(deltas, boxes, img):
    # BoxCoder.decode with reg_weights (10, 10, 5, 5)
    wx, wy, ww, wh = 10.0, 10.0, 5.0, 5.0
    widths = boxes[:, 2] - boxes[:, 0]
    heights = boxes[:, 3] - boxes[:, 1]
    ctr_x = boxes[:, 0] + 0.5 * widths
    ctr_y = boxes[:, 1] + 0.5 * heights
    dx = deltas[:, 0] / wx
    dy = deltas[:, 1] / wy
    dw = jnp.minimum(deltas[:, 2] / ww, np.log(1000.0 / 16.0))
    dh = jnp.minimum(deltas[:, 3] / wh, np.log(1000.0 / 16.0))
    pred_ctr_x = dx * widths + ctr_x
    pred_ctr_y = dy * heights + ctr_y
    pred_w = jnp.exp(dw) * widths
    pred_h = jnp.exp(dh) * heights
    img_f = jnp.asarray(img).astype(jnp.float32)
    x1 = jnp.clip(pred_ctr_x - 0.5 * pred_w, 0.0, img_f)
    y1 = jnp.clip(pred_ctr_y - 0.5 * pred_h, 0.0, img_f)
    x2 = jnp.clip(pred_ctr_x + 0.5 * pred_w, 0.0, img_f)
    y2 = jnp.clip(pred_ctr_y + 0.5 * pred_h, 0.0, img_f)
    return jnp.stack([x1, y1, x2, y2], axis=1)


def _nms(boxes, scores):
    # Greedy NMS with a fixed number of selection steps (NUM_DET).
    areas = (boxes[:, 2] - boxes[:, 0]) * (boxes[:, 3] - boxes[:, 1])

    def step(scores_m, _):
        idx = jnp.argmax(scores_m)
        s = scores_m[idx]
        b = boxes[idx]
        valid = s > 0.0
        out_b = jnp.where(valid, b, jnp.zeros_like(b))
        out_s = jnp.where(valid, s, 0.0)
        lt = jnp.maximum(b[:2], boxes[:, :2])
        rb = jnp.minimum(b[2:], boxes[:, 2:])
        whd = jnp.maximum(rb - lt, 0.0)
        inter = whd[:, 0] * whd[:, 1]
        area_b = (b[2] - b[0]) * (b[3] - b[1])
        iou = inter / (area_b + areas - inter + 1e-6)
        suppress = iou >= NMS_THRESH
        new_scores = jnp.where(suppress, -1.0, scores_m)
        new_scores = new_scores.at[idx].set(-1.0)
        return new_scores, (out_b, out_s)

    _, (out_b, out_s) = jax.lax.scan(step, scores, None, length=NUM_DET)
    return out_b, out_s


def reference(class_logit, box_regression, proposals, image_shape):
    # fastrcnn_inference core: softmax scores, per-class box decoding,
    # score thresholding, per-class greedy NMS keeping num_detections.
    pred_score = jax.nn.softmax(class_logit, axis=-1)
    deltas = box_regression.reshape(class_logit.shape[0], NUM_CLASSES, 4)
    dets = []
    for l in range(1, NUM_CLASSES):
        boxes_l = _decode(deltas[:, l, :], proposals, image_shape)
        scores_l = pred_score[:, l]
        scores_l = jnp.where(scores_l > SCORE_THRESH, scores_l, -1.0)
        b, s = _nms(boxes_l, scores_l)
        dets.append(jnp.concatenate([b, s[:, None]], axis=1))
    return jnp.concatenate(dets, axis=0)

if __name__ == "__main__":
    import jax
    _d = setup_inputs()
    print(jax.jit(kernel)(*tuple(_d.values())))

</pallas_src>

<mosaic_0001>
#map = affine_map<(d0, d1) -> (0, 0, 0)>
#map1 = affine_map<(d0, d1) -> (0, 0)>
module attributes {stable_mosaic.version = 14 : i64} {
  func.func @_nms_sc(%arg0: i32, %arg1: i32, %arg2: memref<2x6x20480xf32, #tpu.memory_space<hbm>>, %arg3: memref<2x1600xf32, #tpu.memory_space<hbm>>, %arg4: memref<5120xf32, #tpu.memory_space<vmem>>, %arg5: memref<1280xf32, #tpu.memory_space<vmem>>, %arg6: memref<1280xf32, #tpu.memory_space<vmem>>, %arg7: memref<16xf32, #tpu.memory_space<vmem>>, %arg8: memref<256xf32, #tpu.memory_space<vmem>>, %arg9: memref<1600xf32, #tpu.memory_space<vmem>>, %arg10: memref<512xf32, #tpu.memory_space<vmem_shared>>) attributes {dimension_semantics = [#tpu.dimension_semantics<core_parallel>, #tpu.dimension_semantics<subcore_parallel>], iteration_bounds = array<i64: 2, 16>, scalar_prefetch = 0 : i64, scratch_operands = 7 : i64, tpu.core_type = #tpu.core_type<sc_vector_subcore>, window_params = [{transform_indices = #map}, {transform_indices = #map1}]} {
    %mul3A = arith.constant 1280 : i32
    %mul3A_0 = arith.muli %arg1, %mul3A : i32
    %run_scoped3A = arith.constant 0 : i32
    "tpu.region"() ({
      %run_scoped3A_565 = tpu.sem_alloc : memref<!tpu.dma_semaphore, #tpu.memory_space<semaphore_mem>>
      %dma_start3A = arith.constant 0 : i32
      %dma_start3A_566 = tpu.memref_slice %arg4[%dma_start3A] : memref<5120xf32, #tpu.memory_space<vmem>> -> memref<1280xf32, #tpu.memory_space<vmem>>
      %dma_start3A_567 = tpu.memref_slice %arg2[%arg0, %run_scoped3A, %mul3A_0] : memref<2x6x20480xf32, #tpu.memory_space<hbm>> -> memref<1x1x1280xf32, #tpu.memory_space<hbm>>
      %dma_start3A_568 = tpu.memref_squeeze %dma_start3A_567 : memref<1x1x1280xf32, #tpu.memory_space<hbm>> -> memref<1280xf32, #tpu.memory_space<hbm>>
      %dma_start3A_569 = arith.constant 0 : i32
      %dma_start3A_570 = tpu.memref_slice %arg4[%dma_start3A_569] : memref<5120xf32, #tpu.memory_space<vmem>> -> memref<1280xf32, #tpu.memory_space<vmem>>
      %dma_start3A_571 = tpu.memref_slice %arg2[%arg0, %run_scoped3A, %mul3A_0] : memref<2x6x20480xf32, #tpu.memory_space<hbm>> -> memref<1x1x1280xf32, #tpu.memory_space<hbm>>
      %dma_start3A_572 = tpu.memref_squeeze %dma_start3A_571 : memref<1x1x1280xf32, #tpu.memory_space<hbm>> -> memref<1280xf32, #tpu.memory_space<hbm>>
      tpu.enqueue_dma source(%dma_start3A_572 : memref<1280xf32, #tpu.memory_space<hbm>>) target(%dma_start3A_570 : memref<1280xf32, #tpu.memory_space<vmem>>) target_semaphore(%run_scoped3A_565 : memref<!tpu.dma_semaphore, #tpu.memory_space<semaphore_mem>>)
      %dma_wait3A = arith.constant 0 : i32
      %dma_wait3A_573 = tpu.memref_slice %arg4[%dma_wait3A] : memref<5120xf32, #tpu.memory_space<vmem>> -> memref<1280xf32, #tpu.memory_space<vmem>>
      %dma_wait3A_574 = tpu.memref_slice %arg2[%arg0, %run_scoped3A, %mul3A_0] : memref<2x6x20480xf32, #tpu.memory_space<hbm>> -> memref<1x1x1280xf32, #tpu.memory_space<hbm>>
      %dma_wait3A_575 = tpu.memref_squeeze %dma_wait3A_574 : memref<1x1x1280xf32, #tpu.memory_space<hbm>> -> memref<1280xf32, #tpu.memory_space<hbm>>
      %dma_wait3A_576 = arith.constant 0 : i32
      %dma_wait3A_577 = tpu.memref_slice %arg4[%dma_wait3A_576] : memref<5120xf32, #tpu.memory_space<vmem>> -> memref<1280xf32, #tpu.memory_space<vmem>>
      %dma_wait3A_578 = tpu.memref_slice %arg2[%arg0, %run_scoped3A, %mul3A_0] : memref<2x6x20480xf32, #tpu.memory_space<hbm>> -> memref<1x1x1280xf32, #tpu.memory_space<hbm>>
      %dma_wait3A_579 = tpu.memref_squeeze %dma_wait3A_578 : memref<1x1x1280xf32, #tpu.memory_space<hbm>> -> memref<1280xf32, #tpu.memory_space<hbm>>
      tpu.wait_dma2 semaphore(%run_scoped3A_565 : memref<!tpu.dma_semaphore, #tpu.memory_space<semaphore_mem>>) src(%dma_wait3A_579 : memref<1280xf32, #tpu.memory_space<hbm>>) dst(%dma_wait3A_577 : memref<1280xf32, #tpu.memory_space<vmem>>)
      tpu.yield
    }) : () -> ()
    %run_scoped3A_1 = arith.constant 1 : i32
    "tpu.region"() ({
      %run_scoped3A_565 = tpu.sem_alloc : memref<!tpu.dma_semaphore, #tpu.memory_space<semaphore_mem>>
      %dma_start3A = arith.constant 1280 : i32
      %dma_start3A_566 = tpu.memref_slice %arg4[%dma_start3A] : memref<5120xf32, #tpu.memory_space<vmem>> -> memref<1280xf32, #tpu.memory_space<vmem>>
      %dma_start3A_567 = tpu.memref_slice %arg2[%arg0, %run_scoped3A_1, %mul3A_0] : memref<2x6x20480xf32, #tpu.memory_space<hbm>> -> memref<1x1x1280xf32, #tpu.memory_space<hbm>>
      %dma_start3A_568 = tpu.memref_squeeze %dma_start3A_567 : memref<1x1x1280xf32, #tpu.memory_space<hbm>> -> memref<1280xf32, #tpu.memory_space<hbm>>
      %dma_start3A_569 = arith.constant 1280 : i32
      %dma_start3A_570 = tpu.memref_slice %arg4[%dma_start3A_569] : memref<5120xf32, #tpu.memory_space<vmem>> -> memref<1280xf32, #tpu.memory_space<vmem>>
      %dma_start3A_571 = tpu.memref_slice %arg2[%arg0, %run_scoped3A_1, %mul3A_0] : memref<2x6x20480xf32, #tpu.memory_space<hbm>> -> memref<1x1x1280xf32, #tpu.memory_space<hbm>>
      %dma_start3A_572 = tpu.memref_squeeze %dma_start3A_571 : memref<1x1x1280xf32, #tpu.memory_space<hbm>> -> memref<1280xf32, #tpu.memory_space<hbm>>
      tpu.enqueue_dma source(%dma_start3A_572 : memref<1280xf32, #tpu.memory_space<hbm>>) target(%dma_start3A_570 : memref<1280xf32, #tpu.memory_space<vmem>>) target_semaphore(%run_scoped3A_565 : memref<!tpu.dma_semaphore, #tpu.memory_space<semaphore_mem>>)
      %dma_wait3A = arith.constant 1280 : i32
      %dma_wait3A_573 = tpu.memref_slice %arg4[%dma_wait3A] : memref<5120xf32, #tpu.memory_space<vmem>> -> memref<1280xf32, #tpu.memory_space<vmem>>
      %dma_wait3A_574 = tpu.memref_slice %arg2[%arg0, %run_scoped3A_1, %mul3A_0] : memref<2x6x20480xf32, #tpu.memory_space<hbm>> -> memref<1x1x1280xf32, #tpu.memory_space<hbm>>
      %dma_wait3A_575 = tpu.memref_squeeze %dma_wait3A_574 : memref<1x1x1280xf32, #tpu.memory_space<hbm>> -> memref<1280xf32, #tpu.memory_space<hbm>>
      %dma_wait3A_576 = arith.constant 1280 : i32
      %dma_wait3A_577 = tpu.memref_slice %arg4[%dma_wait3A_576] : memref<5120xf32, #tpu.memory_space<vmem>> -> memref<1280xf32, #tpu.memory_space<vmem>>
      %dma_wait3A_578 = tpu.memref_slice %arg2[%arg0, %run_scoped3A_1, %mul3A_0] : memref<2x6x20480xf32, #tpu.memory_space<hbm>> -> memref<1x1x1280xf32, #tpu.memory_space<hbm>>
      %dma_wait3A_579 = tpu.memref_squeeze %dma_wait3A_578 : memref<1x1x1280xf32, #tpu.memory_space<hbm>> -> memref<1280xf32, #tpu.memory_space<hbm>>
      tpu.wait_dma2 semaphore(%run_scoped3A_565 : memref<!tpu.dma_semaphore, #tpu.memory_space<semaphore_mem>>) src(%dma_wait3A_579 : memref<1280xf32, #tpu.memory_space<hbm>>) dst(%dma_wait3A_577 : memref<1280xf32, #tpu.memory_space<vmem>>)
      tpu.yield
    }) : () -> ()
    %run_scoped3A_2 = arith.constant 2 : i32
    "tpu.region"() ({
      %run_scoped3A_565 = tpu.sem_alloc : memref<!tpu.dma_semaphore, #tpu.memory_space<semaphore_mem>>
      %dma_start3A = arith.constant 2560 : i32
      %dma_start3A_566 = tpu.memref_slice %arg4[%dma_start3A] : memref<5120xf32, #tpu.memory_space<vmem>> -> memref<1280xf32, #tpu.memory_space<vmem>>
      %dma_start3A_567 = tpu.memref_slice %arg2[%arg0, %run_scoped3A_2, %mul3A_0] : memref<2x6x20480xf32, #tpu.memory_space<hbm>> -> memref<1x1x1280xf32, #tpu.memory_space<hbm>>
      %dma_start3A_568 = tpu.memref_squeeze %dma_start3A_567 : memref<1x1x1280xf32, #tpu.memory_space<hbm>> -> memref<1280xf32, #tpu.memory_space<hbm>>
      %dma_start3A_569 = arith.constant 2560 : i32
      %dma_start3A_570 = tpu.memref_slice %arg4[%dma_start3A_569] : memref<5120xf32, #tpu.memory_space<vmem>> -> memref<1280xf32, #tpu.memory_space<vmem>>
      %dma_start3A_571 = tpu.memref_slice %arg2[%arg0, %run_scoped3A_2, %mul3A_0] : memref<2x6x20480xf32, #tpu.memory_space<hbm>> -> memref<1x1x1280xf32, #tpu.memory_space<hbm>>
      %dma_start3A_572 = tpu.memref_squeeze %dma_start3A_571 : memref<1x1x1280xf32, #tpu.memory_space<hbm>> -> memref<1280xf32, #tpu.memory_space<hbm>>
      tpu.enqueue_dma source(%dma_start3A_572 : memref<1280xf32, #tpu.memory_space<hbm>>) target(%dma_start3A_570 : memref<1280xf32, #tpu.memory_space<vmem>>) target_semaphore(%run_scoped3A_565 : memref<!tpu.dma_semaphore, #tpu.memory_space<semaphore_mem>>)
      %dma_wait3A = arith.constant 2560 : i32
      %dma_wait3A_573 = tpu.memref_slice %arg4[%dma_wait3A] : memref<5120xf32, #tpu.memory_space<vmem>> -> memref<1280xf32, #tpu.memory_space<vmem>>
      %dma_wait3A_574 = tpu.memref_slice %arg2[%arg0, %run_scoped3A_2, %mul3A_0] : memref<2x6x20480xf32, #tpu.memory_space<hbm>> -> memref<1x1x1280xf32, #tpu.memory_space<hbm>>
      %dma_wait3A_575 = tpu.memref_squeeze %dma_wait3A_574 : memref<1x1x1280xf32, #tpu.memory_space<hbm>> -> memref<1280xf32, #tpu.memory_space<hbm>>
      %dma_wait3A_576 = arith.constant 2560 : i32
      %dma_wait3A_577 = tpu.memref_slice %arg4[%dma_wait3A_576] : memref<5120xf32, #tpu.memory_space<vmem>> -> memref<1280xf32, #tpu.memory_space<vmem>>
      %dma_wait3A_578 = tpu.memref_slice %arg2[%arg0, %run_scoped3A_2, %mul3A_0] : memref<2x6x20480xf32, #tpu.memory_space<hbm>> -> memref<1x1x1280xf32, #tpu.memory_space<hbm>>
      %dma_wait3A_579 = tpu.memref_squeeze %dma_wait3A_578 : memref<1x1x1280xf32, #tpu.memory_space<hbm>> -> memref<1280xf32, #tpu.memory_space<hbm>>
      tpu.wait_dma2 semaphore(%run_scoped3A_565 : memref<!tpu.dma_semaphore, #tpu.memory_space<semaphore_mem>>) src(%dma_wait3A_579 : memref<1280xf32, #tpu.memory_space<hbm>>) dst(%dma_wait3A_577 : memref<1280xf32, #tpu.memory_space<vmem>>)
      tpu.yield
    }) : () -> ()
    %run_scoped3A_3 = arith.constant 3 : i32
    "tpu.region"() ({
      %run_scoped3A_565 = tpu.sem_alloc : memref<!tpu.dma_semaphore, #tpu.memory_space<semaphore_mem>>
      %dma_start3A = arith.constant 3840 : i32
      %dma_start3A_566 = tpu.memref_slice %arg4[%dma_start3A] : memref<5120xf32, #tpu.memory_space<vmem>> -> memref<1280xf32, #tpu.memory_space<vmem>>
      %dma_start3A_567 = tpu.memref_slice %arg2[%arg0, %run_scoped3A_3, %mul3A_0] : memref<2x6x20480xf32, #tpu.memory_space<hbm>> -> memref<1x1x1280xf32, #tpu.memory_space<hbm>>
      %dma_start3A_568 = tpu.memref_squeeze %dma_start3A_567 : memref<1x1x1280xf32, #tpu.memory_space<hbm>> -> memref<1280xf32, #tpu.memory_space<hbm>>
      %dma_start3A_569 = arith.constant 3840 : i32
      %dma_start3A_570 = tpu.memref_slice %arg4[%dma_start3A_569] : memref<5120xf32, #tpu.memory_space<vmem>> -> memref<1280xf32, #tpu.memory_space<vmem>>
      %dma_start3A_571 = tpu.memref_slice %arg2[%arg0, %run_scoped3A_3, %mul3A_0] : memref<2x6x20480xf32, #tpu.memory_space<hbm>> -> memref<1x1x1280xf32, #tpu.memory_space<hbm>>
      %dma_start3A_572 = tpu.memref_squeeze %dma_start3A_571 : memref<1x1x1280xf32, #tpu.memory_space<hbm>> -> memref<1280xf32, #tpu.memory_space<hbm>>
      tpu.enqueue_dma source(%dma_start3A_572 : memref<1280xf32, #tpu.memory_space<hbm>>) target(%dma_start3A_570 : memref<1280xf32, #tpu.memory_space<vmem>>) target_semaphore(%run_scoped3A_565 : memref<!tpu.dma_semaphore, #tpu.memory_space<semaphore_mem>>)
      %dma_wait3A = arith.constant 3840 : i32
      %dma_wait3A_573 = tpu.memref_slice %arg4[%dma_wait3A] : memref<5120xf32, #tpu.memory_space<vmem>> -> memref<1280xf32, #tpu.memory_space<vmem>>
      %dma_wait3A_574 = tpu.memref_slice %arg2[%arg0, %run_scoped3A_3, %mul3A_0] : memref<2x6x20480xf32, #tpu.memory_space<hbm>> -> memref<1x1x1280xf32, #tpu.memory_space<hbm>>
      %dma_wait3A_575 = tpu.memref_squeeze %dma_wait3A_574 : memref<1x1x1280xf32, #tpu.memory_space<hbm>> -> memref<1280xf32, #tpu.memory_space<hbm>>
      %dma_wait3A_576 = arith.constant 3840 : i32
      %dma_wait3A_577 = tpu.memref_slice %arg4[%dma_wait3A_576] : memref<5120xf32, #tpu.memory_space<vmem>> -> memref<1280xf32, #tpu.memory_space<vmem>>
      %dma_wait3A_578 = tpu.memref_slice %arg2[%arg0, %run_scoped3A_3, %mul3A_0] : memref<2x6x20480xf32, #tpu.memory_space<hbm>> -> memref<1x1x1280xf32, #tpu.memory_space<hbm>>
      %dma_wait3A_579 = tpu.memref_squeeze %dma_wait3A_578 : memref<1x1x1280xf32, #tpu.memory_space<hbm>> -> memref<1280xf32, #tpu.memory_space<hbm>>
      tpu.wait_dma2 semaphore(%run_scoped3A_565 : memref<!tpu.dma_semaphore, #tpu.memory_space<semaphore_mem>>) src(%dma_wait3A_579 : memref<1280xf32, #tpu.memory_space<hbm>>) dst(%dma_wait3A_577 : memref<1280xf32, #tpu.memory_space<vmem>>)
      tpu.yield
    }) : () -> ()
    %run_scoped3A_4 = arith.constant 4 : i32
    "tpu.region"() ({
      %run_scoped3A_565 = tpu.sem_alloc : memref<!tpu.dma_semaphore, #tpu.memory_space<semaphore_mem>>
      %dma_start3A = tpu.memref_slice %arg2[%arg0, %run_scoped3A_4, %mul3A_0] : memref<2x6x20480xf32, #tpu.memory_space<hbm>> -> memref<1x1x1280xf32, #tpu.memory_space<hbm>>
      %dma_start3A_566 = tpu.memref_squeeze %dma_start3A : memref<1x1x1280xf32, #tpu.memory_space<hbm>> -> memref<1280xf32, #tpu.memory_space<hbm>>
      %dma_start3A_567 = tpu.memref_slice %arg2[%arg0, %run_scoped3A_4, %mul3A_0] : memref<2x6x20480xf32, #tpu.memory_space<hbm>> -> memref<1x1x1280xf32, #tpu.memory_space<hbm>>
      %dma_start3A_568 = tpu.memref_squeeze %dma_start3A_567 : memref<1x1x1280xf32, #tpu.memory_space<hbm>> -> memref<1280xf32, #tpu.memory_space<hbm>>
      tpu.enqueue_dma source(%dma_start3A_568 : memref<1280xf32, #tpu.memory_space<hbm>>) target(%arg5 : memref<1280xf32, #tpu.memory_space<vmem>>) target_semaphore(%run_scoped3A_565 : memref<!tpu.dma_semaphore, #tpu.memory_space<semaphore_mem>>)
      %dma_wait3A = tpu.memref_slice %arg2[%arg0, %run_scoped3A_4, %mul3A_0] : memref<2x6x20480xf32, #tpu.memory_space<hbm>> -> memref<1x1x1280xf32, #tpu.memory_space<hbm>>
      %dma_wait3A_569 = tpu.memref_squeeze %dma_wait3A : memref<1x1x1280xf32, #tpu.memory_space<hbm>> -> memref<1280xf32, #tpu.memory_space<hbm>>
      %dma_wait3A_570 = tpu.memref_slice %arg2[%arg0, %run_scoped3A_4, %mul3A_0] : memref<2x6x20480xf32, #tpu.memory_space<hbm>> -> memref<1x1x1280xf32, #tpu.memory_space<hbm>>
      %dma_wait3A_571 = tpu.memref_squeeze %dma_wait3A_570 : memref<1x1x1280xf32, #tpu.memory_space<hbm>> -> memref<1280xf32, #tpu.memory_space<hbm>>
      tpu.wait_dma2 semaphore(%run_scoped3A_565 : memref<!tpu.dma_semaphore, #tpu.memory_space<semaphore_mem>>) src(%dma_wait3A_571 : memref<1280xf32, #tpu.memory_space<hbm>>) dst(%arg5 : memref<1280xf32, #tpu.memory_space<vmem>>)
      tpu.yield
    }) : () -> ()
    %run_scoped3A_5 = arith.constant 5 : i32
    "tpu.region"() ({
      %run_scoped3A_565 = tpu.sem_alloc : memref<!tpu.dma_semaphore, #tpu.memory_space<semaphore_mem>>
      %dma_start3A = tpu.memref_slice %arg2[%arg0, %run_scoped3A_5, %mul3A_0] : memref<2x6x20480xf32, #tpu.memory_space<hbm>> -> memref<1x1x1280xf32, #tpu.memory_space<hbm>>
      %dma_start3A_566 = tpu.memref_squeeze %dma_start3A : memref<1x1x1280xf32, #tpu.memory_space<hbm>> -> memref<1280xf32, #tpu.memory_space<hbm>>
      %dma_start3A_567 = tpu.memref_slice %arg2[%arg0, %run_scoped3A_5, %mul3A_0] : memref<2x6x20480xf32, #tpu.memory_space<hbm>> -> memref<1x1x1280xf32, #tpu.memory_space<hbm>>
      %dma_start3A_568 = tpu.memref_squeeze %dma_start3A_567 : memref<1x1x1280xf32, #tpu.memory_space<hbm>> -> memref<1280xf32, #tpu.memory_space<hbm>>
      tpu.enqueue_dma source(%dma_start3A_568 : memref<1280xf32, #tpu.memory_space<hbm>>) target(%arg6 : memref<1280xf32, #tpu.memory_space<vmem>>) target_semaphore(%run_scoped3A_565 : memref<!tpu.dma_semaphore, #tpu.memory_space<semaphore_mem>>)
      %dma_wait3A = tpu.memref_slice %arg2[%arg0, %run_scoped3A_5, %mul3A_0] : memref<2x6x20480xf32, #tpu.memory_space<hbm>> -> memref<1x1x1280xf32, #tpu.memory_space<hbm>>
      %dma_wait3A_569 = tpu.memref_squeeze %dma_wait3A : memref<1x1x1280xf32, #tpu.memory_space<hbm>> -> memref<1280xf32, #tpu.memory_space<hbm>>
      %dma_wait3A_570 = tpu.memref_slice %arg2[%arg0, %run_scoped3A_5, %mul3A_0] : memref<2x6x20480xf32, #tpu.memory_space<hbm>> -> memref<1x1x1280xf32, #tpu.memory_space<hbm>>
      %dma_wait3A_571 = tpu.memref_squeeze %dma_wait3A_570 : memref<1x1x1280xf32, #tpu.memory_space<hbm>> -> memref<1280xf32, #tpu.memory_space<hbm>>
      tpu.wait_dma2 semaphore(%run_scoped3A_565 : memref<!tpu.dma_semaphore, #tpu.memory_space<semaphore_mem>>) src(%dma_wait3A_571 : memref<1280xf32, #tpu.memory_space<hbm>>) dst(%arg6 : memref<1280xf32, #tpu.memory_space<vmem>>)
      tpu.yield
    }) : () -> ()
    %iota3A = tpu.iota {dimensions = array<i32: 0>} : vector<16xi32>
    %get3A = arith.constant 0 : index
    %get3A_6 = tpu.vector_load %arg5[%get3A] {strides = array<i32>} : memref<1280xf32, #tpu.memory_space<vmem>>, vector<16xf32>,
    %broadcast_in_dim3A = arith.constant 0 : i32
    %broadcast_in_dim3A_7 = vector.broadcast %broadcast_in_dim3A : i32 to vector<16xi32>
    %get3A_8 = arith.constant 16 : index
    %get3A_9 = tpu.vector_load %arg5[%get3A_8] {strides = array<i32>} : memref<1280xf32, #tpu.memory_space<vmem>>, vector<16xf32>,
    %gt3A = arith.cmpf ogt, %get3A_9, %get3A_6 : vector<16xf32>
    %select_n3A = arith.select %gt3A, %get3A_9, %get3A_6 : vector<16xi1>, vector<16xf32>
    %jit3A = arith.constant 1 : i32
    %broadcast_in_dim3A_10 = vector.broadcast %jit3A : i32 to vector<16xi32>
    %select_n3A_11 = arith.select %gt3A, %broadcast_in_dim3A_10, %broadcast_in_dim3A_7 : vector<16xi1>, vector<16xi32>
    %get3A_12 = arith.constant 32 : index
    %get3A_13 = tpu.vector_load %arg5[%get3A_12] {strides = array<i32>} : memref<1280xf32, #tpu.memory_space<vmem>>, vector<16xf32>,
    %gt3A_14 = arith.cmpf ogt, %get3A_13, %select_n3A : vector<16xf32>
    %select_n3A_15 = arith.select %gt3A_14, %get3A_13, %select_n3A : vector<16xi1>, vector<16xf32>
    %jit3A_16 = arith.constant 2 : i32
    %broadcast_in_dim3A_17 = vector.broadcast %jit3A_16 : i32 to vector<16xi32>
    %select_n3A_18 = arith.select %gt3A_14, %broadcast_in_dim3A_17, %select_n3A_11 : vector<16xi1>, vector<16xi32>
    %get3A_19 = arith.constant 48 : index
    %get3A_20 = tpu.vector_load %arg5[%get3A_19] {strides = array<i32>} : memref<1280xf32, #tpu.memory_space<vmem>>, vector<16xf32>,
    %gt3A_21 = arith.cmpf ogt, %get3A_20, %select_n3A_15 : vector<16xf32>
    %select_n3A_22 = arith.select %gt3A_21, %get3A_20, %select_n3A_15 : vector<16xi1>, vector<16xf32>
    %jit3A_23 = arith.constant 3 : i32
    %broadcast_in_dim3A_24 = vector.broadcast %jit3A_23 : i32 to vector<16xi32>
    %select_n3A_25 = arith.select %gt3A_21, %broadcast_in_dim3A_24, %select_n3A_18 : vector<16xi1>, vector<16xi32>
    %get3A_26 = arith.constant 64 : index
    %get3A_27 = tpu.vector_load %arg5[%get3A_26] {strides = array<i32>} : memref<1280xf32, #tpu.memory_space<vmem>>, vector<16xf32>,
    %gt3A_28 = arith.cmpf ogt, %get3A_27, %select_n3A_22 : vector<16xf32>
    %select_n3A_29 = arith.select %gt3A_28, %get3A_27, %select_n3A_22 : vector<16xi1>, vector<16xf32>
    %jit3A_30 = arith.constant 4 : i32
    %broadcast_in_dim3A_31 = vector.broadcast %jit3A_30 : i32 to vector<16xi32>
    %select_n3A_32 = arith.select %gt3A_28, %broadcast_in_dim3A_31, %select_n3A_25 : vector<16xi1>, vector<16xi32>
    %get3A_33 = arith.constant 80 : index
    %get3A_34 = tpu.vector_load %arg5[%get3A_33] {strides = array<i32>} : memref<1280xf32, #tpu.memory_space<vmem>>, vector<16xf32>,
    %gt3A_35 = arith.cmpf ogt, %get3A_34, %select_n3A_29 : vector<16xf32>
    %select_n3A_36 = arith.select %gt3A_35, %get3A_34, %select_n3A_29 : vector<16xi1>, vector<16xf32>
    %jit3A_37 = arith.constant 5 : i32
    %broadcast_in_dim3A_38 = vector.broadcast %jit3A_37 : i32 to vector<16xi32>
    %select_n3A_39 = arith.select %gt3A_35, %broadcast_in_dim3A_38, %select_n3A_32 : vector<16xi1>, vector<16xi32>
    %get3A_40 = arith.constant 96 : index
    %get3A_41 = tpu.vector_load %arg5[%get3A_40] {strides = array<i32>} : memref<1280xf32, #tpu.memory_space<vmem>>, vector<16xf32>,
    %gt3A_42 = arith.cmpf ogt, %get3A_41, %select_n3A_36 : vector<16xf32>
    %select_n3A_43 = arith.select %gt3A_42, %get3A_41, %select_n3A_36 : vector<16xi1>, vector<16xf32>
    %jit3A_44 = arith.constant 6 : i32
    %broadcast_in_dim3A_45 = vector.broadcast %jit3A_44 : i32 to vector<16xi32>
    %select_n3A_46 = arith.select %gt3A_42, %broadcast_in_dim3A_45, %select_n3A_39 : vector<16xi1>, vector<16xi32>
    %get3A_47 = arith.constant 112 : index
    %get3A_48 = tpu.vector_load %arg5[%get3A_47] {strides = array<i32>} : memref<1280xf32, #tpu.memory_space<vmem>>, vector<16xf32>,
    %gt3A_49 = arith.cmpf ogt, %get3A_48, %select_n3A_43 : vector<16xf32>
    %select_n3A_50 = arith.select %gt3A_49, %get3A_48, %select_n3A_43 : vector<16xi1>, vector<16xf32>
    %jit3A_51 = arith.constant 7 : i32
    %broadcast_in_dim3A_52 = vector.broadcast %jit3A_51 : i32 to vector<16xi32>
    %select_n3A_53 = arith.select %gt3A_49, %broadcast_in_dim3A_52, %select_n3A_46 : vector<16xi1>, vector<16xi32>
    %get3A_54 = arith.constant 128 : index
    %get3A_55 = tpu.vector_load %arg5[%get3A_54] {strides = array<i32>} : memref<1280xf32, #tpu.memory_space<vmem>>, vector<16xf32>,
    %gt3A_56 = arith.cmpf ogt, %get3A_55, %select_n3A_50 : vector<16xf32>
    %select_n3A_57 = arith.select %gt3A_56, %get3A_55, %select_n3A_50 : vector<16xi1>, vector<16xf32>
    %jit3A_58 = arith.constant 8 : i32
    %broadcast_in_dim3A_59 = vector.broadcast %jit3A_58 : i32 to vector<16xi32>
    %select_n3A_60 = arith.select %gt3A_56, %broadcast_in_dim3A_59, %select_n3A_53 : vector<16xi1>, vector<16xi32>
    %get3A_61 = arith.constant 144 : index
    %get3A_62 = tpu.vector_load %arg5[%get3A_61] {strides = array<i32>} : memref<1280xf32, #tpu.memory_space<vmem>>, vector<16xf32>,
    %gt3A_63 = arith.cmpf ogt, %get3A_62, %select_n3A_57 : vector<16xf32>
    %select_n3A_64 = arith.select %gt3A_63, %get3A_62, %select_n3A_57 : vector<16xi1>, vector<16xf32>
    %jit3A_65 = arith.constant 9 : i32
    %broadcast_in_dim3A_66 = vector.broadcast %jit3A_65 : i32 to vector<16xi32>
    %select_n3A_67 = arith.select %gt3A_63, %broadcast_in_dim3A_66, %select_n3A_60 : vector<16xi1>, vector<16xi32>
    %get3A_68 = arith.constant 160 : index
    %get3A_69 = tpu.vector_load %arg5[%get3A_68] {strides = array<i32>} : memref<1280xf32, #tpu.memory_space<vmem>>, vector<16xf32>,
    %gt3A_70 = arith.cmpf ogt, %get3A_69, %select_n3A_64 : vector<16xf32>
    %select_n3A_71 = arith.select %gt3A_70, %get3A_69, %select_n3A_64 : vector<16xi1>, vector<16xf32>
    %jit3A_72 = arith.constant 10 : i32
    %broadcast_in_dim3A_73 = vector.broadcast %jit3A_72 : i32 to vector<16xi32>
    %select_n3A_74 = arith.select %gt3A_70, %broadcast_in_dim3A_73, %select_n3A_67 : vector<16xi1>, vector<16xi32>
    %get3A_75 = arith.constant 176 : index
    %get3A_76 = tpu.vector_load %arg5[%get3A_75] {strides = array<i32>} : memref<1280xf32, #tpu.memory_space<vmem>>, vector<16xf32>,
    %gt3A_77 = arith.cmpf ogt, %get3A_76, %select_n3A_71 : vector<16xf32>
    %select_n3A_78 = arith.select %gt3A_77, %get3A_76, %select_n3A_71 : vector<16xi1>, vector<16xf32>
    %jit3A_79 = arith.constant 11 : i32
    %broadcast_in_dim3A_80 = vector.broadcast %jit3A_79 : i32 to vector<16xi32>
    %select_n3A_81 = arith.select %gt3A_77, %broadcast_in_dim3A_80, %select_n3A_74 : vector<16xi1>, vector<16xi32>
    %get3A_82 = arith.constant 192 : index
    %get3A_83 = tpu.vector_load %arg5[%get3A_82] {strides = array<i32>} : memref<1280xf32, #tpu.memory_space<vmem>>, vector<16xf32>,
    %gt3A_84 = arith.cmpf ogt, %get3A_83, %select_n3A_78 : vector<16xf32>
    %select_n3A_85 = arith.select %gt3A_84, %get3A_83, %select_n3A_78 : vector<16xi1>, vector<16xf32>
    %jit3A_86 = arith.constant 12 : i32
    %broadcast_in_dim3A_87 = vector.broadcast %jit3A_86 : i32 to vector<16xi32>
    %select_n3A_88 = arith.select %gt3A_84, %broadcast_in_dim3A_87, %select_n3A_81 : vector<16xi1>, vector<16xi32>
    %get3A_89 = arith.constant 208 : index
    %get3A_90 = tpu.vector_load %arg5[%get3A_89] {strides = array<i32>} : memref<1280xf32, #tpu.memory_space<vmem>>, vector<16xf32>,
    %gt3A_91 = arith.cmpf ogt, %get3A_90, %select_n3A_85 : vector<16xf32>
    %select_n3A_92 = arith.select %gt3A_91, %get3A_90, %select_n3A_85 : vector<16xi1>, vector<16xf32>
    %jit3A_93 = arith.constant 13 : i32
    %broadcast_in_dim3A_94 = vector.broadcast %jit3A_93 : i32 to vector<16xi32>
    %select_n3A_95 = arith.select %gt3A_91, %broadcast_in_dim3A_94, %select_n3A_88 : vector<16xi1>, vector<16xi32>
    %get3A_96 = arith.constant 224 : index
    %get3A_97 = tpu.vector_load %arg5[%get3A_96] {strides = array<i32>} : memref<1280xf32, #tpu.memory_space<vmem>>, vector<16xf32>,
    %gt3A_98 = arith.cmpf ogt, %get3A_97, %select_n3A_92 : vector<16xf32>
    %select_n3A_99 = arith.select %gt3A_98, %get3A_97, %select_n3A_92 : vector<16xi1>, vector<16xf32>
    %jit3A_100 = arith.constant 14 : i32
    %broadcast_in_dim3A_101 = vector.broadcast %jit3A_100 : i32 to vector<16xi32>
    %select_n3A_102 = arith.select %gt3A_98, %broadcast_in_dim3A_101, %select_n3A_95 : vector<16xi1>, vector<16xi32>
    %get3A_103 = arith.constant 240 : index
    %get3A_104 = tpu.vector_load %arg5[%get3A_103] {strides = array<i32>} : memref<1280xf32, #tpu.memory_space<vmem>>, vector<16xf32>,
    %gt3A_105 = arith.cmpf ogt, %get3A_104, %select_n3A_99 : vector<16xf32>
    %select_n3A_106 = arith.select %gt3A_105, %get3A_104, %select_n3A_99 : vector<16xi1>, vector<16xf32>
    %jit3A_107 = arith.constant 15 : i32
    %broadcast_in_dim3A_108 = vector.broadcast %jit3A_107 : i32 to vector<16xi32>
    %select_n3A_109 = arith.select %gt3A_105, %broadcast_in_dim3A_108, %select_n3A_102 : vector<16xi1>, vector<16xi32>
    %get3A_110 = arith.constant 256 : index
    %get3A_111 = tpu.vector_load %arg5[%get3A_110] {strides = array<i32>} : memref<1280xf32, #tpu.memory_space<vmem>>, vector<16xf32>,
    %gt3A_112 = arith.cmpf ogt, %get3A_111, %select_n3A_106 : vector<16xf32>
    %select_n3A_113 = arith.select %gt3A_112, %get3A_111, %select_n3A_106 : vector<16xi1>, vector<16xf32>
    %jit3A_114 = arith.constant 16 : i32
    %broadcast_in_dim3A_115 = vector.broadcast %jit3A_114 : i32 to vector<16xi32>
    %select_n3A_116 = arith.select %gt3A_112, %broadcast_in_dim3A_115, %select_n3A_109 : vector<16xi1>, vector<16xi32>
    %get3A_117 = arith.constant 272 : index
    %get3A_118 = tpu.vector_load %arg5[%get3A_117] {strides = array<i32>} : memref<1280xf32, #tpu.memory_space<vmem>>, vector<16xf32>,
    %gt3A_119 = arith.cmpf ogt, %get3A_118, %select_n3A_113 : vector<16xf32>
    %select_n3A_120 = arith.select %gt3A_119, %get3A_118, %select_n3A_113 : vector<16xi1>, vector<16xf32>
    %jit3A_121 = arith.constant 17 : i32
    %broadcast_in_dim3A_122 = vector.broadcast %jit3A_121 : i32 to vector<16xi32>
    %select_n3A_123 = arith.select %gt3A_119, %broadcast_in_dim3A_122, %select_n3A_116 : vector<16xi1>, vector<16xi32>
    %get3A_124 = arith.constant 288 : index
    %get3A_125 = tpu.vector_load %arg5[%get3A_124] {strides = array<i32>} : memref<1280xf32, #tpu.memory_space<vmem>>, vector<16xf32>,
    %gt3A_126 = arith.cmpf ogt, %get3A_125, %select_n3A_120 : vector<16xf32>
    %select_n3A_127 = arith.select %gt3A_126, %get3A_125, %select_n3A_120 : vector<16xi1>, vector<16xf32>
    %jit3A_128 = arith.constant 18 : i32
    %broadcast_in_dim3A_129 = vector.broadcast %jit3A_128 : i32 to vector<16xi32>
    %select_n3A_130 = arith.select %gt3A_126, %broadcast_in_dim3A_129, %select_n3A_123 : vector<16xi1>, vector<16xi32>
    %get3A_131 = arith.constant 304 : index
    %get3A_132 = tpu.vector_load %arg5[%get3A_131] {strides = array<i32>} : memref<1280xf32, #tpu.memory_space<vmem>>, vector<16xf32>,
    %gt3A_133 = arith.cmpf ogt, %get3A_132, %select_n3A_127 : vector<16xf32>
    %select_n3A_134 = arith.select %gt3A_133, %get3A_132, %select_n3A_127 : vector<16xi1>, vector<16xf32>
    %jit3A_135 = arith.constant 19 : i32
    %broadcast_in_dim3A_136 = vector.broadcast %jit3A_135 : i32 to vector<16xi32>
    %select_n3A_137 = arith.select %gt3A_133, %broadcast_in_dim3A_136, %select_n3A_130 : vector<16xi1>, vector<16xi32>
    %get3A_138 = arith.constant 320 : index
    %get3A_139 = tpu.vector_load %arg5[%get3A_138] {strides = array<i32>} : memref<1280xf32, #tpu.memory_space<vmem>>, vector<16xf32>,
    %gt3A_140 = arith.cmpf ogt, %get3A_139, %select_n3A_134 : vector<16xf32>
    %select_n3A_141 = arith.select %gt3A_140, %get3A_139, %select_n3A_134 : vector<16xi1>, vector<16xf32>
    %jit3A_142 = arith.constant 20 : i32
    %broadcast_in_dim3A_143 = vector.broadcast %jit3A_142 : i32 to vector<16xi32>
    %select_n3A_144 = arith.select %gt3A_140, %broadcast_in_dim3A_143, %select_n3A_137 : vector<16xi1>, vector<16xi32>
    %get3A_145 = arith.constant 336 : index
    %get3A_146 = tpu.vector_load %arg5[%get3A_145] {strides = array<i32>} : memref<1280xf32, #tpu.memory_space<vmem>>, vector<16xf32>,
    %gt3A_147 = arith.cmpf ogt, %get3A_146, %select_n3A_141 : vector<16xf32>
    %select_n3A_148 = arith.select %gt3A_147, %get3A_146, %select_n3A_141 : vector<16xi1>, vector<16xf32>
    %jit3A_149 = arith.constant 21 : i32
    %broadcast_in_dim3A_150 = vector.broadcast %jit3A_149 : i32 to vector<16xi32>
    %select_n3A_151 = arith.select %gt3A_147, %broadcast_in_dim3A_150, %select_n3A_144 : vector<16xi1>, vector<16xi32>
    %get3A_152 = arith.constant 352 : index
    %get3A_153 = tpu.vector_load %arg5[%get3A_152] {strides = array<i32>} : memref<1280xf32, #tpu.memory_space<vmem>>, vector<16xf32>,
    %gt3A_154 = arith.cmpf ogt, %get3A_153, %select_n3A_148 : vector<16xf32>
    %select_n3A_155 = arith.select %gt3A_154, %get3A_153, %select_n3A_148 : vector<16xi1>, vector<16xf32>
    %jit3A_156 = arith.constant 22 : i32
    %broadcast_in_dim3A_157 = vector.broadcast %jit3A_156 : i32 to vector<16xi32>
    %select_n3A_158 = arith.select %gt3A_154, %broadcast_in_dim3A_157, %select_n3A_151 : vector<16xi1>, vector<16xi32>
    %get3A_159 = arith.constant 368 : index
    %get3A_160 = tpu.vector_load %arg5[%get3A_159] {strides = array<i32>} : memref<1280xf32, #tpu.memory_space<vmem>>, vector<16xf32>,
    %gt3A_161 = arith.cmpf ogt, %get3A_160, %select_n3A_155 : vector<16xf32>
    %select_n3A_162 = arith.select %gt3A_161, %get3A_160, %select_n3A_155 : vector<16xi1>, vector<16xf32>
    %jit3A_163 = arith.constant 23 : i32
    %broadcast_in_dim3A_164 = vector.broadcast %jit3A_163 : i32 to vector<16xi32>
    %select_n3A_165 = arith.select %gt3A_161, %broadcast_in_dim3A_164, %select_n3A_158 : vector<16xi1>, vector<16xi32>
    %get3A_166 = arith.constant 384 : index
    %get3A_167 = tpu.vector_load %arg5[%get3A_166] {strides = array<i32>} : memref<1280xf32, #tpu.memory_space<vmem>>, vector<16xf32>,
    %gt3A_168 = arith.cmpf ogt, %get3A_167, %select_n3A_162 : vector<16xf32>
    %select_n3A_169 = arith.select %gt3A_168, %get3A_167, %select_n3A_162 : vector<16xi1>, vector<16xf32>
    %jit3A_170 = arith.constant 24 : i32
    %broadcast_in_dim3A_171 = vector.broadcast %jit3A_170 : i32 to vector<16xi32>
    %select_n3A_172 = arith.select %gt3A_168, %broadcast_in_dim3A_171, %select_n3A_165 : vector<16xi1>, vector<16xi32>
    %get3A_173 = arith.constant 400 : index
    %get3A_174 = tpu.vector_load %arg5[%get3A_173] {strides = array<i32>} : memref<1280xf32, #tpu.memory_space<vmem>>, vector<16xf32>,
    %gt3A_175 = arith.cmpf ogt, %get3A_174, %select_n3A_169 : vector<16xf32>
    %select_n3A_176 = arith.select %gt3A_175, %get3A_174, %select_n3A_169 : vector<16xi1>, vector<16xf32>
    %jit3A_177 = arith.constant 25 : i32
    %broadcast_in_dim3A_178 = vector.broadcast %jit3A_177 : i32 to vector<16xi32>
    %select_n3A_179 = arith.select %gt3A_175, %broadcast_in_dim3A_178, %select_n3A_172 : vector<16xi1>, vector<16xi32>
    %get3A_180 = arith.constant 416 : index
    %get3A_181 = tpu.vector_load %arg5[%get3A_180] {strides = array<i32>} : memref<1280xf32, #tpu.memory_space<vmem>>, vector<16xf32>,
    %gt3A_182 = arith.cmpf ogt, %get3A_181, %select_n3A_176 : vector<16xf32>
    %select_n3A_183 = arith.select %gt3A_182, %get3A_181, %select_n3A_176 : vector<16xi1>, vector<16xf32>
    %jit3A_184 = arith.constant 26 : i32
    %broadcast_in_dim3A_185 = vector.broadcast %jit3A_184 : i32 to vector<16xi32>
    %select_n3A_186 = arith.select %gt3A_182, %broadcast_in_dim3A_185, %select_n3A_179 : vector<16xi1>, vector<16xi32>
    %get3A_187 = arith.constant 432 : index
    %get3A_188 = tpu.vector_load %arg5[%get3A_187] {strides = array<i32>} : memref<1280xf32, #tpu.memory_space<vmem>>, vector<16xf32>,
    %gt3A_189 = arith.cmpf ogt, %get3A_188, %select_n3A_183 : vector<16xf32>
    %select_n3A_190 = arith.select %gt3A_189, %get3A_188, %select_n3A_183 : vector<16xi1>, vector<16xf32>
    %jit3A_191 = arith.constant 27 : i32
    %broadcast_in_dim3A_192 = vector.broadcast %jit3A_191 : i32 to vector<16xi32>
    %select_n3A_193 = arith.select %gt3A_189, %broadcast_in_dim3A_192, %select_n3A_186 : vector<16xi1>, vector<16xi32>
    %get3A_194 = arith.constant 448 : index
    %get3A_195 = tpu.vector_load %arg5[%get3A_194] {strides = array<i32>} : memref<1280xf32, #tpu.memory_space<vmem>>, vector<16xf32>,
    %gt3A_196 = arith.cmpf ogt, %get3A_195, %select_n3A_190 : vector<16xf32>
    %select_n3A_197 = arith.select %gt3A_196, %get3A_195, %select_n3A_190 : vector<16xi1>, vector<16xf32>
    %jit3A_198 = arith.constant 28 : i32
    %broadcast_in_dim3A_199 = vector.broadcast %jit3A_198 : i32 to vector<16xi32>
    %select_n3A_200 = arith.select %gt3A_196, %broadcast_in_dim3A_199, %select_n3A_193 : vector<16xi1>, vector<16xi32>
    %get3A_201 = arith.constant 464 : index
    %get3A_202 = tpu.vector_load %arg5[%get3A_201] {strides = array<i32>} : memref<1280xf32, #tpu.memory_space<vmem>>, vector<16xf32>,
    %gt3A_203 = arith.cmpf ogt, %get3A_202, %select_n3A_197 : vector<16xf32>
    %select_n3A_204 = arith.select %gt3A_203, %get3A_202, %select_n3A_197 : vector<16xi1>, vector<16xf32>
    %jit3A_205 = arith.constant 29 : i32
    %broadcast_in_dim3A_206 = vector.broadcast %jit3A_205 : i32 to vector<16xi32>
    %select_n3A_207 = arith.select %gt3A_203, %broadcast_in_dim3A_206, %select_n3A_200 : vector<16xi1>, vector<16xi32>
    %get3A_208 = arith.constant 480 : index
    %get3A_209 = tpu.vector_load %arg5[%get3A_208] {strides = array<i32>} : memref<1280xf32, #tpu.memory_space<vmem>>, vector<16xf32>,
    %gt3A_210 = arith.cmpf ogt, %get3A_209, %select_n3A_204 : vector<16xf32>
    %select_n3A_211 = arith.select %gt3A_210, %get3A_209, %select_n3A_204 : vector<16xi1>, vector<16xf32>
    %jit3A_212 = arith.constant 30 : i32
    %broadcast_in_dim3A_213 = vector.broadcast %jit3A_212 : i32 to vector<16xi32>
    %select_n3A_214 = arith.select %gt3A_210, %broadcast_in_dim3A_213, %select_n3A_207 : vector<16xi1>, vector<16xi32>
    %get3A_215 = arith.constant 496 : index
    %get3A_216 = tpu.vector_load %arg5[%get3A_215] {strides = array<i32>} : memref<1280xf32, #tpu.memory_space<vmem>>, vector<16xf32>,
    %gt3A_217 = arith.cmpf ogt, %get3A_216, %select_n3A_211 : vector<16xf32>
    %select_n3A_218 = arith.select %gt3A_217, %get3A_216, %select_n3A_211 : vector<16xi1>, vector<16xf32>
    %jit3A_219 = arith.constant 31 : i32
    %broadcast_in_dim3A_220 = vector.broadcast %jit3A_219 : i32 to vector<16xi32>
    %select_n3A_221 = arith.select %gt3A_217, %broadcast_in_dim3A_220, %select_n3A_214 : vector<16xi1>, vector<16xi32>
    %get3A_222 = arith.constant 512 : index
    %get3A_223 = tpu.vector_load %arg5[%get3A_222] {strides = array<i32>} : memref<1280xf32, #tpu.memory_space<vmem>>, vector<16xf32>,
    %gt3A_224 = arith.cmpf ogt, %get3A_223, %select_n3A_218 : vector<16xf32>
    %select_n3A_225 = arith.select %gt3A_224, %get3A_223, %select_n3A_218 : vector<16xi1>, vector<16xf32>
    %jit3A_226 = arith.constant 32 : i32
    %broadcast_in_dim3A_227 = vector.broadcast %jit3A_226 : i32 to vector<16xi32>
    %select_n3A_228 = arith.select %gt3A_224, %broadcast_in_dim3A_227, %select_n3A_221 : vector<16xi1>, vector<16xi32>
    %get3A_229 = arith.constant 528 : index
    %get3A_230 = tpu.vector_load %arg5[%get3A_229] {strides = array<i32>} : memref<1280xf32, #tpu.memory_space<vmem>>, vector<16xf32>,
    %gt3A_231 = arith.cmpf ogt, %get3A_230, %select_n3A_225 : vector<16xf32>
    %select_n3A_232 = arith.select %gt3A_231, %get3A_230, %select_n3A_225 : vector<16xi1>, vector<16xf32>
    %jit3A_233 = arith.constant 33 : i32
    %broadcast_in_dim3A_234 = vector.broadcast %jit3A_233 : i32 to vector<16xi32>
    %select_n3A_235 = arith.select %gt3A_231, %broadcast_in_dim3A_234, %select_n3A_228 : vector<16xi1>, vector<16xi32>
    %get3A_236 = arith.constant 544 : index
    %get3A_237 = tpu.vector_load %arg5[%get3A_236] {strides = array<i32>} : memref<1280xf32, #tpu.memory_space<vmem>>, vector<16xf32>,
    %gt3A_238 = arith.cmpf ogt, %get3A_237, %select_n3A_232 : vector<16xf32>
    %select_n3A_239 = arith.select %gt3A_238, %get3A_237, %select_n3A_232 : vector<16xi1>, vector<16xf32>
    %jit3A_240 = arith.constant 34 : i32
    %broadcast_in_dim3A_241 = vector.broadcast %jit3A_240 : i32 to vector<16xi32>
    %select_n3A_242 = arith.select %gt3A_238, %broadcast_in_dim3A_241, %select_n3A_235 : vector<16xi1>, vector<16xi32>
    %get3A_243 = arith.constant 560 : index
    %get3A_244 = tpu.vector_load %arg5[%get3A_243] {strides = array<i32>} : memref<1280xf32, #tpu.memory_space<vmem>>, vector<16xf32>,
    %gt3A_245 = arith.cmpf ogt, %get3A_244, %select_n3A_239 : vector<16xf32>
    %select_n3A_246 = arith.select %gt3A_245, %get3A_244, %select_n3A_239 : vector<16xi1>, vector<16xf32>
    %jit3A_247 = arith.constant 35 : i32
    %broadcast_in_dim3A_248 = vector.broadcast %jit3A_247 : i32 to vector<16xi32>
    %select_n3A_249 = arith.select %gt3A_245, %broadcast_in_dim3A_248, %select_n3A_242 : vector<16xi1>, vector<16xi32>
    %get3A_250 = arith.constant 576 : index
    %get3A_251 = tpu.vector_load %arg5[%get3A_250] {strides = array<i32>} : memref<1280xf32, #tpu.memory_space<vmem>>, vector<16xf32>,
    %gt3A_252 = arith.cmpf ogt, %get3A_251, %select_n3A_246 : vector<16xf32>
    %select_n3A_253 = arith.select %gt3A_252, %get3A_251, %select_n3A_246 : vector<16xi1>, vector<16xf32>
    %jit3A_254 = arith.constant 36 : i32
    %broadcast_in_dim3A_255 = vector.broadcast %jit3A_254 : i32 to vector<16xi32>
    %select_n3A_256 = arith.select %gt3A_252, %broadcast_in_dim3A_255, %select_n3A_249 : vector<16xi1>, vector<16xi32>
    %get3A_257 = arith.constant 592 : index
    %get3A_258 = tpu.vector_load %arg5[%get3A_257] {strides = array<i32>} : memref<1280xf32, #tpu.memory_space<vmem>>, vector<16xf32>,
    %gt3A_259 = arith.cmpf ogt, %get3A_258, %select_n3A_253 : vector<16xf32>
    %select_n3A_260 = arith.select %gt3A_259, %get3A_258, %select_n3A_253 : vector<16xi1>, vector<16xf32>
    %jit3A_261 = arith.constant 37 : i32
    %broadcast_in_dim3A_262 = vector.broadcast %jit3A_261 : i32 to vector<16xi32>
    %select_n3A_263 = arith.select %gt3A_259, %broadcast_in_dim3A_262, %select_n3A_256 : vector<16xi1>, vector<16xi32>
    %get3A_264 = arith.constant 608 : index
    %get3A_265 = tpu.vector_load %arg5[%get3A_264] {strides = array<i32>} : memref<1280xf32, #tpu.memory_space<vmem>>, vector<16xf32>,
    %gt3A_266 = arith.cmpf ogt, %get3A_265, %select_n3A_260 : vector<16xf32>
    %select_n3A_267 = arith.select %gt3A_266, %get3A_265, %select_n3A_260 : vector<16xi1>, vector<16xf32>
    %jit3A_268 = arith.constant 38 : i32
    %broadcast_in_dim3A_269 = vector.broadcast %jit3A_268 : i32 to vector<16xi32>
    %select_n3A_270 = arith.select %gt3A_266, %broadcast_in_dim3A_269, %select_n3A_263 : vector<16xi1>, vector<16xi32>
    %get3A_271 = arith.constant 624 : index
    %get3A_272 = tpu.vector_load %arg5[%get3A_271] {strides = array<i32>} : memref<1280xf32, #tpu.memory_space<vmem>>, vector<16xf32>,
    %gt3A_273 = arith.cmpf ogt, %get3A_272, %select_n3A_267 : vector<16xf32>
    %select_n3A_274 = arith.select %gt3A_273, %get3A_272, %select_n3A_267 : vector<16xi1>, vector<16xf32>
    %jit3A_275 = arith.constant 39 : i32
    %broadcast_in_dim3A_276 = vector.broadcast %jit3A_275 : i32 to vector<16xi32>
    %select_n3A_277 = arith.select %gt3A_273, %broadcast_in_dim3A_276, %select_n3A_270 : vector<16xi1>, vector<16xi32>
    %get3A_278 = arith.constant 640 : index
    %get3A_279 = tpu.vector_load %arg5[%get3A_278] {strides = array<i32>} : memref<1280xf32, #tpu.memory_space<vmem>>, vector<16xf32>,
    %gt3A_280 = arith.cmpf ogt, %get3A_279, %select_n3A_274 : vector<16xf32>
    %select_n3A_281 = arith.select %gt3A_280, %get3A_279, %select_n3A_274 : vector<16xi1>, vector<16xf32>
    %jit3A_282 = arith.constant 40 : i32
    %broadcast_in_dim3A_283 = vector.broadcast %jit3A_282 : i32 to vector<16xi32>
    %select_n3A_284 = arith.select %gt3A_280, %broadcast_in_dim3A_283, %select_n3A_277 : vector<16xi1>, vector<16xi32>
    %get3A_285 = arith.constant 656 : index
    %get3A_286 = tpu.vector_load %arg5[%get3A_285] {strides = array<i32>} : memref<1280xf32, #tpu.memory_space<vmem>>, vector<16xf32>,
    %gt3A_287 = arith.cmpf ogt, %get3A_286, %select_n3A_281 : vector<16xf32>
    %select_n3A_288 = arith.select %gt3A_287, %get3A_286, %select_n3A_281 : vector<16xi1>, vector<16xf32>
    %jit3A_289 = arith.constant 41 : i32
    %broadcast_in_dim3A_290 = vector.broadcast %jit3A_289 : i32 to vector<16xi32>
    %select_n3A_291 = arith.select %gt3A_287, %broadcast_in_dim3A_290, %select_n3A_284 : vector<16xi1>, vector<16xi32>
    %get3A_292 = arith.constant 672 : index
    %get3A_293 = tpu.vector_load %arg5[%get3A_292] {strides = array<i32>} : memref<1280xf32, #tpu.memory_space<vmem>>, vector<16xf32>,
    %gt3A_294 = arith.cmpf ogt, %get3A_293, %select_n3A_288 : vector<16xf32>
    %select_n3A_295 = arith.select %gt3A_294, %get3A_293, %select_n3A_288 : vector<16xi1>, vector<16xf32>
    %jit3A_296 = arith.constant 42 : i32
    %broadcast_in_dim3A_297 = vector.broadcast %jit3A_296 : i32 to vector<16xi32>
    %select_n3A_298 = arith.select %gt3A_294, %broadcast_in_dim3A_297, %select_n3A_291 : vector<16xi1>, vector<16xi32>
    %get3A_299 = arith.constant 688 : index
    %get3A_300 = tpu.vector_load %arg5[%get3A_299] {strides = array<i32>} : memref<1280xf32, #tpu.memory_space<vmem>>, vector<16xf32>,
    %gt3A_301 = arith.cmpf ogt, %get3A_300, %select_n3A_295 : vector<16xf32>
    %select_n3A_302 = arith.select %gt3A_301, %get3A_300, %select_n3A_295 : vector<16xi1>, vector<16xf32>
    %jit3A_303 = arith.constant 43 : i32
    %broadcast_in_dim3A_304 = vector.broadcast %jit3A_303 : i32 to vector<16xi32>
    %select_n3A_305 = arith.select %gt3A_301, %broadcast_in_dim3A_304, %select_n3A_298 : vector<16xi1>, vector<16xi32>
    %get3A_306 = arith.constant 704 : index
    %get3A_307 = tpu.vector_load %arg5[%get3A_306] {strides = array<i32>} : memref<1280xf32, #tpu.memory_space<vmem>>, vector<16xf32>,
    %gt3A_308 = arith.cmpf ogt, %get3A_307, %select_n3A_302 : vector<16xf32>
    %select_n3A_309 = arith.select %gt3A_308, %get3A_307, %select_n3A_302 : vector<16xi1>, vector<16xf32>
    %jit3A_310 = arith.constant 44 : i32
    %broadcast_in_dim3A_311 = vector.broadcast %jit3A_310 : i32 to vector<16xi32>
    %select_n3A_312 = arith.select %gt3A_308, %broadcast_in_dim3A_311, %select_n3A_305 : vector<16xi1>, vector<16xi32>
    %get3A_313 = arith.constant 720 : index
    %get3A_314 = tpu.vector_load %arg5[%get3A_313] {strides = array<i32>} : memref<1280xf32, #tpu.memory_space<vmem>>, vector<16xf32>,
    %gt3A_315 = arith.cmpf ogt, %get3A_314, %select_n3A_309 : vector<16xf32>
    %select_n3A_316 = arith.select %gt3A_315, %get3A_314, %select_n3A_309 : vector<16xi1>, vector<16xf32>
    %jit3A_317 = arith.constant 45 : i32
    %broadcast_in_dim3A_318 = vector.broadcast %jit3A_317 : i32 to vector<16xi32>
    %select_n3A_319 = arith.select %gt3A_315, %broadcast_in_dim3A_318, %select_n3A_312 : vector<16xi1>, vector<16xi32>
    %get3A_320 = arith.constant 736 : index
    %get3A_321 = tpu.vector_load %arg5[%get3A_320] {strides = array<i32>} : memref<1280xf32, #tpu.memory_space<vmem>>, vector<16xf32>,
    %gt3A_322 = arith.cmpf ogt, %get3A_321, %select_n3A_316 : vector<16xf32>
    %select_n3A_323 = arith.select %gt3A_322, %get3A_321, %select_n3A_316 : vector<16xi1>, vector<16xf32>
    %jit3A_324 = arith.constant 46 : i32
    %broadcast_in_dim3A_325 = vector.broadcast %jit3A_324 : i32 to vector<16xi32>
    %select_n3A_326 = arith.select %gt3A_322, %broadcast_in_dim3A_325, %select_n3A_319 : vector<16xi1>, vector<16xi32>
    %get3A_327 = arith.constant 752 : index
    %get3A_328 = tpu.vector_load %arg5[%get3A_327] {strides = array<i32>} : memref<1280xf32, #tpu.memory_space<vmem>>, vector<16xf32>,
    %gt3A_329 = arith.cmpf ogt, %get3A_328, %select_n3A_323 : vector<16xf32>
    %select_n3A_330 = arith.select %gt3A_329, %get3A_328, %select_n3A_323 : vector<16xi1>, vector<16xf32>
    %jit3A_331 = arith.constant 47 : i32
    %broadcast_in_dim3A_332 = vector.broadcast %jit3A_331 : i32 to vector<16xi32>
    %select_n3A_333 = arith.select %gt3A_329, %broadcast_in_dim3A_332, %select_n3A_326 : vector<16xi1>, vector<16xi32>
    %get3A_334 = arith.constant 768 : index
    %get3A_335 = tpu.vector_load %arg5[%get3A_334] {strides = array<i32>} : memref<1280xf32, #tpu.memory_space<vmem>>, vector<16xf32>,
    %gt3A_336 = arith.cmpf ogt, %get3A_335, %select_n3A_330 : vector<16xf32>
    %select_n3A_337 = arith.select %gt3A_336, %get3A_335, %select_n3A_330 : vector<16xi1>, vector<16xf32>
    %jit3A_338 = arith.constant 48 : i32
    %broadcast_in_dim3A_339 = vector.broadcast %jit3A_338 : i32 to vector<16xi32>
    %select_n3A_340 = arith.select %gt3A_336, %broadcast_in_dim3A_339, %select_n3A_333 : vector<16xi1>, vector<16xi32>
    %get3A_341 = arith.constant 784 : index
    %get3A_342 = tpu.vector_load %arg5[%get3A_341] {strides = array<i32>} : memref<1280xf32, #tpu.memory_space<vmem>>, vector<16xf32>,
    %gt3A_343 = arith.cmpf ogt, %get3A_342, %select_n3A_337 : vector<16xf32>
    %select_n3A_344 = arith.select %gt3A_343, %get3A_342, %select_n3A_337 : vector<16xi1>, vector<16xf32>
    %jit3A_345 = arith.constant 49 : i32
    %broadcast_in_dim3A_346 = vector.broadcast %jit3A_345 : i32 to vector<16xi32>
    %select_n3A_347 = arith.select %gt3A_343, %broadcast_in_dim3A_346, %select_n3A_340 : vector<16xi1>, vector<16xi32>
    %get3A_348 = arith.constant 800 : index
    %get3A_349 = tpu.vector_load %arg5[%get3A_348] {strides = array<i32>} : memref<1280xf32, #tpu.memory_space<vmem>>, vector<16xf32>,
    %gt3A_350 = arith.cmpf ogt, %get3A_349, %select_n3A_344 : vector<16xf32>
    %select_n3A_351 = arith.select %gt3A_350, %get3A_349, %select_n3A_344 : vector<16xi1>, vector<16xf32>
    %jit3A_352 = arith.constant 50 : i32
    %broadcast_in_dim3A_353 = vector.broadcast %jit3A_352 : i32 to vector<16xi32>
    %select_n3A_354 = arith.select %gt3A_350, %broadcast_in_dim3A_353, %select_n3A_347 : vector<16xi1>, vector<16xi32>
    %get3A_355 = arith.constant 816 : index
    %get3A_356 = tpu.vector_load %arg5[%get3A_355] {strides = array<i32>} : memref<1280xf32, #tpu.memory_space<vmem>>, vector<16xf32>,
    %gt3A_357 = arith.cmpf ogt, %get3A_356, %select_n3A_351 : vector<16xf32>
    %select_n3A_358 = arith.select %gt3A_357, %get3A_356, %select_n3A_351 : vector<16xi1>, vector<16xf32>
    %jit3A_359 = arith.constant 51 : i32
    %broadcast_in_dim3A_360 = vector.broadcast %jit3A_359 : i32 to vector<16xi32>
    %select_n3A_361 = arith.select %gt3A_357, %broadcast_in_dim3A_360, %select_n3A_354 : vector<16xi1>, vector<16xi32>
    %get3A_362 = arith.constant 832 : index
    %get3A_363 = tpu.vector_load %arg5[%get3A_362] {strides = array<i32>} : memref<1280xf32, #tpu.memory_space<vmem>>, vector<16xf32>,
    %gt3A_364 = arith.cmpf ogt, %get3A_363, %select_n3A_358 : vector<16xf32>
    %select_n3A_365 = arith.select %gt3A_364, %get3A_363, %select_n3A_358 : vector<16xi1>, vector<16xf32>
    %jit3A_366 = arith.constant 52 : i32
    %broadcast_in_dim3A_367 = vector.broadcast %jit3A_366 : i32 to vector<16xi32>
    %select_n3A_368 = arith.select %gt3A_364, %broadcast_in_dim3A_367, %select_n3A_361 : vector<16xi1>, vector<16xi32>
    %get3A_369 = arith.constant 848 : index
    %get3A_370 = tpu.vector_load %arg5[%get3A_369] {strides = array<i32>} : memref<1280xf32, #tpu.memory_space<vmem>>, vector<16xf32>,
    %gt3A_371 = arith.cmpf ogt, %get3A_370, %select_n3A_365 : vector<16xf32>
    %select_n3A_372 = arith.select %gt3A_371, %get3A_370, %select_n3A_365 : vector<16xi1>, vector<16xf32>
    %jit3A_373 = arith.constant 53 : i32
    %broadcast_in_dim3A_374 = vector.broadcast %jit3A_373 : i32 to vector<16xi32>
    %select_n3A_375 = arith.select %gt3A_371, %broadcast_in_dim3A_374, %select_n3A_368 : vector<16xi1>, vector<16xi32>
    %get3A_376 = arith.constant 864 : index
    %get3A_377 = tpu.vector_load %arg5[%get3A_376] {strides = array<i32>} : memref<1280xf32, #tpu.memory_space<vmem>>, vector<16xf32>,
    %gt3A_378 = arith.cmpf ogt, %get3A_377, %select_n3A_372 : vector<16xf32>
    %select_n3A_379 = arith.select %gt3A_378, %get3A_377, %select_n3A_372 : vector<16xi1>, vector<16xf32>
    %jit3A_380 = arith.constant 54 : i32
    %broadcast_in_dim3A_381 = vector.broadcast %jit3A_380 : i32 to vector<16xi32>
    %select_n3A_382 = arith.select %gt3A_378, %broadcast_in_dim3A_381, %select_n3A_375 : vector<16xi1>, vector<16xi32>
    %get3A_383 = arith.constant 880 : index
    %get3A_384 = tpu.vector_load %arg5[%get3A_383] {strides = array<i32>} : memref<1280xf32, #tpu.memory_space<vmem>>, vector<16xf32>,
    %gt3A_385 = arith.cmpf ogt, %get3A_384, %select_n3A_379 : vector<16xf32>
    %select_n3A_386 = arith.select %gt3A_385, %get3A_384, %select_n3A_379 : vector<16xi1>, vector<16xf32>
    %jit3A_387 = arith.constant 55 : i32
    %broadcast_in_dim3A_388 = vector.broadcast %jit3A_387 : i32 to vector<16xi32>
    %select_n3A_389 = arith.select %gt3A_385, %broadcast_in_dim3A_388, %select_n3A_382 : vector<16xi1>, vector<16xi32>
    %get3A_390 = arith.constant 896 : index
    %get3A_391 = tpu.vector_load %arg5[%get3A_390] {strides = array<i32>} : memref<1280xf32, #tpu.memory_space<vmem>>, vector<16xf32>,
    %gt3A_392 = arith.cmpf ogt, %get3A_391, %select_n3A_386 : vector<16xf32>
    %select_n3A_393 = arith.select %gt3A_392, %get3A_391, %select_n3A_386 : vector<16xi1>, vector<16xf32>
    %jit3A_394 = arith.constant 56 : i32
    %broadcast_in_dim3A_395 = vector.broadcast %jit3A_394 : i32 to vector<16xi32>
    %select_n3A_396 = arith.select %gt3A_392, %broadcast_in_dim3A_395, %select_n3A_389 : vector<16xi1>, vector<16xi32>
    %get3A_397 = arith.constant 912 : index
    %get3A_398 = tpu.vector_load %arg5[%get3A_397] {strides = array<i32>} : memref<1280xf32, #tpu.memory_space<vmem>>, vector<16xf32>,
    %gt3A_399 = arith.cmpf ogt, %get3A_398, %select_n3A_393 : vector<16xf32>
    %select_n3A_400 = arith.select %gt3A_399, %get3A_398, %select_n3A_393 : vector<16xi1>, vector<16xf32>
    %jit3A_401 = arith.constant 57 : i32
    %broadcast_in_dim3A_402 = vector.broadcast %jit3A_401 : i32 to vector<16xi32>
    %select_n3A_403 = arith.select %gt3A_399, %broadcast_in_dim3A_402, %select_n3A_396 : vector<16xi1>, vector<16xi32>
    %get3A_404 = arith.constant 928 : index
    %get3A_405 = tpu.vector_load %arg5[%get3A_404] {strides = array<i32>} : memref<1280xf32, #tpu.memory_space<vmem>>, vector<16xf32>,
    %gt3A_406 = arith.cmpf ogt, %get3A_405, %select_n3A_400 : vector<16xf32>
    %select_n3A_407 = arith.select %gt3A_406, %get3A_405, %select_n3A_400 : vector<16xi1>, vector<16xf32>
    %jit3A_408 = arith.constant 58 : i32
    %broadcast_in_dim3A_409 = vector.broadcast %jit3A_408 : i32 to vector<16xi32>
    %select_n3A_410 = arith.select %gt3A_406, %broadcast_in_dim3A_409, %select_n3A_403 : vector<16xi1>, vector<16xi32>
    %get3A_411 = arith.constant 944 : index
    %get3A_412 = tpu.vector_load %arg5[%get3A_411] {strides = array<i32>} : memref<1280xf32, #tpu.memory_space<vmem>>, vector<16xf32>,
    %gt3A_413 = arith.cmpf ogt, %get3A_412, %select_n3A_407 : vector<16xf32>
    %select_n3A_414 = arith.select %gt3A_413, %get3A_412, %select_n3A_407 : vector<16xi1>, vector<16xf32>
    %jit3A_415 = arith.constant 59 : i32
    %broadcast_in_dim3A_416 = vector.broadcast %jit3A_415 : i32 to vector<16xi32>
    %select_n3A_417 = arith.select %gt3A_413, %broadcast_in_dim3A_416, %select_n3A_410 : vector<16xi1>, vector<16xi32>
    %get3A_418 = arith.constant 960 : index
    %get3A_419 = tpu.vector_load %arg5[%get3A_418] {strides = array<i32>} : memref<1280xf32, #tpu.memory_space<vmem>>, vector<16xf32>,
    %gt3A_420 = arith.cmpf ogt, %get3A_419, %select_n3A_414 : vector<16xf32>
    %select_n3A_421 = arith.select %gt3A_420, %get3A_419, %select_n3A_414 : vector<16xi1>, vector<16xf32>
    %jit3A_422 = arith.constant 60 : i32
    %broadcast_in_dim3A_423 = vector.broadcast %jit3A_422 : i32 to vector<16xi32>
    %select_n3A_424 = arith.select %gt3A_420, %broadcast_in_dim3A_423, %select_n3A_417 : vector<16xi1>, vector<16xi32>
    %get3A_425 = arith.constant 976 : index
    %get3A_426 = tpu.vector_load %arg5[%get3A_425] {strides = array<i32>} : memref<1280xf32, #tpu.memory_space<vmem>>, vector<16xf32>,
    %gt3A_427 = arith.cmpf ogt, %get3A_426, %select_n3A_421 : vector<16xf32>
    %select_n3A_428 = arith.select %gt3A_427, %get3A_426, %select_n3A_421 : vector<16xi1>, vector<16xf32>
    %jit3A_429 = arith.constant 61 : i32
    %broadcast_in_dim3A_430 = vector.broadcast %jit3A_429 : i32 to vector<16xi32>
    %select_n3A_431 = arith.select %gt3A_427, %broadcast_in_dim3A_430, %select_n3A_424 : vector<16xi1>, vector<16xi32>
    %get3A_432 = arith.constant 992 : index
    %get3A_433 = tpu.vector_load %arg5[%get3A_432] {strides = array<i32>} : memref<1280xf32, #tpu.memory_space<vmem>>, vector<16xf32>,
    %gt3A_434 = arith.cmpf ogt, %get3A_433, %select_n3A_428 : vector<16xf32>
    %select_n3A_435 = arith.select %gt3A_434, %get3A_433, %select_n3A_428 : vector<16xi1>, vector<16xf32>
    %jit3A_436 = arith.constant 62 : i32
    %broadcast_in_dim3A_437 = vector.broadcast %jit3A_436 : i32 to vector<16xi32>
    %select_n3A_438 = arith.select %gt3A_434, %broadcast_in_dim3A_437, %select_n3A_431 : vector<16xi1>, vector<16xi32>
    %get3A_439 = arith.constant 1008 : index
    %get3A_440 = tpu.vector_load %arg5[%get3A_439] {strides = array<i32>} : memref<1280xf32, #tpu.memory_space<vmem>>, vector<16xf32>,
    %gt3A_441 = arith.cmpf ogt, %get3A_440, %select_n3A_435 : vector<16xf32>
    %select_n3A_442 = arith.select %gt3A_441, %get3A_440, %select_n3A_435 : vector<16xi1>, vector<16xf32>
    %jit3A_443 = arith.constant 63 : i32
    %broadcast_in_dim3A_444 = vector.broadcast %jit3A_443 : i32 to vector<16xi32>
    %select_n3A_445 = arith.select %gt3A_441, %broadcast_in_dim3A_444, %select_n3A_438 : vector<16xi1>, vector<16xi32>
    %get3A_446 = arith.constant 1024 : index
    %get3A_447 = tpu.vector_load %arg5[%get3A_446] {strides = array<i32>} : memref<1280xf32, #tpu.memory_space<vmem>>, vector<16xf32>,
    %gt3A_448 = arith.cmpf ogt, %get3A_447, %select_n3A_442 : vector<16xf32>
    %select_n3A_449 = arith.select %gt3A_448, %get3A_447, %select_n3A_442 : vector<16xi1>, vector<16xf32>
    %jit3A_450 = arith.constant 64 : i32
    %broadcast_in_dim3A_451 = vector.broadcast %jit3A_450 : i32 to vector<16xi32>
    %select_n3A_452 = arith.select %gt3A_448, %broadcast_in_dim3A_451, %select_n3A_445 : vector<16xi1>, vector<16xi32>
    %get3A_453 = arith.constant 1040 : index
    %get3A_454 = tpu.vector_load %arg5[%get3A_453] {strides = array<i32>} : memref<1280xf32, #tpu.memory_space<vmem>>, vector<16xf32>,
    %gt3A_455 = arith.cmpf ogt, %get3A_454, %select_n3A_449 : vector<16xf32>
    %select_n3A_456 = arith.select %gt3A_455, %get3A_454, %select_n3A_449 : vector<16xi1>, vector<16xf32>
    %jit3A_457 = arith.constant 65 : i32
    %broadcast_in_dim3A_458 = vector.broadcast %jit3A_457 : i32 to vector<16xi32>
    %select_n3A_459 = arith.select %gt3A_455, %broadcast_in_dim3A_458, %select_n3A_452 : vector<16xi1>, vector<16xi32>
    %get3A_460 = arith.constant 1056 : index
    %get3A_461 = tpu.vector_load %arg5[%get3A_460] {strides = array<i32>} : memref<1280xf32, #tpu.memory_space<vmem>>, vector<16xf32>,
    %gt3A_462 = arith.cmpf ogt, %get3A_461, %select_n3A_456 : vector<16xf32>
    %select_n3A_463 = arith.select %gt3A_462, %get3A_461, %select_n3A_456 : vector<16xi1>, vector<16xf32>
    %jit3A_464 = arith.constant 66 : i32
    %broadcast_in_dim3A_465 = vector.broadcast %jit3A_464 : i32 to vector<16xi32>
    %select_n3A_466 = arith.select %gt3A_462, %broadcast_in_dim3A_465, %select_n3A_459 : vector<16xi1>, vector<16xi32>
    %get3A_467 = arith.constant 1072 : index
    %get3A_468 = tpu.vector_load %arg5[%get3A_467] {strides = array<i32>} : memref<1280xf32, #tpu.memory_space<vmem>>, vector<16xf32>,
    %gt3A_469 = arith.cmpf ogt, %get3A_468, %select_n3A_463 : vector<16xf32>
    %select_n3A_470 = arith.select %gt3A_469, %get3A_468, %select_n3A_463 : vector<16xi1>, vector<16xf32>
    %jit3A_471 = arith.constant 67 : i32
    %broadcast_in_dim3A_472 = vector.broadcast %jit3A_471 : i32 to vector<16xi32>
    %select_n3A_473 = arith.select %gt3A_469, %broadcast_in_dim3A_472, %select_n3A_466 : vector<16xi1>, vector<16xi32>
    %get3A_474 = arith.constant 1088 : index
    %get3A_475 = tpu.vector_load %arg5[%get3A_474] {strides = array<i32>} : memref<1280xf32, #tpu.memory_space<vmem>>, vector<16xf32>,
    %gt3A_476 = arith.cmpf ogt, %get3A_475, %select_n3A_470 : vector<16xf32>
    %select_n3A_477 = arith.select %gt3A_476, %get3A_475, %select_n3A_470 : vector<16xi1>, vector<16xf32>
    %jit3A_478 = arith.constant 68 : i32
    %broadcast_in_dim3A_479 = vector.broadcast %jit3A_478 : i32 to vector<16xi32>
    %select_n3A_480 = arith.select %gt3A_476, %broadcast_in_dim3A_479, %select_n3A_473 : vector<16xi1>, vector<16xi32>
    %get3A_481 = arith.constant 1104 : index
    %get3A_482 = tpu.vector_load %arg5[%get3A_481] {strides = array<i32>} : memref<1280xf32, #tpu.memory_space<vmem>>, vector<16xf32>,
    %gt3A_483 = arith.cmpf ogt, %get3A_482, %select_n3A_477 : vector<16xf32>
    %select_n3A_484 = arith.select %gt3A_483, %get3A_482, %select_n3A_477 : vector<16xi1>, vector<16xf32>
    %jit3A_485 = arith.constant 69 : i32
    %broadcast_in_dim3A_486 = vector.broadcast %jit3A_485 : i32 to vector<16xi32>
    %select_n3A_487 = arith.select %gt3A_483, %broadcast_in_dim3A_486, %select_n3A_480 : vector<16xi1>, vector<16xi32>
    %get3A_488 = arith.constant 1120 : index
    %get3A_489 = tpu.vector_load %arg5[%get3A_488] {strides = array<i32>} : memref<1280xf32, #tpu.memory_space<vmem>>, vector<16xf32>,
    %gt3A_490 = arith.cmpf ogt, %get3A_489, %select_n3A_484 : vector<16xf32>
    %select_n3A_491 = arith.select %gt3A_490, %get3A_489, %select_n3A_484 : vector<16xi1>, vector<16xf32>
    %jit3A_492 = arith.constant 70 : i32
    %broadcast_in_dim3A_493 = vector.broadcast %jit3A_492 : i32 to vector<16xi32>
    %select_n3A_494 = arith.select %gt3A_490, %broadcast_in_dim3A_493, %select_n3A_487 : vector<16xi1>, vector<16xi32>
    %get3A_495 = arith.constant 1136 : index
    %get3A_496 = tpu.vector_load %arg5[%get3A_495] {strides = array<i32>} : memref<1280xf32, #tpu.memory_space<vmem>>, vector<16xf32>,
    %gt3A_497 = arith.cmpf ogt, %get3A_496, %select_n3A_491 : vector<16xf32>
    %select_n3A_498 = arith.select %gt3A_497, %get3A_496, %select_n3A_491 : vector<16xi1>, vector<16xf32>
    %jit3A_499 = arith.constant 71 : i32
    %broadcast_in_dim3A_500 = vector.broadcast %jit3A_499 : i32 to vector<16xi32>
    %select_n3A_501 = arith.select %gt3A_497, %broadcast_in_dim3A_500, %select_n3A_494 : vector<16xi1>, vector<16xi32>
    %get3A_502 = arith.constant 1152 : index
    %get3A_503 = tpu.vector_load %arg5[%get3A_502] {strides = array<i32>} : memref<1280xf32, #tpu.memory_space<vmem>>, vector<16xf32>,
    %gt3A_504 = arith.cmpf ogt, %get3A_503, %select_n3A_498 : vector<16xf32>
    %select_n3A_505 = arith.select %gt3A_504, %get3A_503, %select_n3A_498 : vector<16xi1>, vector<16xf32>
    %jit3A_506 = arith.constant 72 : i32
    %broadcast_in_dim3A_507 = vector.broadcast %jit3A_506 : i32 to vector<16xi32>
    %select_n3A_508 = arith.select %gt3A_504, %broadcast_in_dim3A_507, %select_n3A_501 : vector<16xi1>, vector<16xi32>
    %get3A_509 = arith.constant 1168 : index
    %get3A_510 = tpu.vector_load %arg5[%get3A_509] {strides = array<i32>} : memref<1280xf32, #tpu.memory_space<vmem>>, vector<16xf32>,
    %gt3A_511 = arith.cmpf ogt, %get3A_510, %select_n3A_505 : vector<16xf32>
    %select_n3A_512 = arith.select %gt3A_511, %get3A_510, %select_n3A_505 : vector<16xi1>, vector<16xf32>
    %jit3A_513 = arith.constant 73 : i32
    %broadcast_in_dim3A_514 = vector.broadcast %jit3A_513 : i32 to vector<16xi32>
    %select_n3A_515 = arith.select %gt3A_511, %broadcast_in_dim3A_514, %select_n3A_508 : vector<16xi1>, vector<16xi32>
    %get3A_516 = arith.constant 1184 : index
    %get3A_517 = tpu.vector_load %arg5[%get3A_516] {strides = array<i32>} : memref<1280xf32, #tpu.memory_space<vmem>>, vector<16xf32>,
    %gt3A_518 = arith.cmpf ogt, %get3A_517, %select_n3A_512 : vector<16xf32>
    %select_n3A_519 = arith.select %gt3A_518, %get3A_517, %select_n3A_512 : vector<16xi1>, vector<16xf32>
    %jit3A_520 = arith.constant 74 : i32
    %broadcast_in_dim3A_521 = vector.broadcast %jit3A_520 : i32 to vector<16xi32>
    %select_n3A_522 = arith.select %gt3A_518, %broadcast_in_dim3A_521, %select_n3A_515 : vector<16xi1>, vector<16xi32>
    %get3A_523 = arith.constant 1200 : index
    %get3A_524 = tpu.vector_load %arg5[%get3A_523] {strides = array<i32>} : memref<1280xf32, #tpu.memory_space<vmem>>, vector<16xf32>,
    %gt3A_525 = arith.cmpf ogt, %get3A_524, %select_n3A_519 : vector<16xf32>
    %select_n3A_526 = arith.select %gt3A_525, %get3A_524, %select_n3A_519 : vector<16xi1>, vector<16xf32>
    %jit3A_527 = arith.constant 75 : i32
    %broadcast_in_dim3A_528 = vector.broadcast %jit3A_527 : i32 to vector<16xi32>
    %select_n3A_529 = arith.select %gt3A_525, %broadcast_in_dim3A_528, %select_n3A_522 : vector<16xi1>, vector<16xi32>
    %get3A_530 = arith.constant 1216 : index
    %get3A_531 = tpu.vector_load %arg5[%get3A_530] {strides = array<i32>} : memref<1280xf32, #tpu.memory_space<vmem>>, vector<16xf32>,
    %gt3A_532 = arith.cmpf ogt, %get3A_531, %select_n3A_526 : vector<16xf32>
    %select_n3A_533 = arith.select %gt3A_532, %get3A_531, %select_n3A_526 : vector<16xi1>, vector<16xf32>
    %jit3A_534 = arith.constant 76 : i32
    %broadcast_in_dim3A_535 = vector.broadcast %jit3A_534 : i32 to vector<16xi32>
    %select_n3A_536 = arith.select %gt3A_532, %broadcast_in_dim3A_535, %select_n3A_529 : vector<16xi1>, vector<16xi32>
    %get3A_537 = arith.constant 1232 : index
    %get3A_538 = tpu.vector_load %arg5[%get3A_537] {strides = array<i32>} : memref<1280xf32, #tpu.memory_space<vmem>>, vector<16xf32>,
    %gt3A_539 = arith.cmpf ogt, %get3A_538, %select_n3A_533 : vector<16xf32>
    %select_n3A_540 = arith.select %gt3A_539, %get3A_538, %select_n3A_533 : vector<16xi1>, vector<16xf32>
    %jit3A_541 = arith.constant 77 : i32
    %broadcast_in_dim3A_542 = vector.broadcast %jit3A_541 : i32 to vector<16xi32>
    %select_n3A_543 = arith.select %gt3A_539, %broadcast_in_dim3A_542, %select_n3A_536 : vector<16xi1>, vector<16xi32>
    %get3A_544 = arith.constant 1248 : index
    %get3A_545 = tpu.vector_load %arg5[%get3A_544] {strides = array<i32>} : memref<1280xf32, #tpu.memory_space<vmem>>, vector<16xf32>,
    %gt3A_546 = arith.cmpf ogt, %get3A_545, %select_n3A_540 : vector<16xf32>
    %select_n3A_547 = arith.select %gt3A_546, %get3A_545, %select_n3A_540 : vector<16xi1>, vector<16xf32>
    %jit3A_548 = arith.constant 78 : i32
    %broadcast_in_dim3A_549 = vector.broadcast %jit3A_548 : i32 to vector<16xi32>
    %select_n3A_550 = arith.select %gt3A_546, %broadcast_in_dim3A_549, %select_n3A_543 : vector<16xi1>, vector<16xi32>
    %get3A_551 = arith.constant 1264 : index
    %get3A_552 = tpu.vector_load %arg5[%get3A_551] {strides = array<i32>} : memref<1280xf32, #tpu.memory_space<vmem>>, vector<16xf32>,
    %gt3A_553 = arith.cmpf ogt, %get3A_552, %select_n3A_547 : vector<16xf32>
    %select_n3A_554 = arith.select %gt3A_553, %get3A_552, %select_n3A_547 : vector<16xi1>, vector<16xf32>
    %jit3A_555 = arith.constant 79 : i32
    %broadcast_in_dim3A_556 = vector.broadcast %jit3A_555 : i32 to vector<16xi32>
    %select_n3A_557 = arith.select %gt3A_553, %broadcast_in_dim3A_556, %select_n3A_550 : vector<16xi1>, vector<16xi32>
    %scan3A = arith.constant 0 : i32
    %scan3A_558 = arith.constant 100 : i32
    %scan3A_559 = arith.addi %scan3A, %scan3A_558 : i32
    %scan3A_560 = arith.constant 1 : i32
    %scan3A_561:2 = scf.for %scan3A_565 = %scan3A to %scan3A_559 step %scan3A_560 iter_args(%scan3A_566 = %select_n3A_554, %scan3A_567 = %select_n3A_557) -> (vector<16xf32>, vector<16xi32>)  : i32 {
      %reduce_max3A = arith.constant true
      %reduce_max3A_568 = vector.broadcast %reduce_max3A : i1 to vector<16xi1>
      %reduce_max3A_569 = tpu.scan <max>, %scan3A_566 masked %reduce_max3A_568 : vector<16xf32>, vector<16xi1> -> vector<16xf32>
      %reduce_max3A_570 = vector.extract %reduce_max3A_569[15] : f32 from vector<16xf32>
      %eq3A_571 = vector.broadcast %reduce_max3A_570 : f32 to vector<16xf32>
      %eq3A_572 = arith.cmpf oeq, %scan3A_566, %eq3A_571 : vector<16xf32>
      %mul3A_573 = arith.constant 16 : i32
      %mul3A_574 = vector.broadcast %mul3A_573 : i32 to vector<16xi32>
      %mul3A_575 = arith.muli %scan3A_567, %mul3A_574 : vector<16xi32>
      %add3A = arith.addi %mul3A_575, %iota3A : vector<16xi32>
      %jit3A_576 = arith.constant 1073741824 : i32
      %broadcast_in_dim3A_577 = vector.broadcast %jit3A_576 : i32 to vector<16xi32>
      %select_n3A_578 = arith.select %eq3A_572, %add3A, %broadcast_in_dim3A_577 : vector<16xi1>, vector<16xi32>
      %reduce_min3A = arith.constant true
      %reduce_min3A_579 = vector.broadcast %reduce_min3A : i1 to vector<16xi1>
      %reduce_min3A_580 = arith.constant -2147483648 : i32
      %reduce_min3A_581 = vector.broadcast %reduce_min3A_580 : i32 to vector<16xi32>
      %reduce_min3A_582 = arith.xori %select_n3A_578, %reduce_min3A_581 : vector<16xi32>
      %reduce_min3A_583 = tpu.scan <min>, %reduce_min3A_582 masked %reduce_min3A_579 : vector<16xi32>, vector<16xi1> -> vector<16xi32>
      %reduce_min3A_584 = arith.xori %reduce_min3A_583, %reduce_min3A_581 : vector<16xi32>
      %reduce_min3A_585 = vector.extract %reduce_min3A_584[15] : i32 from vector<16xi32>
      %min3A = arith.constant 3 : i32
      %min3A_586 = vector.broadcast %min3A : i32 to vector<16xi32>
      %min3A_587 = arith.minsi %iota3A, %min3A_586 : vector<16xi32>
      %mul3A_588 = arith.constant 1280 : i32
      %mul3A_589 = vector.broadcast %mul3A_588 : i32 to vector<16xi32>
      %mul3A_590 = arith.muli %min3A_587, %mul3A_589 : vector<16xi32>
      %add3A_591 = vector.broadcast %reduce_min3A_585 : i32 to vector<16xi32>
      %add3A_592 = arith.addi %mul3A_590, %add3A_591 : vector<16xi32>
      %gather3A = tpu.vector_load_idx %arg4[%add3A_592] : memref<5120xf32, #tpu.memory_space<vmem>>[vector<16xi32>], vector<16xf32>,
      %broadcast_in_dim3A_593 = vector.broadcast %reduce_min3A_585 : i32 to vector<16xi32>
      %gather3A_594 = tpu.vector_load_idx %arg5[%broadcast_in_dim3A_593] : memref<1280xf32, #tpu.memory_space<vmem>>[vector<16xi32>], vector<16xf32>,
      %ge3A = arith.constant 4 : i32
      %ge3A_595 = vector.broadcast %ge3A : i32 to vector<16xi32>
      %ge3A_596 = arith.cmpi sge, %iota3A, %ge3A_595 : vector<16xi32>
      %select_n3A_597 = arith.select %ge3A_596, %gather3A_594, %gather3A : vector<16xi1>, vector<16xf32>
      %swap3A = arith.constant 0 : index
      %swap3A_598 = tpu.vector_load %arg7[%swap3A] {strides = array<i32>} : memref<16xf32, #tpu.memory_space<vmem>>, vector<16xf32>,
      tpu.vector_store %arg7[%swap3A], %select_n3A_597 {strides = array<i32>} : memref<16xf32, #tpu.memory_space<vmem>>, vector<16xf32>,
      %and3A = arith.constant 1 : i32
      %and3A_599 = arith.andi %scan3A_565, %and3A : i32
      %mul3A_600 = arith.constant 256 : i32
      %mul3A_601 = arith.muli %and3A_599, %mul3A_600 : i32
      %mul3A_602 = arith.constant 16 : i32
      %mul3A_603 = arith.muli %arg1, %mul3A_602 : i32
      %add3A_604 = arith.addi %mul3A_601, %mul3A_603 : i32
      "tpu.region"() ({
        %run_scoped3A_4178 = tpu.sem_alloc : memref<!tpu.dma_semaphore, #tpu.memory_space<semaphore_mem>>
        %dma_start3A = tpu.memref_slice %arg10[%add3A_604] : memref<512xf32, #tpu.memory_space<vmem_shared>> -> memref<16xf32, #tpu.memory_space<vmem_shared>>
        %dma_start3A_4179 = tpu.memref_slice %arg10[%add3A_604] : memref<512xf32, #tpu.memory_space<vmem_shared>> -> memref<16xf32, #tpu.memory_space<vmem_shared>>
        tpu.enqueue_dma source(%arg7 : memref<16xf32, #tpu.memory_space<vmem>>) target(%dma_start3A_4179 : memref<16xf32, #tpu.memory_space<vmem_shared>>) target_semaphore(%run_scoped3A_4178 : memref<!tpu.dma_semaphore, #tpu.memory_space<semaphore_mem>>)
        %dma_wait3A = tpu.memref_slice %arg10[%add3A_604] : memref<512xf32, #tpu.memory_space<vmem_shared>> -> memref<16xf32, #tpu.memory_space<vmem_shared>>
        %dma_wait3A_4180 = tpu.memref_slice %arg10[%add3A_604] : memref<512xf32, #tpu.memory_space<vmem_shared>> -> memref<16xf32, #tpu.memory_space<vmem_shared>>
        tpu.wait_dma2 semaphore(%run_scoped3A_4178 : memref<!tpu.dma_semaphore, #tpu.memory_space<semaphore_mem>>) src(%arg7 : memref<16xf32, #tpu.memory_space<vmem>>) dst(%dma_wait3A_4180 : memref<16xf32, #tpu.memory_space<vmem_shared>>)
        tpu.yield
      }) : () -> ()
      %barrier3A = arith.constant 0 : index
      tpu.barrier barrier_id(%barrier3A)
      "tpu.region"() ({
        %run_scoped3A_4178 = tpu.sem_alloc : memref<!tpu.dma_semaphore, #tpu.memory_space<semaphore_mem>>
        %dma_start3A = tpu.memref_slice %arg10[%mul3A_601] : memref<512xf32, #tpu.memory_space<vmem_shared>> -> memref<256xf32, #tpu.memory_space<vmem_shared>>
        %dma_start3A_4179 = tpu.memref_slice %arg10[%mul3A_601] : memref<512xf32, #tpu.memory_space<vmem_shared>> -> memref<256xf32, #tpu.memory_space<vmem_shared>>
        tpu.enqueue_dma source(%dma_start3A_4179 : memref<256xf32, #tpu.memory_space<vmem_shared>>) target(%arg8 : memref<256xf32, #tpu.memory_space<vmem>>) target_semaphore(%run_scoped3A_4178 : memref<!tpu.dma_semaphore, #tpu.memory_space<semaphore_mem>>)
        %dma_wait3A = tpu.memref_slice %arg10[%mul3A_601] : memref<512xf32, #tpu.memory_space<vmem_shared>> -> memref<256xf32, #tpu.memory_space<vmem_shared>>
        %dma_wait3A_4180 = tpu.memref_slice %arg10[%mul3A_601] : memref<512xf32, #tpu.memory_space<vmem_shared>> -> memref<256xf32, #tpu.memory_space<vmem_shared>>
        tpu.wait_dma2 semaphore(%run_scoped3A_4178 : memref<!tpu.dma_semaphore, #tpu.memory_space<semaphore_mem>>) src(%dma_wait3A_4180 : memref<256xf32, #tpu.memory_space<vmem_shared>>) dst(%arg8 : memref<256xf32, #tpu.memory_space<vmem>>)
        tpu.yield
      }) : () -> ()
      %mul3A_605 = arith.constant 16 : i32
      %mul3A_606 = vector.broadcast %mul3A_605 : i32 to vector<16xi32>
      %mul3A_607 = arith.muli %iota3A, %mul3A_606 : vector<16xi32>
      %add3A_608 = arith.constant 4 : i32
      %add3A_609 = vector.broadcast %add3A_608 : i32 to vector<16xi32>
      %add3A_610 = arith.addi %mul3A_607, %add3A_609 : vector<16xi32>
      %gather3A_611 = tpu.vector_load_idx %arg8[%add3A_610] : memref<256xf32, #tpu.memory_space<vmem>>[vector<16xi32>], vector<16xf32>,
      %reduce_max3A_612 = arith.constant true
      %reduce_max3A_613 = vector.broadcast %reduce_max3A_612 : i1 to vector<16xi1>
      %reduce_max3A_614 = tpu.scan <max>, %gather3A_611 masked %reduce_max3A_613 : vector<16xf32>, vector<16xi1> -> vector<16xf32>
      %reduce_max3A_615 = vector.extract %reduce_max3A_614[15] : f32 from vector<16xf32>
      %eq3A_616 = vector.broadcast %reduce_max3A_615 : f32 to vector<16xf32>
      %eq3A_617 = arith.cmpf oeq, %gather3A_611, %eq3A_616 : vector<16xf32>
      %jit3A_618 = arith.constant 63 : i32
      %broadcast_in_dim3A_619 = vector.broadcast %jit3A_618 : i32 to vector<16xi32>
      %select_n3A_620 = arith.select %eq3A_617, %iota3A, %broadcast_in_dim3A_619 : vector<16xi1>, vector<16xi32>
      %reduce_min3A_621 = arith.constant true
      %reduce_min3A_622 = vector.broadcast %reduce_min3A_621 : i1 to vector<16xi1>
      %reduce_min3A_623 = arith.constant -2147483648 : i32
      %reduce_min3A_624 = vector.broadcast %reduce_min3A_623 : i32 to vector<16xi32>
      %reduce_min3A_625 = arith.xori %select_n3A_620, %reduce_min3A_624 : vector<16xi32>
      %reduce_min3A_626 = tpu.scan <min>, %reduce_min3A_625 masked %reduce_min3A_622 : vector<16xi32>, vector<16xi1> -> vector<16xi32>
      %reduce_min3A_627 = arith.xori %reduce_min3A_626, %reduce_min3A_624 : vector<16xi32>
      %reduce_min3A_628 = vector.extract %reduce_min3A_627[15] : i32 from vector<16xi32>
      %mul3A_629 = arith.constant 16 : i32
      %mul3A_630 = arith.muli %reduce_min3A_628, %mul3A_629 : i32
      %broadcast_in_dim3A_631 = vector.broadcast %mul3A_630 : i32 to vector<16xi32>
      %gather3A_632 = tpu.vector_load_idx %arg8[%broadcast_in_dim3A_631] : memref<256xf32, #tpu.memory_space<vmem>>[vector<16xi32>], vector<16xf32>,
      %add3A_633 = arith.constant 1 : i32
      %add3A_634 = arith.addi %mul3A_630, %add3A_633 : i32
      %broadcast_in_dim3A_635 = vector.broadcast %add3A_634 : i32 to vector<16xi32>
      %gather3A_636 = tpu.vector_load_idx %arg8[%broadcast_in_dim3A_635] : memref<256xf32, #tpu.memory_space<vmem>>[vector<16xi32>], vector<16xf32>,
      %add3A_637 = arith.constant 2 : i32
      %add3A_638 = arith.addi %mul3A_630, %add3A_637 : i32
      %broadcast_in_dim3A_639 = vector.broadcast %add3A_638 : i32 to vector<16xi32>
      %gather3A_640 = tpu.vector_load_idx %arg8[%broadcast_in_dim3A_639] : memref<256xf32, #tpu.memory_space<vmem>>[vector<16xi32>], vector<16xf32>,
      %add3A_641 = arith.constant 3 : i32
      %add3A_642 = arith.addi %mul3A_630, %add3A_641 : i32
      %broadcast_in_dim3A_643 = vector.broadcast %add3A_642 : i32 to vector<16xi32>
      %gather3A_644 = tpu.vector_load_idx %arg8[%broadcast_in_dim3A_643] : memref<256xf32, #tpu.memory_space<vmem>>[vector<16xi32>], vector<16xf32>,
      %sub3A = arith.subf %gather3A_640, %gather3A_632 : vector<16xf32>
      %sub3A_645 = arith.subf %gather3A_644, %gather3A_636 : vector<16xf32>
      %mul3A_646 = arith.mulf %sub3A, %sub3A_645 : vector<16xf32>
      %eq3A_647 = arith.cmpi eq, %reduce_min3A_628, %arg1 : i32
      %convert_element_type3A_648 = arith.extui %eq3A_647 : i1 to i32
      %cond3A_649 = arith.constant 0 : i32
      %cond3A_650 = arith.cmpi ne, %convert_element_type3A_648, %cond3A_649 : i32
      scf.if %cond3A_650 {
        %broadcast_in_dim3A_4178 = vector.broadcast %reduce_min3A_585 : i32 to vector<16xi32>
        %broadcast_in_dim3A_4179 = arith.constant -1.000000e+00 : f32
        %broadcast_in_dim3A_4180 = vector.broadcast %broadcast_in_dim3A_4179 : f32 to vector<16xf32>
        %eq3A_4181 = arith.constant 0 : i32
        %eq3A_4182 = vector.broadcast %eq3A_4181 : i32 to vector<16xi32>
        %eq3A_4183 = arith.cmpi eq, %iota3A, %eq3A_4182 : vector<16xi32>
        tpu.vector_store_idx %arg5[%broadcast_in_dim3A_4178], %broadcast_in_dim3A_4180 masked %eq3A_4183 : memref<1280xf32, #tpu.memory_space<vmem>>[vector<16xi32>], vector<16xf32>, vector<16xi1>
      } else {
      }
      %eq3A_651 = arith.constant 0 : i32
      %eq3A_652 = arith.cmpi eq, %arg1, %eq3A_651 : i32
      %convert_element_type3A_653 = arith.extui %eq3A_652 : i1 to i32
      %cond3A_654 = arith.constant 0 : i32
      %cond3A_655 = arith.cmpi ne, %convert_element_type3A_653, %cond3A_654 : i32
      scf.if %cond3A_655 {
        %add3A_4178 = vector.broadcast %mul3A_630 : i32 to vector<16xi32>
        %add3A_4179 = arith.addi %add3A_4178, %iota3A : vector<16xi32>
        %gather3A_4180 = tpu.vector_load_idx %arg8[%add3A_4179] : memref<256xf32, #tpu.memory_space<vmem>>[vector<16xi32>], vector<16xf32>,
        %lt3A = arith.constant 5 : i32
        %lt3A_4181 = vector.broadcast %lt3A : i32 to vector<16xi32>
        %lt3A_4182 = arith.cmpi slt, %iota3A, %lt3A_4181 : vector<16xi32>
        %jit3A_4183 = arith.constant 0.000000e+00 : f32
        %broadcast_in_dim3A_4184 = vector.broadcast %jit3A_4183 : f32 to vector<16xf32>
        %select_n3A_4185 = arith.select %lt3A_4182, %gather3A_4180, %broadcast_in_dim3A_4184 : vector<16xi1>, vector<16xf32>
        %gt3A_4186 = arith.constant 0.000000e+00 : f32
        %gt3A_4187 = arith.cmpf ogt, %reduce_max3A_615, %gt3A_4186 : f32
        %jit3A_4188 = arith.constant 1.000000e+00 : f32
        %jit3A_4189 = arith.constant 0.000000e+00 : f32
        %select_n3A_4190 = arith.select %gt3A_4187, %jit3A_4188, %jit3A_4189 : f32
        %mul3A_4191 = vector.broadcast %select_n3A_4190 : f32 to vector<16xf32>
        %mul3A_4192 = arith.mulf %select_n3A_4185, %mul3A_4191 : vector<16xf32>
        %mul3A_4193 = arith.constant 16 : i32
        %mul3A_4194 = arith.muli %scan3A_565, %mul3A_4193 : i32
        %add3A_4195 = vector.broadcast %mul3A_4194 : i32 to vector<16xi32>
        %add3A_4196 = arith.addi %add3A_4195, %iota3A : vector<16xi32>
        tpu.vector_store_idx %arg9[%add3A_4196], %mul3A_4192 : memref<1600xf32, #tpu.memory_space<vmem>>[vector<16xi32>], vector<16xf32>,
      } else {
      }
      %broadcast_in_dim3A_656 = arith.constant -4.000000e+00 : f32
      %broadcast_in_dim3A_657 = vector.broadcast %broadcast_in_dim3A_656 : f32 to vector<16xf32>
      %broadcast_in_dim3A_658 = arith.constant 0 : i32
      %broadcast_in_dim3A_659 = vector.broadcast %broadcast_in_dim3A_658 : i32 to vector<16xi32>
      %get3A_660 = arith.constant 0 : index
      %get3A_661 = tpu.vector_load %arg4[%get3A_660] {strides = array<i32>} : memref<5120xf32, #tpu.memory_space<vmem>>, vector<16xf32>,
      %get3A_662 = arith.constant 1280 : index
      %get3A_663 = tpu.vector_load %arg4[%get3A_662] {strides = array<i32>} : memref<5120xf32, #tpu.memory_space<vmem>>, vector<16xf32>,
      %get3A_664 = arith.constant 2560 : index
      %get3A_665 = tpu.vector_load %arg4[%get3A_664] {strides = array<i32>} : memref<5120xf32, #tpu.memory_space<vmem>>, vector<16xf32>,
      %get3A_666 = arith.constant 3840 : index
      %get3A_667 = tpu.vector_load %arg4[%get3A_666] {strides = array<i32>} : memref<5120xf32, #tpu.memory_space<vmem>>, vector<16xf32>,
      %get3A_668 = arith.constant 0 : index
      %get3A_669 = tpu.vector_load %arg6[%get3A_668] {strides = array<i32>} : memref<1280xf32, #tpu.memory_space<vmem>>, vector<16xf32>,
      %get3A_670 = arith.constant 0 : index
      %get3A_671 = tpu.vector_load %arg5[%get3A_670] {strides = array<i32>} : memref<1280xf32, #tpu.memory_space<vmem>>, vector<16xf32>,
      %min3A_672 = arith.minimumf %get3A_665, %gather3A_640 : vector<16xf32>
      %max3A = arith.maximumf %get3A_661, %gather3A_632 : vector<16xf32>
      %sub3A_673 = arith.subf %min3A_672, %max3A : vector<16xf32>
      %max3A_674 = arith.constant 0.000000e+00 : f32
      %max3A_675 = vector.broadcast %max3A_674 : f32 to vector<16xf32>
      %max3A_676 = arith.maximumf %sub3A_673, %max3A_675 : vector<16xf32>
      %min3A_677 = arith.minimumf %get3A_667, %gather3A_644 : vector<16xf32>
      %max3A_678 = arith.maximumf %get3A_663, %gather3A_636 : vector<16xf32>
      %sub3A_679 = arith.subf %min3A_677, %max3A_678 : vector<16xf32>
      %max3A_680 = arith.constant 0.000000e+00 : f32
      %max3A_681 = vector.broadcast %max3A_680 : f32 to vector<16xf32>
      %max3A_682 = arith.maximumf %sub3A_679, %max3A_681 : vector<16xf32>
      %mul3A_683 = arith.mulf %max3A_676, %max3A_682 : vector<16xf32>
      %add3A_684 = arith.addf %mul3A_646, %get3A_669 : vector<16xf32>
      %sub3A_685 = arith.subf %add3A_684, %mul3A_683 : vector<16xf32>
      %add3A_686 = arith.constant 9.99999997E-7 : f32
      %add3A_687 = vector.broadcast %add3A_686 : f32 to vector<16xf32>
      %add3A_688 = arith.addf %sub3A_685, %add3A_687 : vector<16xf32>
      %div3A = arith.divf %mul3A_683, %add3A_688 : vector<16xf32>
      %ge3A_689 = arith.constant 5.000000e-01 : f32
      %ge3A_690 = vector.broadcast %ge3A_689 : f32 to vector<16xf32>
      %ge3A_691 = arith.cmpf oge, %div3A, %ge3A_690 : vector<16xf32>
      %jit3A_692 = arith.constant -1.000000e+00 : f32
      %broadcast_in_dim3A_693 = vector.broadcast %jit3A_692 : f32 to vector<16xf32>
      %select_n3A_694 = arith.select %ge3A_691, %broadcast_in_dim3A_693, %get3A_671 : vector<16xi1>, vector<16xf32>
      %swap3A_695 = arith.constant 0 : index
      %swap3A_696 = tpu.vector_load %arg5[%swap3A_695] {strides = array<i32>} : memref<1280xf32, #tpu.memory_space<vmem>>, vector<16xf32>,
      tpu.vector_store %arg5[%swap3A_695], %select_n3A_694 {strides = array<i32>} : memref<1280xf32, #tpu.memory_space<vmem>>, vector<16xf32>,
      %gt3A_697 = arith.cmpf ogt, %select_n3A_694, %broadcast_in_dim3A_657 : vector<16xf32>
      %select_n3A_698 = arith.select %gt3A_697, %select_n3A_694, %broadcast_in_dim3A_657 : vector<16xi1>, vector<16xf32>
      %jit3A_699 = arith.constant 0 : i32
      %broadcast_in_dim3A_700 = vector.broadcast %jit3A_699 : i32 to vector<16xi32>
      %select_n3A_701 = arith.select %gt3A_697, %broadcast_in_dim3A_700, %broadcast_in_dim3A_659 : vector<16xi1>, vector<16xi32>
      %get3A_702 = arith.constant 16 : index
      %get3A_703 = tpu.vector_load %arg4[%get3A_702] {strides = array<i32>} : memref<5120xf32, #tpu.memory_space<vmem>>, vector<16xf32>,
      %get3A_704 = arith.constant 1296 : index
      %get3A_705 = tpu.vector_load %arg4[%get3A_704] {strides = array<i32>} : memref<5120xf32, #tpu.memory_space<vmem>>, vector<16xf32>,
      %get3A_706 = arith.constant 2576 : index
      %get3A_707 = tpu.vector_load %arg4[%get3A_706] {strides = array<i32>} : memref<5120xf32, #tpu.memory_space<vmem>>, vector<16xf32>,
      %get3A_708 = arith.constant 3856 : index
      %get3A_709 = tpu.vector_load %arg4[%get3A_708] {strides = array<i32>} : memref<5120xf32, #tpu.memory_space<vmem>>, vector<16xf32>,
      %get3A_710 = arith.constant 16 : index
      %get3A_711 = tpu.vector_load %arg6[%get3A_710] {strides = array<i32>} : memref<1280xf32, #tpu.memory_space<vmem>>, vector<16xf32>,
      %get3A_712 = arith.constant 16 : index
      %get3A_713 = tpu.vector_load %arg5[%get3A_712] {strides = array<i32>} : memref<1280xf32, #tpu.memory_space<vmem>>, vector<16xf32>,
      %min3A_714 = arith.minimumf %get3A_707, %gather3A_640 : vector<16xf32>
      %max3A_715 = arith.maximumf %get3A_703, %gather3A_632 : vector<16xf32>
      %sub3A_716 = arith.subf %min3A_714, %max3A_715 : vector<16xf32>
      %max3A_717 = arith.constant 0.000000e+00 : f32
      %max3A_718 = vector.broadcast %max3A_717 : f32 to vector<16xf32>
      %max3A_719 = arith.maximumf %sub3A_716, %max3A_718 : vector<16xf32>
      %min3A_720 = arith.minimumf %get3A_709, %gather3A_644 : vector<16xf32>
      %max3A_721 = arith.maximumf %get3A_705, %gather3A_636 : vector<16xf32>
      %sub3A_722 = arith.subf %min3A_720, %max3A_721 : vector<16xf32>
      %max3A_723 = arith.constant 0.000000e+00 : f32
      %max3A_724 = vector.broadcast %max3A_723 : f32 to vector<16xf32>
      %max3A_725 = arith.maximumf %sub3A_722, %max3A_724 : vector<16xf32>
      %mul3A_726 = arith.mulf %max3A_719, %max3A_725 : vector<16xf32>
      %add3A_727 = arith.addf %mul3A_646, %get3A_711 : vector<16xf32>
      %sub3A_728 = arith.subf %add3A_727, %mul3A_726 : vector<16xf32>
      %add3A_729 = arith.constant 9.99999997E-7 : f32
      %add3A_730 = vector.broadcast %add3A_729 : f32 to vector<16xf32>
      %add3A_731 = arith.addf %sub3A_728, %add3A_730 : vector<16xf32>
      %div3A_732 = arith.divf %mul3A_726, %add3A_731 : vector<16xf32>
      %ge3A_733 = arith.constant 5.000000e-01 : f32
      %ge3A_734 = vector.broadcast %ge3A_733 : f32 to vector<16xf32>
      %ge3A_735 = arith.cmpf oge, %div3A_732, %ge3A_734 : vector<16xf32>
      %jit3A_736 = arith.constant -1.000000e+00 : f32
      %broadcast_in_dim3A_737 = vector.broadcast %jit3A_736 : f32 to vector<16xf32>
      %select_n3A_738 = arith.select %ge3A_735, %broadcast_in_dim3A_737, %get3A_713 : vector<16xi1>, vector<16xf32>
      %swap3A_739 = arith.constant 16 : index
      %swap3A_740 = tpu.vector_load %arg5[%swap3A_739] {strides = array<i32>} : memref<1280xf32, #tpu.memory_space<vmem>>, vector<16xf32>,
      tpu.vector_store %arg5[%swap3A_739], %select_n3A_738 {strides = array<i32>} : memref<1280xf32, #tpu.memory_space<vmem>>, vector<16xf32>,
      %gt3A_741 = arith.cmpf ogt, %select_n3A_738, %select_n3A_698 : vector<16xf32>
      %select_n3A_742 = arith.select %gt3A_741, %select_n3A_738, %select_n3A_698 : vector<16xi1>, vector<16xf32>
      %jit3A_743 = arith.constant 1 : i32
      %broadcast_in_dim3A_744 = vector.broadcast %jit3A_743 : i32 to vector<16xi32>
      %select_n3A_745 = arith.select %gt3A_741, %broadcast_in_dim3A_744, %select_n3A_701 : vector<16xi1>, vector<16xi32>
      %get3A_746 = arith.constant 32 : index
      %get3A_747 = tpu.vector_load %arg4[%get3A_746] {strides = array<i32>} : memref<5120xf32, #tpu.memory_space<vmem>>, vector<16xf32>,
      %get3A_748 = arith.constant 1312 : index
      %get3A_749 = tpu.vector_load %arg4[%get3A_748] {strides = array<i32>} : memref<5120xf32, #tpu.memory_space<vmem>>, vector<16xf32>,
      %get3A_750 = arith.constant 2592 : index
      %get3A_751 = tpu.vector_load %arg4[%get3A_750] {strides = array<i32>} : memref<5120xf32, #tpu.memory_space<vmem>>, vector<16xf32>,
      %get3A_752 = arith.constant 3872 : index
      %get3A_753 = tpu.vector_load %arg4[%get3A_752] {strides = array<i32>} : memref<5120xf32, #tpu.memory_space<vmem>>, vector<16xf32>,
      %get3A_754 = arith.constant 32 : index
      %get3A_755 = tpu.vector_load %arg6[%get3A_754] {strides = array<i32>} : memref<1280xf32, #tpu.memory_space<vmem>>, vector<16xf32>,
      %get3A_756 = arith.constant 32 : index
      %get3A_757 = tpu.vector_load %arg5[%get3A_756] {strides = array<i32>} : memref<1280xf32, #tpu.memory_space<vmem>>, vector<16xf32>,
      %min3A_758 = arith.minimumf %get3A_751, %gather3A_640 : vector<16xf32>
      %max3A_759 = arith.maximumf %get3A_747, %gather3A_632 : vector<16xf32>
      %sub3A_760 = arith.subf %min3A_758, %max3A_759 : vector<16xf32>
      %max3A_761 = arith.constant 0.000000e+00 : f32
      %max3A_762 = vector.broadcast %max3A_761 : f32 to vector<16xf32>
      %max3A_763 = arith.maximumf %sub3A_760, %max3A_762 : vector<16xf32>
      %min3A_764 = arith.minimumf %get3A_753, %gather3A_644 : vector<16xf32>
      %max3A_765 = arith.maximumf %get3A_749, %gather3A_636 : vector<16xf32>
      %sub3A_766 = arith.subf %min3A_764, %max3A_765 : vector<16xf32>
      %max3A_767 = arith.constant 0.000000e+00 : f32
      %max3A_768 = vector.broadcast %max3A_767 : f32 to vector<16xf32>
      %max3A_769 = arith.maximumf %sub3A_766, %max3A_768 : vector<16xf32>
      %mul3A_770 = arith.mulf %max3A_763, %max3A_769 : vector<16xf32>
      %add3A_771 = arith.addf %mul3A_646, %get3A_755 : vector<16xf32>
      %sub3A_772 = arith.subf %add3A_771, %mul3A_770 : vector<16xf32>
      %add3A_773 = arith.constant 9.99999997E-7 : f32
      %add3A_774 = vector.broadcast %add3A_773 : f32 to vector<16xf32>
      %add3A_775 = arith.addf %sub3A_772, %add3A_774 : vector<16xf32>
      %div3A_776 = arith.divf %mul3A_770, %add3A_775 : vector<16xf32>
      %ge3A_777 = arith.constant 5.000000e-01 : f32
      %ge3A_778 = vector.broadcast %ge3A_777 : f32 to vector<16xf32>
      %ge3A_779 = arith.cmpf oge, %div3A_776, %ge3A_778 : vector<16xf32>
      %jit3A_780 = arith.constant -1.000000e+00 : f32
      %broadcast_in_dim3A_781 = vector.broadcast %jit3A_780 : f32 to vector<16xf32>
      %select_n3A_782 = arith.select %ge3A_779, %broadcast_in_dim3A_781, %get3A_757 : vector<16xi1>, vector<16xf32>
      %swap3A_783 = arith.constant 32 : index
      %swap3A_784 = tpu.vector_load %arg5[%swap3A_783] {strides = array<i32>} : memref<1280xf32, #tpu.memory_space<vmem>>, vector<16xf32>,
      tpu.vector_store %arg5[%swap3A_783], %select_n3A_782 {strides = array<i32>} : memref<1280xf32, #tpu.memory_space<vmem>>, vector<16xf32>,
      %gt3A_785 = arith.cmpf ogt, %select_n3A_782, %select_n3A_742 : vector<16xf32>
      %select_n3A_786 = arith.select %gt3A_785, %select_n3A_782, %select_n3A_742 : vector<16xi1>, vector<16xf32>
      %jit3A_787 = arith.constant 2 : i32
      %broadcast_in_dim3A_788 = vector.broadcast %jit3A_787 : i32 to vector<16xi32>
      %select_n3A_789 = arith.select %gt3A_785, %broadcast_in_dim3A_788, %select_n3A_745 : vector<16xi1>, vector<16xi32>
      %get3A_790 = arith.constant 48 : index
      %get3A_791 = tpu.vector_load %arg4[%get3A_790] {strides = array<i32>} : memref<5120xf32, #tpu.memory_space<vmem>>, vector<16xf32>,
      %get3A_792 = arith.constant 1328 : index
      %get3A_793 = tpu.vector_load %arg4[%get3A_792] {strides = array<i32>} : memref<5120xf32, #tpu.memory_space<vmem>>, vector<16xf32>,
      %get3A_794 = arith.constant 2608 : index
      %get3A_795 = tpu.vector_load %arg4[%get3A_794] {strides = array<i32>} : memref<5120xf32, #tpu.memory_space<vmem>>, vector<16xf32>,
      %get3A_796 = arith.constant 3888 : index
      %get3A_797 = tpu.vector_load %arg4[%get3A_796] {strides = array<i32>} : memref<5120xf32, #tpu.memory_space<vmem>>, vector<16xf32>,
      %get3A_798 = arith.constant 48 : index
      %get3A_799 = tpu.vector_load %arg6[%get3A_798] {strides = array<i32>} : memref<1280xf32, #tpu.memory_space<vmem>>, vector<16xf32>,
      %get3A_800 = arith.constant 48 : index
      %get3A_801 = tpu.vector_load %arg5[%get3A_800] {strides = array<i32>} : memref<1280xf32, #tpu.memory_space<vmem>>, vector<16xf32>,
      %min3A_802 = arith.minimumf %get3A_795, %gather3A_640 : vector<16xf32>
      %max3A_803 = arith.maximumf %get3A_791, %gather3A_632 : vector<16xf32>
      %sub3A_804 = arith.subf %min3A_802, %max3A_803 : vector<16xf32>
      %max3A_805 = arith.constant 0.000000e+00 : f32
      %max3A_806 = vector.broadcast %max3A_805 : f32 to vector<16xf32>
      %max3A_807 = arith.maximumf %sub3A_804, %max3A_806 : vector<16xf32>
      %min3A_808 = arith.minimumf %get3A_797, %gather3A_644 : vector<16xf32>
      %max3A_809 = arith.maximumf %get3A_793, %gather3A_636 : vector<16xf32>
      %sub3A_810 = arith.subf %min3A_808, %max3A_809 : vector<16xf32>
      %max3A_811 = arith.constant 0.000000e+00 : f32
      %max3A_812 = vector.broadcast %max3A_811 : f32 to vector<16xf32>
      %max3A_813 = arith.maximumf %sub3A_810, %max3A_812 : vector<16xf32>
      %mul3A_814 = arith.mulf %max3A_807, %max3A_813 : vector<16xf32>
      %add3A_815 = arith.addf %mul3A_646, %get3A_799 : vector<16xf32>
      %sub3A_816 = arith.subf %add3A_815, %mul3A_814 : vector<16xf32>
      %add3A_817 = arith.constant 9.99999997E-7 : f32
      %add3A_818 = vector.broadcast %add3A_817 : f32 to vector<16xf32>
      %add3A_819 = arith.addf %sub3A_816, %add3A_818 : vector<16xf32>
      %div3A_820 = arith.divf %mul3A_814, %add3A_819 : vector<16xf32>
      %ge3A_821 = arith.constant 5.000000e-01 : f32
      %ge3A_822 = vector.broadcast %ge3A_821 : f32 to vector<16xf32>
      %ge3A_823 = arith.cmpf oge, %div3A_820, %ge3A_822 : vector<16xf32>
      %jit3A_824 = arith.constant -1.000000e+00 : f32
      %broadcast_in_dim3A_825 = vector.broadcast %jit3A_824 : f32 to vector<16xf32>
      %select_n3A_826 = arith.select %ge3A_823, %broadcast_in_dim3A_825, %get3A_801 : vector<16xi1>, vector<16xf32>
      %swap3A_827 = arith.constant 48 : index
      %swap3A_828 = tpu.vector_load %arg5[%swap3A_827] {strides = array<i32>} : memref<1280xf32, #tpu.memory_space<vmem>>, vector<16xf32>,
      tpu.vector_store %arg5[%swap3A_827], %select_n3A_826 {strides = array<i32>} : memref<1280xf32, #tpu.memory_space<vmem>>, vector<16xf32>,
      %gt3A_829 = arith.cmpf ogt, %select_n3A_826, %select_n3A_786 : vector<16xf32>
      %select_n3A_830 = arith.select %gt3A_829, %select_n3A_826, %select_n3A_786 : vector<16xi1>, vector<16xf32>
      %jit3A_831 = arith.constant 3 : i32
      %broadcast_in_dim3A_832 = vector.broadcast %jit3A_831 : i32 to vector<16xi32>
      %select_n3A_833 = arith.select %gt3A_829, %broadcast_in_dim3A_832, %select_n3A_789 : vector<16xi1>, vector<16xi32>
      %get3A_834 = arith.constant 64 : index
      %get3A_835 = tpu.vector_load %arg4[%get3A_834] {strides = array<i32>} : memref<5120xf32, #tpu.memory_space<vmem>>, vector<16xf32>,
      %get3A_836 = arith.constant 1344 : index
      %get3A_837 = tpu.vector_load %arg4[%get3A_836] {strides = array<i32>} : memref<5120xf32, #tpu.memory_space<vmem>>, vector<16xf32>,
      %get3A_838 = arith.constant 2624 : index
      %get3A_839 = tpu.vector_load %arg4[%get3A_838] {strides = array<i32>} : memref<5120xf32, #tpu.memory_space<vmem>>, vector<16xf32>,
      %get3A_840 = arith.constant 3904 : index
      %get3A_841 = tpu.vector_load %arg4[%get3A_840] {strides = array<i32>} : memref<5120xf32, #tpu.memory_space<vmem>>, vector<16xf32>,
      %get3A_842 = arith.constant 64 : index
      %get3A_843 = tpu.vector_load %arg6[%get3A_842] {strides = array<i32>} : memref<1280xf32, #tpu.memory_space<vmem>>, vector<16xf32>,
      %get3A_844 = arith.constant 64 : index
      %get3A_845 = tpu.vector_load %arg5[%get3A_844] {strides = array<i32>} : memref<1280xf32, #tpu.memory_space<vmem>>, vector<16xf32>,
      %min3A_846 = arith.minimumf %get3A_839, %gather3A_640 : vector<16xf32>
      %max3A_847 = arith.maximumf %get3A_835, %gather3A_632 : vector<16xf32>
      %sub3A_848 = arith.subf %min3A_846, %max3A_847 : vector<16xf32>
      %max3A_849 = arith.constant 0.000000e+00 : f32
      %max3A_850 = vector.broadcast %max3A_849 : f32 to vector<16xf32>
      %max3A_851 = arith.maximumf %sub3A_848, %max3A_850 : vector<16xf32>
      %min3A_852 = arith.minimumf %get3A_841, %gather3A_644 : vector<16xf32>
      %max3A_853 = arith.maximumf %get3A_837, %gather3A_636 : vector<16xf32>
      %sub3A_854 = arith.subf %min3A_852, %max3A_853 : vector<16xf32>
      %max3A_855 = arith.constant 0.000000e+00 : f32
      %max3A_856 = vector.broadcast %max3A_855 : f32 to vector<16xf32>
      %max3A_857 = arith.maximumf %sub3A_854, %max3A_856 : vector<16xf32>
      %mul3A_858 = arith.mulf %max3A_851, %max3A_857 : vector<16xf32>
      %add3A_859 = arith.addf %mul3A_646, %get3A_843 : vector<16xf32>
      %sub3A_860 = arith.subf %add3A_859, %mul3A_858 : vector<16xf32>
      %add3A_861 = arith.constant 9.99999997E-7 : f32
      %add3A_862 = vector.broadcast %add3A_861 : f32 to vector<16xf32>
      %add3A_863 = arith.addf %sub3A_860, %add3A_862 : vector<16xf32>
      %div3A_864 = arith.divf %mul3A_858, %add3A_863 : vector<16xf32>
      %ge3A_865 = arith.constant 5.000000e-01 : f32
      %ge3A_866 = vector.broadcast %ge3A_865 : f32 to vector<16xf32>
      %ge3A_867 = arith.cmpf oge, %div3A_864, %ge3A_866 : vector<16xf32>
      %jit3A_868 = arith.constant -1.000000e+00 : f32
      %broadcast_in_dim3A_869 = vector.broadcast %jit3A_868 : f32 to vector<16xf32>
      %select_n3A_870 = arith.select %ge3A_867, %broadcast_in_dim3A_869, %get3A_845 : vector<16xi1>, vector<16xf32>
      %swap3A_871 = arith.constant 64 : index
      %swap3A_872 = tpu.vector_load %arg5[%swap3A_871] {strides = array<i32>} : memref<1280xf32, #tpu.memory_space<vmem>>, vector<16xf32>,
      tpu.vector_store %arg5[%swap3A_871], %select_n3A_870 {strides = array<i32>} : memref<1280xf32, #tpu.memory_space<vmem>>, vector<16xf32>,
      %gt3A_873 = arith.cmpf ogt, %select_n3A_870, %select_n3A_830 : vector<16xf32>
      %select_n3A_874 = arith.select %gt3A_873, %select_n3A_870, %select_n3A_830 : vector<16xi1>, vector<16xf32>
      %jit3A_875 = arith.constant 4 : i32
      %broadcast_in_dim3A_876 = vector.broadcast %jit3A_875 : i32 to vector<16xi32>
      %select_n3A_877 = arith.select %gt3A_873, %broadcast_in_dim3A_876, %select_n3A_833 : vector<16xi1>, vector<16xi32>
      %get3A_878 = arith.constant 80 : index
      %get3A_879 = tpu.vector_load %arg4[%get3A_878] {strides = array<i32>} : memref<5120xf32, #tpu.memory_space<vmem>>, vector<16xf32>,
      %get3A_880 = arith.constant 1360 : index
      %get3A_881 = tpu.vector_load %arg4[%get3A_880] {strides = array<i32>} : memref<5120xf32, #tpu.memory_space<vmem>>, vector<16xf32>,
      %get3A_882 = arith.constant 2640 : index
      %get3A_883 = tpu.vector_load %arg4[%get3A_882] {strides = array<i32>} : memref<5120xf32, #tpu.memory_space<vmem>>, vector<16xf32>,
      %get3A_884 = arith.constant 3920 : index
      %get3A_885 = tpu.vector_load %arg4[%get3A_884] {strides = array<i32>} : memref<5120xf32, #tpu.memory_space<vmem>>, vector<16xf32>,
      %get3A_886 = arith.constant 80 : index
      %get3A_887 = tpu.vector_load %arg6[%get3A_886] {strides = array<i32>} : memref<1280xf32, #tpu.memory_space<vmem>>, vector<16xf32>,
      %get3A_888 = arith.constant 80 : index
      %get3A_889 = tpu.vector_load %arg5[%get3A_888] {strides = array<i32>} : memref<1280xf32, #tpu.memory_space<vmem>>, vector<16xf32>,
      %min3A_890 = arith.minimumf %get3A_883, %gather3A_640 : vector<16xf32>
      %max3A_891 = arith.maximumf %get3A_879, %gather3A_632 : vector<16xf32>
      %sub3A_892 = arith.subf %min3A_890, %max3A_891 : vector<16xf32>
      %max3A_893 = arith.constant 0.000000e+00 : f32
      %max3A_894 = vector.broadcast %max3A_893 : f32 to vector<16xf32>
      %max3A_895 = arith.maximumf %sub3A_892, %max3A_894 : vector<16xf32>
      %min3A_896 = arith.minimumf %get3A_885, %gather3A_644 : vector<16xf32>
      %max3A_897 = arith.maximumf %get3A_881, %gather3A_636 : vector<16xf32>
      %sub3A_898 = arith.subf %min3A_896, %max3A_897 : vector<16xf32>
      %max3A_899 = arith.constant 0.000000e+00 : f32
      %max3A_900 = vector.broadcast %max3A_899 : f32 to vector<16xf32>
      %max3A_901 = arith.maximumf %sub3A_898, %max3A_900 : vector<16xf32>
      %mul3A_902 = arith.mulf %max3A_895, %max3A_901 : vector<16xf32>
      %add3A_903 = arith.addf %mul3A_646, %get3A_887 : vector<16xf32>
      %sub3A_904 = arith.subf %add3A_903, %mul3A_902 : vector<16xf32>
      %add3A_905 = arith.constant 9.99999997E-7 : f32
      %add3A_906 = vector.broadcast %add3A_905 : f32 to vector<16xf32>
      %add3A_907 = arith.addf %sub3A_904, %add3A_906 : vector<16xf32>
      %div3A_908 = arith.divf %mul3A_902, %add3A_907 : vector<16xf32>
      %ge3A_909 = arith.constant 5.000000e-01 : f32
      %ge3A_910 = vector.broadcast %ge3A_909 : f32 to vector<16xf32>
      %ge3A_911 = arith.cmpf oge, %div3A_908, %ge3A_910 : vector<16xf32>
      %jit3A_912 = arith.constant -1.000000e+00 : f32
      %broadcast_in_dim3A_913 = vector.broadcast %jit3A_912 : f32 to vector<16xf32>
      %select_n3A_914 = arith.select %ge3A_911, %broadcast_in_dim3A_913, %get3A_889 : vector<16xi1>, vector<16xf32>
      %swap3A_915 = arith.constant 80 : index
      %swap3A_916 = tpu.vector_load %arg5[%swap3A_915] {strides = array<i32>} : memref<1280xf32, #tpu.memory_space<vmem>>, vector<16xf32>,
      tpu.vector_store %arg5[%swap3A_915], %select_n3A_914 {strides = array<i32>} : memref<1280xf32, #tpu.memory_space<vmem>>, vector<16xf32>,
      %gt3A_917 = arith.cmpf ogt, %select_n3A_914, %select_n3A_874 : vector<16xf32>
      %select_n3A_918 = arith.select %gt3A_917, %select_n3A_914, %select_n3A_874 : vector<16xi1>, vector<16xf32>
      %jit3A_919 = arith.constant 5 : i32
      %broadcast_in_dim3A_920 = vector.broadcast %jit3A_919 : i32 to vector<16xi32>
      %select_n3A_921 = arith.select %gt3A_917, %broadcast_in_dim3A_920, %select_n3A_877 : vector<16xi1>, vector<16xi32>
      %get3A_922 = arith.constant 96 : index
      %get3A_923 = tpu.vector_load %arg4[%get3A_922] {strides = array<i32>} : memref<5120xf32, #tpu.memory_space<vmem>>, vector<16xf32>,
      %get3A_924 = arith.constant 1376 : index
      %get3A_925 = tpu.vector_load %arg4[%get3A_924] {strides = array<i32>} : memref<5120xf32, #tpu.memory_space<vmem>>, vector<16xf32>,
      %get3A_926 = arith.constant 2656 : index
      %get3A_927 = tpu.vector_load %arg4[%get3A_926] {strides = array<i32>} : memref<5120xf32, #tpu.memory_space<vmem>>, vector<16xf32>,
      %get3A_928 = arith.constant 3936 : index
      %get3A_929 = tpu.vector_load %arg4[%get3A_928] {strides = array<i32>} : memref<5120xf32, #tpu.memory_space<vmem>>, vector<16xf32>,
      %get3A_930 = arith.constant 96 : index
      %get3A_931 = tpu.vector_load %arg6[%get3A_930] {strides = array<i32>} : memref<1280xf32, #tpu.memory_space<vmem>>, vector<16xf32>,
      %get3A_932 = arith.constant 96 : index
      %get3A_933 = tpu.vector_load %arg5[%get3A_932] {strides = array<i32>} : memref<1280xf32, #tpu.memory_space<vmem>>, vector<16xf32>,
      %min3A_934 = arith.minimumf %get3A_927, %gather3A_640 : vector<16xf32>
      %max3A_935 = arith.maximumf %get3A_923, %gather3A_632 : vector<16xf32>
      %sub3A_936 = arith.subf %min3A_934, %max3A_935 : vector<16xf32>
      %max3A_937 = arith.constant 0.000000e+00 : f32
      %max3A_938 = vector.broadcast %max3A_937 : f32 to vector<16xf32>
      %max3A_939 = arith.maximumf %sub3A_936, %max3A_938 : vector<16xf32>
      %min3A_940 = arith.minimumf %get3A_929, %gather3A_644 : vector<16xf32>
      %max3A_941 = arith.maximumf %get3A_925, %gather3A_636 : vector<16xf32>
      %sub3A_942 = arith.subf %min3A_940, %max3A_941 : vector<16xf32>
      %max3A_943 = arith.constant 0.000000e+00 : f32
      %max3A_944 = vector.broadcast %max3A_943 : f32 to vector<16xf32>
      %max3A_945 = arith.maximumf %sub3A_942, %max3A_944 : vector<16xf32>
      %mul3A_946 = arith.mulf %max3A_939, %max3A_945 : vector<16xf32>
      %add3A_947 = arith.addf %mul3A_646, %get3A_931 : vector<16xf32>
      %sub3A_948 = arith.subf %add3A_947, %mul3A_946 : vector<16xf32>
      %add3A_949 = arith.constant 9.99999997E-7 : f32
      %add3A_950 = vector.broadcast %add3A_949 : f32 to vector<16xf32>
      %add3A_951 = arith.addf %sub3A_948, %add3A_950 : vector<16xf32>
      %div3A_952 = arith.divf %mul3A_946, %add3A_951 : vector<16xf32>
      %ge3A_953 = arith.constant 5.000000e-01 : f32
      %ge3A_954 = vector.broadcast %ge3A_953 : f32 to vector<16xf32>
      %ge3A_955 = arith.cmpf oge, %div3A_952, %ge3A_954 : vector<16xf32>
      %jit3A_956 = arith.constant -1.000000e+00 : f32
      %broadcast_in_dim3A_957 = vector.broadcast %jit3A_956 : f32 to vector<16xf32>
      %select_n3A_958 = arith.select %ge3A_955, %broadcast_in_dim3A_957, %get3A_933 : vector<16xi1>, vector<16xf32>
      %swap3A_959 = arith.constant 96 : index
      %swap3A_960 = tpu.vector_load %arg5[%swap3A_959] {strides = array<i32>} : memref<1280xf32, #tpu.memory_space<vmem>>, vector<16xf32>,
      tpu.vector_store %arg5[%swap3A_959], %select_n3A_958 {strides = array<i32>} : memref<1280xf32, #tpu.memory_space<vmem>>, vector<16xf32>,
      %gt3A_961 = arith.cmpf ogt, %select_n3A_958, %select_n3A_918 : vector<16xf32>
      %select_n3A_962 = arith.select %gt3A_961, %select_n3A_958, %select_n3A_918 : vector<16xi1>, vector<16xf32>
      %jit3A_963 = arith.constant 6 : i32
      %broadcast_in_dim3A_964 = vector.broadcast %jit3A_963 : i32 to vector<16xi32>
      %select_n3A_965 = arith.select %gt3A_961, %broadcast_in_dim3A_964, %select_n3A_921 : vector<16xi1>, vector<16xi32>
      %get3A_966 = arith.constant 112 : index
      %get3A_967 = tpu.vector_load %arg4[%get3A_966] {strides = array<i32>} : memref<5120xf32, #tpu.memory_space<vmem>>, vector<16xf32>,
      %get3A_968 = arith.constant 1392 : index
      %get3A_969 = tpu.vector_load %arg4[%get3A_968] {strides = array<i32>} : memref<5120xf32, #tpu.memory_space<vmem>>, vector<16xf32>,
      %get3A_970 = arith.constant 2672 : index
      %get3A_971 = tpu.vector_load %arg4[%get3A_970] {strides = array<i32>} : memref<5120xf32, #tpu.memory_space<vmem>>, vector<16xf32>,
      %get3A_972 = arith.constant 3952 : index
      %get3A_973 = tpu.vector_load %arg4[%get3A_972] {strides = array<i32>} : memref<5120xf32, #tpu.memory_space<vmem>>, vector<16xf32>,
      %get3A_974 = arith.constant 112 : index
      %get3A_975 = tpu.vector_load %arg6[%get3A_974] {strides = array<i32>} : memref<1280xf32, #tpu.memory_space<vmem>>, vector<16xf32>,
      %get3A_976 = arith.constant 112 : index
      %get3A_977 = tpu.vector_load %arg5[%get3A_976] {strides = array<i32>} : memref<1280xf32, #tpu.memory_space<vmem>>, vector<16xf32>,
      %min3A_978 = arith.minimumf %get3A_971, %gather3A_640 : vector<16xf32>
      %max3A_979 = arith.maximumf %get3A_967, %gather3A_632 : vector<16xf32>
      %sub3A_980 = arith.subf %min3A_978, %max3A_979 : vector<16xf32>
      %max3A_981 = arith.constant 0.000000e+00 : f32
      %max3A_982 = vector.broadcast %max3A_981 : f32 to vector<16xf32>
      %max3A_983 = arith.maximumf %sub3A_980, %max3A_982 : vector<16xf32>
      %min3A_984 = arith.minimumf %get3A_973, %gather3A_644 : vector<16xf32>
      %max3A_985 = arith.maximumf %get3A_969, %gather3A_636 : vector<16xf32>
      %sub3A_986 = arith.subf %min3A_984, %max3A_985 : vector<16xf32>
      %max3A_987 = arith.constant 0.000000e+00 : f32
      %max3A_988 = vector.broadcast %max3A_987 : f32 to vector<16xf32>
      %max3A_989 = arith.maximumf %sub3A_986, %max3A_988 : vector<16xf32>
      %mul3A_990 = arith.mulf %max3A_983, %max3A_989 : vector<16xf32>
      %add3A_991 = arith.addf %mul3A_646, %get3A_975 : vector<16xf32>
      %sub3A_992 = arith.subf %add3A_991, %mul3A_990 : vector<16xf32>
      %add3A_993 = arith.constant 9.99999997E-7 : f32
      %add3A_994 = vector.broadcast %add3A_993 : f32 to vector<16xf32>
      %add3A_995 = arith.addf %sub3A_992, %add3A_994 : vector<16xf32>
      %div3A_996 = arith.divf %mul3A_990, %add3A_995 : vector<16xf32>
      %ge3A_997 = arith.constant 5.000000e-01 : f32
      %ge3A_998 = vector.broadcast %ge3A_997 : f32 to vector<16xf32>
      %ge3A_999 = arith.cmpf oge, %div3A_996, %ge3A_998 : vector<16xf32>
      %jit3A_1000 = arith.constant -1.000000e+00 : f32
      %broadcast_in_dim3A_1001 = vector.broadcast %jit3A_1000 : f32 to vector<16xf32>
      %select_n3A_1002 = arith.select %ge3A_999, %broadcast_in_dim3A_1001, %get3A_977 : vector<16xi1>, vector<16xf32>
      %swap3A_1003 = arith.constant 112 : index
      %swap3A_1004 = tpu.vector_load %arg5[%swap3A_1003] {strides = array<i32>} : memref<1280xf32, #tpu.memory_space<vmem>>, vector<16xf32>,
      tpu.vector_store %arg5[%swap3A_1003], %select_n3A_1002 {strides = array<i32>} : memref<1280xf32, #tpu.memory_space<vmem>>, vector<16xf32>,
      %gt3A_1005 = arith.cmpf ogt, %select_n3A_1002, %select_n3A_962 : vector<16xf32>
      %select_n3A_1006 = arith.select %gt3A_1005, %select_n3A_1002, %select_n3A_962 : vector<16xi1>, vector<16xf32>
      %jit3A_1007 = arith.constant 7 : i32
      %broadcast_in_dim3A_1008 = vector.broadcast %jit3A_1007 : i32 to vector<16xi32>
      %select_n3A_1009 = arith.select %gt3A_1005, %broadcast_in_dim3A_1008, %select_n3A_965 : vector<16xi1>, vector<16xi32>
      %get3A_1010 = arith.constant 128 : index
      %get3A_1011 = tpu.vector_load %arg4[%get3A_1010] {strides = array<i32>} : memref<5120xf32, #tpu.memory_space<vmem>>, vector<16xf32>,
      %get3A_1012 = arith.constant 1408 : index
      %get3A_1013 = tpu.vector_load %arg4[%get3A_1012] {strides = array<i32>} : memref<5120xf32, #tpu.memory_space<vmem>>, vector<16xf32>,
      %get3A_1014 = arith.constant 2688 : index
      %get3A_1015 = tpu.vector_load %arg4[%get3A_1014] {strides = array<i32>} : memref<5120xf32, #tpu.memory_space<vmem>>, vector<16xf32>,
      %get3A_1016 = arith.constant 3968 : index
      %get3A_1017 = tpu.vector_load %arg4[%get3A_1016] {strides = array<i32>} : memref<5120xf32, #tpu.memory_space<vmem>>, vector<16xf32>,
      %get3A_1018 = arith.constant 128 : index
      %get3A_1019 = tpu.vector_load %arg6[%get3A_1018] {strides = array<i32>} : memref<1280xf32, #tpu.memory_space<vmem>>, vector<16xf32>,
      %get3A_1020 = arith.constant 128 : index
      %get3A_1021 = tpu.vector_load %arg5[%get3A_1020] {strides = array<i32>} : memref<1280xf32, #tpu.memory_space<vmem>>, vector<16xf32>,
      %min3A_1022 = arith.minimumf %get3A_1015, %gather3A_640 : vector<16xf32>
      %max3A_1023 = arith.maximumf %get3A_1011, %gather3A_632 : vector<16xf32>
      %sub3A_1024 = arith.subf %min3A_1022, %max3A_1023 : vector<16xf32>
      %max3A_1025 = arith.constant 0.000000e+00 : f32
      %max3A_1026 = vector.broadcast %max3A_1025 : f32 to vector<16xf32>
      %max3A_1027 = arith.maximumf %sub3A_1024, %max3A_1026 : vector<16xf32>
      %min3A_1028 = arith.minimumf %get3A_1017, %gather3A_644 : vector<16xf32>
      %max3A_1029 = arith.maximumf %get3A_1013, %gather3A_636 : vector<16xf32>
      %sub3A_1030 = arith.subf %min3A_1028, %max3A_1029 : vector<16xf32>
      %max3A_1031 = arith.constant 0.000000e+00 : f32
      %max3A_1032 = vector.broadcast %max3A_1031 : f32 to vector<16xf32>
      %max3A_1033 = arith.maximumf %sub3A_1030, %max3A_1032 : vector<16xf32>
      %mul3A_1034 = arith.mulf %max3A_1027, %max3A_1033 : vector<16xf32>
      %add3A_1035 = arith.addf %mul3A_646, %get3A_1019 : vector<16xf32>
      %sub3A_1036 = arith.subf %add3A_1035, %mul3A_1034 : vector<16xf32>
      %add3A_1037 = arith.constant 9.99999997E-7 : f32
      %add3A_1038 = vector.broadcast %add3A_1037 : f32 to vector<16xf32>
      %add3A_1039 = arith.addf %sub3A_1036, %add3A_1038 : vector<16xf32>
      %div3A_1040 = arith.divf %mul3A_1034, %add3A_1039 : vector<16xf32>
      %ge3A_1041 = arith.constant 5.000000e-01 : f32
      %ge3A_1042 = vector.broadcast %ge3A_1041 : f32 to vector<16xf32>
      %ge3A_1043 = arith.cmpf oge, %div3A_1040, %ge3A_1042 : vector<16xf32>
      %jit3A_1044 = arith.constant -1.000000e+00 : f32
      %broadcast_in_dim3A_1045 = vector.broadcast %jit3A_1044 : f32 to vector<16xf32>
      %select_n3A_1046 = arith.select %ge3A_1043, %broadcast_in_dim3A_1045, %get3A_1021 : vector<16xi1>, vector<16xf32>
      %swap3A_1047 = arith.constant 128 : index
      %swap3A_1048 = tpu.vector_load %arg5[%swap3A_1047] {strides = array<i32>} : memref<1280xf32, #tpu.memory_space<vmem>>, vector<16xf32>,
      tpu.vector_store %arg5[%swap3A_1047], %select_n3A_1046 {strides = array<i32>} : memref<1280xf32, #tpu.memory_space<vmem>>, vector<16xf32>,
      %gt3A_1049 = arith.cmpf ogt, %select_n3A_1046, %select_n3A_1006 : vector<16xf32>
      %select_n3A_1050 = arith.select %gt3A_1049, %select_n3A_1046, %select_n3A_1006 : vector<16xi1>, vector<16xf32>
      %jit3A_1051 = arith.constant 8 : i32
      %broadcast_in_dim3A_1052 = vector.broadcast %jit3A_1051 : i32 to vector<16xi32>
      %select_n3A_1053 = arith.select %gt3A_1049, %broadcast_in_dim3A_1052, %select_n3A_1009 : vector<16xi1>, vector<16xi32>
      %get3A_1054 = arith.constant 144 : index
      %get3A_1055 = tpu.vector_load %arg4[%get3A_1054] {strides = array<i32>} : memref<5120xf32, #tpu.memory_space<vmem>>, vector<16xf32>,
      %get3A_1056 = arith.constant 1424 : index
      %get3A_1057 = tpu.vector_load %arg4[%get3A_1056] {strides = array<i32>} : memref<5120xf32, #tpu.memory_space<vmem>>, vector<16xf32>,
      %get3A_1058 = arith.constant 2704 : index
      %get3A_1059 = tpu.vector_load %arg4[%get3A_1058] {strides = array<i32>} : memref<5120xf32, #tpu.memory_space<vmem>>, vector<16xf32>,
      %get3A_1060 = arith.constant 3984 : index
      %get3A_1061 = tpu.vector_load %arg4[%get3A_1060] {strides = array<i32>} : memref<5120xf32, #tpu.memory_space<vmem>>, vector<16xf32>,
      %get3A_1062 = arith.constant 144 : index
      %get3A_1063 = tpu.vector_load %arg6[%get3A_1062] {strides = array<i32>} : memref<1280xf32, #tpu.memory_space<vmem>>, vector<16xf32>,
      %get3A_1064 = arith.constant 144 : index
      %get3A_1065 = tpu.vector_load %arg5[%get3A_1064] {strides = array<i32>} : memref<1280xf32, #tpu.memory_space<vmem>>, vector<16xf32>,
      %min3A_1066 = arith.minimumf %get3A_1059, %gather3A_640 : vector<16xf32>
      %max3A_1067 = arith.maximumf %get3A_1055, %gather3A_632 : vector<16xf32>
      %sub3A_1068 = arith.subf %min3A_1066, %max3A_1067 : vector<16xf32>
      %max3A_1069 = arith.constant 0.000000e+00 : f32
      %max3A_1070 = vector.broadcast %max3A_1069 : f32 to vector<16xf32>
      %max3A_1071 = arith.maximumf %sub3A_1068, %max3A_1070 : vector<16xf32>
      %min3A_1072 = arith.minimumf %get3A_1061, %gather3A_644 : vector<16xf32>
      %max3A_1073 = arith.maximumf %get3A_1057, %gather3A_636 : vector<16xf32>
      %sub3A_1074 = arith.subf %min3A_1072, %max3A_1073 : vector<16xf32>
      %max3A_1075 = arith.constant 0.000000e+00 : f32
      %max3A_1076 = vector.broadcast %max3A_1075 : f32 to vector<16xf32>
      %max3A_1077 = arith.maximumf %sub3A_1074, %max3A_1076 : vector<16xf32>
      %mul3A_1078 = arith.mulf %max3A_1071, %max3A_1077 : vector<16xf32>
      %add3A_1079 = arith.addf %mul3A_646, %get3A_1063 : vector<16xf32>
      %sub3A_1080 = arith.subf %add3A_1079, %mul3A_1078 : vector<16xf32>
      %add3A_1081 = arith.constant 9.99999997E-7 : f32
      %add3A_1082 = vector.broadcast %add3A_1081 : f32 to vector<16xf32>
      %add3A_1083 = arith.addf %sub3A_1080, %add3A_1082 : vector<16xf32>
      %div3A_1084 = arith.divf %mul3A_1078, %add3A_1083 : vector<16xf32>
      %ge3A_1085 = arith.constant 5.000000e-01 : f32
      %ge3A_1086 = vector.broadcast %ge3A_1085 : f32 to vector<16xf32>
      %ge3A_1087 = arith.cmpf oge, %div3A_1084, %ge3A_1086 : vector<16xf32>
      %jit3A_1088 = arith.constant -1.000000e+00 : f32
      %broadcast_in_dim3A_1089 = vector.broadcast %jit3A_1088 : f32 to vector<16xf32>
      %select_n3A_1090 = arith.select %ge3A_1087, %broadcast_in_dim3A_1089, %get3A_1065 : vector<16xi1>, vector<16xf32>
      %swap3A_1091 = arith.constant 144 : index
      %swap3A_1092 = tpu.vector_load %arg5[%swap3A_1091] {strides = array<i32>} : memref<1280xf32, #tpu.memory_space<vmem>>, vector<16xf32>,
      tpu.vector_store %arg5[%swap3A_1091], %select_n3A_1090 {strides = array<i32>} : memref<1280xf32, #tpu.memory_space<vmem>>, vector<16xf32>,
      %gt3A_1093 = arith.cmpf ogt, %select_n3A_1090, %select_n3A_1050 : vector<16xf32>
      %select_n3A_1094 = arith.select %gt3A_1093, %select_n3A_1090, %select_n3A_1050 : vector<16xi1>, vector<16xf32>
      %jit3A_1095 = arith.constant 9 : i32
      %broadcast_in_dim3A_1096 = vector.broadcast %jit3A_1095 : i32 to vector<16xi32>
      %select_n3A_1097 = arith.select %gt3A_1093, %broadcast_in_dim3A_1096, %select_n3A_1053 : vector<16xi1>, vector<16xi32>
      %get3A_1098 = arith.constant 160 : index
      %get3A_1099 = tpu.vector_load %arg4[%get3A_1098] {strides = array<i32>} : memref<5120xf32, #tpu.memory_space<vmem>>, vector<16xf32>,
      %get3A_1100 = arith.constant 1440 : index
      %get3A_1101 = tpu.vector_load %arg4[%get3A_1100] {strides = array<i32>} : memref<5120xf32, #tpu.memory_space<vmem>>, vector<16xf32>,
      %get3A_1102 = arith.constant 2720 : index
      %get3A_1103 = tpu.vector_load %arg4[%get3A_1102] {strides = array<i32>} : memref<5120xf32, #tpu.memory_space<vmem>>, vector<16xf32>,
      %get3A_1104 = arith.constant 4000 : index
      %get3A_1105 = tpu.vector_load %arg4[%get3A_1104] {strides = array<i32>} : memref<5120xf32, #tpu.memory_space<vmem>>, vector<16xf32>,
      %get3A_1106 = arith.constant 160 : index
      %get3A_1107 = tpu.vector_load %arg6[%get3A_1106] {strides = array<i32>} : memref<1280xf32, #tpu.memory_space<vmem>>, vector<16xf32>,
      %get3A_1108 = arith.constant 160 : index
      %get3A_1109 = tpu.vector_load %arg5[%get3A_1108] {strides = array<i32>} : memref<1280xf32, #tpu.memory_space<vmem>>, vector<16xf32>,
      %min3A_1110 = arith.minimumf %get3A_1103, %gather3A_640 : vector<16xf32>
      %max3A_1111 = arith.maximumf %get3A_1099, %gather3A_632 : vector<16xf32>
      %sub3A_1112 = arith.subf %min3A_1110, %max3A_1111 : vector<16xf32>
      %max3A_1113 = arith.constant 0.000000e+00 : f32
      %max3A_1114 = vector.broadcast %max3A_1113 : f32 to vector<16xf32>
      %max3A_1115 = arith.maximumf %sub3A_1112, %max3A_1114 : vector<16xf32>
      %min3A_1116 = arith.minimumf %get3A_1105, %gather3A_644 : vector<16xf32>
      %max3A_1117 = arith.maximumf %get3A_1101, %gather3A_636 : vector<16xf32>
      %sub3A_1118 = arith.subf %min3A_1116, %max3A_1117 : vector<16xf32>
      %max3A_1119 = arith.constant 0.000000e+00 : f32
      %max3A_1120 = vector.broadcast %max3A_1119 : f32 to vector<16xf32>
      %max3A_1121 = arith.maximumf %sub3A_1118, %max3A_1120 : vector<16xf32>
      %mul3A_1122 = arith.mulf %max3A_1115, %max3A_1121 : vector<16xf32>
      %add3A_1123 = arith.addf %mul3A_646, %get3A_1107 : vector<16xf32>
      %sub3A_1124 = arith.subf %add3A_1123, %mul3A_1122 : vector<16xf32>
      %add3A_1125 = arith.constant 9.99999997E-7 : f32
      %add3A_1126 = vector.broadcast %add3A_1125 : f32 to vector<16xf32>
      %add3A_1127 = arith.addf %sub3A_1124, %add3A_1126 : vector<16xf32>
      %div3A_1128 = arith.divf %mul3A_1122, %add3A_1127 : vector<16xf32>
      %ge3A_1129 = arith.constant 5.000000e-01 : f32
      %ge3A_1130 = vector.broadcast %ge3A_1129 : f32 to vector<16xf32>
      %ge3A_1131 = arith.cmpf oge, %div3A_1128, %ge3A_1130 : vector<16xf32>
      %jit3A_1132 = arith.constant -1.000000e+00 : f32
      %broadcast_in_dim3A_1133 = vector.broadcast %jit3A_1132 : f32 to vector<16xf32>
      %select_n3A_1134 = arith.select %ge3A_1131, %broadcast_in_dim3A_1133, %get3A_1109 : vector<16xi1>, vector<16xf32>
      %swap3A_1135 = arith.constant 160 : index
      %swap3A_1136 = tpu.vector_load %arg5[%swap3A_1135] {strides = array<i32>} : memref<1280xf32, #tpu.memory_space<vmem>>, vector<16xf32>,
      tpu.vector_store %arg5[%swap3A_1135], %select_n3A_1134 {strides = array<i32>} : memref<1280xf32, #tpu.memory_space<vmem>>, vector<16xf32>,
      %gt3A_1137 = arith.cmpf ogt, %select_n3A_1134, %select_n3A_1094 : vector<16xf32>
      %select_n3A_1138 = arith.select %gt3A_1137, %select_n3A_1134, %select_n3A_1094 : vector<16xi1>, vector<16xf32>
      %jit3A_1139 = arith.constant 10 : i32
      %broadcast_in_dim3A_1140 = vector.broadcast %jit3A_1139 : i32 to vector<16xi32>
      %select_n3A_1141 = arith.select %gt3A_1137, %broadcast_in_dim3A_1140, %select_n3A_1097 : vector<16xi1>, vector<16xi32>
      %get3A_1142 = arith.constant 176 : index
      %get3A_1143 = tpu.vector_load %arg4[%get3A_1142] {strides = array<i32>} : memref<5120xf32, #tpu.memory_space<vmem>>, vector<16xf32>,
      %get3A_1144 = arith.constant 1456 : index
      %get3A_1145 = tpu.vector_load %arg4[%get3A_1144] {strides = array<i32>} : memref<5120xf32, #tpu.memory_space<vmem>>, vector<16xf32>,
      %get3A_1146 = arith.constant 2736 : index
      %get3A_1147 = tpu.vector_load %arg4[%get3A_1146] {strides = array<i32>} : memref<5120xf32, #tpu.memory_space<vmem>>, vector<16xf32>,
      %get3A_1148 = arith.constant 4016 : index
      %get3A_1149 = tpu.vector_load %arg4[%get3A_1148] {strides = array<i32>} : memref<5120xf32, #tpu.memory_space<vmem>>, vector<16xf32>,
      %get3A_1150 = arith.constant 176 : index
      %get3A_1151 = tpu.vector_load %arg6[%get3A_1150] {strides = array<i32>} : memref<1280xf32, #tpu.memory_space<vmem>>, vector<16xf32>,
      %get3A_1152 = arith.constant 176 : index
      %get3A_1153 = tpu.vector_load %arg5[%get3A_1152] {strides = array<i32>} : memref<1280xf32, #tpu.memory_space<vmem>>, vector<16xf32>,
      %min3A_1154 = arith.minimumf %get3A_1147, %gather3A_640 : vector<16xf32>
      %max3A_1155 = arith.maximumf %get3A_1143, %gather3A_632 : vector<16xf32>
      %sub3A_1156 = arith.subf %min3A_1154, %max3A_1155 : vector<16xf32>
      %max3A_1157 = arith.constant 0.000000e+00 : f32
      %max3A_1158 = vector.broadcast %max3A_1157 : f32 to vector<16xf32>
      %max3A_1159 = arith.maximumf %sub3A_1156, %max3A_1158 : vector<16xf32>
      %min3A_1160 = arith.minimumf %get3A_1149, %gather3A_644 : vector<16xf32>
      %max3A_1161 = arith.maximumf %get3A_1145, %gather3A_636 : vector<16xf32>
      %sub3A_1162 = arith.subf %min3A_1160, %max3A_1161 : vector<16xf32>
      %max3A_1163 = arith.constant 0.000000e+00 : f32
      %max3A_1164 = vector.broadcast %max3A_1163 : f32 to vector<16xf32>
      %max3A_1165 = arith.maximumf %sub3A_1162, %max3A_1164 : vector<16xf32>
      %mul3A_1166 = arith.mulf %max3A_1159, %max3A_1165 : vector<16xf32>
      %add3A_1167 = arith.addf %mul3A_646, %get3A_1151 : vector<16xf32>
      %sub3A_1168 = arith.subf %add3A_1167, %mul3A_1166 : vector<16xf32>
      %add3A_1169 = arith.constant 9.99999997E-7 : f32
      %add3A_1170 = vector.broadcast %add3A_1169 : f32 to vector<16xf32>
      %add3A_1171 = arith.addf %sub3A_1168, %add3A_1170 : vector<16xf32>
      %div3A_1172 = arith.divf %mul3A_1166, %add3A_1171 : vector<16xf32>
      %ge3A_1173 = arith.constant 5.000000e-01 : f32
      %ge3A_1174 = vector.broadcast %ge3A_1173 : f32 to vector<16xf32>
      %ge3A_1175 = arith.cmpf oge, %div3A_1172, %ge3A_1174 : vector<16xf32>
      %jit3A_1176 = arith.constant -1.000000e+00 : f32
      %broadcast_in_dim3A_1177 = vector.broadcast %jit3A_1176 : f32 to vector<16xf32>
      %select_n3A_1178 = arith.select %ge3A_1175, %broadcast_in_dim3A_1177, %get3A_1153 : vector<16xi1>, vector<16xf32>
      %swap3A_1179 = arith.constant 176 : index
      %swap3A_1180 = tpu.vector_load %arg5[%swap3A_1179] {strides = array<i32>} : memref<1280xf32, #tpu.memory_space<vmem>>, vector<16xf32>,
      tpu.vector_store %arg5[%swap3A_1179], %select_n3A_1178 {strides = array<i32>} : memref<1280xf32, #tpu.memory_space<vmem>>, vector<16xf32>,
      %gt3A_1181 = arith.cmpf ogt, %select_n3A_1178, %select_n3A_1138 : vector<16xf32>
      %select_n3A_1182 = arith.select %gt3A_1181, %select_n3A_1178, %select_n3A_1138 : vector<16xi1>, vector<16xf32>
      %jit3A_1183 = arith.constant 11 : i32
      %broadcast_in_dim3A_1184 = vector.broadcast %jit3A_1183 : i32 to vector<16xi32>
      %select_n3A_1185 = arith.select %gt3A_1181, %broadcast_in_dim3A_1184, %select_n3A_1141 : vector<16xi1>, vector<16xi32>
      %get3A_1186 = arith.constant 192 : index
      %get3A_1187 = tpu.vector_load %arg4[%get3A_1186] {strides = array<i32>} : memref<5120xf32, #tpu.memory_space<vmem>>, vector<16xf32>,
      %get3A_1188 = arith.constant 1472 : index
      %get3A_1189 = tpu.vector_load %arg4[%get3A_1188] {strides = array<i32>} : memref<5120xf32, #tpu.memory_space<vmem>>, vector<16xf32>,
      %get3A_1190 = arith.constant 2752 : index
      %get3A_1191 = tpu.vector_load %arg4[%get3A_1190] {strides = array<i32>} : memref<5120xf32, #tpu.memory_space<vmem>>, vector<16xf32>,
      %get3A_1192 = arith.constant 4032 : index
      %get3A_1193 = tpu.vector_load %arg4[%get3A_1192] {strides = array<i32>} : memref<5120xf32, #tpu.memory_space<vmem>>, vector<16xf32>,
      %get3A_1194 = arith.constant 192 : index
      %get3A_1195 = tpu.vector_load %arg6[%get3A_1194] {strides = array<i32>} : memref<1280xf32, #tpu.memory_space<vmem>>, vector<16xf32>,
      %get3A_1196 = arith.constant 192 : index
      %get3A_1197 = tpu.vector_load %arg5[%get3A_1196] {strides = array<i32>} : memref<1280xf32, #tpu.memory_space<vmem>>, vector<16xf32>,
      %min3A_1198 = arith.minimumf %get3A_1191, %gather3A_640 : vector<16xf32>
      %max3A_1199 = arith.maximumf %get3A_1187, %gather3A_632 : vector<16xf32>
      %sub3A_1200 = arith.subf %min3A_1198, %max3A_1199 : vector<16xf32>
      %max3A_1201 = arith.constant 0.000000e+00 : f32
      %max3A_1202 = vector.broadcast %max3A_1201 : f32 to vector<16xf32>
      %max3A_1203 = arith.maximumf %sub3A_1200, %max3A_1202 : vector<16xf32>
      %min3A_1204 = arith.minimumf %get3A_1193, %gather3A_644 : vector<16xf32>
      %max3A_1205 = arith.maximumf %get3A_1189, %gather3A_636 : vector<16xf32>
      %sub3A_1206 = arith.subf %min3A_1204, %max3A_1205 : vector<16xf32>
      %max3A_1207 = arith.constant 0.000000e+00 : f32
      %max3A_1208 = vector.broadcast %max3A_1207 : f32 to vector<16xf32>
      %max3A_1209 = arith.maximumf %sub3A_1206, %max3A_1208 : vector<16xf32>
      %mul3A_1210 = arith.mulf %max3A_1203, %max3A_1209 : vector<16xf32>
      %add3A_1211 = arith.addf %mul3A_646, %get3A_1195 : vector<16xf32>
      %sub3A_1212 = arith.subf %add3A_1211, %mul3A_1210 : vector<16xf32>
      %add3A_1213 = arith.constant 9.99999997E-7 : f32
      %add3A_1214 = vector.broadcast %add3A_1213 : f32 to vector<16xf32>
      %add3A_1215 = arith.addf %sub3A_1212, %add3A_1214 : vector<16xf32>
      %div3A_1216 = arith.divf %mul3A_1210, %add3A_1215 : vector<16xf32>
      %ge3A_1217 = arith.constant 5.000000e-01 : f32
      %ge3A_1218 = vector.broadcast %ge3A_1217 : f32 to vector<16xf32>
      %ge3A_1219 = arith.cmpf oge, %div3A_1216, %ge3A_1218 : vector<16xf32>
      %jit3A_1220 = arith.constant -1.000000e+00 : f32
      %broadcast_in_dim3A_1221 = vector.broadcast %jit3A_1220 : f32 to vector<16xf32>
      %select_n3A_1222 = arith.select %ge3A_1219, %broadcast_in_dim3A_1221, %get3A_1197 : vector<16xi1>, vector<16xf32>
      %swap3A_1223 = arith.constant 192 : index
      %swap3A_1224 = tpu.vector_load %arg5[%swap3A_1223] {strides = array<i32>} : memref<1280xf32, #tpu.memory_space<vmem>>, vector<16xf32>,
      tpu.vector_store %arg5[%swap3A_1223], %select_n3A_1222 {strides = array<i32>} : memref<1280xf32, #tpu.memory_space<vmem>>, vector<16xf32>,
      %gt3A_1225 = arith.cmpf ogt, %select_n3A_1222, %select_n3A_1182 : vector<16xf32>
      %select_n3A_1226 = arith.select %gt3A_1225, %select_n3A_1222, %select_n3A_1182 : vector<16xi1>, vector<16xf32>
      %jit3A_1227 = arith.constant 12 : i32
      %broadcast_in_dim3A_1228 = vector.broadcast %jit3A_1227 : i32 to vector<16xi32>
      %select_n3A_1229 = arith.select %gt3A_1225, %broadcast_in_dim3A_1228, %select_n3A_1185 : vector<16xi1>, vector<16xi32>
      %get3A_1230 = arith.constant 208 : index
      %get3A_1231 = tpu.vector_load %arg4[%get3A_1230] {strides = array<i32>} : memref<5120xf32, #tpu.memory_space<vmem>>, vector<16xf32>,
      %get3A_1232 = arith.constant 1488 : index
      %get3A_1233 = tpu.vector_load %arg4[%get3A_1232] {strides = array<i32>} : memref<5120xf32, #tpu.memory_space<vmem>>, vector<16xf32>,
      %get3A_1234 = arith.constant 2768 : index
      %get3A_1235 = tpu.vector_load %arg4[%get3A_1234] {strides = array<i32>} : memref<5120xf32, #tpu.memory_space<vmem>>, vector<16xf32>,
      %get3A_1236 = arith.constant 4048 : index
      %get3A_1237 = tpu.vector_load %arg4[%get3A_1236] {strides = array<i32>} : memref<5120xf32, #tpu.memory_space<vmem>>, vector<16xf32>,
      %get3A_1238 = arith.constant 208 : index
      %get3A_1239 = tpu.vector_load %arg6[%get3A_1238] {strides = array<i32>} : memref<1280xf32, #tpu.memory_space<vmem>>, vector<16xf32>,
      %get3A_1240 = arith.constant 208 : index
      %get3A_1241 = tpu.vector_load %arg5[%get3A_1240] {strides = array<i32>} : memref<1280xf32, #tpu.memory_space<vmem>>, vector<16xf32>,
      %min3A_1242 = arith.minimumf %get3A_1235, %gather3A_640 : vector<16xf32>
      %max3A_1243 = arith.maximumf %get3A_1231, %gather3A_632 : vector<16xf32>
      %sub3A_1244 = arith.subf %min3A_1242, %max3A_1243 : vector<16xf32>
      %max3A_1245 = arith.constant 0.000000e+00 : f32
      %max3A_1246 = vector.broadcast %max3A_1245 : f32 to vector<16xf32>
      %max3A_1247 = arith.maximumf %sub3A_1244, %max3A_1246 : vector<16xf32>
      %min3A_1248 = arith.minimumf %get3A_1237, %gather3A_644 : vector<16xf32>
      %max3A_1249 = arith.maximumf %get3A_1233, %gather3A_636 : vector<16xf32>
      %sub3A_1250 = arith.subf %min3A_1248, %max3A_1249 : vector<16xf32>
      %max3A_1251 = arith.constant 0.000000e+00 : f32
      %max3A_1252 = vector.broadcast %max3A_1251 : f32 to vector<16xf32>
      %max3A_1253 = arith.maximumf %sub3A_1250, %max3A_1252 : vector<16xf32>
      %mul3A_1254 = arith.mulf %max3A_1247, %max3A_1253 : vector<16xf32>
      %add3A_1255 = arith.addf %mul3A_646, %get3A_1239 : vector<16xf32>
      %sub3A_1256 = arith.subf %add3A_1255, %mul3A_1254 : vector<16xf32>
      %add3A_1257 = arith.constant 9.99999997E-7 : f32
      %add3A_1258 = vector.broadcast %add3A_1257 : f32 to vector<16xf32>
      %add3A_1259 = arith.addf %sub3A_1256, %add3A_1258 : vector<16xf32>
      %div3A_1260 = arith.divf %mul3A_1254, %add3A_1259 : vector<16xf32>
      %ge3A_1261 = arith.constant 5.000000e-01 : f32
      %ge3A_1262 = vector.broadcast %ge3A_1261 : f32 to vector<16xf32>
      %ge3A_1263 = arith.cmpf oge, %div3A_1260, %ge3A_1262 : vector<16xf32>
      %jit3A_1264 = arith.constant -1.000000e+00 : f32
      %broadcast_in_dim3A_1265 = vector.broadcast %jit3A_1264 : f32 to vector<16xf32>
      %select_n3A_1266 = arith.select %ge3A_1263, %broadcast_in_dim3A_1265, %get3A_1241 : vector<16xi1>, vector<16xf32>
      %swap3A_1267 = arith.constant 208 : index
      %swap3A_1268 = tpu.vector_load %arg5[%swap3A_1267] {strides = array<i32>} : memref<1280xf32, #tpu.memory_space<vmem>>, vector<16xf32>,
      tpu.vector_store %arg5[%swap3A_1267], %select_n3A_1266 {strides = array<i32>} : memref<1280xf32, #tpu.memory_space<vmem>>, vector<16xf32>,
      %gt3A_1269 = arith.cmpf ogt, %select_n3A_1266, %select_n3A_1226 : vector<16xf32>
      %select_n3A_1270 = arith.select %gt3A_1269, %select_n3A_1266, %select_n3A_1226 : vector<16xi1>, vector<16xf32>
      %jit3A_1271 = arith.constant 13 : i32
      %broadcast_in_dim3A_1272 = vector.broadcast %jit3A_1271 : i32 to vector<16xi32>
      %select_n3A_1273 = arith.select %gt3A_1269, %broadcast_in_dim3A_1272, %select_n3A_1229 : vector<16xi1>, vector<16xi32>
      %get3A_1274 = arith.constant 224 : index
      %get3A_1275 = tpu.vector_load %arg4[%get3A_1274] {strides = array<i32>} : memref<5120xf32, #tpu.memory_space<vmem>>, vector<16xf32>,
      %get3A_1276 = arith.constant 1504 : index
      %get3A_1277 = tpu.vector_load %arg4[%get3A_1276] {strides = array<i32>} : memref<5120xf32, #tpu.memory_space<vmem>>, vector<16xf32>,
      %get3A_1278 = arith.constant 2784 : index
      %get3A_1279 = tpu.vector_load %arg4[%get3A_1278] {strides = array<i32>} : memref<5120xf32, #tpu.memory_space<vmem>>, vector<16xf32>,
      %get3A_1280 = arith.constant 4064 : index
      %get3A_1281 = tpu.vector_load %arg4[%get3A_1280] {strides = array<i32>} : memref<5120xf32, #tpu.memory_space<vmem>>, vector<16xf32>,
      %get3A_1282 = arith.constant 224 : index
      %get3A_1283 = tpu.vector_load %arg6[%get3A_1282] {strides = array<i32>} : memref<1280xf32, #tpu.memory_space<vmem>>, vector<16xf32>,
      %get3A_1284 = arith.constant 224 : index
      %get3A_1285 = tpu.vector_load %arg5[%get3A_1284] {strides = array<i32>} : memref<1280xf32, #tpu.memory_space<vmem>>, vector<16xf32>,
      %min3A_1286 = arith.minimumf %get3A_1279, %gather3A_640 : vector<16xf32>
      %max3A_1287 = arith.maximumf %get3A_1275, %gather3A_632 : vector<16xf32>
      %sub3A_1288 = arith.subf %min3A_1286, %max3A_1287 : vector<16xf32>
      %max3A_1289 = arith.constant 0.000000e+00 : f32
      %max3A_1290 = vector.broadcast %max3A_1289 : f32 to vector<16xf32>
      %max3A_1291 = arith.maximumf %sub3A_1288, %max3A_1290 : vector<16xf32>
      %min3A_1292 = arith.minimumf %get3A_1281, %gather3A_644 : vector<16xf32>
      %max3A_1293 = arith.maximumf %get3A_1277, %gather3A_636 : vector<16xf32>
      %sub3A_1294 = arith.subf %min3A_1292, %max3A_1293 : vector<16xf32>
      %max3A_1295 = arith.constant 0.000000e+00 : f32
      %max3A_1296 = vector.broadcast %max3A_1295 : f32 to vector<16xf32>
      %max3A_1297 = arith.maximumf %sub3A_1294, %max3A_1296 : vector<16xf32>
      %mul3A_1298 = arith.mulf %max3A_1291, %max3A_1297 : vector<16xf32>
      %add3A_1299 = arith.addf %mul3A_646, %get3A_1283 : vector<16xf32>
      %sub3A_1300 = arith.subf %add3A_1299, %mul3A_1298 : vector<16xf32>
      %add3A_1301 = arith.constant 9.99999997E-7 : f32
      %add3A_1302 = vector.broadcast %add3A_1301 : f32 to vector<16xf32>
      %add3A_1303 = arith.addf %sub3A_1300, %add3A_1302 : vector<16xf32>
      %div3A_1304 = arith.divf %mul3A_1298, %add3A_1303 : vector<16xf32>
      %ge3A_1305 = arith.constant 5.000000e-01 : f32
      %ge3A_1306 = vector.broadcast %ge3A_1305 : f32 to vector<16xf32>
      %ge3A_1307 = arith.cmpf oge, %div3A_1304, %ge3A_1306 : vector<16xf32>
      %jit3A_1308 = arith.constant -1.000000e+00 : f32
      %broadcast_in_dim3A_1309 = vector.broadcast %jit3A_1308 : f32 to vector<16xf32>
      %select_n3A_1310 = arith.select %ge3A_1307, %broadcast_in_dim3A_1309, %get3A_1285 : vector<16xi1>, vector<16xf32>
      %swap3A_1311 = arith.constant 224 : index
      %swap3A_1312 = tpu.vector_load %arg5[%swap3A_1311] {strides = array<i32>} : memref<1280xf32, #tpu.memory_space<vmem>>, vector<16xf32>,
      tpu.vector_store %arg5[%swap3A_1311], %select_n3A_1310 {strides = array<i32>} : memref<1280xf32, #tpu.memory_space<vmem>>, vector<16xf32>,
      %gt3A_1313 = arith.cmpf ogt, %select_n3A_1310, %select_n3A_1270 : vector<16xf32>
      %select_n3A_1314 = arith.select %gt3A_1313, %select_n3A_1310, %select_n3A_1270 : vector<16xi1>, vector<16xf32>
      %jit3A_1315 = arith.constant 14 : i32
      %broadcast_in_dim3A_1316 = vector.broadcast %jit3A_1315 : i32 to vector<16xi32>
      %select_n3A_1317 = arith.select %gt3A_1313, %broadcast_in_dim3A_1316, %select_n3A_1273 : vector<16xi1>, vector<16xi32>
      %get3A_1318 = arith.constant 240 : index
      %get3A_1319 = tpu.vector_load %arg4[%get3A_1318] {strides = array<i32>} : memref<5120xf32, #tpu.memory_space<vmem>>, vector<16xf32>,
      %get3A_1320 = arith.constant 1520 : index
      %get3A_1321 = tpu.vector_load %arg4[%get3A_1320] {strides = array<i32>} : memref<5120xf32, #tpu.memory_space<vmem>>, vector<16xf32>,
      %get3A_1322 = arith.constant 2800 : index
      %get3A_1323 = tpu.vector_load %arg4[%get3A_1322] {strides = array<i32>} : memref<5120xf32, #tpu.memory_space<vmem>>, vector<16xf32>,
      %get3A_1324 = arith.constant 4080 : index
      %get3A_1325 = tpu.vector_load %arg4[%get3A_1324] {strides = array<i32>} : memref<5120xf32, #tpu.memory_space<vmem>>, vector<16xf32>,
      %get3A_1326 = arith.constant 240 : index
      %get3A_1327 = tpu.vector_load %arg6[%get3A_1326] {strides = array<i32>} : memref<1280xf32, #tpu.memory_space<vmem>>, vector<16xf32>,
      %get3A_1328 = arith.constant 240 : index
      %get3A_1329 = tpu.vector_load %arg5[%get3A_1328] {strides = array<i32>} : memref<1280xf32, #tpu.memory_space<vmem>>, vector<16xf32>,
      %min3A_1330 = arith.minimumf %get3A_1323, %gather3A_640 : vector<16xf32>
      %max3A_1331 = arith.maximumf %get3A_1319, %gather3A_632 : vector<16xf32>
      %sub3A_1332 = arith.subf %min3A_1330, %max3A_1331 : vector<16xf32>
      %max3A_1333 = arith.constant 0.000000e+00 : f32
      %max3A_1334 = vector.broadcast %max3A_1333 : f32 to vector<16xf32>
      %max3A_1335 = arith.maximumf %sub3A_1332, %max3A_1334 : vector<16xf32>
      %min3A_1336 = arith.minimumf %get3A_1325, %gather3A_644 : vector<16xf32>
      %max3A_1337 = arith.maximumf %get3A_1321, %gather3A_636 : vector<16xf32>
      %sub3A_1338 = arith.subf %min3A_1336, %max3A_1337 : vector<16xf32>
      %max3A_1339 = arith.constant 0.000000e+00 : f32
      %max3A_1340 = vector.broadcast %max3A_1339 : f32 to vector<16xf32>
      %max3A_1341 = arith.maximumf %sub3A_1338, %max3A_1340 : vector<16xf32>
      %mul3A_1342 = arith.mulf %max3A_1335, %max3A_1341 : vector<16xf32>
      %add3A_1343 = arith.addf %mul3A_646, %get3A_1327 : vector<16xf32>
      %sub3A_1344 = arith.subf %add3A_1343, %mul3A_1342 : vector<16xf32>
      %add3A_1345 = arith.constant 9.99999997E-7 : f32
      %add3A_1346 = vector.broadcast %add3A_1345 : f32 to vector<16xf32>
      %add3A_1347 = arith.addf %sub3A_1344, %add3A_1346 : vector<16xf32>
      %div3A_1348 = arith.divf %mul3A_1342, %add3A_1347 : vector<16xf32>
      %ge3A_1349 = arith.constant 5.000000e-01 : f32
      %ge3A_1350 = vector.broadcast %ge3A_1349 : f32 to vector<16xf32>
      %ge3A_1351 = arith.cmpf oge, %div3A_1348, %ge3A_1350 : vector<16xf32>
      %jit3A_1352 = arith.constant -1.000000e+00 : f32
      %broadcast_in_dim3A_1353 = vector.broadcast %jit3A_1352 : f32 to vector<16xf32>
      %select_n3A_1354 = arith.select %ge3A_1351, %broadcast_in_dim3A_1353, %get3A_1329 : vector<16xi1>, vector<16xf32>
      %swap3A_1355 = arith.constant 240 : index
      %swap3A_1356 = tpu.vector_load %arg5[%swap3A_1355] {strides = array<i32>} : memref<1280xf32, #tpu.memory_space<vmem>>, vector<16xf32>,
      tpu.vector_store %arg5[%swap3A_1355], %select_n3A_1354 {strides = array<i32>} : memref<1280xf32, #tpu.memory_space<vmem>>, vector<16xf32>,
      %gt3A_1357 = arith.cmpf ogt, %select_n3A_1354, %select_n3A_1314 : vector<16xf32>
      %select_n3A_1358 = arith.select %gt3A_1357, %select_n3A_1354, %select_n3A_1314 : vector<16xi1>, vector<16xf32>
      %jit3A_1359 = arith.constant 15 : i32
      %broadcast_in_dim3A_1360 = vector.broadcast %jit3A_1359 : i32 to vector<16xi32>
      %select_n3A_1361 = arith.select %gt3A_1357, %broadcast_in_dim3A_1360, %select_n3A_1317 : vector<16xi1>, vector<16xi32>
      %get3A_1362 = arith.constant 256 : index
      %get3A_1363 = tpu.vector_load %arg4[%get3A_1362] {strides = array<i32>} : memref<5120xf32, #tpu.memory_space<vmem>>, vector<16xf32>,
      %get3A_1364 = arith.constant 1536 : index
      %get3A_1365 = tpu.vector_load %arg4[%get3A_1364] {strides = array<i32>} : memref<5120xf32, #tpu.memory_space<vmem>>, vector<16xf32>,
      %get3A_1366 = arith.constant 2816 : index
      %get3A_1367 = tpu.vector_load %arg4[%get3A_1366] {strides = array<i32>} : memref<5120xf32, #tpu.memory_space<vmem>>, vector<16xf32>,
      %get3A_1368 = arith.constant 4096 : index
      %get3A_1369 = tpu.vector_load %arg4[%get3A_1368] {strides = array<i32>} : memref<5120xf32, #tpu.memory_space<vmem>>, vector<16xf32>,
      %get3A_1370 = arith.constant 256 : index
      %get3A_1371 = tpu.vector_load %arg6[%get3A_1370] {strides = array<i32>} : memref<1280xf32, #tpu.memory_space<vmem>>, vector<16xf32>,
      %get3A_1372 = arith.constant 256 : index
      %get3A_1373 = tpu.vector_load %arg5[%get3A_1372] {strides = array<i32>} : memref<1280xf32, #tpu.memory_space<vmem>>, vector<16xf32>,
      %min3A_1374 = arith.minimumf %get3A_1367, %gather3A_640 : vector<16xf32>
      %max3A_1375 = arith.maximumf %get3A_1363, %gather3A_632 : vector<16xf32>
      %sub3A_1376 = arith.subf %min3A_1374, %max3A_1375 : vector<16xf32>
      %max3A_1377 = arith.constant 0.000000e+00 : f32
      %max3A_1378 = vector.broadcast %max3A_1377 : f32 to vector<16xf32>
      %max3A_1379 = arith.maximumf %sub3A_1376, %max3A_1378 : vector<16xf32>
      %min3A_1380 = arith.minimumf %get3A_1369, %gather3A_644 : vector<16xf32>
      %max3A_1381 = arith.maximumf %get3A_1365, %gather3A_636 : vector<16xf32>
      %sub3A_1382 = arith.subf %min3A_1380, %max3A_1381 : vector<16xf32>
      %max3A_1383 = arith.constant 0.000000e+00 : f32
      %max3A_1384 = vector.broadcast %max3A_1383 : f32 to vector<16xf32>
      %max3A_1385 = arith.maximumf %sub3A_1382, %max3A_1384 : vector<16xf32>
      %mul3A_1386 = arith.mulf %max3A_1379, %max3A_1385 : vector<16xf32>
      %add3A_1387 = arith.addf %mul3A_646, %get3A_1371 : vector<16xf32>
      %sub3A_1388 = arith.subf %add3A_1387, %mul3A_1386 : vector<16xf32>
      %add3A_1389 = arith.constant 9.99999997E-7 : f32
      %add3A_1390 = vector.broadcast %add3A_1389 : f32 to vector<16xf32>
      %add3A_1391 = arith.addf %sub3A_1388, %add3A_1390 : vector<16xf32>
      %div3A_1392 = arith.divf %mul3A_1386, %add3A_1391 : vector<16xf32>
      %ge3A_1393 = arith.constant 5.000000e-01 : f32
      %ge3A_1394 = vector.broadcast %ge3A_1393 : f32 to vector<16xf32>
      %ge3A_1395 = arith.cmpf oge, %div3A_1392, %ge3A_1394 : vector<16xf32>
      %jit3A_1396 = arith.constant -1.000000e+00 : f32
      %broadcast_in_dim3A_1397 = vector.broadcast %jit3A_1396 : f32 to vector<16xf32>
      %select_n3A_1398 = arith.select %ge3A_1395, %broadcast_in_dim3A_1397, %get3A_1373 : vector<16xi1>, vector<16xf32>
      %swap3A_1399 = arith.constant 256 : index
      %swap3A_1400 = tpu.vector_load %arg5[%swap3A_1399] {strides = array<i32>} : memref<1280xf32, #tpu.memory_space<vmem>>, vector<16xf32>,
      tpu.vector_store %arg5[%swap3A_1399], %select_n3A_1398 {strides = array<i32>} : memref<1280xf32, #tpu.memory_space<vmem>>, vector<16xf32>,
      %gt3A_1401 = arith.cmpf ogt, %select_n3A_1398, %select_n3A_1358 : vector<16xf32>
      %select_n3A_1402 = arith.select %gt3A_1401, %select_n3A_1398, %select_n3A_1358 : vector<16xi1>, vector<16xf32>
      %jit3A_1403 = arith.constant 16 : i32
      %broadcast_in_dim3A_1404 = vector.broadcast %jit3A_1403 : i32 to vector<16xi32>
      %select_n3A_1405 = arith.select %gt3A_1401, %broadcast_in_dim3A_1404, %select_n3A_1361 : vector<16xi1>, vector<16xi32>
      %get3A_1406 = arith.constant 272 : index
      %get3A_1407 = tpu.vector_load %arg4[%get3A_1406] {strides = array<i32>} : memref<5120xf32, #tpu.memory_space<vmem>>, vector<16xf32>,
      %get3A_1408 = arith.constant 1552 : index
      %get3A_1409 = tpu.vector_load %arg4[%get3A_1408] {strides = array<i32>} : memref<5120xf32, #tpu.memory_space<vmem>>, vector<16xf32>,
      %get3A_1410 = arith.constant 2832 : index
      %get3A_1411 = tpu.vector_load %arg4[%get3A_1410] {strides = array<i32>} : memref<5120xf32, #tpu.memory_space<vmem>>, vector<16xf32>,
      %get3A_1412 = arith.constant 4112 : index
      %get3A_1413 = tpu.vector_load %arg4[%get3A_1412] {strides = array<i32>} : memref<5120xf32, #tpu.memory_space<vmem>>, vector<16xf32>,
      %get3A_1414 = arith.constant 272 : index
      %get3A_1415 = tpu.vector_load %arg6[%get3A_1414] {strides = array<i32>} : memref<1280xf32, #tpu.memory_space<vmem>>, vector<16xf32>,
      %get3A_1416 = arith.constant 272 : index
      %get3A_1417 = tpu.vector_load %arg5[%get3A_1416] {strides = array<i32>} : memref<1280xf32, #tpu.memory_space<vmem>>, vector<16xf32>,
      %min3A_1418 = arith.minimumf %get3A_1411, %gather3A_640 : vector<16xf32>
      %max3A_1419 = arith.maximumf %get3A_1407, %gather3A_632 : vector<16xf32>
      %sub3A_1420 = arith.subf %min3A_1418, %max3A_1419 : vector<16xf32>
      %max3A_1421 = arith.constant 0.000000e+00 : f32
      %max3A_1422 = vector.broadcast %max3A_1421 : f32 to vector<16xf32>
      %max3A_1423 = arith.maximumf %sub3A_1420, %max3A_1422 : vector<16xf32>
      %min3A_1424 = arith.minimumf %get3A_1413, %gather3A_644 : vector<16xf32>
      %max3A_1425 = arith.maximumf %get3A_1409, %gather3A_636 : vector<16xf32>
      %sub3A_1426 = arith.subf %min3A_1424, %max3A_1425 : vector<16xf32>
      %max3A_1427 = arith.constant 0.000000e+00 : f32
      %max3A_1428 = vector.broadcast %max3A_1427 : f32 to vector<16xf32>
      %max3A_1429 = arith.maximumf %sub3A_1426, %max3A_1428 : vector<16xf32>
      %mul3A_1430 = arith.mulf %max3A_1423, %max3A_1429 : vector<16xf32>
      %add3A_1431 = arith.addf %mul3A_646, %get3A_1415 : vector<16xf32>
      %sub3A_1432 = arith.subf %add3A_1431, %mul3A_1430 : vector<16xf32>
      %add3A_1433 = arith.constant 9.99999997E-7 : f32
      %add3A_1434 = vector.broadcast %add3A_1433 : f32 to vector<16xf32>
      %add3A_1435 = arith.addf %sub3A_1432, %add3A_1434 : vector<16xf32>
      %div3A_1436 = arith.divf %mul3A_1430, %add3A_1435 : vector<16xf32>
      %ge3A_1437 = arith.constant 5.000000e-01 : f32
      %ge3A_1438 = vector.broadcast %ge3A_1437 : f32 to vector<16xf32>
      %ge3A_1439 = arith.cmpf oge, %div3A_1436, %ge3A_1438 : vector<16xf32>
      %jit3A_1440 = arith.constant -1.000000e+00 : f32
      %broadcast_in_dim3A_1441 = vector.broadcast %jit3A_1440 : f32 to vector<16xf32>
      %select_n3A_1442 = arith.select %ge3A_1439, %broadcast_in_dim3A_1441, %get3A_1417 : vector<16xi1>, vector<16xf32>
      %swap3A_1443 = arith.constant 272 : index
      %swap3A_1444 = tpu.vector_load %arg5[%swap3A_1443] {strides = array<i32>} : memref<1280xf32, #tpu.memory_space<vmem>>, vector<16xf32>,
      tpu.vector_store %arg5[%swap3A_1443], %select_n3A_1442 {strides = array<i32>} : memref<1280xf32, #tpu.memory_space<vmem>>, vector<16xf32>,
      %gt3A_1445 = arith.cmpf ogt, %select_n3A_1442, %select_n3A_1402 : vector<16xf32>
      %select_n3A_1446 = arith.select %gt3A_1445, %select_n3A_1442, %select_n3A_1402 : vector<16xi1>, vector<16xf32>
      %jit3A_1447 = arith.constant 17 : i32
      %broadcast_in_dim3A_1448 = vector.broadcast %jit3A_1447 : i32 to vector<16xi32>
      %select_n3A_1449 = arith.select %gt3A_1445, %broadcast_in_dim3A_1448, %select_n3A_1405 : vector<16xi1>, vector<16xi32>
      %get3A_1450 = arith.constant 288 : index
      %get3A_1451 = tpu.vector_load %arg4[%get3A_1450] {strides = array<i32>} : memref<5120xf32, #tpu.memory_space<vmem>>, vector<16xf32>,
      %get3A_1452 = arith.constant 1568 : index
      %get3A_1453 = tpu.vector_load %arg4[%get3A_1452] {strides = array<i32>} : memref<5120xf32, #tpu.memory_space<vmem>>, vector<16xf32>,
      %get3A_1454 = arith.constant 2848 : index
      %get3A_1455 = tpu.vector_load %arg4[%get3A_1454] {strides = array<i32>} : memref<5120xf32, #tpu.memory_space<vmem>>, vector<16xf32>,
      %get3A_1456 = arith.constant 4128 : index
      %get3A_1457 = tpu.vector_load %arg4[%get3A_1456] {strides = array<i32>} : memref<5120xf32, #tpu.memory_space<vmem>>, vector<16xf32>,
      %get3A_1458 = arith.constant 288 : index
      %get3A_1459 = tpu.vector_load %arg6[%get3A_1458] {strides = array<i32>} : memref<1280xf32, #tpu.memory_space<vmem>>, vector<16xf32>,
      %get3A_1460 = arith.constant 288 : index
      %get3A_1461 = tpu.vector_load %arg5[%get3A_1460] {strides = array<i32>} : memref<1280xf32, #tpu.memory_space<vmem>>, vector<16xf32>,
      %min3A_1462 = arith.minimumf %get3A_1455, %gather3A_640 : vector<16xf32>
      %max3A_1463 = arith.maximumf %get3A_1451, %gather3A_632 : vector<16xf32>
      %sub3A_1464 = arith.subf %min3A_1462, %max3A_1463 : vector<16xf32>
      %max3A_1465 = arith.constant 0.000000e+00 : f32
      %max3A_1466 = vector.broadcast %max3A_1465 : f32 to vector<16xf32>
      %max3A_1467 = arith.maximumf %sub3A_1464, %max3A_1466 : vector<16xf32>
      %min3A_1468 = arith.minimumf %get3A_1457, %gather3A_644 : vector<16xf32>
      %max3A_1469 = arith.maximumf %get3A_1453, %gather3A_636 : vector<16xf32>
      %sub3A_1470 = arith.subf %min3A_1468, %max3A_1469 : vector<16xf32>
      %max3A_1471 = arith.constant 0.000000e+00 : f32
      %max3A_1472 = vector.broadcast %max3A_1471 : f32 to vector<16xf32>
      %max3A_1473 = arith.maximumf %sub3A_1470, %max3A_1472 : vector<16xf32>
      %mul3A_1474 = arith.mulf %max3A_1467, %max3A_1473 : vector<16xf32>
      %add3A_1475 = arith.addf %mul3A_646, %get3A_1459 : vector<16xf32>
      %sub3A_1476 = arith.subf %add3A_1475, %mul3A_1474 : vector<16xf32>
      %add3A_1477 = arith.constant 9.99999997E-7 : f32
      %add3A_1478 = vector.broadcast %add3A_1477 : f32 to vector<16xf32>
      %add3A_1479 = arith.addf %sub3A_1476, %add3A_1478 : vector<16xf32>
      %div3A_1480 = arith.divf %mul3A_1474, %add3A_1479 : vector<16xf32>
      %ge3A_1481 = arith.constant 5.000000e-01 : f32
      %ge3A_1482 = vector.broadcast %ge3A_1481 : f32 to vector<16xf32>
      %ge3A_1483 = arith.cmpf oge, %div3A_1480, %ge3A_1482 : vector<16xf32>
      %jit3A_1484 = arith.constant -1.000000e+00 : f32
      %broadcast_in_dim3A_1485 = vector.broadcast %jit3A_1484 : f32 to vector<16xf32>
      %select_n3A_1486 = arith.select %ge3A_1483, %broadcast_in_dim3A_1485, %get3A_1461 : vector<16xi1>, vector<16xf32>
      %swap3A_1487 = arith.constant 288 : index
      %swap3A_1488 = tpu.vector_load %arg5[%swap3A_1487] {strides = array<i32>} : memref<1280xf32, #tpu.memory_space<vmem>>, vector<16xf32>,
      tpu.vector_store %arg5[%swap3A_1487], %select_n3A_1486 {strides = array<i32>} : memref<1280xf32, #tpu.memory_space<vmem>>, vector<16xf32>,
      %gt3A_1489 = arith.cmpf ogt, %select_n3A_1486, %select_n3A_1446 : vector<16xf32>
      %select_n3A_1490 = arith.select %gt3A_1489, %select_n3A_1486, %select_n3A_1446 : vector<16xi1>, vector<16xf32>
      %jit3A_1491 = arith.constant 18 : i32
      %broadcast_in_dim3A_1492 = vector.broadcast %jit3A_1491 : i32 to vector<16xi32>
      %select_n3A_1493 = arith.select %gt3A_1489, %broadcast_in_dim3A_1492, %select_n3A_1449 : vector<16xi1>, vector<16xi32>
      %get3A_1494 = arith.constant 304 : index
      %get3A_1495 = tpu.vector_load %arg4[%get3A_1494] {strides = array<i32>} : memref<5120xf32, #tpu.memory_space<vmem>>, vector<16xf32>,
      %get3A_1496 = arith.constant 1584 : index
      %get3A_1497 = tpu.vector_load %arg4[%get3A_1496] {strides = array<i32>} : memref<5120xf32, #tpu.memory_space<vmem>>, vector<16xf32>,
      %get3A_1498 = arith.constant 2864 : index
      %get3A_1499 = tpu.vector_load %arg4[%get3A_1498] {strides = array<i32>} : memref<5120xf32, #tpu.memory_space<vmem>>, vector<16xf32>,
      %get3A_1500 = arith.constant 4144 : index
      %get3A_1501 = tpu.vector_load %arg4[%get3A_1500] {strides = array<i32>} : memref<5120xf32, #tpu.memory_space<vmem>>, vector<16xf32>,
      %get3A_1502 = arith.constant 304 : index
      %get3A_1503 = tpu.vector_load %arg6[%get3A_1502] {strides = array<i32>} : memref<1280xf32, #tpu.memory_space<vmem>>, vector<16xf32>,
      %get3A_1504 = arith.constant 304 : index
      %get3A_1505 = tpu.vector_load %arg5[%get3A_1504] {strides = array<i32>} : memref<1280xf32, #tpu.memory_space<vmem>>, vector<16xf32>,
      %min3A_1506 = arith.minimumf %get3A_1499, %gather3A_640 : vector<16xf32>
      %max3A_1507 = arith.maximumf %get3A_1495, %gather3A_632 : vector<16xf32>
      %sub3A_1508 = arith.subf %min3A_1506, %max3A_1507 : vector<16xf32>
      %max3A_1509 = arith.constant 0.000000e+00 : f32
      %max3A_1510 = vector.broadcast %max3A_1509 : f32 to vector<16xf32>
      %max3A_1511 = arith.maximumf %sub3A_1508, %max3A_1510 : vector<16xf32>
      %min3A_1512 = arith.minimumf %get3A_1501, %gather3A_644 : vector<16xf32>
      %max3A_1513 = arith.maximumf %get3A_1497, %gather3A_636 : vector<16xf32>
      %sub3A_1514 = arith.subf %min3A_1512, %max3A_1513 : vector<16xf32>
      %max3A_1515 = arith.constant 0.000000e+00 : f32
      %max3A_1516 = vector.broadcast %max3A_1515 : f32 to vector<16xf32>
      %max3A_1517 = arith.maximumf %sub3A_1514, %max3A_1516 : vector<16xf32>
      %mul3A_1518 = arith.mulf %max3A_1511, %max3A_1517 : vector<16xf32>
      %add3A_1519 = arith.addf %mul3A_646, %get3A_1503 : vector<16xf32>
      %sub3A_1520 = arith.subf %add3A_1519, %mul3A_1518 : vector<16xf32>
      %add3A_1521 = arith.constant 9.99999997E-7 : f32
      %add3A_1522 = vector.broadcast %add3A_1521 : f32 to vector<16xf32>
      %add3A_1523 = arith.addf %sub3A_1520, %add3A_1522 : vector<16xf32>
      %div3A_1524 = arith.divf %mul3A_1518, %add3A_1523 : vector<16xf32>
      %ge3A_1525 = arith.constant 5.000000e-01 : f32
      %ge3A_1526 = vector.broadcast %ge3A_1525 : f32 to vector<16xf32>
      %ge3A_1527 = arith.cmpf oge, %div3A_1524, %ge3A_1526 : vector<16xf32>
      %jit3A_1528 = arith.constant -1.000000e+00 : f32
      %broadcast_in_dim3A_1529 = vector.broadcast %jit3A_1528 : f32 to vector<16xf32>
      %select_n3A_1530 = arith.select %ge3A_1527, %broadcast_in_dim3A_1529, %get3A_1505 : vector<16xi1>, vector<16xf32>
      %swap3A_1531 = arith.constant 304 : index
      %swap3A_1532 = tpu.vector_load %arg5[%swap3A_1531] {strides = array<i32>} : memref<1280xf32, #tpu.memory_space<vmem>>, vector<16xf32>,
      tpu.vector_store %arg5[%swap3A_1531], %select_n3A_1530 {strides = array<i32>} : memref<1280xf32, #tpu.memory_space<vmem>>, vector<16xf32>,
      %gt3A_1533 = arith.cmpf ogt, %select_n3A_1530, %select_n3A_1490 : vector<16xf32>
      %select_n3A_1534 = arith.select %gt3A_1533, %select_n3A_1530, %select_n3A_1490 : vector<16xi1>, vector<16xf32>
      %jit3A_1535 = arith.constant 19 : i32
      %broadcast_in_dim3A_1536 = vector.broadcast %jit3A_1535 : i32 to vector<16xi32>
      %select_n3A_1537 = arith.select %gt3A_1533, %broadcast_in_dim3A_1536, %select_n3A_1493 : vector<16xi1>, vector<16xi32>
      %get3A_1538 = arith.constant 320 : index
      %get3A_1539 = tpu.vector_load %arg4[%get3A_1538] {strides = array<i32>} : memref<5120xf32, #tpu.memory_space<vmem>>, vector<16xf32>,
      %get3A_1540 = arith.constant 1600 : index
      %get3A_1541 = tpu.vector_load %arg4[%get3A_1540] {strides = array<i32>} : memref<5120xf32, #tpu.memory_space<vmem>>, vector<16xf32>,
      %get3A_1542 = arith.constant 2880 : index
      %get3A_1543 = tpu.vector_load %arg4[%get3A_1542] {strides = array<i32>} : memref<5120xf32, #tpu.memory_space<vmem>>, vector<16xf32>,
      %get3A_1544 = arith.constant 4160 : index
      %get3A_1545 = tpu.vector_load %arg4[%get3A_1544] {strides = array<i32>} : memref<5120xf32, #tpu.memory_space<vmem>>, vector<16xf32>,
      %get3A_1546 = arith.constant 320 : index
      %get3A_1547 = tpu.vector_load %arg6[%get3A_1546] {strides = array<i32>} : memref<1280xf32, #tpu.memory_space<vmem>>, vector<16xf32>,
      %get3A_1548 = arith.constant 320 : index
      %get3A_1549 = tpu.vector_load %arg5[%get3A_1548] {strides = array<i32>} : memref<1280xf32, #tpu.memory_space<vmem>>, vector<16xf32>,
      %min3A_1550 = arith.minimumf %get3A_1543, %gather3A_640 : vector<16xf32>
      %max3A_1551 = arith.maximumf %get3A_1539, %gather3A_632 : vector<16xf32>
      %sub3A_1552 = arith.subf %min3A_1550, %max3A_1551 : vector<16xf32>
      %max3A_1553 = arith.constant 0.000000e+00 : f32
      %max3A_1554 = vector.broadcast %max3A_1553 : f32 to vector<16xf32>
      %max3A_1555 = arith.maximumf %sub3A_1552, %max3A_1554 : vector<16xf32>
      %min3A_1556 = arith.minimumf %get3A_1545, %gather3A_644 : vector<16xf32>
      %max3A_1557 = arith.maximumf %get3A_1541, %gather3A_636 : vector<16xf32>
      %sub3A_1558 = arith.subf %min3A_1556, %max3A_1557 : vector<16xf32>
      %max3A_1559 = arith.constant 0.000000e+00 : f32
      %max3A_1560 = vector.broadcast %max3A_1559 : f32 to vector<16xf32>
      %max3A_1561 = arith.maximumf %sub3A_1558, %max3A_1560 : vector<16xf32>
      %mul3A_1562 = arith.mulf %max3A_1555, %max3A_1561 : vector<16xf32>
      %add3A_1563 = arith.addf %mul3A_646, %get3A_1547 : vector<16xf32>
      %sub3A_1564 = arith.subf %add3A_1563, %mul3A_1562 : vector<16xf32>
      %add3A_1565 = arith.constant 9.99999997E-7 : f32
      %add3A_1566 = vector.broadcast %add3A_1565 : f32 to vector<16xf32>
      %add3A_1567 = arith.addf %sub3A_1564, %add3A_1566 : vector<16xf32>
      %div3A_1568 = arith.divf %mul3A_1562, %add3A_1567 : vector<16xf32>
      %ge3A_1569 = arith.constant 5.000000e-01 : f32
      %ge3A_1570 = vector.broadcast %ge3A_1569 : f32 to vector<16xf32>
      %ge3A_1571 = arith.cmpf oge, %div3A_1568, %ge3A_1570 : vector<16xf32>
      %jit3A_1572 = arith.constant -1.000000e+00 : f32
      %broadcast_in_dim3A_1573 = vector.broadcast %jit3A_1572 : f32 to vector<16xf32>
      %select_n3A_1574 = arith.select %ge3A_1571, %broadcast_in_dim3A_1573, %get3A_1549 : vector<16xi1>, vector<16xf32>
      %swap3A_1575 = arith.constant 320 : index
      %swap3A_1576 = tpu.vector_load %arg5[%swap3A_1575] {strides = array<i32>} : memref<1280xf32, #tpu.memory_space<vmem>>, vector<16xf32>,
      tpu.vector_store %arg5[%swap3A_1575], %select_n3A_1574 {strides = array<i32>} : memref<1280xf32, #tpu.memory_space<vmem>>, vector<16xf32>,
      %gt3A_1577 = arith.cmpf ogt, %select_n3A_1574, %select_n3A_1534 : vector<16xf32>
      %select_n3A_1578 = arith.select %gt3A_1577, %select_n3A_1574, %select_n3A_1534 : vector<16xi1>, vector<16xf32>
      %jit3A_1579 = arith.constant 20 : i32
      %broadcast_in_dim3A_1580 = vector.broadcast %jit3A_1579 : i32 to vector<16xi32>
      %select_n3A_1581 = arith.select %gt3A_1577, %broadcast_in_dim3A_1580, %select_n3A_1537 : vector<16xi1>, vector<16xi32>
      %get3A_1582 = arith.constant 336 : index
      %get3A_1583 = tpu.vector_load %arg4[%get3A_1582] {strides = array<i32>} : memref<5120xf32, #tpu.memory_space<vmem>>, vector<16xf32>,
      %get3A_1584 = arith.constant 1616 : index
      %get3A_1585 = tpu.vector_load %arg4[%get3A_1584] {strides = array<i32>} : memref<5120xf32, #tpu.memory_space<vmem>>, vector<16xf32>,
      %get3A_1586 = arith.constant 2896 : index
      %get3A_1587 = tpu.vector_load %arg4[%get3A_1586] {strides = array<i32>} : memref<5120xf32, #tpu.memory_space<vmem>>, vector<16xf32>,
      %get3A_1588 = arith.constant 4176 : index
      %get3A_1589 = tpu.vector_load %arg4[%get3A_1588] {strides = array<i32>} : memref<5120xf32, #tpu.memory_space<vmem>>, vector<16xf32>,
      %get3A_1590 = arith.constant 336 : index
      %get3A_1591 = tpu.vector_load %arg6[%get3A_1590] {strides = array<i32>} : memref<1280xf32, #tpu.memory_space<vmem>>, vector<16xf32>,
      %get3A_1592 = arith.constant 336 : index
      %get3A_1593 = tpu.vector_load %arg5[%get3A_1592] {strides = array<i32>} : memref<1280xf32, #tpu.memory_space<vmem>>, vector<16xf32>,
      %min3A_1594 = arith.minimumf %get3A_1587, %gather3A_640 : vector<16xf32>
      %max3A_1595 = arith.maximumf %get3A_1583, %gather3A_632 : vector<16xf32>
      %sub3A_1596 = arith.subf %min3A_1594, %max3A_1595 : vector<16xf32>
      %max3A_1597 = arith.constant 0.000000e+00 : f32
      %max3A_1598 = vector.broadcast %max3A_1597 : f32 to vector<16xf32>
      %max3A_1599 = arith.maximumf %sub3A_1596, %max3A_1598 : vector<16xf32>
      %min3A_1600 = arith.minimumf %get3A_1589, %gather3A_644 : vector<16xf32>
      %max3A_1601 = arith.maximumf %get3A_1585, %gather3A_636 : vector<16xf32>
      %sub3A_1602 = arith.subf %min3A_1600, %max3A_1601 : vector<16xf32>
      %max3A_1603 = arith.constant 0.000000e+00 : f32
      %max3A_1604 = vector.broadcast %max3A_1603 : f32 to vector<16xf32>
      %max3A_1605 = arith.maximumf %sub3A_1602, %max3A_1604 : vector<16xf32>
      %mul3A_1606 = arith.mulf %max3A_1599, %max3A_1605 : vector<16xf32>
      %add3A_1607 = arith.addf %mul3A_646, %get3A_1591 : vector<16xf32>
      %sub3A_1608 = arith.subf %add3A_1607, %mul3A_1606 : vector<16xf32>
      %add3A_1609 = arith.constant 9.99999997E-7 : f32
      %add3A_1610 = vector.broadcast %add3A_1609 : f32 to vector<16xf32>
      %add3A_1611 = arith.addf %sub3A_1608, %add3A_1610 : vector<16xf32>
      %div3A_1612 = arith.divf %mul3A_1606, %add3A_1611 : vector<16xf32>
      %ge3A_1613 = arith.constant 5.000000e-01 : f32
      %ge3A_1614 = vector.broadcast %ge3A_1613 : f32 to vector<16xf32>
      %ge3A_1615 = arith.cmpf oge, %div3A_1612, %ge3A_1614 : vector<16xf32>
      %jit3A_1616 = arith.constant -1.000000e+00 : f32
      %broadcast_in_dim3A_1617 = vector.broadcast %jit3A_1616 : f32 to vector<16xf32>
      %select_n3A_1618 = arith.select %ge3A_1615, %broadcast_in_dim3A_1617, %get3A_1593 : vector<16xi1>, vector<16xf32>
      %swap3A_1619 = arith.constant 336 : index
      %swap3A_1620 = tpu.vector_load %arg5[%swap3A_1619] {strides = array<i32>} : memref<1280xf32, #tpu.memory_space<vmem>>, vector<16xf32>,
      tpu.vector_store %arg5[%swap3A_1619], %select_n3A_1618 {strides = array<i32>} : memref<1280xf32, #tpu.memory_space<vmem>>, vector<16xf32>,
      %gt3A_1621 = arith.cmpf ogt, %select_n3A_1618, %select_n3A_1578 : vector<16xf32>
      %select_n3A_1622 = arith.select %gt3A_1621, %select_n3A_1618, %select_n3A_1578 : vector<16xi1>, vector<16xf32>
      %jit3A_1623 = arith.constant 21 : i32
      %broadcast_in_dim3A_1624 = vector.broadcast %jit3A_1623 : i32 to vector<16xi32>
      %select_n3A_1625 = arith.select %gt3A_1621, %broadcast_in_dim3A_1624, %select_n3A_1581 : vector<16xi1>, vector<16xi32>
      %get3A_1626 = arith.constant 352 : index
      %get3A_1627 = tpu.vector_load %arg4[%get3A_1626] {strides = array<i32>} : memref<5120xf32, #tpu.memory_space<vmem>>, vector<16xf32>,
      %get3A_1628 = arith.constant 1632 : index
      %get3A_1629 = tpu.vector_load %arg4[%get3A_1628] {strides = array<i32>} : memref<5120xf32, #tpu.memory_space<vmem>>, vector<16xf32>,
      %get3A_1630 = arith.constant 2912 : index
      %get3A_1631 = tpu.vector_load %arg4[%get3A_1630] {strides = array<i32>} : memref<5120xf32, #tpu.memory_space<vmem>>, vector<16xf32>,
      %get3A_1632 = arith.constant 4192 : index
      %get3A_1633 = tpu.vector_load %arg4[%get3A_1632] {strides = array<i32>} : memref<5120xf32, #tpu.memory_space<vmem>>, vector<16xf32>,
      %get3A_1634 = arith.constant 352 : index
      %get3A_1635 = tpu.vector_load %arg6[%get3A_1634] {strides = array<i32>} : memref<1280xf32, #tpu.memory_space<vmem>>, vector<16xf32>,
      %get3A_1636 = arith.constant 352 : index
      %get3A_1637 = tpu.vector_load %arg5[%get3A_1636] {strides = array<i32>} : memref<1280xf32, #tpu.memory_space<vmem>>, vector<16xf32>,
      %min3A_1638 = arith.minimumf %get3A_1631, %gather3A_640 : vector<16xf32>
      %max3A_1639 = arith.maximumf %get3A_1627, %gather3A_632 : vector<16xf32>
      %sub3A_1640 = arith.subf %min3A_1638, %max3A_1639 : vector<16xf32>
      %max3A_1641 = arith.constant 0.000000e+00 : f32
      %max3A_1642 = vector.broadcast %max3A_1641 : f32 to vector<16xf32>
      %max3A_1643 = arith.maximumf %sub3A_1640, %max3A_1642 : vector<16xf32>
      %min3A_1644 = arith.minimumf %get3A_1633, %gather3A_644 : vector<16xf32>
      %max3A_1645 = arith.maximumf %get3A_1629, %gather3A_636 : vector<16xf32>
      %sub3A_1646 = arith.subf %min3A_1644, %max3A_1645 : vector<16xf32>
      %max3A_1647 = arith.constant 0.000000e+00 : f32
      %max3A_1648 = vector.broadcast %max3A_1647 : f32 to vector<16xf32>
      %max3A_1649 = arith.maximumf %sub3A_1646, %max3A_1648 : vector<16xf32>
      %mul3A_1650 = arith.mulf %max3A_1643, %max3A_1649 : vector<16xf32>
      %add3A_1651 = arith.addf %mul3A_646, %get3A_1635 : vector<16xf32>
      %sub3A_1652 = arith.subf %add3A_1651, %mul3A_1650 : vector<16xf32>
      %add3A_1653 = arith.constant 9.99999997E-7 : f32
      %add3A_1654 = vector.broadcast %add3A_1653 : f32 to vector<16xf32>
      %add3A_1655 = arith.addf %sub3A_1652, %add3A_1654 : vector<16xf32>
      %div3A_1656 = arith.divf %mul3A_1650, %add3A_1655 : vector<16xf32>
      %ge3A_1657 = arith.constant 5.000000e-01 : f32
      %ge3A_1658 = vector.broadcast %ge3A_1657 : f32 to vector<16xf32>
      %ge3A_1659 = arith.cmpf oge, %div3A_1656, %ge3A_1658 : vector<16xf32>
      %jit3A_1660 = arith.constant -1.000000e+00 : f32
      %broadcast_in_dim3A_1661 = vector.broadcast %jit3A_1660 : f32 to vector<16xf32>
      %select_n3A_1662 = arith.select %ge3A_1659, %broadcast_in_dim3A_1661, %get3A_1637 : vector<16xi1>, vector<16xf32>
      %swap3A_1663 = arith.constant 352 : index
      %swap3A_1664 = tpu.vector_load %arg5[%swap3A_1663] {strides = array<i32>} : memref<1280xf32, #tpu.memory_space<vmem>>, vector<16xf32>,
      tpu.vector_store %arg5[%swap3A_1663], %select_n3A_1662 {strides = array<i32>} : memref<1280xf32, #tpu.memory_space<vmem>>, vector<16xf32>,
      %gt3A_1665 = arith.cmpf ogt, %select_n3A_1662, %select_n3A_1622 : vector<16xf32>
      %select_n3A_1666 = arith.select %gt3A_1665, %select_n3A_1662, %select_n3A_1622 : vector<16xi1>, vector<16xf32>
      %jit3A_1667 = arith.constant 22 : i32
      %broadcast_in_dim3A_1668 = vector.broadcast %jit3A_1667 : i32 to vector<16xi32>
      %select_n3A_1669 = arith.select %gt3A_1665, %broadcast_in_dim3A_1668, %select_n3A_1625 : vector<16xi1>, vector<16xi32>
      %get3A_1670 = arith.constant 368 : index
      %get3A_1671 = tpu.vector_load %arg4[%get3A_1670] {strides = array<i32>} : memref<5120xf32, #tpu.memory_space<vmem>>, vector<16xf32>,
      %get3A_1672 = arith.constant 1648 : index
      %get3A_1673 = tpu.vector_load %arg4[%get3A_1672] {strides = array<i32>} : memref<5120xf32, #tpu.memory_space<vmem>>, vector<16xf32>,
      %get3A_1674 = arith.constant 2928 : index
      %get3A_1675 = tpu.vector_load %arg4[%get3A_1674] {strides = array<i32>} : memref<5120xf32, #tpu.memory_space<vmem>>, vector<16xf32>,
      %get3A_1676 = arith.constant 4208 : index
      %get3A_1677 = tpu.vector_load %arg4[%get3A_1676] {strides = array<i32>} : memref<5120xf32, #tpu.memory_space<vmem>>, vector<16xf32>,
      %get3A_1678 = arith.constant 368 : index
      %get3A_1679 = tpu.vector_load %arg6[%get3A_1678] {strides = array<i32>} : memref<1280xf32, #tpu.memory_space<vmem>>, vector<16xf32>,
      %get3A_1680 = arith.constant 368 : index
      %get3A_1681 = tpu.vector_load %arg5[%get3A_1680] {strides = array<i32>} : memref<1280xf32, #tpu.memory_space<vmem>>, vector<16xf32>,
      %min3A_1682 = arith.minimumf %get3A_1675, %gather3A_640 : vector<16xf32>
      %max3A_1683 = arith.maximumf %get3A_1671, %gather3A_632 : vector<16xf32>
      %sub3A_1684 = arith.subf %min3A_1682, %max3A_1683 : vector<16xf32>
      %max3A_1685 = arith.constant 0.000000e+00 : f32
      %max3A_1686 = vector.broadcast %max3A_1685 : f32 to vector<16xf32>
      %max3A_1687 = arith.maximumf %sub3A_1684, %max3A_1686 : vector<16xf32>
      %min3A_1688 = arith.minimumf %get3A_1677, %gather3A_644 : vector<16xf32>
      %max3A_1689 = arith.maximumf %get3A_1673, %gather3A_636 : vector<16xf32>
      %sub3A_1690 = arith.subf %min3A_1688, %max3A_1689 : vector<16xf32>
      %max3A_1691 = arith.constant 0.000000e+00 : f32
      %max3A_1692 = vector.broadcast %max3A_1691 : f32 to vector<16xf32>
      %max3A_1693 = arith.maximumf %sub3A_1690, %max3A_1692 : vector<16xf32>
      %mul3A_1694 = arith.mulf %max3A_1687, %max3A_1693 : vector<16xf32>
      %add3A_1695 = arith.addf %mul3A_646, %get3A_1679 : vector<16xf32>
      %sub3A_1696 = arith.subf %add3A_1695, %mul3A_1694 : vector<16xf32>
      %add3A_1697 = arith.constant 9.99999997E-7 : f32
      %add3A_1698 = vector.broadcast %add3A_1697 : f32 to vector<16xf32>
      %add3A_1699 = arith.addf %sub3A_1696, %add3A_1698 : vector<16xf32>
      %div3A_1700 = arith.divf %mul3A_1694, %add3A_1699 : vector<16xf32>
      %ge3A_1701 = arith.constant 5.000000e-01 : f32
      %ge3A_1702 = vector.broadcast %ge3A_1701 : f32 to vector<16xf32>
      %ge3A_1703 = arith.cmpf oge, %div3A_1700, %ge3A_1702 : vector<16xf32>
      %jit3A_1704 = arith.constant -1.000000e+00 : f32
      %broadcast_in_dim3A_1705 = vector.broadcast %jit3A_1704 : f32 to vector<16xf32>
      %select_n3A_1706 = arith.select %ge3A_1703, %broadcast_in_dim3A_1705, %get3A_1681 : vector<16xi1>, vector<16xf32>
      %swap3A_1707 = arith.constant 368 : index
      %swap3A_1708 = tpu.vector_load %arg5[%swap3A_1707] {strides = array<i32>} : memref<1280xf32, #tpu.memory_space<vmem>>, vector<16xf32>,
      tpu.vector_store %arg5[%swap3A_1707], %select_n3A_1706 {strides = array<i32>} : memref<1280xf32, #tpu.memory_space<vmem>>, vector<16xf32>,
      %gt3A_1709 = arith.cmpf ogt, %select_n3A_1706, %select_n3A_1666 : vector<16xf32>
      %select_n3A_1710 = arith.select %gt3A_1709, %select_n3A_1706, %select_n3A_1666 : vector<16xi1>, vector<16xf32>
      %jit3A_1711 = arith.constant 23 : i32
      %broadcast_in_dim3A_1712 = vector.broadcast %jit3A_1711 : i32 to vector<16xi32>
      %select_n3A_1713 = arith.select %gt3A_1709, %broadcast_in_dim3A_1712, %select_n3A_1669 : vector<16xi1>, vector<16xi32>
      %get3A_1714 = arith.constant 384 : index
      %get3A_1715 = tpu.vector_load %arg4[%get3A_1714] {strides = array<i32>} : memref<5120xf32, #tpu.memory_space<vmem>>, vector<16xf32>,
      %get3A_1716 = arith.constant 1664 : index
      %get3A_1717 = tpu.vector_load %arg4[%get3A_1716] {strides = array<i32>} : memref<5120xf32, #tpu.memory_space<vmem>>, vector<16xf32>,
      %get3A_1718 = arith.constant 2944 : index
      %get3A_1719 = tpu.vector_load %arg4[%get3A_1718] {strides = array<i32>} : memref<5120xf32, #tpu.memory_space<vmem>>, vector<16xf32>,
      %get3A_1720 = arith.constant 4224 : index
      %get3A_1721 = tpu.vector_load %arg4[%get3A_1720] {strides = array<i32>} : memref<5120xf32, #tpu.memory_space<vmem>>, vector<16xf32>,
      %get3A_1722 = arith.constant 384 : index
      %get3A_1723 = tpu.vector_load %arg6[%get3A_1722] {strides = array<i32>} : memref<1280xf32, #tpu.memory_space<vmem>>, vector<16xf32>,
      %get3A_1724 = arith.constant 384 : index
      %get3A_1725 = tpu.vector_load %arg5[%get3A_1724] {strides = array<i32>} : memref<1280xf32, #tpu.memory_space<vmem>>, vector<16xf32>,
      %min3A_1726 = arith.minimumf %get3A_1719, %gather3A_640 : vector<16xf32>
      %max3A_1727 = arith.maximumf %get3A_1715, %gather3A_632 : vector<16xf32>
      %sub3A_1728 = arith.subf %min3A_1726, %max3A_1727 : vector<16xf32>
      %max3A_1729 = arith.constant 0.000000e+00 : f32
      %max3A_1730 = vector.broadcast %max3A_1729 : f32 to vector<16xf32>
      %max3A_1731 = arith.maximumf %sub3A_1728, %max3A_1730 : vector<16xf32>
      %min3A_1732 = arith.minimumf %get3A_1721, %gather3A_644 : vector<16xf32>
      %max3A_1733 = arith.maximumf %get3A_1717, %gather3A_636 : vector<16xf32>
      %sub3A_1734 = arith.subf %min3A_1732, %max3A_1733 : vector<16xf32>
      %max3A_1735 = arith.constant 0.000000e+00 : f32
      %max3A_1736 = vector.broadcast %max3A_1735 : f32 to vector<16xf32>
      %max3A_1737 = arith.maximumf %sub3A_1734, %max3A_1736 : vector<16xf32>
      %mul3A_1738 = arith.mulf %max3A_1731, %max3A_1737 : vector<16xf32>
      %add3A_1739 = arith.addf %mul3A_646, %get3A_1723 : vector<16xf32>
      %sub3A_1740 = arith.subf %add3A_1739, %mul3A_1738 : vector<16xf32>
      %add3A_1741 = arith.constant 9.99999997E-7 : f32
      %add3A_1742 = vector.broadcast %add3A_1741 : f32 to vector<16xf32>
      %add3A_1743 = arith.addf %sub3A_1740, %add3A_1742 : vector<16xf32>
      %div3A_1744 = arith.divf %mul3A_1738, %add3A_1743 : vector<16xf32>
      %ge3A_1745 = arith.constant 5.000000e-01 : f32
      %ge3A_1746 = vector.broadcast %ge3A_1745 : f32 to vector<16xf32>
      %ge3A_1747 = arith.cmpf oge, %div3A_1744, %ge3A_1746 : vector<16xf32>
      %jit3A_1748 = arith.constant -1.000000e+00 : f32
      %broadcast_in_dim3A_1749 = vector.broadcast %jit3A_1748 : f32 to vector<16xf32>
      %select_n3A_1750 = arith.select %ge3A_1747, %broadcast_in_dim3A_1749, %get3A_1725 : vector<16xi1>, vector<16xf32>
      %swap3A_1751 = arith.constant 384 : index
      %swap3A_1752 = tpu.vector_load %arg5[%swap3A_1751] {strides = array<i32>} : memref<1280xf32, #tpu.memory_space<vmem>>, vector<16xf32>,
      tpu.vector_store %arg5[%swap3A_1751], %select_n3A_1750 {strides = array<i32>} : memref<1280xf32, #tpu.memory_space<vmem>>, vector<16xf32>,
      %gt3A_1753 = arith.cmpf ogt, %select_n3A_1750, %select_n3A_1710 : vector<16xf32>
      %select_n3A_1754 = arith.select %gt3A_1753, %select_n3A_1750, %select_n3A_1710 : vector<16xi1>, vector<16xf32>
      %jit3A_1755 = arith.constant 24 : i32
      %broadcast_in_dim3A_1756 = vector.broadcast %jit3A_1755 : i32 to vector<16xi32>
      %select_n3A_1757 = arith.select %gt3A_1753, %broadcast_in_dim3A_1756, %select_n3A_1713 : vector<16xi1>, vector<16xi32>
      %get3A_1758 = arith.constant 400 : index
      %get3A_1759 = tpu.vector_load %arg4[%get3A_1758] {strides = array<i32>} : memref<5120xf32, #tpu.memory_space<vmem>>, vector<16xf32>,
      %get3A_1760 = arith.constant 1680 : index
      %get3A_1761 = tpu.vector_load %arg4[%get3A_1760] {strides = array<i32>} : memref<5120xf32, #tpu.memory_space<vmem>>, vector<16xf32>,
      %get3A_1762 = arith.constant 2960 : index
      %get3A_1763 = tpu.vector_load %arg4[%get3A_1762] {strides = array<i32>} : memref<5120xf32, #tpu.memory_space<vmem>>, vector<16xf32>,
      %get3A_1764 = arith.constant 4240 : index
      %get3A_1765 = tpu.vector_load %arg4[%get3A_1764] {strides = array<i32>} : memref<5120xf32, #tpu.memory_space<vmem>>, vector<16xf32>,
      %get3A_1766 = arith.constant 400 : index
      %get3A_1767 = tpu.vector_load %arg6[%get3A_1766] {strides = array<i32>} : memref<1280xf32, #tpu.memory_space<vmem>>, vector<16xf32>,
      %get3A_1768 = arith.constant 400 : index
      %get3A_1769 = tpu.vector_load %arg5[%get3A_1768] {strides = array<i32>} : memref<1280xf32, #tpu.memory_space<vmem>>, vector<16xf32>,
      %min3A_1770 = arith.minimumf %get3A_1763, %gather3A_640 : vector<16xf32>
      %max3A_1771 = arith.maximumf %get3A_1759, %gather3A_632 : vector<16xf32>
      %sub3A_1772 = arith.subf %min3A_1770, %max3A_1771 : vector<16xf32>
      %max3A_1773 = arith.constant 0.000000e+00 : f32
      %max3A_1774 = vector.broadcast %max3A_1773 : f32 to vector<16xf32>
      %max3A_1775 = arith.maximumf %sub3A_1772, %max3A_1774 : vector<16xf32>
      %min3A_1776 = arith.minimumf %get3A_1765, %gather3A_644 : vector<16xf32>
      %max3A_1777 = arith.maximumf %get3A_1761, %gather3A_636 : vector<16xf32>
      %sub3A_1778 = arith.subf %min3A_1776, %max3A_1777 : vector<16xf32>
      %max3A_1779 = arith.constant 0.000000e+00 : f32
      %max3A_1780 = vector.broadcast %max3A_1779 : f32 to vector<16xf32>
      %max3A_1781 = arith.maximumf %sub3A_1778, %max3A_1780 : vector<16xf32>
      %mul3A_1782 = arith.mulf %max3A_1775, %max3A_1781 : vector<16xf32>
      %add3A_1783 = arith.addf %mul3A_646, %get3A_1767 : vector<16xf32>
      %sub3A_1784 = arith.subf %add3A_1783, %mul3A_1782 : vector<16xf32>
      %add3A_1785 = arith.constant 9.99999997E-7 : f32
      %add3A_1786 = vector.broadcast %add3A_1785 : f32 to vector<16xf32>
      %add3A_1787 = arith.addf %sub3A_1784, %add3A_1786 : vector<16xf32>
      %div3A_1788 = arith.divf %mul3A_1782, %add3A_1787 : vector<16xf32>
      %ge3A_1789 = arith.constant 5.000000e-01 : f32
      %ge3A_1790 = vector.broadcast %ge3A_1789 : f32 to vector<16xf32>
      %ge3A_1791 = arith.cmpf oge, %div3A_1788, %ge3A_1790 : vector<16xf32>
      %jit3A_1792 = arith.constant -1.000000e+00 : f32
      %broadcast_in_dim3A_1793 = vector.broadcast %jit3A_1792 : f32 to vector<16xf32>
      %select_n3A_1794 = arith.select %ge3A_1791, %broadcast_in_dim3A_1793, %get3A_1769 : vector<16xi1>, vector<16xf32>
      %swap3A_1795 = arith.constant 400 : index
      %swap3A_1796 = tpu.vector_load %arg5[%swap3A_1795] {strides = array<i32>} : memref<1280xf32, #tpu.memory_space<vmem>>, vector<16xf32>,
      tpu.vector_store %arg5[%swap3A_1795], %select_n3A_1794 {strides = array<i32>} : memref<1280xf32, #tpu.memory_space<vmem>>, vector<16xf32>,
      %gt3A_1797 = arith.cmpf ogt, %select_n3A_1794, %select_n3A_1754 : vector<16xf32>
      %select_n3A_1798 = arith.select %gt3A_1797, %select_n3A_1794, %select_n3A_1754 : vector<16xi1>, vector<16xf32>
      %jit3A_1799 = arith.constant 25 : i32
      %broadcast_in_dim3A_1800 = vector.broadcast %jit3A_1799 : i32 to vector<16xi32>
      %select_n3A_1801 = arith.select %gt3A_1797, %broadcast_in_dim3A_1800, %select_n3A_1757 : vector<16xi1>, vector<16xi32>
      %get3A_1802 = arith.constant 416 : index
      %get3A_1803 = tpu.vector_load %arg4[%get3A_1802] {strides = array<i32>} : memref<5120xf32, #tpu.memory_space<vmem>>, vector<16xf32>,
      %get3A_1804 = arith.constant 1696 : index
      %get3A_1805 = tpu.vector_load %arg4[%get3A_1804] {strides = array<i32>} : memref<5120xf32, #tpu.memory_space<vmem>>, vector<16xf32>,
      %get3A_1806 = arith.constant 2976 : index
      %get3A_1807 = tpu.vector_load %arg4[%get3A_1806] {strides = array<i32>} : memref<5120xf32, #tpu.memory_space<vmem>>, vector<16xf32>,
      %get3A_1808 = arith.constant 4256 : index
      %get3A_1809 = tpu.vector_load %arg4[%get3A_1808] {strides = array<i32>} : memref<5120xf32, #tpu.memory_space<vmem>>, vector<16xf32>,
      %get3A_1810 = arith.constant 416 : index
      %get3A_1811 = tpu.vector_load %arg6[%get3A_1810] {strides = array<i32>} : memref<1280xf32, #tpu.memory_space<vmem>>, vector<16xf32>,
      %get3A_1812 = arith.constant 416 : index
      %get3A_1813 = tpu.vector_load %arg5[%get3A_1812] {strides = array<i32>} : memref<1280xf32, #tpu.memory_space<vmem>>, vector<16xf32>,
      %min3A_1814 = arith.minimumf %get3A_1807, %gather3A_640 : vector<16xf32>
      %max3A_1815 = arith.maximumf %get3A_1803, %gather3A_632 : vector<16xf32>
      %sub3A_1816 = arith.subf %min3A_1814, %max3A_1815 : vector<16xf32>
      %max3A_1817 = arith.constant 0.000000e+00 : f32
      %max3A_1818 = vector.broadcast %max3A_1817 : f32 to vector<16xf32>
      %max3A_1819 = arith.maximumf %sub3A_1816, %max3A_1818 : vector<16xf32>
      %min3A_1820 = arith.minimumf %get3A_1809, %gather3A_644 : vector<16xf32>
      %max3A_1821 = arith.maximumf %get3A_1805, %gather3A_636 : vector<16xf32>
      %sub3A_1822 = arith.subf %min3A_1820, %max3A_1821 : vector<16xf32>
      %max3A_1823 = arith.constant 0.000000e+00 : f32
      %max3A_1824 = vector.broadcast %max3A_1823 : f32 to vector<16xf32>
      %max3A_1825 = arith.maximumf %sub3A_1822, %max3A_1824 : vector<16xf32>
      %mul3A_1826 = arith.mulf %max3A_1819, %max3A_1825 : vector<16xf32>
      %add3A_1827 = arith.addf %mul3A_646, %get3A_1811 : vector<16xf32>
      %sub3A_1828 = arith.subf %add3A_1827, %mul3A_1826 : vector<16xf32>
      %add3A_1829 = arith.constant 9.99999997E-7 : f32
      %add3A_1830 = vector.broadcast %add3A_1829 : f32 to vector<16xf32>
      %add3A_1831 = arith.addf %sub3A_1828, %add3A_1830 : vector<16xf32>
      %div3A_1832 = arith.divf %mul3A_1826, %add3A_1831 : vector<16xf32>
      %ge3A_1833 = arith.constant 5.000000e-01 : f32
      %ge3A_1834 = vector.broadcast %ge3A_1833 : f32 to vector<16xf32>
      %ge3A_1835 = arith.cmpf oge, %div3A_1832, %ge3A_1834 : vector<16xf32>
      %jit3A_1836 = arith.constant -1.000000e+00 : f32
      %broadcast_in_dim3A_1837 = vector.broadcast %jit3A_1836 : f32 to vector<16xf32>
      %select_n3A_1838 = arith.select %ge3A_1835, %broadcast_in_dim3A_1837, %get3A_1813 : vector<16xi1>, vector<16xf32>
      %swap3A_1839 = arith.constant 416 : index
      %swap3A_1840 = tpu.vector_load %arg5[%swap3A_1839] {strides = array<i32>} : memref<1280xf32, #tpu.memory_space<vmem>>, vector<16xf32>,
      tpu.vector_store %arg5[%swap3A_1839], %select_n3A_1838 {strides = array<i32>} : memref<1280xf32, #tpu.memory_space<vmem>>, vector<16xf32>,
      %gt3A_1841 = arith.cmpf ogt, %select_n3A_1838, %select_n3A_1798 : vector<16xf32>
      %select_n3A_1842 = arith.select %gt3A_1841, %select_n3A_1838, %select_n3A_1798 : vector<16xi1>, vector<16xf32>
      %jit3A_1843 = arith.constant 26 : i32
      %broadcast_in_dim3A_1844 = vector.broadcast %jit3A_1843 : i32 to vector<16xi32>
      %select_n3A_1845 = arith.select %gt3A_1841, %broadcast_in_dim3A_1844, %select_n3A_1801 : vector<16xi1>, vector<16xi32>
      %get3A_1846 = arith.constant 432 : index
      %get3A_1847 = tpu.vector_load %arg4[%get3A_1846] {strides = array<i32>} : memref<5120xf32, #tpu.memory_space<vmem>>, vector<16xf32>,
      %get3A_1848 = arith.constant 1712 : index
      %get3A_1849 = tpu.vector_load %arg4[%get3A_1848] {strides = array<i32>} : memref<5120xf32, #tpu.memory_space<vmem>>, vector<16xf32>,
      %get3A_1850 = arith.constant 2992 : index
      %get3A_1851 = tpu.vector_load %arg4[%get3A_1850] {strides = array<i32>} : memref<5120xf32, #tpu.memory_space<vmem>>, vector<16xf32>,
      %get3A_1852 = arith.constant 4272 : index
      %get3A_1853 = tpu.vector_load %arg4[%get3A_1852] {strides = array<i32>} : memref<5120xf32, #tpu.memory_space<vmem>>, vector<16xf32>,
      %get3A_1854 = arith.constant 432 : index
      %get3A_1855 = tpu.vector_load %arg6[%get3A_1854] {strides = array<i32>} : memref<1280xf32, #tpu.memory_space<vmem>>, vector<16xf32>,
      %get3A_1856 = arith.constant 432 : index
      %get3A_1857 = tpu.vector_load %arg5[%get3A_1856] {strides = array<i32>} : memref<1280xf32, #tpu.memory_space<vmem>>, vector<16xf32>,
      %min3A_1858 = arith.minimumf %get3A_1851, %gather3A_640 : vector<16xf32>
      %max3A_1859 = arith.maximumf %get3A_1847, %gather3A_632 : vector<16xf32>
      %sub3A_1860 = arith.subf %min3A_1858, %max3A_1859 : vector<16xf32>
      %max3A_1861 = arith.constant 0.000000e+00 : f32
      %max3A_1862 = vector.broadcast %max3A_1861 : f32 to vector<16xf32>
      %max3A_1863 = arith.maximumf %sub3A_1860, %max3A_1862 : vector<16xf32>
      %min3A_1864 = arith.minimumf %get3A_1853, %gather3A_644 : vector<16xf32>
      %max3A_1865 = arith.maximumf %get3A_1849, %gather3A_636 : vector<16xf32>
      %sub3A_1866 = arith.subf %min3A_1864, %max3A_1865 : vector<16xf32>
      %max3A_1867 = arith.constant 0.000000e+00 : f32
      %max3A_1868 = vector.broadcast %max3A_1867 : f32 to vector<16xf32>
      %max3A_1869 = arith.maximumf %sub3A_1866, %max3A_1868 : vector<16xf32>
      %mul3A_1870 = arith.mulf %max3A_1863, %max3A_1869 : vector<16xf32>
      %add3A_1871 = arith.addf %mul3A_646, %get3A_1855 : vector<16xf32>
      %sub3A_1872 = arith.subf %add3A_1871, %mul3A_1870 : vector<16xf32>
      %add3A_1873 = arith.constant 9.99999997E-7 : f32
      %add3A_1874 = vector.broadcast %add3A_1873 : f32 to vector<16xf32>
      %add3A_1875 = arith.addf %sub3A_1872, %add3A_1874 : vector<16xf32>
      %div3A_1876 = arith.divf %mul3A_1870, %add3A_1875 : vector<16xf32>
      %ge3A_1877 = arith.constant 5.000000e-01 : f32
      %ge3A_1878 = vector.broadcast %ge3A_1877 : f32 to vector<16xf32>
      %ge3A_1879 = arith.cmpf oge, %div3A_1876, %ge3A_1878 : vector<16xf32>
      %jit3A_1880 = arith.constant -1.000000e+00 : f32
      %broadcast_in_dim3A_1881 = vector.broadcast %jit3A_1880 : f32 to vector<16xf32>
      %select_n3A_1882 = arith.select %ge3A_1879, %broadcast_in_dim3A_1881, %get3A_1857 : vector<16xi1>, vector<16xf32>
      %swap3A_1883 = arith.constant 432 : index
      %swap3A_1884 = tpu.vector_load %arg5[%swap3A_1883] {strides = array<i32>} : memref<1280xf32, #tpu.memory_space<vmem>>, vector<16xf32>,
      tpu.vector_store %arg5[%swap3A_1883], %select_n3A_1882 {strides = array<i32>} : memref<1280xf32, #tpu.memory_space<vmem>>, vector<16xf32>,
      %gt3A_1885 = arith.cmpf ogt, %select_n3A_1882, %select_n3A_1842 : vector<16xf32>
      %select_n3A_1886 = arith.select %gt3A_1885, %select_n3A_1882, %select_n3A_1842 : vector<16xi1>, vector<16xf32>
      %jit3A_1887 = arith.constant 27 : i32
      %broadcast_in_dim3A_1888 = vector.broadcast %jit3A_1887 : i32 to vector<16xi32>
      %select_n3A_1889 = arith.select %gt3A_1885, %broadcast_in_dim3A_1888, %select_n3A_1845 : vector<16xi1>, vector<16xi32>
      %get3A_1890 = arith.constant 448 : index
      %get3A_1891 = tpu.vector_load %arg4[%get3A_1890] {strides = array<i32>} : memref<5120xf32, #tpu.memory_space<vmem>>, vector<16xf32>,
      %get3A_1892 = arith.constant 1728 : index
      %get3A_1893 = tpu.vector_load %arg4[%get3A_1892] {strides = array<i32>} : memref<5120xf32, #tpu.memory_space<vmem>>, vector<16xf32>,
      %get3A_1894 = arith.constant 3008 : index
      %get3A_1895 = tpu.vector_load %arg4[%get3A_1894] {strides = array<i32>} : memref<5120xf32, #tpu.memory_space<vmem>>, vector<16xf32>,
      %get3A_1896 = arith.constant 4288 : index
      %get3A_1897 = tpu.vector_load %arg4[%get3A_1896] {strides = array<i32>} : memref<5120xf32, #tpu.memory_space<vmem>>, vector<16xf32>,
      %get3A_1898 = arith.constant 448 : index
      %get3A_1899 = tpu.vector_load %arg6[%get3A_1898] {strides = array<i32>} : memref<1280xf32, #tpu.memory_space<vmem>>, vector<16xf32>,
      %get3A_1900 = arith.constant 448 : index
      %get3A_1901 = tpu.vector_load %arg5[%get3A_1900] {strides = array<i32>} : memref<1280xf32, #tpu.memory_space<vmem>>, vector<16xf32>,
      %min3A_1902 = arith.minimumf %get3A_1895, %gather3A_640 : vector<16xf32>
      %max3A_1903 = arith.maximumf %get3A_1891, %gather3A_632 : vector<16xf32>
      %sub3A_1904 = arith.subf %min3A_1902, %max3A_1903 : vector<16xf32>
      %max3A_1905 = arith.constant 0.000000e+00 : f32
      %max3A_1906 = vector.broadcast %max3A_1905 : f32 to vector<16xf32>
      %max3A_1907 = arith.maximumf %sub3A_1904, %max3A_1906 : vector<16xf32>
      %min3A_1908 = arith.minimumf %get3A_1897, %gather3A_644 : vector<16xf32>
      %max3A_1909 = arith.maximumf %get3A_1893, %gather3A_636 : vector<16xf32>
      %sub3A_1910 = arith.subf %min3A_1908, %max3A_1909 : vector<16xf32>
      %max3A_1911 = arith.constant 0.000000e+00 : f32
      %max3A_1912 = vector.broadcast %max3A_1911 : f32 to vector<16xf32>
      %max3A_1913 = arith.maximumf %sub3A_1910, %max3A_1912 : vector<16xf32>
      %mul3A_1914 = arith.mulf %max3A_1907, %max3A_1913 : vector<16xf32>
      %add3A_1915 = arith.addf %mul3A_646, %get3A_1899 : vector<16xf32>
      %sub3A_1916 = arith.subf %add3A_1915, %mul3A_1914 : vector<16xf32>
      %add3A_1917 = arith.constant 9.99999997E-7 : f32
      %add3A_1918 = vector.broadcast %add3A_1917 : f32 to vector<16xf32>
      %add3A_1919 = arith.addf %sub3A_1916, %add3A_1918 : vector<16xf32>
      %div3A_1920 = arith.divf %mul3A_1914, %add3A_1919 : vector<16xf32>
      %ge3A_1921 = arith.constant 5.000000e-01 : f32
      %ge3A_1922 = vector.broadcast %ge3A_1921 : f32 to vector<16xf32>
      %ge3A_1923 = arith.cmpf oge, %div3A_1920, %ge3A_1922 : vector<16xf32>
      %jit3A_1924 = arith.constant -1.000000e+00 : f32
      %broadcast_in_dim3A_1925 = vector.broadcast %jit3A_1924 : f32 to vector<16xf32>
      %select_n3A_1926 = arith.select %ge3A_1923, %broadcast_in_dim3A_1925, %get3A_1901 : vector<16xi1>, vector<16xf32>
      %swap3A_1927 = arith.constant 448 : index
      %swap3A_1928 = tpu.vector_load %arg5[%swap3A_1927] {strides = array<i32>} : memref<1280xf32, #tpu.memory_space<vmem>>, vector<16xf32>,
      tpu.vector_store %arg5[%swap3A_1927], %select_n3A_1926 {strides = array<i32>} : memref<1280xf32, #tpu.memory_space<vmem>>, vector<16xf32>,
      %gt3A_1929 = arith.cmpf ogt, %select_n3A_1926, %select_n3A_1886 : vector<16xf32>
      %select_n3A_1930 = arith.select %gt3A_1929, %select_n3A_1926, %select_n3A_1886 : vector<16xi1>, vector<16xf32>
      %jit3A_1931 = arith.constant 28 : i32
      %broadcast_in_dim3A_1932 = vector.broadcast %jit3A_1931 : i32 to vector<16xi32>
      %select_n3A_1933 = arith.select %gt3A_1929, %broadcast_in_dim3A_1932, %select_n3A_1889 : vector<16xi1>, vector<16xi32>
      %get3A_1934 = arith.constant 464 : index
      %get3A_1935 = tpu.vector_load %arg4[%get3A_1934] {strides = array<i32>} : memref<5120xf32, #tpu.memory_space<vmem>>, vector<16xf32>,
      %get3A_1936 = arith.constant 1744 : index
      %get3A_1937 = tpu.vector_load %arg4[%get3A_1936] {strides = array<i32>} : memref<5120xf32, #tpu.memory_space<vmem>>, vector<16xf32>,
      %get3A_1938 = arith.constant 3024 : index
      %get3A_1939 = tpu.vector_load %arg4[%get3A_1938] {strides = array<i32>} : memref<5120xf32, #tpu.memory_space<vmem>>, vector<16xf32>,
      %get3A_1940 = arith.constant 4304 : index
      %get3A_1941 = tpu.vector_load %arg4[%get3A_1940] {strides = array<i32>} : memref<5120xf32, #tpu.memory_space<vmem>>, vector<16xf32>,
      %get3A_1942 = arith.constant 464 : index
      %get3A_1943 = tpu.vector_load %arg6[%get3A_1942] {strides = array<i32>} : memref<1280xf32, #tpu.memory_space<vmem>>, vector<16xf32>,
      %get3A_1944 = arith.constant 464 : index
      %get3A_1945 = tpu.vector_load %arg5[%get3A_1944] {strides = array<i32>} : memref<1280xf32, #tpu.memory_space<vmem>>, vector<16xf32>,
      %min3A_1946 = arith.minimumf %get3A_1939, %gather3A_640 : vector<16xf32>
      %max3A_1947 = arith.maximumf %get3A_1935, %gather3A_632 : vector<16xf32>
      %sub3A_1948 = arith.subf %min3A_1946, %max3A_1947 : vector<16xf32>
      %max3A_1949 = arith.constant 0.000000e+00 : f32
      %max3A_1950 = vector.broadcast %max3A_1949 : f32 to vector<16xf32>
      %max3A_1951 = arith.maximumf %sub3A_1948, %max3A_1950 : vector<16xf32>
      %min3A_1952 = arith.minimumf %get3A_1941, %gather3A_644 : vector<16xf32>
      %max3A_1953 = arith.maximumf %get3A_1937, %gather3A_636 : vector<16xf32>
      %sub3A_1954 = arith.subf %min3A_1952, %max3A_1953 : vector<16xf32>
      %max3A_1955 = arith.constant 0.000000e+00 : f32
      %max3A_1956 = vector.broadcast %max3A_1955 : f32 to vector<16xf32>
      %max3A_1957 = arith.maximumf %sub3A_1954, %max3A_1956 : vector<16xf32>
      %mul3A_1958 = arith.mulf %max3A_1951, %max3A_1957 : vector<16xf32>
      %add3A_1959 = arith.addf %mul3A_646, %get3A_1943 : vector<16xf32>
      %sub3A_1960 = arith.subf %add3A_1959, %mul3A_1958 : vector<16xf32>
      %add3A_1961 = arith.constant 9.99999997E-7 : f32
      %add3A_1962 = vector.broadcast %add3A_1961 : f32 to vector<16xf32>
      %add3A_1963 = arith.addf %sub3A_1960, %add3A_1962 : vector<16xf32>
      %div3A_1964 = arith.divf %mul3A_1958, %add3A_1963 : vector<16xf32>
      %ge3A_1965 = arith.constant 5.000000e-01 : f32
      %ge3A_1966 = vector.broadcast %ge3A_1965 : f32 to vector<16xf32>
      %ge3A_1967 = arith.cmpf oge, %div3A_1964, %ge3A_1966 : vector<16xf32>
      %jit3A_1968 = arith.constant -1.000000e+00 : f32
      %broadcast_in_dim3A_1969 = vector.broadcast %jit3A_1968 : f32 to vector<16xf32>
      %select_n3A_1970 = arith.select %ge3A_1967, %broadcast_in_dim3A_1969, %get3A_1945 : vector<16xi1>, vector<16xf32>
      %swap3A_1971 = arith.constant 464 : index
      %swap3A_1972 = tpu.vector_load %arg5[%swap3A_1971] {strides = array<i32>} : memref<1280xf32, #tpu.memory_space<vmem>>, vector<16xf32>,
      tpu.vector_store %arg5[%swap3A_1971], %select_n3A_1970 {strides = array<i32>} : memref<1280xf32, #tpu.memory_space<vmem>>, vector<16xf32>,
      %gt3A_1973 = arith.cmpf ogt, %select_n3A_1970, %select_n3A_1930 : vector<16xf32>
      %select_n3A_1974 = arith.select %gt3A_1973, %select_n3A_1970, %select_n3A_1930 : vector<16xi1>, vector<16xf32>
      %jit3A_1975 = arith.constant 29 : i32
      %broadcast_in_dim3A_1976 = vector.broadcast %jit3A_1975 : i32 to vector<16xi32>
      %select_n3A_1977 = arith.select %gt3A_1973, %broadcast_in_dim3A_1976, %select_n3A_1933 : vector<16xi1>, vector<16xi32>
      %get3A_1978 = arith.constant 480 : index
      %get3A_1979 = tpu.vector_load %arg4[%get3A_1978] {strides = array<i32>} : memref<5120xf32, #tpu.memory_space<vmem>>, vector<16xf32>,
      %get3A_1980 = arith.constant 1760 : index
      %get3A_1981 = tpu.vector_load %arg4[%get3A_1980] {strides = array<i32>} : memref<5120xf32, #tpu.memory_space<vmem>>, vector<16xf32>,
      %get3A_1982 = arith.constant 3040 : index
      %get3A_1983 = tpu.vector_load %arg4[%get3A_1982] {strides = array<i32>} : memref<5120xf32, #tpu.memory_space<vmem>>, vector<16xf32>,
      %get3A_1984 = arith.constant 4320 : index
      %get3A_1985 = tpu.vector_load %arg4[%get3A_1984] {strides = array<i32>} : memref<5120xf32, #tpu.memory_space<vmem>>, vector<16xf32>,
      %get3A_1986 = arith.constant 480 : index
      %get3A_1987 = tpu.vector_load %arg6[%get3A_1986] {strides = array<i32>} : memref<1280xf32, #tpu.memory_space<vmem>>, vector<16xf32>,
      %get3A_1988 = arith.constant 480 : index
      %get3A_1989 = tpu.vector_load %arg5[%get3A_1988] {strides = array<i32>} : memref<1280xf32, #tpu.memory_space<vmem>>, vector<16xf32>,
      %min3A_1990 = arith.minimumf %get3A_1983, %gather3A_640 : vector<16xf32>
      %max3A_1991 = arith.maximumf %get3A_1979, %gather3A_632 : vector<16xf32>
      %sub3A_1992 = arith.subf %min3A_1990, %max3A_1991 : vector<16xf32>
      %max3A_1993 = arith.constant 0.000000e+00 : f32
      %max3A_1994 = vector.broadcast %max3A_1993 : f32 to vector<16xf32>
      %max3A_1995 = arith.maximumf %sub3A_1992, %max3A_1994 : vector<16xf32>
      %min3A_1996 = arith.minimumf %get3A_1985, %gather3A_644 : vector<16xf32>
      %max3A_1997 = arith.maximumf %get3A_1981, %gather3A_636 : vector<16xf32>
      %sub3A_1998 = arith.subf %min3A_1996, %max3A_1997 : vector<16xf32>
      %max3A_1999 = arith.constant 0.000000e+00 : f32
      %max3A_2000 = vector.broadcast %max3A_1999 : f32 to vector<16xf32>
      %max3A_2001 = arith.maximumf %sub3A_1998, %max3A_2000 : vector<16xf32>
      %mul3A_2002 = arith.mulf %max3A_1995, %max3A_2001 : vector<16xf32>
      %add3A_2003 = arith.addf %mul3A_646, %get3A_1987 : vector<16xf32>
      %sub3A_2004 = arith.subf %add3A_2003, %mul3A_2002 : vector<16xf32>
      %add3A_2005 = arith.constant 9.99999997E-7 : f32
      %add3A_2006 = vector.broadcast %add3A_2005 : f32 to vector<16xf32>
      %add3A_2007 = arith.addf %sub3A_2004, %add3A_2006 : vector<16xf32>
      %div3A_2008 = arith.divf %mul3A_2002, %add3A_2007 : vector<16xf32>
      %ge3A_2009 = arith.constant 5.000000e-01 : f32
      %ge3A_2010 = vector.broadcast %ge3A_2009 : f32 to vector<16xf32>
      %ge3A_2011 = arith.cmpf oge, %div3A_2008, %ge3A_2010 : vector<16xf32>
      %jit3A_2012 = arith.constant -1.000000e+00 : f32
      %broadcast_in_dim3A_2013 = vector.broadcast %jit3A_2012 : f32 to vector<16xf32>
      %select_n3A_2014 = arith.select %ge3A_2011, %broadcast_in_dim3A_2013, %get3A_1989 : vector<16xi1>, vector<16xf32>
      %swap3A_2015 = arith.constant 480 : index
      %swap3A_2016 = tpu.vector_load %arg5[%swap3A_2015] {strides = array<i32>} : memref<1280xf32, #tpu.memory_space<vmem>>, vector<16xf32>,
      tpu.vector_store %arg5[%swap3A_2015], %select_n3A_2014 {strides = array<i32>} : memref<1280xf32, #tpu.memory_space<vmem>>, vector<16xf32>,
      %gt3A_2017 = arith.cmpf ogt, %select_n3A_2014, %select_n3A_1974 : vector<16xf32>
      %select_n3A_2018 = arith.select %gt3A_2017, %select_n3A_2014, %select_n3A_1974 : vector<16xi1>, vector<16xf32>
      %jit3A_2019 = arith.constant 30 : i32
      %broadcast_in_dim3A_2020 = vector.broadcast %jit3A_2019 : i32 to vector<16xi32>
      %select_n3A_2021 = arith.select %gt3A_2017, %broadcast_in_dim3A_2020, %select_n3A_1977 : vector<16xi1>, vector<16xi32>
      %get3A_2022 = arith.constant 496 : index
      %get3A_2023 = tpu.vector_load %arg4[%get3A_2022] {strides = array<i32>} : memref<5120xf32, #tpu.memory_space<vmem>>, vector<16xf32>,
      %get3A_2024 = arith.constant 1776 : index
      %get3A_2025 = tpu.vector_load %arg4[%get3A_2024] {strides = array<i32>} : memref<5120xf32, #tpu.memory_space<vmem>>, vector<16xf32>,
      %get3A_2026 = arith.constant 3056 : index
      %get3A_2027 = tpu.vector_load %arg4[%get3A_2026] {strides = array<i32>} : memref<5120xf32, #tpu.memory_space<vmem>>, vector<16xf32>,
      %get3A_2028 = arith.constant 4336 : index
      %get3A_2029 = tpu.vector_load %arg4[%get3A_2028] {strides = array<i32>} : memref<5120xf32, #tpu.memory_space<vmem>>, vector<16xf32>,
      %get3A_2030 = arith.constant 496 : index
      %get3A_2031 = tpu.vector_load %arg6[%get3A_2030] {strides = array<i32>} : memref<1280xf32, #tpu.memory_space<vmem>>, vector<16xf32>,
      %get3A_2032 = arith.constant 496 : index
      %get3A_2033 = tpu.vector_load %arg5[%get3A_2032] {strides = array<i32>} : memref<1280xf32, #tpu.memory_space<vmem>>, vector<16xf32>,
      %min3A_2034 = arith.minimumf %get3A_2027, %gather3A_640 : vector<16xf32>
      %max3A_2035 = arith.maximumf %get3A_2023, %gather3A_632 : vector<16xf32>
      %sub3A_2036 = arith.subf %min3A_2034, %max3A_2035 : vector<16xf32>
      %max3A_2037 = arith.constant 0.000000e+00 : f32
      %max3A_2038 = vector.broadcast %max3A_2037 : f32 to vector<16xf32>
      %max3A_2039 = arith.maximumf %sub3A_2036, %max3A_2038 : vector<16xf32>
      %min3A_2040 = arith.minimumf %get3A_2029, %gather3A_644 : vector<16xf32>
      %max3A_2041 = arith.maximumf %get3A_2025, %gather3A_636 : vector<16xf32>
      %sub3A_2042 = arith.subf %min3A_2040, %max3A_2041 : vector<16xf32>
      %max3A_2043 = arith.constant 0.000000e+00 : f32
      %max3A_2044 = vector.broadcast %max3A_2043 : f32 to vector<16xf32>
      %max3A_2045 = arith.maximumf %sub3A_2042, %max3A_2044 : vector<16xf32>
      %mul3A_2046 = arith.mulf %max3A_2039, %max3A_2045 : vector<16xf32>
      %add3A_2047 = arith.addf %mul3A_646, %get3A_2031 : vector<16xf32>
      %sub3A_2048 = arith.subf %add3A_2047, %mul3A_2046 : vector<16xf32>
      %add3A_2049 = arith.constant 9.99999997E-7 : f32
      %add3A_2050 = vector.broadcast %add3A_2049 : f32 to vector<16xf32>
      %add3A_2051 = arith.addf %sub3A_2048, %add3A_2050 : vector<16xf32>
      %div3A_2052 = arith.divf %mul3A_2046, %add3A_2051 : vector<16xf32>
      %ge3A_2053 = arith.constant 5.000000e-01 : f32
      %ge3A_2054 = vector.broadcast %ge3A_2053 : f32 to vector<16xf32>
      %ge3A_2055 = arith.cmpf oge, %div3A_2052, %ge3A_2054 : vector<16xf32>
      %jit3A_2056 = arith.constant -1.000000e+00 : f32
      %broadcast_in_dim3A_2057 = vector.broadcast %jit3A_2056 : f32 to vector<16xf32>
      %select_n3A_2058 = arith.select %ge3A_2055, %broadcast_in_dim3A_2057, %get3A_2033 : vector<16xi1>, vector<16xf32>
      %swap3A_2059 = arith.constant 496 : index
      %swap3A_2060 = tpu.vector_load %arg5[%swap3A_2059] {strides = array<i32>} : memref<1280xf32, #tpu.memory_space<vmem>>, vector<16xf32>,
      tpu.vector_store %arg5[%swap3A_2059], %select_n3A_2058 {strides = array<i32>} : memref<1280xf32, #tpu.memory_space<vmem>>, vector<16xf32>,
      %gt3A_2061 = arith.cmpf ogt, %select_n3A_2058, %select_n3A_2018 : vector<16xf32>
      %select_n3A_2062 = arith.select %gt3A_2061, %select_n3A_2058, %select_n3A_2018 : vector<16xi1>, vector<16xf32>
      %jit3A_2063 = arith.constant 31 : i32
      %broadcast_in_dim3A_2064 = vector.broadcast %jit3A_2063 : i32 to vector<16xi32>
      %select_n3A_2065 = arith.select %gt3A_2061, %broadcast_in_dim3A_2064, %select_n3A_2021 : vector<16xi1>, vector<16xi32>
      %get3A_2066 = arith.constant 512 : index
      %get3A_2067 = tpu.vector_load %arg4[%get3A_2066] {strides = array<i32>} : memref<5120xf32, #tpu.memory_space<vmem>>, vector<16xf32>,
      %get3A_2068 = arith.constant 1792 : index
      %get3A_2069 = tpu.vector_load %arg4[%get3A_2068] {strides = array<i32>} : memref<5120xf32, #tpu.memory_space<vmem>>, vector<16xf32>,
      %get3A_2070 = arith.constant 3072 : index
      %get3A_2071 = tpu.vector_load %arg4[%get3A_2070] {strides = array<i32>} : memref<5120xf32, #tpu.memory_space<vmem>>, vector<16xf32>,
      %get3A_2072 = arith.constant 4352 : index
      %get3A_2073 = tpu.vector_load %arg4[%get3A_2072] {strides = array<i32>} : memref<5120xf32, #tpu.memory_space<vmem>>, vector<16xf32>,
      %get3A_2074 = arith.constant 512 : index
      %get3A_2075 = tpu.vector_load %arg6[%get3A_2074] {strides = array<i32>} : memref<1280xf32, #tpu.memory_space<vmem>>, vector<16xf32>,
      %get3A_2076 = arith.constant 512 : index
      %get3A_2077 = tpu.vector_load %arg5[%get3A_2076] {strides = array<i32>} : memref<1280xf32, #tpu.memory_space<vmem>>, vector<16xf32>,
      %min3A_2078 = arith.minimumf %get3A_2071, %gather3A_640 : vector<16xf32>
      %max3A_2079 = arith.maximumf %get3A_2067, %gather3A_632 : vector<16xf32>
      %sub3A_2080 = arith.subf %min3A_2078, %max3A_2079 : vector<16xf32>
      %max3A_2081 = arith.constant 0.000000e+00 : f32
      %max3A_2082 = vector.broadcast %max3A_2081 : f32 to vector<16xf32>
      %max3A_2083 = arith.maximumf %sub3A_2080, %max3A_2082 : vector<16xf32>
      %min3A_2084 = arith.minimumf %get3A_2073, %gather3A_644 : vector<16xf32>
      %max3A_2085 = arith.maximumf %get3A_2069, %gather3A_636 : vector<16xf32>
      %sub3A_2086 = arith.subf %min3A_2084, %max3A_2085 : vector<16xf32>
      %max3A_2087 = arith.constant 0.000000e+00 : f32
      %max3A_2088 = vector.broadcast %max3A_2087 : f32 to vector<16xf32>
      %max3A_2089 = arith.maximumf %sub3A_2086, %max3A_2088 : vector<16xf32>
      %mul3A_2090 = arith.mulf %max3A_2083, %max3A_2089 : vector<16xf32>
      %add3A_2091 = arith.addf %mul3A_646, %get3A_2075 : vector<16xf32>
      %sub3A_2092 = arith.subf %add3A_2091, %mul3A_2090 : vector<16xf32>
      %add3A_2093 = arith.constant 9.99999997E-7 : f32
      %add3A_2094 = vector.broadcast %add3A_2093 : f32 to vector<16xf32>
      %add3A_2095 = arith.addf %sub3A_2092, %add3A_2094 : vector<16xf32>
      %div3A_2096 = arith.divf %mul3A_2090, %add3A_2095 : vector<16xf32>
      %ge3A_2097 = arith.constant 5.000000e-01 : f32
      %ge3A_2098 = vector.broadcast %ge3A_2097 : f32 to vector<16xf32>
      %ge3A_2099 = arith.cmpf oge, %div3A_2096, %ge3A_2098 : vector<16xf32>
      %jit3A_2100 = arith.constant -1.000000e+00 : f32
      %broadcast_in_dim3A_2101 = vector.broadcast %jit3A_2100 : f32 to vector<16xf32>
      %select_n3A_2102 = arith.select %ge3A_2099, %broadcast_in_dim3A_2101, %get3A_2077 : vector<16xi1>, vector<16xf32>
      %swap3A_2103 = arith.constant 512 : index
      %swap3A_2104 = tpu.vector_load %arg5[%swap3A_2103] {strides = array<i32>} : memref<1280xf32, #tpu.memory_space<vmem>>, vector<16xf32>,
      tpu.vector_store %arg5[%swap3A_2103], %select_n3A_2102 {strides = array<i32>} : memref<1280xf32, #tpu.memory_space<vmem>>, vector<16xf32>,
      %gt3A_2105 = arith.cmpf ogt, %select_n3A_2102, %select_n3A_2062 : vector<16xf32>
      %select_n3A_2106 = arith.select %gt3A_2105, %select_n3A_2102, %select_n3A_2062 : vector<16xi1>, vector<16xf32>
      %jit3A_2107 = arith.constant 32 : i32
      %broadcast_in_dim3A_2108 = vector.broadcast %jit3A_2107 : i32 to vector<16xi32>
      %select_n3A_2109 = arith.select %gt3A_2105, %broadcast_in_dim3A_2108, %select_n3A_2065 : vector<16xi1>, vector<16xi32>
      %get3A_2110 = arith.constant 528 : index
      %get3A_2111 = tpu.vector_load %arg4[%get3A_2110] {strides = array<i32>} : memref<5120xf32, #tpu.memory_space<vmem>>, vector<16xf32>,
      %get3A_2112 = arith.constant 1808 : index
      %get3A_2113 = tpu.vector_load %arg4[%get3A_2112] {strides = array<i32>} : memref<5120xf32, #tpu.memory_space<vmem>>, vector<16xf32>,
      %get3A_2114 = arith.constant 3088 : index
      %get3A_2115 = tpu.vector_load %arg4[%get3A_2114] {strides = array<i32>} : memref<5120xf32, #tpu.memory_space<vmem>>, vector<16xf32>,
      %get3A_2116 = arith.constant 4368 : index
      %get3A_2117 = tpu.vector_load %arg4[%get3A_2116] {strides = array<i32>} : memref<5120xf32, #tpu.memory_space<vmem>>, vector<16xf32>,
      %get3A_2118 = arith.constant 528 : index
      %get3A_2119 = tpu.vector_load %arg6[%get3A_2118] {strides = array<i32>} : memref<1280xf32, #tpu.memory_space<vmem>>, vector<16xf32>,
      %get3A_2120 = arith.constant 528 : index
      %get3A_2121 = tpu.vector_load %arg5[%get3A_2120] {strides = array<i32>} : memref<1280xf32, #tpu.memory_space<vmem>>, vector<16xf32>,
      %min3A_2122 = arith.minimumf %get3A_2115, %gather3A_640 : vector<16xf32>
      %max3A_2123 = arith.maximumf %get3A_2111, %gather3A_632 : vector<16xf32>
      %sub3A_2124 = arith.subf %min3A_2122, %max3A_2123 : vector<16xf32>
      %max3A_2125 = arith.constant 0.000000e+00 : f32
      %max3A_2126 = vector.broadcast %max3A_2125 : f32 to vector<16xf32>
      %max3A_2127 = arith.maximumf %sub3A_2124, %max3A_2126 : vector<16xf32>
      %min3A_2128 = arith.minimumf %get3A_2117, %gather3A_644 : vector<16xf32>
      %max3A_2129 = arith.maximumf %get3A_2113, %gather3A_636 : vector<16xf32>
      %sub3A_2130 = arith.subf %min3A_2128, %max3A_2129 : vector<16xf32>
      %max3A_2131 = arith.constant 0.000000e+00 : f32
      %max3A_2132 = vector.broadcast %max3A_2131 : f32 to vector<16xf32>
      %max3A_2133 = arith.maximumf %sub3A_2130, %max3A_2132 : vector<16xf32>
      %mul3A_2134 = arith.mulf %max3A_2127, %max3A_2133 : vector<16xf32>
      %add3A_2135 = arith.addf %mul3A_646, %get3A_2119 : vector<16xf32>
      %sub3A_2136 = arith.subf %add3A_2135, %mul3A_2134 : vector<16xf32>
      %add3A_2137 = arith.constant 9.99999997E-7 : f32
      %add3A_2138 = vector.broadcast %add3A_2137 : f32 to vector<16xf32>
      %add3A_2139 = arith.addf %sub3A_2136, %add3A_2138 : vector<16xf32>
      %div3A_2140 = arith.divf %mul3A_2134, %add3A_2139 : vector<16xf32>
      %ge3A_2141 = arith.constant 5.000000e-01 : f32
      %ge3A_2142 = vector.broadcast %ge3A_2141 : f32 to vector<16xf32>
      %ge3A_2143 = arith.cmpf oge, %div3A_2140, %ge3A_2142 : vector<16xf32>
      %jit3A_2144 = arith.constant -1.000000e+00 : f32
      %broadcast_in_dim3A_2145 = vector.broadcast %jit3A_2144 : f32 to vector<16xf32>
      %select_n3A_2146 = arith.select %ge3A_2143, %broadcast_in_dim3A_2145, %get3A_2121 : vector<16xi1>, vector<16xf32>
      %swap3A_2147 = arith.constant 528 : index
      %swap3A_2148 = tpu.vector_load %arg5[%swap3A_2147] {strides = array<i32>} : memref<1280xf32, #tpu.memory_space<vmem>>, vector<16xf32>,
      tpu.vector_store %arg5[%swap3A_2147], %select_n3A_2146 {strides = array<i32>} : memref<1280xf32, #tpu.memory_space<vmem>>, vector<16xf32>,
      %gt3A_2149 = arith.cmpf ogt, %select_n3A_2146, %select_n3A_2106 : vector<16xf32>
      %select_n3A_2150 = arith.select %gt3A_2149, %select_n3A_2146, %select_n3A_2106 : vector<16xi1>, vector<16xf32>
      %jit3A_2151 = arith.constant 33 : i32
      %broadcast_in_dim3A_2152 = vector.broadcast %jit3A_2151 : i32 to vector<16xi32>
      %select_n3A_2153 = arith.select %gt3A_2149, %broadcast_in_dim3A_2152, %select_n3A_2109 : vector<16xi1>, vector<16xi32>
      %get3A_2154 = arith.constant 544 : index
      %get3A_2155 = tpu.vector_load %arg4[%get3A_2154] {strides = array<i32>} : memref<5120xf32, #tpu.memory_space<vmem>>, vector<16xf32>,
      %get3A_2156 = arith.constant 1824 : index
      %get3A_2157 = tpu.vector_load %arg4[%get3A_2156] {strides = array<i32>} : memref<5120xf32, #tpu.memory_space<vmem>>, vector<16xf32>,
      %get3A_2158 = arith.constant 3104 : index
      %get3A_2159 = tpu.vector_load %arg4[%get3A_2158] {strides = array<i32>} : memref<5120xf32, #tpu.memory_space<vmem>>, vector<16xf32>,
      %get3A_2160 = arith.constant 4384 : index
      %get3A_2161 = tpu.vector_load %arg4[%get3A_2160] {strides = array<i32>} : memref<5120xf32, #tpu.memory_space<vmem>>, vector<16xf32>,
      %get3A_2162 = arith.constant 544 : index
      %get3A_2163 = tpu.vector_load %arg6[%get3A_2162] {strides = array<i32>} : memref<1280xf32, #tpu.memory_space<vmem>>, vector<16xf32>,
      %get3A_2164 = arith.constant 544 : index
      %get3A_2165 = tpu.vector_load %arg5[%get3A_2164] {strides = array<i32>} : memref<1280xf32, #tpu.memory_space<vmem>>, vector<16xf32>,
      %min3A_2166 = arith.minimumf %get3A_2159, %gather3A_640 : vector<16xf32>
      %max3A_2167 = arith.maximumf %get3A_2155, %gather3A_632 : vector<16xf32>
      %sub3A_2168 = arith.subf %min3A_2166, %max3A_2167 : vector<16xf32>
      %max3A_2169 = arith.constant 0.000000e+00 : f32
      %max3A_2170 = vector.broadcast %max3A_2169 : f32 to vector<16xf32>
      %max3A_2171 = arith.maximumf %sub3A_2168, %max3A_2170 : vector<16xf32>
      %min3A_2172 = arith.minimumf %get3A_2161, %gather3A_644 : vector<16xf32>
      %max3A_2173 = arith.maximumf %get3A_2157, %gather3A_636 : vector<16xf32>
      %sub3A_2174 = arith.subf %min3A_2172, %max3A_2173 : vector<16xf32>
      %max3A_2175 = arith.constant 0.000000e+00 : f32
      %max3A_2176 = vector.broadcast %max3A_2175 : f32 to vector<16xf32>
      %max3A_2177 = arith.maximumf %sub3A_2174, %max3A_2176 : vector<16xf32>
      %mul3A_2178 = arith.mulf %max3A_2171, %max3A_2177 : vector<16xf32>
      %add3A_2179 = arith.addf %mul3A_646, %get3A_2163 : vector<16xf32>
      %sub3A_2180 = arith.subf %add3A_2179, %mul3A_2178 : vector<16xf32>
      %add3A_2181 = arith.constant 9.99999997E-7 : f32
      %add3A_2182 = vector.broadcast %add3A_2181 : f32 to vector<16xf32>
      %add3A_2183 = arith.addf %sub3A_2180, %add3A_2182 : vector<16xf32>
      %div3A_2184 = arith.divf %mul3A_2178, %add3A_2183 : vector<16xf32>
      %ge3A_2185 = arith.constant 5.000000e-01 : f32
      %ge3A_2186 = vector.broadcast %ge3A_2185 : f32 to vector<16xf32>
      %ge3A_2187 = arith.cmpf oge, %div3A_2184, %ge3A_2186 : vector<16xf32>
      %jit3A_2188 = arith.constant -1.000000e+00 : f32
      %broadcast_in_dim3A_2189 = vector.broadcast %jit3A_2188 : f32 to vector<16xf32>
      %select_n3A_2190 = arith.select %ge3A_2187, %broadcast_in_dim3A_2189, %get3A_2165 : vector<16xi1>, vector<16xf32>
      %swap3A_2191 = arith.constant 544 : index
      %swap3A_2192 = tpu.vector_load %arg5[%swap3A_2191] {strides = array<i32>} : memref<1280xf32, #tpu.memory_space<vmem>>, vector<16xf32>,
      tpu.vector_store %arg5[%swap3A_2191], %select_n3A_2190 {strides = array<i32>} : memref<1280xf32, #tpu.memory_space<vmem>>, vector<16xf32>,
      %gt3A_2193 = arith.cmpf ogt, %select_n3A_2190, %select_n3A_2150 : vector<16xf32>
      %select_n3A_2194 = arith.select %gt3A_2193, %select_n3A_2190, %select_n3A_2150 : vector<16xi1>, vector<16xf32>
      %jit3A_2195 = arith.constant 34 : i32
      %broadcast_in_dim3A_2196 = vector.broadcast %jit3A_2195 : i32 to vector<16xi32>
      %select_n3A_2197 = arith.select %gt3A_2193, %broadcast_in_dim3A_2196, %select_n3A_2153 : vector<16xi1>, vector<16xi32>
      %get3A_2198 = arith.constant 560 : index
      %get3A_2199 = tpu.vector_load %arg4[%get3A_2198] {strides = array<i32>} : memref<5120xf32, #tpu.memory_space<vmem>>, vector<16xf32>,
      %get3A_2200 = arith.constant 1840 : index
      %get3A_2201 = tpu.vector_load %arg4[%get3A_2200] {strides = array<i32>} : memref<5120xf32, #tpu.memory_space<vmem>>, vector<16xf32>,
      %get3A_2202 = arith.constant 3120 : index
      %get3A_2203 = tpu.vector_load %arg4[%get3A_2202] {strides = array<i32>} : memref<5120xf32, #tpu.memory_space<vmem>>, vector<16xf32>,
      %get3A_2204 = arith.constant 4400 : index
      %get3A_2205 = tpu.vector_load %arg4[%get3A_2204] {strides = array<i32>} : memref<5120xf32, #tpu.memory_space<vmem>>, vector<16xf32>,
      %get3A_2206 = arith.constant 560 : index
      %get3A_2207 = tpu.vector_load %arg6[%get3A_2206] {strides = array<i32>} : memref<1280xf32, #tpu.memory_space<vmem>>, vector<16xf32>,
      %get3A_2208 = arith.constant 560 : index
      %get3A_2209 = tpu.vector_load %arg5[%get3A_2208] {strides = array<i32>} : memref<1280xf32, #tpu.memory_space<vmem>>, vector<16xf32>,
      %min3A_2210 = arith.minimumf %get3A_2203, %gather3A_640 : vector<16xf32>
      %max3A_2211 = arith.maximumf %get3A_2199, %gather3A_632 : vector<16xf32>
      %sub3A_2212 = arith.subf %min3A_2210, %max3A_2211 : vector<16xf32>
      %max3A_2213 = arith.constant 0.000000e+00 : f32
      %max3A_2214 = vector.broadcast %max3A_2213 : f32 to vector<16xf32>
      %max3A_2215 = arith.maximumf %sub3A_2212, %max3A_2214 : vector<16xf32>
      %min3A_2216 = arith.minimumf %get3A_2205, %gather3A_644 : vector<16xf32>
      %max3A_2217 = arith.maximumf %get3A_2201, %gather3A_636 : vector<16xf32>
      %sub3A_2218 = arith.subf %min3A_2216, %max3A_2217 : vector<16xf32>
      %max3A_2219 = arith.constant 0.000000e+00 : f32
      %max3A_2220 = vector.broadcast %max3A_2219 : f32 to vector<16xf32>
      %max3A_2221 = arith.maximumf %sub3A_2218, %max3A_2220 : vector<16xf32>
      %mul3A_2222 = arith.mulf %max3A_2215, %max3A_2221 : vector<16xf32>
      %add3A_2223 = arith.addf %mul3A_646, %get3A_2207 : vector<16xf32>
      %sub3A_2224 = arith.subf %add3A_2223, %mul3A_2222 : vector<16xf32>
      %add3A_2225 = arith.constant 9.99999997E-7 : f32
      %add3A_2226 = vector.broadcast %add3A_2225 : f32 to vector<16xf32>
      %add3A_2227 = arith.addf %sub3A_2224, %add3A_2226 : vector<16xf32>
      %div3A_2228 = arith.divf %mul3A_2222, %add3A_2227 : vector<16xf32>
      %ge3A_2229 = arith.constant 5.000000e-01 : f32
      %ge3A_2230 = vector.broadcast %ge3A_2229 : f32 to vector<16xf32>
      %ge3A_2231 = arith.cmpf oge, %div3A_2228, %ge3A_2230 : vector<16xf32>
      %jit3A_2232 = arith.constant -1.000000e+00 : f32
      %broadcast_in_dim3A_2233 = vector.broadcast %jit3A_2232 : f32 to vector<16xf32>
      %select_n3A_2234 = arith.select %ge3A_2231, %broadcast_in_dim3A_2233, %get3A_2209 : vector<16xi1>, vector<16xf32>
      %swap3A_2235 = arith.constant 560 : index
      %swap3A_2236 = tpu.vector_load %arg5[%swap3A_2235] {strides = array<i32>} : memref<1280xf32, #tpu.memory_space<vmem>>, vector<16xf32>,
      tpu.vector_store %arg5[%swap3A_2235], %select_n3A_2234 {strides = array<i32>} : memref<1280xf32, #tpu.memory_space<vmem>>, vector<16xf32>,
      %gt3A_2237 = arith.cmpf ogt, %select_n3A_2234, %select_n3A_2194 : vector<16xf32>
      %select_n3A_2238 = arith.select %gt3A_2237, %select_n3A_2234, %select_n3A_2194 : vector<16xi1>, vector<16xf32>
      %jit3A_2239 = arith.constant 35 : i32
      %broadcast_in_dim3A_2240 = vector.broadcast %jit3A_2239 : i32 to vector<16xi32>
      %select_n3A_2241 = arith.select %gt3A_2237, %broadcast_in_dim3A_2240, %select_n3A_2197 : vector<16xi1>, vector<16xi32>
      %get3A_2242 = arith.constant 576 : index
      %get3A_2243 = tpu.vector_load %arg4[%get3A_2242] {strides = array<i32>} : memref<5120xf32, #tpu.memory_space<vmem>>, vector<16xf32>,
      %get3A_2244 = arith.constant 1856 : index
      %get3A_2245 = tpu.vector_load %arg4[%get3A_2244] {strides = array<i32>} : memref<5120xf32, #tpu.memory_space<vmem>>, vector<16xf32>,
      %get3A_2246 = arith.constant 3136 : index
      %get3A_2247 = tpu.vector_load %arg4[%get3A_2246] {strides = array<i32>} : memref<5120xf32, #tpu.memory_space<vmem>>, vector<16xf32>,
      %get3A_2248 = arith.constant 4416 : index
      %get3A_2249 = tpu.vector_load %arg4[%get3A_2248] {strides = array<i32>} : memref<5120xf32, #tpu.memory_space<vmem>>, vector<16xf32>,
      %get3A_2250 = arith.constant 576 : index
      %get3A_2251 = tpu.vector_load %arg6[%get3A_2250] {strides = array<i32>} : memref<1280xf32, #tpu.memory_space<vmem>>, vector<16xf32>,
      %get3A_2252 = arith.constant 576 : index
      %get3A_2253 = tpu.vector_load %arg5[%get3A_2252] {strides = array<i32>} : memref<1280xf32, #tpu.memory_space<vmem>>, vector<16xf32>,
      %min3A_2254 = arith.minimumf %get3A_2247, %gather3A_640 : vector<16xf32>
      %max3A_2255 = arith.maximumf %get3A_2243, %gather3A_632 : vector<16xf32>
      %sub3A_2256 = arith.subf %min3A_2254, %max3A_2255 : vector<16xf32>
      %max3A_2257 = arith.constant 0.000000e+00 : f32
      %max3A_2258 = vector.broadcast %max3A_2257 : f32 to vector<16xf32>
      %max3A_2259 = arith.maximumf %sub3A_2256, %max3A_2258 : vector<16xf32>
      %min3A_2260 = arith.minimumf %get3A_2249, %gather3A_644 : vector<16xf32>
      %max3A_2261 = arith.maximumf %get3A_2245, %gather3A_636 : vector<16xf32>
      %sub3A_2262 = arith.subf %min3A_2260, %max3A_2261 : vector<16xf32>
      %max3A_2263 = arith.constant 0.000000e+00 : f32
      %max3A_2264 = vector.broadcast %max3A_2263 : f32 to vector<16xf32>
      %max3A_2265 = arith.maximumf %sub3A_2262, %max3A_2264 : vector<16xf32>
      %mul3A_2266 = arith.mulf %max3A_2259, %max3A_2265 : vector<16xf32>
      %add3A_2267 = arith.addf %mul3A_646, %get3A_2251 : vector<16xf32>
      %sub3A_2268 = arith.subf %add3A_2267, %mul3A_2266 : vector<16xf32>
      %add3A_2269 = arith.constant 9.99999997E-7 : f32
      %add3A_2270 = vector.broadcast %add3A_2269 : f32 to vector<16xf32>
      %add3A_2271 = arith.addf %sub3A_2268, %add3A_2270 : vector<16xf32>
      %div3A_2272 = arith.divf %mul3A_2266, %add3A_2271 : vector<16xf32>
      %ge3A_2273 = arith.constant 5.000000e-01 : f32
      %ge3A_2274 = vector.broadcast %ge3A_2273 : f32 to vector<16xf32>
      %ge3A_2275 = arith.cmpf oge, %div3A_2272, %ge3A_2274 : vector<16xf32>
      %jit3A_2276 = arith.constant -1.000000e+00 : f32
      %broadcast_in_dim3A_2277 = vector.broadcast %jit3A_2276 : f32 to vector<16xf32>
      %select_n3A_2278 = arith.select %ge3A_2275, %broadcast_in_dim3A_2277, %get3A_2253 : vector<16xi1>, vector<16xf32>
      %swap3A_2279 = arith.constant 576 : index
      %swap3A_2280 = tpu.vector_load %arg5[%swap3A_2279] {strides = array<i32>} : memref<1280xf32, #tpu.memory_space<vmem>>, vector<16xf32>,
      tpu.vector_store %arg5[%swap3A_2279], %select_n3A_2278 {strides = array<i32>} : memref<1280xf32, #tpu.memory_space<vmem>>, vector<16xf32>,
      %gt3A_2281 = arith.cmpf ogt, %select_n3A_2278, %select_n3A_2238 : vector<16xf32>
      %select_n3A_2282 = arith.select %gt3A_2281, %select_n3A_2278, %select_n3A_2238 : vector<16xi1>, vector<16xf32>
      %jit3A_2283 = arith.constant 36 : i32
      %broadcast_in_dim3A_2284 = vector.broadcast %jit3A_2283 : i32 to vector<16xi32>
      %select_n3A_2285 = arith.select %gt3A_2281, %broadcast_in_dim3A_2284, %select_n3A_2241 : vector<16xi1>, vector<16xi32>
      %get3A_2286 = arith.constant 592 : index
      %get3A_2287 = tpu.vector_load %arg4[%get3A_2286] {strides = array<i32>} : memref<5120xf32, #tpu.memory_space<vmem>>, vector<16xf32>,
      %get3A_2288 = arith.constant 1872 : index
      %get3A_2289 = tpu.vector_load %arg4[%get3A_2288] {strides = array<i32>} : memref<5120xf32, #tpu.memory_space<vmem>>, vector<16xf32>,
      %get3A_2290 = arith.constant 3152 : index
      %get3A_2291 = tpu.vector_load %arg4[%get3A_2290] {strides = array<i32>} : memref<5120xf32, #tpu.memory_space<vmem>>, vector<16xf32>,
      %get3A_2292 = arith.constant 4432 : index
      %get3A_2293 = tpu.vector_load %arg4[%get3A_2292] {strides = array<i32>} : memref<5120xf32, #tpu.memory_space<vmem>>, vector<16xf32>,
      %get3A_2294 = arith.constant 592 : index
      %get3A_2295 = tpu.vector_load %arg6[%get3A_2294] {strides = array<i32>} : memref<1280xf32, #tpu.memory_space<vmem>>, vector<16xf32>,
      %get3A_2296 = arith.constant 592 : index
      %get3A_2297 = tpu.vector_load %arg5[%get3A_2296] {strides = array<i32>} : memref<1280xf32, #tpu.memory_space<vmem>>, vector<16xf32>,
      %min3A_2298 = arith.minimumf %get3A_2291, %gather3A_640 : vector<16xf32>
      %max3A_2299 = arith.maximumf %get3A_2287, %gather3A_632 : vector<16xf32>
      %sub3A_2300 = arith.subf %min3A_2298, %max3A_2299 : vector<16xf32>
      %max3A_2301 = arith.constant 0.000000e+00 : f32
      %max3A_2302 = vector.broadcast %max3A_2301 : f32 to vector<16xf32>
      %max3A_2303 = arith.maximumf %sub3A_2300, %max3A_2302 : vector<16xf32>
      %min3A_2304 = arith.minimumf %get3A_2293, %gather3A_644 : vector<16xf32>
      %max3A_2305 = arith.maximumf %get3A_2289, %gather3A_636 : vector<16xf32>
      %sub3A_2306 = arith.subf %min3A_2304, %max3A_2305 : vector<16xf32>
      %max3A_2307 = arith.constant 0.000000e+00 : f32
      %max3A_2308 = vector.broadcast %max3A_2307 : f32 to vector<16xf32>
      %max3A_2309 = arith.maximumf %sub3A_2306, %max3A_2308 : vector<16xf32>
      %mul3A_2310 = arith.mulf %max3A_2303, %max3A_2309 : vector<16xf32>
      %add3A_2311 = arith.addf %mul3A_646, %get3A_2295 : vector<16xf32>
      %sub3A_2312 = arith.subf %add3A_2311, %mul3A_2310 : vector<16xf32>
      %add3A_2313 = arith.constant 9.99999997E-7 : f32
      %add3A_2314 = vector.broadcast %add3A_2313 : f32 to vector<16xf32>
      %add3A_2315 = arith.addf %sub3A_2312, %add3A_2314 : vector<16xf32>
      %div3A_2316 = arith.divf %mul3A_2310, %add3A_2315 : vector<16xf32>
      %ge3A_2317 = arith.constant 5.000000e-01 : f32
      %ge3A_2318 = vector.broadcast %ge3A_2317 : f32 to vector<16xf32>
      %ge3A_2319 = arith.cmpf oge, %div3A_2316, %ge3A_2318 : vector<16xf32>
      %jit3A_2320 = arith.constant -1.000000e+00 : f32
      %broadcast_in_dim3A_2321 = vector.broadcast %jit3A_2320 : f32 to vector<16xf32>
      %select_n3A_2322 = arith.select %ge3A_2319, %broadcast_in_dim3A_2321, %get3A_2297 : vector<16xi1>, vector<16xf32>
      %swap3A_2323 = arith.constant 592 : index
      %swap3A_2324 = tpu.vector_load %arg5[%swap3A_2323] {strides = array<i32>} : memref<1280xf32, #tpu.memory_space<vmem>>, vector<16xf32>,
      tpu.vector_store %arg5[%swap3A_2323], %select_n3A_2322 {strides = array<i32>} : memref<1280xf32, #tpu.memory_space<vmem>>, vector<16xf32>,
      %gt3A_2325 = arith.cmpf ogt, %select_n3A_2322, %select_n3A_2282 : vector<16xf32>
      %select_n3A_2326 = arith.select %gt3A_2325, %select_n3A_2322, %select_n3A_2282 : vector<16xi1>, vector<16xf32>
      %jit3A_2327 = arith.constant 37 : i32
      %broadcast_in_dim3A_2328 = vector.broadcast %jit3A_2327 : i32 to vector<16xi32>
      %select_n3A_2329 = arith.select %gt3A_2325, %broadcast_in_dim3A_2328, %select_n3A_2285 : vector<16xi1>, vector<16xi32>
      %get3A_2330 = arith.constant 608 : index
      %get3A_2331 = tpu.vector_load %arg4[%get3A_2330] {strides = array<i32>} : memref<5120xf32, #tpu.memory_space<vmem>>, vector<16xf32>,
      %get3A_2332 = arith.constant 1888 : index
      %get3A_2333 = tpu.vector_load %arg4[%get3A_2332] {strides = array<i32>} : memref<5120xf32, #tpu.memory_space<vmem>>, vector<16xf32>,
      %get3A_2334 = arith.constant 3168 : index
      %get3A_2335 = tpu.vector_load %arg4[%get3A_2334] {strides = array<i32>} : memref<5120xf32, #tpu.memory_space<vmem>>, vector<16xf32>,
      %get3A_2336 = arith.constant 4448 : index
      %get3A_2337 = tpu.vector_load %arg4[%get3A_2336] {strides = array<i32>} : memref<5120xf32, #tpu.memory_space<vmem>>, vector<16xf32>,
      %get3A_2338 = arith.constant 608 : index
      %get3A_2339 = tpu.vector_load %arg6[%get3A_2338] {strides = array<i32>} : memref<1280xf32, #tpu.memory_space<vmem>>, vector<16xf32>,
      %get3A_2340 = arith.constant 608 : index
      %get3A_2341 = tpu.vector_load %arg5[%get3A_2340] {strides = array<i32>} : memref<1280xf32, #tpu.memory_space<vmem>>, vector<16xf32>,
      %min3A_2342 = arith.minimumf %get3A_2335, %gather3A_640 : vector<16xf32>
      %max3A_2343 = arith.maximumf %get3A_2331, %gather3A_632 : vector<16xf32>
      %sub3A_2344 = arith.subf %min3A_2342, %max3A_2343 : vector<16xf32>
      %max3A_2345 = arith.constant 0.000000e+00 : f32
      %max3A_2346 = vector.broadcast %max3A_2345 : f32 to vector<16xf32>
      %max3A_2347 = arith.maximumf %sub3A_2344, %max3A_2346 : vector<16xf32>
      %min3A_2348 = arith.minimumf %get3A_2337, %gather3A_644 : vector<16xf32>
      %max3A_2349 = arith.maximumf %get3A_2333, %gather3A_636 : vector<16xf32>
      %sub3A_2350 = arith.subf %min3A_2348, %max3A_2349 : vector<16xf32>
      %max3A_2351 = arith.constant 0.000000e+00 : f32
      %max3A_2352 = vector.broadcast %max3A_2351 : f32 to vector<16xf32>
      %max3A_2353 = arith.maximumf %sub3A_2350, %max3A_2352 : vector<16xf32>
      %mul3A_2354 = arith.mulf %max3A_2347, %max3A_2353 : vector<16xf32>
      %add3A_2355 = arith.addf %mul3A_646, %get3A_2339 : vector<16xf32>
      %sub3A_2356 = arith.subf %add3A_2355, %mul3A_2354 : vector<16xf32>
      %add3A_2357 = arith.constant 9.99999997E-7 : f32
      %add3A_2358 = vector.broadcast %add3A_2357 : f32 to vector<16xf32>
      %add3A_2359 = arith.addf %sub3A_2356, %add3A_2358 : vector<16xf32>
      %div3A_2360 = arith.divf %mul3A_2354, %add3A_2359 : vector<16xf32>
      %ge3A_2361 = arith.constant 5.000000e-01 : f32
      %ge3A_2362 = vector.broadcast %ge3A_2361 : f32 to vector<16xf32>
      %ge3A_2363 = arith.cmpf oge, %div3A_2360, %ge3A_2362 : vector<16xf32>
      %jit3A_2364 = arith.constant -1.000000e+00 : f32
      %broadcast_in_dim3A_2365 = vector.broadcast %jit3A_2364 : f32 to vector<16xf32>
      %select_n3A_2366 = arith.select %ge3A_2363, %broadcast_in_dim3A_2365, %get3A_2341 : vector<16xi1>, vector<16xf32>
      %swap3A_2367 = arith.constant 608 : index
      %swap3A_2368 = tpu.vector_load %arg5[%swap3A_2367] {strides = array<i32>} : memref<1280xf32, #tpu.memory_space<vmem>>, vector<16xf32>,
      tpu.vector_store %arg5[%swap3A_2367], %select_n3A_2366 {strides = array<i32>} : memref<1280xf32, #tpu.memory_space<vmem>>, vector<16xf32>,
      %gt3A_2369 = arith.cmpf ogt, %select_n3A_2366, %select_n3A_2326 : vector<16xf32>
      %select_n3A_2370 = arith.select %gt3A_2369, %select_n3A_2366, %select_n3A_2326 : vector<16xi1>, vector<16xf32>
      %jit3A_2371 = arith.constant 38 : i32
      %broadcast_in_dim3A_2372 = vector.broadcast %jit3A_2371 : i32 to vector<16xi32>
      %select_n3A_2373 = arith.select %gt3A_2369, %broadcast_in_dim3A_2372, %select_n3A_2329 : vector<16xi1>, vector<16xi32>
      %get3A_2374 = arith.constant 624 : index
      %get3A_2375 = tpu.vector_load %arg4[%get3A_2374] {strides = array<i32>} : memref<5120xf32, #tpu.memory_space<vmem>>, vector<16xf32>,
      %get3A_2376 = arith.constant 1904 : index
      %get3A_2377 = tpu.vector_load %arg4[%get3A_2376] {strides = array<i32>} : memref<5120xf32, #tpu.memory_space<vmem>>, vector<16xf32>,
      %get3A_2378 = arith.constant 3184 : index
      %get3A_2379 = tpu.vector_load %arg4[%get3A_2378] {strides = array<i32>} : memref<5120xf32, #tpu.memory_space<vmem>>, vector<16xf32>,
      %get3A_2380 = arith.constant 4464 : index
      %get3A_2381 = tpu.vector_load %arg4[%get3A_2380] {strides = array<i32>} : memref<5120xf32, #tpu.memory_space<vmem>>, vector<16xf32>,
      %get3A_2382 = arith.constant 624 : index
      %get3A_2383 = tpu.vector_load %arg6[%get3A_2382] {strides = array<i32>} : memref<1280xf32, #tpu.memory_space<vmem>>, vector<16xf32>,
      %get3A_2384 = arith.constant 624 : index
      %get3A_2385 = tpu.vector_load %arg5[%get3A_2384] {strides = array<i32>} : memref<1280xf32, #tpu.memory_space<vmem>>, vector<16xf32>,
      %min3A_2386 = arith.minimumf %get3A_2379, %gather3A_640 : vector<16xf32>
      %max3A_2387 = arith.maximumf %get3A_2375, %gather3A_632 : vector<16xf32>
      %sub3A_2388 = arith.subf %min3A_2386, %max3A_2387 : vector<16xf32>
      %max3A_2389 = arith.constant 0.000000e+00 : f32
      %max3A_2390 = vector.broadcast %max3A_2389 : f32 to vector<16xf32>
      %max3A_2391 = arith.maximumf %sub3A_2388, %max3A_2390 : vector<16xf32>
      %min3A_2392 = arith.minimumf %get3A_2381, %gather3A_644 : vector<16xf32>
      %max3A_2393 = arith.maximumf %get3A_2377, %gather3A_636 : vector<16xf32>
      %sub3A_2394 = arith.subf %min3A_2392, %max3A_2393 : vector<16xf32>
      %max3A_2395 = arith.constant 0.000000e+00 : f32
      %max3A_2396 = vector.broadcast %max3A_2395 : f32 to vector<16xf32>
      %max3A_2397 = arith.maximumf %sub3A_2394, %max3A_2396 : vector<16xf32>
      %mul3A_2398 = arith.mulf %max3A_2391, %max3A_2397 : vector<16xf32>
      %add3A_2399 = arith.addf %mul3A_646, %get3A_2383 : vector<16xf32>
      %sub3A_2400 = arith.subf %add3A_2399, %mul3A_2398 : vector<16xf32>
      %add3A_2401 = arith.constant 9.99999997E-7 : f32
      %add3A_2402 = vector.broadcast %add3A_2401 : f32 to vector<16xf32>
      %add3A_2403 = arith.addf %sub3A_2400, %add3A_2402 : vector<16xf32>
      %div3A_2404 = arith.divf %mul3A_2398, %add3A_2403 : vector<16xf32>
      %ge3A_2405 = arith.constant 5.000000e-01 : f32
      %ge3A_2406 = vector.broadcast %ge3A_2405 : f32 to vector<16xf32>
      %ge3A_2407 = arith.cmpf oge, %div3A_2404, %ge3A_2406 : vector<16xf32>
      %jit3A_2408 = arith.constant -1.000000e+00 : f32
      %broadcast_in_dim3A_2409 = vector.broadcast %jit3A_2408 : f32 to vector<16xf32>
      %select_n3A_2410 = arith.select %ge3A_2407, %broadcast_in_dim3A_2409, %get3A_2385 : vector<16xi1>, vector<16xf32>
      %swap3A_2411 = arith.constant 624 : index
      %swap3A_2412 = tpu.vector_load %arg5[%swap3A_2411] {strides = array<i32>} : memref<1280xf32, #tpu.memory_space<vmem>>, vector<16xf32>,
      tpu.vector_store %arg5[%swap3A_2411], %select_n3A_2410 {strides = array<i32>} : memref<1280xf32, #tpu.memory_space<vmem>>, vector<16xf32>,
      %gt3A_2413 = arith.cmpf ogt, %select_n3A_2410, %select_n3A_2370 : vector<16xf32>
      %select_n3A_2414 = arith.select %gt3A_2413, %select_n3A_2410, %select_n3A_2370 : vector<16xi1>, vector<16xf32>
      %jit3A_2415 = arith.constant 39 : i32
      %broadcast_in_dim3A_2416 = vector.broadcast %jit3A_2415 : i32 to vector<16xi32>
      %select_n3A_2417 = arith.select %gt3A_2413, %broadcast_in_dim3A_2416, %select_n3A_2373 : vector<16xi1>, vector<16xi32>
      %get3A_2418 = arith.constant 640 : index
      %get3A_2419 = tpu.vector_load %arg4[%get3A_2418] {strides = array<i32>} : memref<5120xf32, #tpu.memory_space<vmem>>, vector<16xf32>,
      %get3A_2420 = arith.constant 1920 : index
      %get3A_2421 = tpu.vector_load %arg4[%get3A_2420] {strides = array<i32>} : memref<5120xf32, #tpu.memory_space<vmem>>, vector<16xf32>,
      %get3A_2422 = arith.constant 3200 : index
      %get3A_2423 = tpu.vector_load %arg4[%get3A_2422] {strides = array<i32>} : memref<5120xf32, #tpu.memory_space<vmem>>, vector<16xf32>,
      %get3A_2424 = arith.constant 4480 : index
      %get3A_2425 = tpu.vector_load %arg4[%get3A_2424] {strides = array<i32>} : memref<5120xf32, #tpu.memory_space<vmem>>, vector<16xf32>,
      %get3A_2426 = arith.constant 640 : index
      %get3A_2427 = tpu.vector_load %arg6[%get3A_2426] {strides = array<i32>} : memref<1280xf32, #tpu.memory_space<vmem>>, vector<16xf32>,
      %get3A_2428 = arith.constant 640 : index
      %get3A_2429 = tpu.vector_load %arg5[%get3A_2428] {strides = array<i32>} : memref<1280xf32, #tpu.memory_space<vmem>>, vector<16xf32>,
      %min3A_2430 = arith.minimumf %get3A_2423, %gather3A_640 : vector<16xf32>
      %max3A_2431 = arith.maximumf %get3A_2419, %gather3A_632 : vector<16xf32>
      %sub3A_2432 = arith.subf %min3A_2430, %max3A_2431 : vector<16xf32>
      %max3A_2433 = arith.constant 0.000000e+00 : f32
      %max3A_2434 = vector.broadcast %max3A_2433 : f32 to vector<16xf32>
      %max3A_2435 = arith.maximumf %sub3A_2432, %max3A_2434 : vector<16xf32>
      %min3A_2436 = arith.minimumf %get3A_2425, %gather3A_644 : vector<16xf32>
      %max3A_2437 = arith.maximumf %get3A_2421, %gather3A_636 : vector<16xf32>
      %sub3A_2438 = arith.subf %min3A_2436, %max3A_2437 : vector<16xf32>
      %max3A_2439 = arith.constant 0.000000e+00 : f32
      %max3A_2440 = vector.broadcast %max3A_2439 : f32 to vector<16xf32>
      %max3A_2441 = arith.maximumf %sub3A_2438, %max3A_2440 : vector<16xf32>
      %mul3A_2442 = arith.mulf %max3A_2435, %max3A_2441 : vector<16xf32>
      %add3A_2443 = arith.addf %mul3A_646, %get3A_2427 : vector<16xf32>
      %sub3A_2444 = arith.subf %add3A_2443, %mul3A_2442 : vector<16xf32>
      %add3A_2445 = arith.constant 9.99999997E-7 : f32
      %add3A_2446 = vector.broadcast %add3A_2445 : f32 to vector<16xf32>
      %add3A_2447 = arith.addf %sub3A_2444, %add3A_2446 : vector<16xf32>
      %div3A_2448 = arith.divf %mul3A_2442, %add3A_2447 : vector<16xf32>
      %ge3A_2449 = arith.constant 5.000000e-01 : f32
      %ge3A_2450 = vector.broadcast %ge3A_2449 : f32 to vector<16xf32>
      %ge3A_2451 = arith.cmpf oge, %div3A_2448, %ge3A_2450 : vector<16xf32>
      %jit3A_2452 = arith.constant -1.000000e+00 : f32
      %broadcast_in_dim3A_2453 = vector.broadcast %jit3A_2452 : f32 to vector<16xf32>
      %select_n3A_2454 = arith.select %ge3A_2451, %broadcast_in_dim3A_2453, %get3A_2429 : vector<16xi1>, vector<16xf32>
      %swap3A_2455 = arith.constant 640 : index
      %swap3A_2456 = tpu.vector_load %arg5[%swap3A_2455] {strides = array<i32>} : memref<1280xf32, #tpu.memory_space<vmem>>, vector<16xf32>,
      tpu.vector_store %arg5[%swap3A_2455], %select_n3A_2454 {strides = array<i32>} : memref<1280xf32, #tpu.memory_space<vmem>>, vector<16xf32>,
      %gt3A_2457 = arith.cmpf ogt, %select_n3A_2454, %select_n3A_2414 : vector<16xf32>
      %select_n3A_2458 = arith.select %gt3A_2457, %select_n3A_2454, %select_n3A_2414 : vector<16xi1>, vector<16xf32>
      %jit3A_2459 = arith.constant 40 : i32
      %broadcast_in_dim3A_2460 = vector.broadcast %jit3A_2459 : i32 to vector<16xi32>
      %select_n3A_2461 = arith.select %gt3A_2457, %broadcast_in_dim3A_2460, %select_n3A_2417 : vector<16xi1>, vector<16xi32>
      %get3A_2462 = arith.constant 656 : index
      %get3A_2463 = tpu.vector_load %arg4[%get3A_2462] {strides = array<i32>} : memref<5120xf32, #tpu.memory_space<vmem>>, vector<16xf32>,
      %get3A_2464 = arith.constant 1936 : index
      %get3A_2465 = tpu.vector_load %arg4[%get3A_2464] {strides = array<i32>} : memref<5120xf32, #tpu.memory_space<vmem>>, vector<16xf32>,
      %get3A_2466 = arith.constant 3216 : index
      %get3A_2467 = tpu.vector_load %arg4[%get3A_2466] {strides = array<i32>} : memref<5120xf32, #tpu.memory_space<vmem>>, vector<16xf32>,
      %get3A_2468 = arith.constant 4496 : index
      %get3A_2469 = tpu.vector_load %arg4[%get3A_2468] {strides = array<i32>} : memref<5120xf32, #tpu.memory_space<vmem>>, vector<16xf32>,
      %get3A_2470 = arith.constant 656 : index
      %get3A_2471 = tpu.vector_load %arg6[%get3A_2470] {strides = array<i32>} : memref<1280xf32, #tpu.memory_space<vmem>>, vector<16xf32>,
      %get3A_2472 = arith.constant 656 : index
      %get3A_2473 = tpu.vector_load %arg5[%get3A_2472] {strides = array<i32>} : memref<1280xf32, #tpu.memory_space<vmem>>, vector<16xf32>,
      %min3A_2474 = arith.minimumf %get3A_2467, %gather3A_640 : vector<16xf32>
      %max3A_2475 = arith.maximumf %get3A_2463, %gather3A_632 : vector<16xf32>
      %sub3A_2476 = arith.subf %min3A_2474, %max3A_2475 : vector<16xf32>
      %max3A_2477 = arith.constant 0.000000e+00 : f32
      %max3A_2478 = vector.broadcast %max3A_2477 : f32 to vector<16xf32>
      %max3A_2479 = arith.maximumf %sub3A_2476, %max3A_2478 : vector<16xf32>
      %min3A_2480 = arith.minimumf %get3A_2469, %gather3A_644 : vector<16xf32>
      %max3A_2481 = arith.maximumf %get3A_2465, %gather3A_636 : vector<16xf32>
      %sub3A_2482 = arith.subf %min3A_2480, %max3A_2481 : vector<16xf32>
      %max3A_2483 = arith.constant 0.000000e+00 : f32
      %max3A_2484 = vector.broadcast %max3A_2483 : f32 to vector<16xf32>
      %max3A_2485 = arith.maximumf %sub3A_2482, %max3A_2484 : vector<16xf32>
      %mul3A_2486 = arith.mulf %max3A_2479, %max3A_2485 : vector<16xf32>
      %add3A_2487 = arith.addf %mul3A_646, %get3A_2471 : vector<16xf32>
      %sub3A_2488 = arith.subf %add3A_2487, %mul3A_2486 : vector<16xf32>
      %add3A_2489 = arith.constant 9.99999997E-7 : f32
      %add3A_2490 = vector.broadcast %add3A_2489 : f32 to vector<16xf32>
      %add3A_2491 = arith.addf %sub3A_2488, %add3A_2490 : vector<16xf32>
      %div3A_2492 = arith.divf %mul3A_2486, %add3A_2491 : vector<16xf32>
      %ge3A_2493 = arith.constant 5.000000e-01 : f32
      %ge3A_2494 = vector.broadcast %ge3A_2493 : f32 to vector<16xf32>
      %ge3A_2495 = arith.cmpf oge, %div3A_2492, %ge3A_2494 : vector<16xf32>
      %jit3A_2496 = arith.constant -1.000000e+00 : f32
      %broadcast_in_dim3A_2497 = vector.broadcast %jit3A_2496 : f32 to vector<16xf32>
      %select_n3A_2498 = arith.select %ge3A_2495, %broadcast_in_dim3A_2497, %get3A_2473 : vector<16xi1>, vector<16xf32>
      %swap3A_2499 = arith.constant 656 : index
      %swap3A_2500 = tpu.vector_load %arg5[%swap3A_2499] {strides = array<i32>} : memref<1280xf32, #tpu.memory_space<vmem>>, vector<16xf32>,
      tpu.vector_store %arg5[%swap3A_2499], %select_n3A_2498 {strides = array<i32>} : memref<1280xf32, #tpu.memory_space<vmem>>, vector<16xf32>,
      %gt3A_2501 = arith.cmpf ogt, %select_n3A_2498, %select_n3A_2458 : vector<16xf32>
      %select_n3A_2502 = arith.select %gt3A_2501, %select_n3A_2498, %select_n3A_2458 : vector<16xi1>, vector<16xf32>
      %jit3A_2503 = arith.constant 41 : i32
      %broadcast_in_dim3A_2504 = vector.broadcast %jit3A_2503 : i32 to vector<16xi32>
      %select_n3A_2505 = arith.select %gt3A_2501, %broadcast_in_dim3A_2504, %select_n3A_2461 : vector<16xi1>, vector<16xi32>
      %get3A_2506 = arith.constant 672 : index
      %get3A_2507 = tpu.vector_load %arg4[%get3A_2506] {strides = array<i32>} : memref<5120xf32, #tpu.memory_space<vmem>>, vector<16xf32>,
      %get3A_2508 = arith.constant 1952 : index
      %get3A_2509 = tpu.vector_load %arg4[%get3A_2508] {strides = array<i32>} : memref<5120xf32, #tpu.memory_space<vmem>>, vector<16xf32>,
      %get3A_2510 = arith.constant 3232 : index
      %get3A_2511 = tpu.vector_load %arg4[%get3A_2510] {strides = array<i32>} : memref<5120xf32, #tpu.memory_space<vmem>>, vector<16xf32>,
      %get3A_2512 = arith.constant 4512 : index
      %get3A_2513 = tpu.vector_load %arg4[%get3A_2512] {strides = array<i32>} : memref<5120xf32, #tpu.memory_space<vmem>>, vector<16xf32>,
      %get3A_2514 = arith.constant 672 : index
      %get3A_2515 = tpu.vector_load %arg6[%get3A_2514] {strides = array<i32>} : memref<1280xf32, #tpu.memory_space<vmem>>, vector<16xf32>,
      %get3A_2516 = arith.constant 672 : index
      %get3A_2517 = tpu.vector_load %arg5[%get3A_2516] {strides = array<i32>} : memref<1280xf32, #tpu.memory_space<vmem>>, vector<16xf32>,
      %min3A_2518 = arith.minimumf %get3A_2511, %gather3A_640 : vector<16xf32>
      %max3A_2519 = arith.maximumf %get3A_2507, %gather3A_632 : vector<16xf32>
      %sub3A_2520 = arith.subf %min3A_2518, %max3A_2519 : vector<16xf32>
      %max3A_2521 = arith.constant 0.000000e+00 : f32
      %max3A_2522 = vector.broadcast %max3A_2521 : f32 to vector<16xf32>
      %max3A_2523 = arith.maximumf %sub3A_2520, %max3A_2522 : vector<16xf32>
      %min3A_2524 = arith.minimumf %get3A_2513, %gather3A_644 : vector<16xf32>
      %max3A_2525 = arith.maximumf %get3A_2509, %gather3A_636 : vector<16xf32>
      %sub3A_2526 = arith.subf %min3A_2524, %max3A_2525 : vector<16xf32>
      %max3A_2527 = arith.constant 0.000000e+00 : f32
      %max3A_2528 = vector.broadcast %max3A_2527 : f32 to vector<16xf32>
      %max3A_2529 = arith.maximumf %sub3A_2526, %max3A_2528 : vector<16xf32>
      %mul3A_2530 = arith.mulf %max3A_2523, %max3A_2529 : vector<16xf32>
      %add3A_2531 = arith.addf %mul3A_646, %get3A_2515 : vector<16xf32>
      %sub3A_2532 = arith.subf %add3A_2531, %mul3A_2530 : vector<16xf32>
      %add3A_2533 = arith.constant 9.99999997E-7 : f32
      %add3A_2534 = vector.broadcast %add3A_2533 : f32 to vector<16xf32>
      %add3A_2535 = arith.addf %sub3A_2532, %add3A_2534 : vector<16xf32>
      %div3A_2536 = arith.divf %mul3A_2530, %add3A_2535 : vector<16xf32>
      %ge3A_2537 = arith.constant 5.000000e-01 : f32
      %ge3A_2538 = vector.broadcast %ge3A_2537 : f32 to vector<16xf32>
      %ge3A_2539 = arith.cmpf oge, %div3A_2536, %ge3A_2538 : vector<16xf32>
      %jit3A_2540 = arith.constant -1.000000e+00 : f32
      %broadcast_in_dim3A_2541 = vector.broadcast %jit3A_2540 : f32 to vector<16xf32>
      %select_n3A_2542 = arith.select %ge3A_2539, %broadcast_in_dim3A_2541, %get3A_2517 : vector<16xi1>, vector<16xf32>
      %swap3A_2543 = arith.constant 672 : index
      %swap3A_2544 = tpu.vector_load %arg5[%swap3A_2543] {strides = array<i32>} : memref<1280xf32, #tpu.memory_space<vmem>>, vector<16xf32>,
      tpu.vector_store %arg5[%swap3A_2543], %select_n3A_2542 {strides = array<i32>} : memref<1280xf32, #tpu.memory_space<vmem>>, vector<16xf32>,
      %gt3A_2545 = arith.cmpf ogt, %select_n3A_2542, %select_n3A_2502 : vector<16xf32>
      %select_n3A_2546 = arith.select %gt3A_2545, %select_n3A_2542, %select_n3A_2502 : vector<16xi1>, vector<16xf32>
      %jit3A_2547 = arith.constant 42 : i32
      %broadcast_in_dim3A_2548 = vector.broadcast %jit3A_2547 : i32 to vector<16xi32>
      %select_n3A_2549 = arith.select %gt3A_2545, %broadcast_in_dim3A_2548, %select_n3A_2505 : vector<16xi1>, vector<16xi32>
      %get3A_2550 = arith.constant 688 : index
      %get3A_2551 = tpu.vector_load %arg4[%get3A_2550] {strides = array<i32>} : memref<5120xf32, #tpu.memory_space<vmem>>, vector<16xf32>,
      %get3A_2552 = arith.constant 1968 : index
      %get3A_2553 = tpu.vector_load %arg4[%get3A_2552] {strides = array<i32>} : memref<5120xf32, #tpu.memory_space<vmem>>, vector<16xf32>,
      %get3A_2554 = arith.constant 3248 : index
      %get3A_2555 = tpu.vector_load %arg4[%get3A_2554] {strides = array<i32>} : memref<5120xf32, #tpu.memory_space<vmem>>, vector<16xf32>,
      %get3A_2556 = arith.constant 4528 : index
      %get3A_2557 = tpu.vector_load %arg4[%get3A_2556] {strides = array<i32>} : memref<5120xf32, #tpu.memory_space<vmem>>, vector<16xf32>,
      %get3A_2558 = arith.constant 688 : index
      %get3A_2559 = tpu.vector_load %arg6[%get3A_2558] {strides = array<i32>} : memref<1280xf32, #tpu.memory_space<vmem>>, vector<16xf32>,
      %get3A_2560 = arith.constant 688 : index
      %get3A_2561 = tpu.vector_load %arg5[%get3A_2560] {strides = array<i32>} : memref<1280xf32, #tpu.memory_space<vmem>>, vector<16xf32>,
      %min3A_2562 = arith.minimumf %get3A_2555, %gather3A_640 : vector<16xf32>
      %max3A_2563 = arith.maximumf %get3A_2551, %gather3A_632 : vector<16xf32>
      %sub3A_2564 = arith.subf %min3A_2562, %max3A_2563 : vector<16xf32>
      %max3A_2565 = arith.constant 0.000000e+00 : f32
      %max3A_2566 = vector.broadcast %max3A_2565 : f32 to vector<16xf32>
      %max3A_2567 = arith.maximumf %sub3A_2564, %max3A_2566 : vector<16xf32>
      %min3A_2568 = arith.minimumf %get3A_2557, %gather3A_644 : vector<16xf32>
      %max3A_2569 = arith.maximumf %get3A_2553, %gather3A_636 : vector<16xf32>
      %sub3A_2570 = arith.subf %min3A_2568, %max3A_2569 : vector<16xf32>
      %max3A_2571 = arith.constant 0.000000e+00 : f32
      %max3A_2572 = vector.broadcast %max3A_2571 : f32 to vector<16xf32>
      %max3A_2573 = arith.maximumf %sub3A_2570, %max3A_2572 : vector<16xf32>
      %mul3A_2574 = arith.mulf %max3A_2567, %max3A_2573 : vector<16xf32>
      %add3A_2575 = arith.addf %mul3A_646, %get3A_2559 : vector<16xf32>
      %sub3A_2576 = arith.subf %add3A_2575, %mul3A_2574 : vector<16xf32>
      %add3A_2577 = arith.constant 9.99999997E-7 : f32
      %add3A_2578 = vector.broadcast %add3A_2577 : f32 to vector<16xf32>
      %add3A_2579 = arith.addf %sub3A_2576, %add3A_2578 : vector<16xf32>
      %div3A_2580 = arith.divf %mul3A_2574, %add3A_2579 : vector<16xf32>
      %ge3A_2581 = arith.constant 5.000000e-01 : f32
      %ge3A_2582 = vector.broadcast %ge3A_2581 : f32 to vector<16xf32>
      %ge3A_2583 = arith.cmpf oge, %div3A_2580, %ge3A_2582 : vector<16xf32>
      %jit3A_2584 = arith.constant -1.000000e+00 : f32
      %broadcast_in_dim3A_2585 = vector.broadcast %jit3A_2584 : f32 to vector<16xf32>
      %select_n3A_2586 = arith.select %ge3A_2583, %broadcast_in_dim3A_2585, %get3A_2561 : vector<16xi1>, vector<16xf32>
      %swap3A_2587 = arith.constant 688 : index
      %swap3A_2588 = tpu.vector_load %arg5[%swap3A_2587] {strides = array<i32>} : memref<1280xf32, #tpu.memory_space<vmem>>, vector<16xf32>,
      tpu.vector_store %arg5[%swap3A_2587], %select_n3A_2586 {strides = array<i32>} : memref<1280xf32, #tpu.memory_space<vmem>>, vector<16xf32>,
      %gt3A_2589 = arith.cmpf ogt, %select_n3A_2586, %select_n3A_2546 : vector<16xf32>
      %select_n3A_2590 = arith.select %gt3A_2589, %select_n3A_2586, %select_n3A_2546 : vector<16xi1>, vector<16xf32>
      %jit3A_2591 = arith.constant 43 : i32
      %broadcast_in_dim3A_2592 = vector.broadcast %jit3A_2591 : i32 to vector<16xi32>
      %select_n3A_2593 = arith.select %gt3A_2589, %broadcast_in_dim3A_2592, %select_n3A_2549 : vector<16xi1>, vector<16xi32>
      %get3A_2594 = arith.constant 704 : index
      %get3A_2595 = tpu.vector_load %arg4[%get3A_2594] {strides = array<i32>} : memref<5120xf32, #tpu.memory_space<vmem>>, vector<16xf32>,
      %get3A_2596 = arith.constant 1984 : index
      %get3A_2597 = tpu.vector_load %arg4[%get3A_2596] {strides = array<i32>} : memref<5120xf32, #tpu.memory_space<vmem>>, vector<16xf32>,
      %get3A_2598 = arith.constant 3264 : index
      %get3A_2599 = tpu.vector_load %arg4[%get3A_2598] {strides = array<i32>} : memref<5120xf32, #tpu.memory_space<vmem>>, vector<16xf32>,
      %get3A_2600 = arith.constant 4544 : index
      %get3A_2601 = tpu.vector_load %arg4[%get3A_2600] {strides = array<i32>} : memref<5120xf32, #tpu.memory_space<vmem>>, vector<16xf32>,
      %get3A_2602 = arith.constant 704 : index
      %get3A_2603 = tpu.vector_load %arg6[%get3A_2602] {strides = array<i32>} : memref<1280xf32, #tpu.memory_space<vmem>>, vector<16xf32>,
      %get3A_2604 = arith.constant 704 : index
      %get3A_2605 = tpu.vector_load %arg5[%get3A_2604] {strides = array<i32>} : memref<1280xf32, #tpu.memory_space<vmem>>, vector<16xf32>,
      %min3A_2606 = arith.minimumf %get3A_2599, %gather3A_640 : vector<16xf32>
      %max3A_2607 = arith.maximumf %get3A_2595, %gather3A_632 : vector<16xf32>
      %sub3A_2608 = arith.subf %min3A_2606, %max3A_2607 : vector<16xf32>
      %max3A_2609 = arith.constant 0.000000e+00 : f32
      %max3A_2610 = vector.broadcast %max3A_2609 : f32 to vector<16xf32>
      %max3A_2611 = arith.maximumf %sub3A_2608, %max3A_2610 : vector<16xf32>
      %min3A_2612 = arith.minimumf %get3A_2601, %gather3A_644 : vector<16xf32>
      %max3A_2613 = arith.maximumf %get3A_2597, %gather3A_636 : vector<16xf32>
      %sub3A_2614 = arith.subf %min3A_2612, %max3A_2613 : vector<16xf32>
      %max3A_2615 = arith.constant 0.000000e+00 : f32
      %max3A_2616 = vector.broadcast %max3A_2615 : f32 to vector<16xf32>
      %max3A_2617 = arith.maximumf %sub3A_2614, %max3A_2616 : vector<16xf32>
      %mul3A_2618 = arith.mulf %max3A_2611, %max3A_2617 : vector<16xf32>
      %add3A_2619 = arith.addf %mul3A_646, %get3A_2603 : vector<16xf32>
      %sub3A_2620 = arith.subf %add3A_2619, %mul3A_2618 : vector<16xf32>
      %add3A_2621 = arith.constant 9.99999997E-7 : f32
      %add3A_2622 = vector.broadcast %add3A_2621 : f32 to vector<16xf32>
      %add3A_2623 = arith.addf %sub3A_2620, %add3A_2622 : vector<16xf32>
      %div3A_2624 = arith.divf %mul3A_2618, %add3A_2623 : vector<16xf32>
      %ge3A_2625 = arith.constant 5.000000e-01 : f32
      %ge3A_2626 = vector.broadcast %ge3A_2625 : f32 to vector<16xf32>
      %ge3A_2627 = arith.cmpf oge, %div3A_2624, %ge3A_2626 : vector<16xf32>
      %jit3A_2628 = arith.constant -1.000000e+00 : f32
      %broadcast_in_dim3A_2629 = vector.broadcast %jit3A_2628 : f32 to vector<16xf32>
      %select_n3A_2630 = arith.select %ge3A_2627, %broadcast_in_dim3A_2629, %get3A_2605 : vector<16xi1>, vector<16xf32>
      %swap3A_2631 = arith.constant 704 : index
      %swap3A_2632 = tpu.vector_load %arg5[%swap3A_2631] {strides = array<i32>} : memref<1280xf32, #tpu.memory_space<vmem>>, vector<16xf32>,
      tpu.vector_store %arg5[%swap3A_2631], %select_n3A_2630 {strides = array<i32>} : memref<1280xf32, #tpu.memory_space<vmem>>, vector<16xf32>,
      %gt3A_2633 = arith.cmpf ogt, %select_n3A_2630, %select_n3A_2590 : vector<16xf32>
      %select_n3A_2634 = arith.select %gt3A_2633, %select_n3A_2630, %select_n3A_2590 : vector<16xi1>, vector<16xf32>
      %jit3A_2635 = arith.constant 44 : i32
      %broadcast_in_dim3A_2636 = vector.broadcast %jit3A_2635 : i32 to vector<16xi32>
      %select_n3A_2637 = arith.select %gt3A_2633, %broadcast_in_dim3A_2636, %select_n3A_2593 : vector<16xi1>, vector<16xi32>
      %get3A_2638 = arith.constant 720 : index
      %get3A_2639 = tpu.vector_load %arg4[%get3A_2638] {strides = array<i32>} : memref<5120xf32, #tpu.memory_space<vmem>>, vector<16xf32>,
      %get3A_2640 = arith.constant 2000 : index
      %get3A_2641 = tpu.vector_load %arg4[%get3A_2640] {strides = array<i32>} : memref<5120xf32, #tpu.memory_space<vmem>>, vector<16xf32>,
      %get3A_2642 = arith.constant 3280 : index
      %get3A_2643 = tpu.vector_load %arg4[%get3A_2642] {strides = array<i32>} : memref<5120xf32, #tpu.memory_space<vmem>>, vector<16xf32>,
      %get3A_2644 = arith.constant 4560 : index
      %get3A_2645 = tpu.vector_load %arg4[%get3A_2644] {strides = array<i32>} : memref<5120xf32, #tpu.memory_space<vmem>>, vector<16xf32>,
      %get3A_2646 = arith.constant 720 : index
      %get3A_2647 = tpu.vector_load %arg6[%get3A_2646] {strides = array<i32>} : memref<1280xf32, #tpu.memory_space<vmem>>, vector<16xf32>,
      %get3A_2648 = arith.constant 720 : index
      %get3A_2649 = tpu.vector_load %arg5[%get3A_2648] {strides = array<i32>} : memref<1280xf32, #tpu.memory_space<vmem>>, vector<16xf32>,
      %min3A_2650 = arith.minimumf %get3A_2643, %gather3A_640 : vector<16xf32>
      %max3A_2651 = arith.maximumf %get3A_2639, %gather3A_632 : vector<16xf32>
      %sub3A_2652 = arith.subf %min3A_2650, %max3A_2651 : vector<16xf32>
      %max3A_2653 = arith.constant 0.000000e+00 : f32
      %max3A_2654 = vector.broadcast %max3A_2653 : f32 to vector<16xf32>
      %max3A_2655 = arith.maximumf %sub3A_2652, %max3A_2654 : vector<16xf32>
      %min3A_2656 = arith.minimumf %get3A_2645, %gather3A_644 : vector<16xf32>
      %max3A_2657 = arith.maximumf %get3A_2641, %gather3A_636 : vector<16xf32>
      %sub3A_2658 = arith.subf %min3A_2656, %max3A_2657 : vector<16xf32>
      %max3A_2659 = arith.constant 0.000000e+00 : f32
      %max3A_2660 = vector.broadcast %max3A_2659 : f32 to vector<16xf32>
      %max3A_2661 = arith.maximumf %sub3A_2658, %max3A_2660 : vector<16xf32>
      %mul3A_2662 = arith.mulf %max3A_2655, %max3A_2661 : vector<16xf32>
      %add3A_2663 = arith.addf %mul3A_646, %get3A_2647 : vector<16xf32>
      %sub3A_2664 = arith.subf %add3A_2663, %mul3A_2662 : vector<16xf32>
      %add3A_2665 = arith.constant 9.99999997E-7 : f32
      %add3A_2666 = vector.broadcast %add3A_2665 : f32 to vector<16xf32>
      %add3A_2667 = arith.addf %sub3A_2664, %add3A_2666 : vector<16xf32>
      %div3A_2668 = arith.divf %mul3A_2662, %add3A_2667 : vector<16xf32>
      %ge3A_2669 = arith.constant 5.000000e-01 : f32
      %ge3A_2670 = vector.broadcast %ge3A_2669 : f32 to vector<16xf32>
      %ge3A_2671 = arith.cmpf oge, %div3A_2668, %ge3A_2670 : vector<16xf32>
      %jit3A_2672 = arith.constant -1.000000e+00 : f32
      %broadcast_in_dim3A_2673 = vector.broadcast %jit3A_2672 : f32 to vector<16xf32>
      %select_n3A_2674 = arith.select %ge3A_2671, %broadcast_in_dim3A_2673, %get3A_2649 : vector<16xi1>, vector<16xf32>
      %swap3A_2675 = arith.constant 720 : index
      %swap3A_2676 = tpu.vector_load %arg5[%swap3A_2675] {strides = array<i32>} : memref<1280xf32, #tpu.memory_space<vmem>>, vector<16xf32>,
      tpu.vector_store %arg5[%swap3A_2675], %select_n3A_2674 {strides = array<i32>} : memref<1280xf32, #tpu.memory_space<vmem>>, vector<16xf32>,
      %gt3A_2677 = arith.cmpf ogt, %select_n3A_2674, %select_n3A_2634 : vector<16xf32>
      %select_n3A_2678 = arith.select %gt3A_2677, %select_n3A_2674, %select_n3A_2634 : vector<16xi1>, vector<16xf32>
      %jit3A_2679 = arith.constant 45 : i32
      %broadcast_in_dim3A_2680 = vector.broadcast %jit3A_2679 : i32 to vector<16xi32>
      %select_n3A_2681 = arith.select %gt3A_2677, %broadcast_in_dim3A_2680, %select_n3A_2637 : vector<16xi1>, vector<16xi32>
      %get3A_2682 = arith.constant 736 : index
      %get3A_2683 = tpu.vector_load %arg4[%get3A_2682] {strides = array<i32>} : memref<5120xf32, #tpu.memory_space<vmem>>, vector<16xf32>,
      %get3A_2684 = arith.constant 2016 : index
      %get3A_2685 = tpu.vector_load %arg4[%get3A_2684] {strides = array<i32>} : memref<5120xf32, #tpu.memory_space<vmem>>, vector<16xf32>,
      %get3A_2686 = arith.constant 3296 : index
      %get3A_2687 = tpu.vector_load %arg4[%get3A_2686] {strides = array<i32>} : memref<5120xf32, #tpu.memory_space<vmem>>, vector<16xf32>,
      %get3A_2688 = arith.constant 4576 : index
      %get3A_2689 = tpu.vector_load %arg4[%get3A_2688] {strides = array<i32>} : memref<5120xf32, #tpu.memory_space<vmem>>, vector<16xf32>,
      %get3A_2690 = arith.constant 736 : index
      %get3A_2691 = tpu.vector_load %arg6[%get3A_2690] {strides = array<i32>} : memref<1280xf32, #tpu.memory_space<vmem>>, vector<16xf32>,
      %get3A_2692 = arith.constant 736 : index
      %get3A_2693 = tpu.vector_load %arg5[%get3A_2692] {strides = array<i32>} : memref<1280xf32, #tpu.memory_space<vmem>>, vector<16xf32>,
      %min3A_2694 = arith.minimumf %get3A_2687, %gather3A_640 : vector<16xf32>
      %max3A_2695 = arith.maximumf %get3A_2683, %gather3A_632 : vector<16xf32>
      %sub3A_2696 = arith.subf %min3A_2694, %max3A_2695 : vector<16xf32>
      %max3A_2697 = arith.constant 0.000000e+00 : f32
      %max3A_2698 = vector.broadcast %max3A_2697 : f32 to vector<16xf32>
      %max3A_2699 = arith.maximumf %sub3A_2696, %max3A_2698 : vector<16xf32>
      %min3A_2700 = arith.minimumf %get3A_2689, %gather3A_644 : vector<16xf32>
      %max3A_2701 = arith.maximumf %get3A_2685, %gather3A_636 : vector<16xf32>
      %sub3A_2702 = arith.subf %min3A_2700, %max3A_2701 : vector<16xf32>
      %max3A_2703 = arith.constant 0.000000e+00 : f32
      %max3A_2704 = vector.broadcast %max3A_2703 : f32 to vector<16xf32>
      %max3A_2705 = arith.maximumf %sub3A_2702, %max3A_2704 : vector<16xf32>
      %mul3A_2706 = arith.mulf %max3A_2699, %max3A_2705 : vector<16xf32>
      %add3A_2707 = arith.addf %mul3A_646, %get3A_2691 : vector<16xf32>
      %sub3A_2708 = arith.subf %add3A_2707, %mul3A_2706 : vector<16xf32>
      %add3A_2709 = arith.constant 9.99999997E-7 : f32
      %add3A_2710 = vector.broadcast %add3A_2709 : f32 to vector<16xf32>
      %add3A_2711 = arith.addf %sub3A_2708, %add3A_2710 : vector<16xf32>
      %div3A_2712 = arith.divf %mul3A_2706, %add3A_2711 : vector<16xf32>
      %ge3A_2713 = arith.constant 5.000000e-01 : f32
      %ge3A_2714 = vector.broadcast %ge3A_2713 : f32 to vector<16xf32>
      %ge3A_2715 = arith.cmpf oge, %div3A_2712, %ge3A_2714 : vector<16xf32>
      %jit3A_2716 = arith.constant -1.000000e+00 : f32
      %broadcast_in_dim3A_2717 = vector.broadcast %jit3A_2716 : f32 to vector<16xf32>
      %select_n3A_2718 = arith.select %ge3A_2715, %broadcast_in_dim3A_2717, %get3A_2693 : vector<16xi1>, vector<16xf32>
      %swap3A_2719 = arith.constant 736 : index
      %swap3A_2720 = tpu.vector_load %arg5[%swap3A_2719] {strides = array<i32>} : memref<1280xf32, #tpu.memory_space<vmem>>, vector<16xf32>,
      tpu.vector_store %arg5[%swap3A_2719], %select_n3A_2718 {strides = array<i32>} : memref<1280xf32, #tpu.memory_space<vmem>>, vector<16xf32>,
      %gt3A_2721 = arith.cmpf ogt, %select_n3A_2718, %select_n3A_2678 : vector<16xf32>
      %select_n3A_2722 = arith.select %gt3A_2721, %select_n3A_2718, %select_n3A_2678 : vector<16xi1>, vector<16xf32>
      %jit3A_2723 = arith.constant 46 : i32
      %broadcast_in_dim3A_2724 = vector.broadcast %jit3A_2723 : i32 to vector<16xi32>
      %select_n3A_2725 = arith.select %gt3A_2721, %broadcast_in_dim3A_2724, %select_n3A_2681 : vector<16xi1>, vector<16xi32>
      %get3A_2726 = arith.constant 752 : index
      %get3A_2727 = tpu.vector_load %arg4[%get3A_2726] {strides = array<i32>} : memref<5120xf32, #tpu.memory_space<vmem>>, vector<16xf32>,
      %get3A_2728 = arith.constant 2032 : index
      %get3A_2729 = tpu.vector_load %arg4[%get3A_2728] {strides = array<i32>} : memref<5120xf32, #tpu.memory_space<vmem>>, vector<16xf32>,
      %get3A_2730 = arith.constant 3312 : index
      %get3A_2731 = tpu.vector_load %arg4[%get3A_2730] {strides = array<i32>} : memref<5120xf32, #tpu.memory_space<vmem>>, vector<16xf32>,
      %get3A_2732 = arith.constant 4592 : index
      %get3A_2733 = tpu.vector_load %arg4[%get3A_2732] {strides = array<i32>} : memref<5120xf32, #tpu.memory_space<vmem>>, vector<16xf32>,
      %get3A_2734 = arith.constant 752 : index
      %get3A_2735 = tpu.vector_load %arg6[%get3A_2734] {strides = array<i32>} : memref<1280xf32, #tpu.memory_space<vmem>>, vector<16xf32>,
      %get3A_2736 = arith.constant 752 : index
      %get3A_2737 = tpu.vector_load %arg5[%get3A_2736] {strides = array<i32>} : memref<1280xf32, #tpu.memory_space<vmem>>, vector<16xf32>,
      %min3A_2738 = arith.minimumf %get3A_2731, %gather3A_640 : vector<16xf32>
      %max3A_2739 = arith.maximumf %get3A_2727, %gather3A_632 : vector<16xf32>
      %sub3A_2740 = arith.subf %min3A_2738, %max3A_2739 : vector<16xf32>
      %max3A_2741 = arith.constant 0.000000e+00 : f32
      %max3A_2742 = vector.broadcast %max3A_2741 : f32 to vector<16xf32>
      %max3A_2743 = arith.maximumf %sub3A_2740, %max3A_2742 : vector<16xf32>
      %min3A_2744 = arith.minimumf %get3A_2733, %gather3A_644 : vector<16xf32>
      %max3A_2745 = arith.maximumf %get3A_2729, %gather3A_636 : vector<16xf32>
      %sub3A_2746 = arith.subf %min3A_2744, %max3A_2745 : vector<16xf32>
      %max3A_2747 = arith.constant 0.000000e+00 : f32
      %max3A_2748 = vector.broadcast %max3A_2747 : f32 to vector<16xf32>
      %max3A_2749 = arith.maximumf %sub3A_2746, %max3A_2748 : vector<16xf32>
      %mul3A_2750 = arith.mulf %max3A_2743, %max3A_2749 : vector<16xf32>
      %add3A_2751 = arith.addf %mul3A_646, %get3A_2735 : vector<16xf32>
      %sub3A_2752 = arith.subf %add3A_2751, %mul3A_2750 : vector<16xf32>
      %add3A_2753 = arith.constant 9.99999997E-7 : f32
      %add3A_2754 = vector.broadcast %add3A_2753 : f32 to vector<16xf32>
      %add3A_2755 = arith.addf %sub3A_2752, %add3A_2754 : vector<16xf32>
      %div3A_2756 = arith.divf %mul3A_2750, %add3A_2755 : vector<16xf32>
      %ge3A_2757 = arith.constant 5.000000e-01 : f32
      %ge3A_2758 = vector.broadcast %ge3A_2757 : f32 to vector<16xf32>
      %ge3A_2759 = arith.cmpf oge, %div3A_2756, %ge3A_2758 : vector<16xf32>
      %jit3A_2760 = arith.constant -1.000000e+00 : f32
      %broadcast_in_dim3A_2761 = vector.broadcast %jit3A_2760 : f32 to vector<16xf32>
      %select_n3A_2762 = arith.select %ge3A_2759, %broadcast_in_dim3A_2761, %get3A_2737 : vector<16xi1>, vector<16xf32>
      %swap3A_2763 = arith.constant 752 : index
      %swap3A_2764 = tpu.vector_load %arg5[%swap3A_2763] {strides = array<i32>} : memref<1280xf32, #tpu.memory_space<vmem>>, vector<16xf32>,
      tpu.vector_store %arg5[%swap3A_2763], %select_n3A_2762 {strides = array<i32>} : memref<1280xf32, #tpu.memory_space<vmem>>, vector<16xf32>,
      %gt3A_2765 = arith.cmpf ogt, %select_n3A_2762, %select_n3A_2722 : vector<16xf32>
      %select_n3A_2766 = arith.select %gt3A_2765, %select_n3A_2762, %select_n3A_2722 : vector<16xi1>, vector<16xf32>
      %jit3A_2767 = arith.constant 47 : i32
      %broadcast_in_dim3A_2768 = vector.broadcast %jit3A_2767 : i32 to vector<16xi32>
      %select_n3A_2769 = arith.select %gt3A_2765, %broadcast_in_dim3A_2768, %select_n3A_2725 : vector<16xi1>, vector<16xi32>
      %get3A_2770 = arith.constant 768 : index
      %get3A_2771 = tpu.vector_load %arg4[%get3A_2770] {strides = array<i32>} : memref<5120xf32, #tpu.memory_space<vmem>>, vector<16xf32>,
      %get3A_2772 = arith.constant 2048 : index
      %get3A_2773 = tpu.vector_load %arg4[%get3A_2772] {strides = array<i32>} : memref<5120xf32, #tpu.memory_space<vmem>>, vector<16xf32>,
      %get3A_2774 = arith.constant 3328 : index
      %get3A_2775 = tpu.vector_load %arg4[%get3A_2774] {strides = array<i32>} : memref<5120xf32, #tpu.memory_space<vmem>>, vector<16xf32>,
      %get3A_2776 = arith.constant 4608 : index
      %get3A_2777 = tpu.vector_load %arg4[%get3A_2776] {strides = array<i32>} : memref<5120xf32, #tpu.memory_space<vmem>>, vector<16xf32>,
      %get3A_2778 = arith.constant 768 : index
      %get3A_2779 = tpu.vector_load %arg6[%get3A_2778] {strides = array<i32>} : memref<1280xf32, #tpu.memory_space<vmem>>, vector<16xf32>,
      %get3A_2780 = arith.constant 768 : index
      %get3A_2781 = tpu.vector_load %arg5[%get3A_2780] {strides = array<i32>} : memref<1280xf32, #tpu.memory_space<vmem>>, vector<16xf32>,
      %min3A_2782 = arith.minimumf %get3A_2775, %gather3A_640 : vector<16xf32>
      %max3A_2783 = arith.maximumf %get3A_2771, %gather3A_632 : vector<16xf32>
      %sub3A_2784 = arith.subf %min3A_2782, %max3A_2783 : vector<16xf32>
      %max3A_2785 = arith.constant 0.000000e+00 : f32
      %max3A_2786 = vector.broadcast %max3A_2785 : f32 to vector<16xf32>
      %max3A_2787 = arith.maximumf %sub3A_2784, %max3A_2786 : vector<16xf32>
      %min3A_2788 = arith.minimumf %get3A_2777, %gather3A_644 : vector<16xf32>
      %max3A_2789 = arith.maximumf %get3A_2773, %gather3A_636 : vector<16xf32>
      %sub3A_2790 = arith.subf %min3A_2788, %max3A_2789 : vector<16xf32>
      %max3A_2791 = arith.constant 0.000000e+00 : f32
      %max3A_2792 = vector.broadcast %max3A_2791 : f32 to vector<16xf32>
      %max3A_2793 = arith.maximumf %sub3A_2790, %max3A_2792 : vector<16xf32>
      %mul3A_2794 = arith.mulf %max3A_2787, %max3A_2793 : vector<16xf32>
      %add3A_2795 = arith.addf %mul3A_646, %get3A_2779 : vector<16xf32>
      %sub3A_2796 = arith.subf %add3A_2795, %mul3A_2794 : vector<16xf32>
      %add3A_2797 = arith.constant 9.99999997E-7 : f32
      %add3A_2798 = vector.broadcast %add3A_2797 : f32 to vector<16xf32>
      %add3A_2799 = arith.addf %sub3A_2796, %add3A_2798 : vector<16xf32>
      %div3A_2800 = arith.divf %mul3A_2794, %add3A_2799 : vector<16xf32>
      %ge3A_2801 = arith.constant 5.000000e-01 : f32
      %ge3A_2802 = vector.broadcast %ge3A_2801 : f32 to vector<16xf32>
      %ge3A_2803 = arith.cmpf oge, %div3A_2800, %ge3A_2802 : vector<16xf32>
      %jit3A_2804 = arith.constant -1.000000e+00 : f32
      %broadcast_in_dim3A_2805 = vector.broadcast %jit3A_2804 : f32 to vector<16xf32>
      %select_n3A_2806 = arith.select %ge3A_2803, %broadcast_in_dim3A_2805, %get3A_2781 : vector<16xi1>, vector<16xf32>
      %swap3A_2807 = arith.constant 768 : index
      %swap3A_2808 = tpu.vector_load %arg5[%swap3A_2807] {strides = array<i32>} : memref<1280xf32, #tpu.memory_space<vmem>>, vector<16xf32>,
      tpu.vector_store %arg5[%swap3A_2807], %select_n3A_2806 {strides = array<i32>} : memref<1280xf32, #tpu.memory_space<vmem>>, vector<16xf32>,
      %gt3A_2809 = arith.cmpf ogt, %select_n3A_2806, %select_n3A_2766 : vector<16xf32>
      %select_n3A_2810 = arith.select %gt3A_2809, %select_n3A_2806, %select_n3A_2766 : vector<16xi1>, vector<16xf32>
      %jit3A_2811 = arith.constant 48 : i32
      %broadcast_in_dim3A_2812 = vector.broadcast %jit3A_2811 : i32 to vector<16xi32>
      %select_n3A_2813 = arith.select %gt3A_2809, %broadcast_in_dim3A_2812, %select_n3A_2769 : vector<16xi1>, vector<16xi32>
      %get3A_2814 = arith.constant 784 : index
      %get3A_2815 = tpu.vector_load %arg4[%get3A_2814] {strides = array<i32>} : memref<5120xf32, #tpu.memory_space<vmem>>, vector<16xf32>,
      %get3A_2816 = arith.constant 2064 : index
      %get3A_2817 = tpu.vector_load %arg4[%get3A_2816] {strides = array<i32>} : memref<5120xf32, #tpu.memory_space<vmem>>, vector<16xf32>,
      %get3A_2818 = arith.constant 3344 : index
      %get3A_2819 = tpu.vector_load %arg4[%get3A_2818] {strides = array<i32>} : memref<5120xf32, #tpu.memory_space<vmem>>, vector<16xf32>,
      %get3A_2820 = arith.constant 4624 : index
      %get3A_2821 = tpu.vector_load %arg4[%get3A_2820] {strides = array<i32>} : memref<5120xf32, #tpu.memory_space<vmem>>, vector<16xf32>,
      %get3A_2822 = arith.constant 784 : index
      %get3A_2823 = tpu.vector_load %arg6[%get3A_2822] {strides = array<i32>} : memref<1280xf32, #tpu.memory_space<vmem>>, vector<16xf32>,
      %get3A_2824 = arith.constant 784 : index
      %get3A_2825 = tpu.vector_load %arg5[%get3A_2824] {strides = array<i32>} : memref<1280xf32, #tpu.memory_space<vmem>>, vector<16xf32>,
      %min3A_2826 = arith.minimumf %get3A_2819, %gather3A_640 : vector<16xf32>
      %max3A_2827 = arith.maximumf %get3A_2815, %gather3A_632 : vector<16xf32>
      %sub3A_2828 = arith.subf %min3A_2826, %max3A_2827 : vector<16xf32>
      %max3A_2829 = arith.constant 0.000000e+00 : f32
      %max3A_2830 = vector.broadcast %max3A_2829 : f32 to vector<16xf32>
      %max3A_2831 = arith.maximumf %sub3A_2828, %max3A_2830 : vector<16xf32>
      %min3A_2832 = arith.minimumf %get3A_2821, %gather3A_644 : vector<16xf32>
      %max3A_2833 = arith.maximumf %get3A_2817, %gather3A_636 : vector<16xf32>
      %sub3A_2834 = arith.subf %min3A_2832, %max3A_2833 : vector<16xf32>
      %max3A_2835 = arith.constant 0.000000e+00 : f32
      %max3A_2836 = vector.broadcast %max3A_2835 : f32 to vector<16xf32>
      %max3A_2837 = arith.maximumf %sub3A_2834, %max3A_2836 : vector<16xf32>
      %mul3A_2838 = arith.mulf %max3A_2831, %max3A_2837 : vector<16xf32>
      %add3A_2839 = arith.addf %mul3A_646, %get3A_2823 : vector<16xf32>
      %sub3A_2840 = arith.subf %add3A_2839, %mul3A_2838 : vector<16xf32>
      %add3A_2841 = arith.constant 9.99999997E-7 : f32
      %add3A_2842 = vector.broadcast %add3A_2841 : f32 to vector<16xf32>
      %add3A_2843 = arith.addf %sub3A_2840, %add3A_2842 : vector<16xf32>
      %div3A_2844 = arith.divf %mul3A_2838, %add3A_2843 : vector<16xf32>
      %ge3A_2845 = arith.constant 5.000000e-01 : f32
      %ge3A_2846 = vector.broadcast %ge3A_2845 : f32 to vector<16xf32>
      %ge3A_2847 = arith.cmpf oge, %div3A_2844, %ge3A_2846 : vector<16xf32>
      %jit3A_2848 = arith.constant -1.000000e+00 : f32
      %broadcast_in_dim3A_2849 = vector.broadcast %jit3A_2848 : f32 to vector<16xf32>
      %select_n3A_2850 = arith.select %ge3A_2847, %broadcast_in_dim3A_2849, %get3A_2825 : vector<16xi1>, vector<16xf32>
      %swap3A_2851 = arith.constant 784 : index
      %swap3A_2852 = tpu.vector_load %arg5[%swap3A_2851] {strides = array<i32>} : memref<1280xf32, #tpu.memory_space<vmem>>, vector<16xf32>,
      tpu.vector_store %arg5[%swap3A_2851], %select_n3A_2850 {strides = array<i32>} : memref<1280xf32, #tpu.memory_space<vmem>>, vector<16xf32>,
      %gt3A_2853 = arith.cmpf ogt, %select_n3A_2850, %select_n3A_2810 : vector<16xf32>
      %select_n3A_2854 = arith.select %gt3A_2853, %select_n3A_2850, %select_n3A_2810 : vector<16xi1>, vector<16xf32>
      %jit3A_2855 = arith.constant 49 : i32
      %broadcast_in_dim3A_2856 = vector.broadcast %jit3A_2855 : i32 to vector<16xi32>
      %select_n3A_2857 = arith.select %gt3A_2853, %broadcast_in_dim3A_2856, %select_n3A_2813 : vector<16xi1>, vector<16xi32>
      %get3A_2858 = arith.constant 800 : index
      %get3A_2859 = tpu.vector_load %arg4[%get3A_2858] {strides = array<i32>} : memref<5120xf32, #tpu.memory_space<vmem>>, vector<16xf32>,
      %get3A_2860 = arith.constant 2080 : index
      %get3A_2861 = tpu.vector_load %arg4[%get3A_2860] {strides = array<i32>} : memref<5120xf32, #tpu.memory_space<vmem>>, vector<16xf32>,
      %get3A_2862 = arith.constant 3360 : index
      %get3A_2863 = tpu.vector_load %arg4[%get3A_2862] {strides = array<i32>} : memref<5120xf32, #tpu.memory_space<vmem>>, vector<16xf32>,
      %get3A_2864 = arith.constant 4640 : index
      %get3A_2865 = tpu.vector_load %arg4[%get3A_2864] {strides = array<i32>} : memref<5120xf32, #tpu.memory_space<vmem>>, vector<16xf32>,
      %get3A_2866 = arith.constant 800 : index
      %get3A_2867 = tpu.vector_load %arg6[%get3A_2866] {strides = array<i32>} : memref<1280xf32, #tpu.memory_space<vmem>>, vector<16xf32>,
      %get3A_2868 = arith.constant 800 : index
      %get3A_2869 = tpu.vector_load %arg5[%get3A_2868] {strides = array<i32>} : memref<1280xf32, #tpu.memory_space<vmem>>, vector<16xf32>,
      %min3A_2870 = arith.minimumf %get3A_2863, %gather3A_640 : vector<16xf32>
      %max3A_2871 = arith.maximumf %get3A_2859, %gather3A_632 : vector<16xf32>
      %sub3A_2872 = arith.subf %min3A_2870, %max3A_2871 : vector<16xf32>
      %max3A_2873 = arith.constant 0.000000e+00 : f32
      %max3A_2874 = vector.broadcast %max3A_2873 : f32 to vector<16xf32>
      %max3A_2875 = arith.maximumf %sub3A_2872, %max3A_2874 : vector<16xf32>
      %min3A_2876 = arith.minimumf %get3A_2865, %gather3A_644 : vector<16xf32>
      %max3A_2877 = arith.maximumf %get3A_2861, %gather3A_636 : vector<16xf32>
      %sub3A_2878 = arith.subf %min3A_2876, %max3A_2877 : vector<16xf32>
      %max3A_2879 = arith.constant 0.000000e+00 : f32
      %max3A_2880 = vector.broadcast %max3A_2879 : f32 to vector<16xf32>
      %max3A_2881 = arith.maximumf %sub3A_2878, %max3A_2880 : vector<16xf32>
      %mul3A_2882 = arith.mulf %max3A_2875, %max3A_2881 : vector<16xf32>
      %add3A_2883 = arith.addf %mul3A_646, %get3A_2867 : vector<16xf32>
      %sub3A_2884 = arith.subf %add3A_2883, %mul3A_2882 : vector<16xf32>
      %add3A_2885 = arith.constant 9.99999997E-7 : f32
      %add3A_2886 = vector.broadcast %add3A_2885 : f32 to vector<16xf32>
      %add3A_2887 = arith.addf %sub3A_2884, %add3A_2886 : vector<16xf32>
      %div3A_2888 = arith.divf %mul3A_2882, %add3A_2887 : vector<16xf32>
      %ge3A_2889 = arith.constant 5.000000e-01 : f32
      %ge3A_2890 = vector.broadcast %ge3A_2889 : f32 to vector<16xf32>
      %ge3A_2891 = arith.cmpf oge, %div3A_2888, %ge3A_2890 : vector<16xf32>
      %jit3A_2892 = arith.constant -1.000000e+00 : f32
      %broadcast_in_dim3A_2893 = vector.broadcast %jit3A_2892 : f32 to vector<16xf32>
      %select_n3A_2894 = arith.select %ge3A_2891, %broadcast_in_dim3A_2893, %get3A_2869 : vector<16xi1>, vector<16xf32>
      %swap3A_2895 = arith.constant 800 : index
      %swap3A_2896 = tpu.vector_load %arg5[%swap3A_2895] {strides = array<i32>} : memref<1280xf32, #tpu.memory_space<vmem>>, vector<16xf32>,
      tpu.vector_store %arg5[%swap3A_2895], %select_n3A_2894 {strides = array<i32>} : memref<1280xf32, #tpu.memory_space<vmem>>, vector<16xf32>,
      %gt3A_2897 = arith.cmpf ogt, %select_n3A_2894, %select_n3A_2854 : vector<16xf32>
      %select_n3A_2898 = arith.select %gt3A_2897, %select_n3A_2894, %select_n3A_2854 : vector<16xi1>, vector<16xf32>
      %jit3A_2899 = arith.constant 50 : i32
      %broadcast_in_dim3A_2900 = vector.broadcast %jit3A_2899 : i32 to vector<16xi32>
      %select_n3A_2901 = arith.select %gt3A_2897, %broadcast_in_dim3A_2900, %select_n3A_2857 : vector<16xi1>, vector<16xi32>
      %get3A_2902 = arith.constant 816 : index
      %get3A_2903 = tpu.vector_load %arg4[%get3A_2902] {strides = array<i32>} : memref<5120xf32, #tpu.memory_space<vmem>>, vector<16xf32>,
      %get3A_2904 = arith.constant 2096 : index
      %get3A_2905 = tpu.vector_load %arg4[%get3A_2904] {strides = array<i32>} : memref<5120xf32, #tpu.memory_space<vmem>>, vector<16xf32>,
      %get3A_2906 = arith.constant 3376 : index
      %get3A_2907 = tpu.vector_load %arg4[%get3A_2906] {strides = array<i32>} : memref<5120xf32, #tpu.memory_space<vmem>>, vector<16xf32>,
      %get3A_2908 = arith.constant 4656 : index
      %get3A_2909 = tpu.vector_load %arg4[%get3A_2908] {strides = array<i32>} : memref<5120xf32, #tpu.memory_space<vmem>>, vector<16xf32>,
      %get3A_2910 = arith.constant 816 : index
      %get3A_2911 = tpu.vector_load %arg6[%get3A_2910] {strides = array<i32>} : memref<1280xf32, #tpu.memory_space<vmem>>, vector<16xf32>,
      %get3A_2912 = arith.constant 816 : index
      %get3A_2913 = tpu.vector_load %arg5[%get3A_2912] {strides = array<i32>} : memref<1280xf32, #tpu.memory_space<vmem>>, vector<16xf32>,
      %min3A_2914 = arith.minimumf %get3A_2907, %gather3A_640 : vector<16xf32>
      %max3A_2915 = arith.maximumf %get3A_2903, %gather3A_632 : vector<16xf32>
      %sub3A_2916 = arith.subf %min3A_2914, %max3A_2915 : vector<16xf32>
      %max3A_2917 = arith.constant 0.000000e+00 : f32
      %max3A_2918 = vector.broadcast %max3A_2917 : f32 to vector<16xf32>
      %max3A_2919 = arith.maximumf %sub3A_2916, %max3A_2918 : vector<16xf32>
      %min3A_2920 = arith.minimumf %get3A_2909, %gather3A_644 : vector<16xf32>
      %max3A_2921 = arith.maximumf %get3A_2905, %gather3A_636 : vector<16xf32>
      %sub3A_2922 = arith.subf %min3A_2920, %max3A_2921 : vector<16xf32>
      %max3A_2923 = arith.constant 0.000000e+00 : f32
      %max3A_2924 = vector.broadcast %max3A_2923 : f32 to vector<16xf32>
      %max3A_2925 = arith.maximumf %sub3A_2922, %max3A_2924 : vector<16xf32>
      %mul3A_2926 = arith.mulf %max3A_2919, %max3A_2925 : vector<16xf32>
      %add3A_2927 = arith.addf %mul3A_646, %get3A_2911 : vector<16xf32>
      %sub3A_2928 = arith.subf %add3A_2927, %mul3A_2926 : vector<16xf32>
      %add3A_2929 = arith.constant 9.99999997E-7 : f32
      %add3A_2930 = vector.broadcast %add3A_2929 : f32 to vector<16xf32>
      %add3A_2931 = arith.addf %sub3A_2928, %add3A_2930 : vector<16xf32>
      %div3A_2932 = arith.divf %mul3A_2926, %add3A_2931 : vector<16xf32>
      %ge3A_2933 = arith.constant 5.000000e-01 : f32
      %ge3A_2934 = vector.broadcast %ge3A_2933 : f32 to vector<16xf32>
      %ge3A_2935 = arith.cmpf oge, %div3A_2932, %ge3A_2934 : vector<16xf32>
      %jit3A_2936 = arith.constant -1.000000e+00 : f32
      %broadcast_in_dim3A_2937 = vector.broadcast %jit3A_2936 : f32 to vector<16xf32>
      %select_n3A_2938 = arith.select %ge3A_2935, %broadcast_in_dim3A_2937, %get3A_2913 : vector<16xi1>, vector<16xf32>
      %swap3A_2939 = arith.constant 816 : index
      %swap3A_2940 = tpu.vector_load %arg5[%swap3A_2939] {strides = array<i32>} : memref<1280xf32, #tpu.memory_space<vmem>>, vector<16xf32>,
      tpu.vector_store %arg5[%swap3A_2939], %select_n3A_2938 {strides = array<i32>} : memref<1280xf32, #tpu.memory_space<vmem>>, vector<16xf32>,
      %gt3A_2941 = arith.cmpf ogt, %select_n3A_2938, %select_n3A_2898 : vector<16xf32>
      %select_n3A_2942 = arith.select %gt3A_2941, %select_n3A_2938, %select_n3A_2898 : vector<16xi1>, vector<16xf32>
      %jit3A_2943 = arith.constant 51 : i32
      %broadcast_in_dim3A_2944 = vector.broadcast %jit3A_2943 : i32 to vector<16xi32>
      %select_n3A_2945 = arith.select %gt3A_2941, %broadcast_in_dim3A_2944, %select_n3A_2901 : vector<16xi1>, vector<16xi32>
      %get3A_2946 = arith.constant 832 : index
      %get3A_2947 = tpu.vector_load %arg4[%get3A_2946] {strides = array<i32>} : memref<5120xf32, #tpu.memory_space<vmem>>, vector<16xf32>,
      %get3A_2948 = arith.constant 2112 : index
      %get3A_2949 = tpu.vector_load %arg4[%get3A_2948] {strides = array<i32>} : memref<5120xf32, #tpu.memory_space<vmem>>, vector<16xf32>,
      %get3A_2950 = arith.constant 3392 : index
      %get3A_2951 = tpu.vector_load %arg4[%get3A_2950] {strides = array<i32>} : memref<5120xf32, #tpu.memory_space<vmem>>, vector<16xf32>,
      %get3A_2952 = arith.constant 4672 : index
      %get3A_2953 = tpu.vector_load %arg4[%get3A_2952] {strides = array<i32>} : memref<5120xf32, #tpu.memory_space<vmem>>, vector<16xf32>,
      %get3A_2954 = arith.constant 832 : index
      %get3A_2955 = tpu.vector_load %arg6[%get3A_2954] {strides = array<i32>} : memref<1280xf32, #tpu.memory_space<vmem>>, vector<16xf32>,
      %get3A_2956 = arith.constant 832 : index
      %get3A_2957 = tpu.vector_load %arg5[%get3A_2956] {strides = array<i32>} : memref<1280xf32, #tpu.memory_space<vmem>>, vector<16xf32>,
      %min3A_2958 = arith.minimumf %get3A_2951, %gather3A_640 : vector<16xf32>
      %max3A_2959 = arith.maximumf %get3A_2947, %gather3A_632 : vector<16xf32>
      %sub3A_2960 = arith.subf %min3A_2958, %max3A_2959 : vector<16xf32>
      %max3A_2961 = arith.constant 0.000000e+00 : f32
      %max3A_2962 = vector.broadcast %max3A_2961 : f32 to vector<16xf32>
      %max3A_2963 = arith.maximumf %sub3A_2960, %max3A_2962 : vector<16xf32>
      %min3A_2964 = arith.minimumf %get3A_2953, %gather3A_644 : vector<16xf32>
      %max3A_2965 = arith.maximumf %get3A_2949, %gather3A_636 : vector<16xf32>
      %sub3A_2966 = arith.subf %min3A_2964, %max3A_2965 : vector<16xf32>
      %max3A_2967 = arith.constant 0.000000e+00 : f32
      %max3A_2968 = vector.broadcast %max3A_2967 : f32 to vector<16xf32>
      %max3A_2969 = arith.maximumf %sub3A_2966, %max3A_2968 : vector<16xf32>
      %mul3A_2970 = arith.mulf %max3A_2963, %max3A_2969 : vector<16xf32>
      %add3A_2971 = arith.addf %mul3A_646, %get3A_2955 : vector<16xf32>
      %sub3A_2972 = arith.subf %add3A_2971, %mul3A_2970 : vector<16xf32>
      %add3A_2973 = arith.constant 9.99999997E-7 : f32
      %add3A_2974 = vector.broadcast %add3A_2973 : f32 to vector<16xf32>
      %add3A_2975 = arith.addf %sub3A_2972, %add3A_2974 : vector<16xf32>
      %div3A_2976 = arith.divf %mul3A_2970, %add3A_2975 : vector<16xf32>
      %ge3A_2977 = arith.constant 5.000000e-01 : f32
      %ge3A_2978 = vector.broadcast %ge3A_2977 : f32 to vector<16xf32>
      %ge3A_2979 = arith.cmpf oge, %div3A_2976, %ge3A_2978 : vector<16xf32>
      %jit3A_2980 = arith.constant -1.000000e+00 : f32
      %broadcast_in_dim3A_2981 = vector.broadcast %jit3A_2980 : f32 to vector<16xf32>
      %select_n3A_2982 = arith.select %ge3A_2979, %broadcast_in_dim3A_2981, %get3A_2957 : vector<16xi1>, vector<16xf32>
      %swap3A_2983 = arith.constant 832 : index
      %swap3A_2984 = tpu.vector_load %arg5[%swap3A_2983] {strides = array<i32>} : memref<1280xf32, #tpu.memory_space<vmem>>, vector<16xf32>,
      tpu.vector_store %arg5[%swap3A_2983], %select_n3A_2982 {strides = array<i32>} : memref<1280xf32, #tpu.memory_space<vmem>>, vector<16xf32>,
      %gt3A_2985 = arith.cmpf ogt, %select_n3A_2982, %select_n3A_2942 : vector<16xf32>
      %select_n3A_2986 = arith.select %gt3A_2985, %select_n3A_2982, %select_n3A_2942 : vector<16xi1>, vector<16xf32>
      %jit3A_2987 = arith.constant 52 : i32
      %broadcast_in_dim3A_2988 = vector.broadcast %jit3A_2987 : i32 to vector<16xi32>
      %select_n3A_2989 = arith.select %gt3A_2985, %broadcast_in_dim3A_2988, %select_n3A_2945 : vector<16xi1>, vector<16xi32>
      %get3A_2990 = arith.constant 848 : index
      %get3A_2991 = tpu.vector_load %arg4[%get3A_2990] {strides = array<i32>} : memref<5120xf32, #tpu.memory_space<vmem>>, vector<16xf32>,
      %get3A_2992 = arith.constant 2128 : index
      %get3A_2993 = tpu.vector_load %arg4[%get3A_2992] {strides = array<i32>} : memref<5120xf32, #tpu.memory_space<vmem>>, vector<16xf32>,
      %get3A_2994 = arith.constant 3408 : index
      %get3A_2995 = tpu.vector_load %arg4[%get3A_2994] {strides = array<i32>} : memref<5120xf32, #tpu.memory_space<vmem>>, vector<16xf32>,
      %get3A_2996 = arith.constant 4688 : index
      %get3A_2997 = tpu.vector_load %arg4[%get3A_2996] {strides = array<i32>} : memref<5120xf32, #tpu.memory_space<vmem>>, vector<16xf32>,
      %get3A_2998 = arith.constant 848 : index
      %get3A_2999 = tpu.vector_load %arg6[%get3A_2998] {strides = array<i32>} : memref<1280xf32, #tpu.memory_space<vmem>>, vector<16xf32>,
      %get3A_3000 = arith.constant 848 : index
      %get3A_3001 = tpu.vector_load %arg5[%get3A_3000] {strides = array<i32>} : memref<1280xf32, #tpu.memory_space<vmem>>, vector<16xf32>,
      %min3A_3002 = arith.minimumf %get3A_2995, %gather3A_640 : vector<16xf32>
      %max3A_3003 = arith.maximumf %get3A_2991, %gather3A_632 : vector<16xf32>
      %sub3A_3004 = arith.subf %min3A_3002, %max3A_3003 : vector<16xf32>
      %max3A_3005 = arith.constant 0.000000e+00 : f32
      %max3A_3006 = vector.broadcast %max3A_3005 : f32 to vector<16xf32>
      %max3A_3007 = arith.maximumf %sub3A_3004, %max3A_3006 : vector<16xf32>
      %min3A_3008 = arith.minimumf %get3A_2997, %gather3A_644 : vector<16xf32>
      %max3A_3009 = arith.maximumf %get3A_2993, %gather3A_636 : vector<16xf32>
      %sub3A_3010 = arith.subf %min3A_3008, %max3A_3009 : vector<16xf32>
      %max3A_3011 = arith.constant 0.000000e+00 : f32
      %max3A_3012 = vector.broadcast %max3A_3011 : f32 to vector<16xf32>
      %max3A_3013 = arith.maximumf %sub3A_3010, %max3A_3012 : vector<16xf32>
      %mul3A_3014 = arith.mulf %max3A_3007, %max3A_3013 : vector<16xf32>
      %add3A_3015 = arith.addf %mul3A_646, %get3A_2999 : vector<16xf32>
      %sub3A_3016 = arith.subf %add3A_3015, %mul3A_3014 : vector<16xf32>
      %add3A_3017 = arith.constant 9.99999997E-7 : f32
      %add3A_3018 = vector.broadcast %add3A_3017 : f32 to vector<16xf32>
      %add3A_3019 = arith.addf %sub3A_3016, %add3A_3018 : vector<16xf32>
      %div3A_3020 = arith.divf %mul3A_3014, %add3A_3019 : vector<16xf32>
      %ge3A_3021 = arith.constant 5.000000e-01 : f32
      %ge3A_3022 = vector.broadcast %ge3A_3021 : f32 to vector<16xf32>
      %ge3A_3023 = arith.cmpf oge, %div3A_3020, %ge3A_3022 : vector<16xf32>
      %jit3A_3024 = arith.constant -1.000000e+00 : f32
      %broadcast_in_dim3A_3025 = vector.broadcast %jit3A_3024 : f32 to vector<16xf32>
      %select_n3A_3026 = arith.select %ge3A_3023, %broadcast_in_dim3A_3025, %get3A_3001 : vector<16xi1>, vector<16xf32>
      %swap3A_3027 = arith.constant 848 : index
      %swap3A_3028 = tpu.vector_load %arg5[%swap3A_3027] {strides = array<i32>} : memref<1280xf32, #tpu.memory_space<vmem>>, vector<16xf32>,
      tpu.vector_store %arg5[%swap3A_3027], %select_n3A_3026 {strides = array<i32>} : memref<1280xf32, #tpu.memory_space<vmem>>, vector<16xf32>,
      %gt3A_3029 = arith.cmpf ogt, %select_n3A_3026, %select_n3A_2986 : vector<16xf32>
      %select_n3A_3030 = arith.select %gt3A_3029, %select_n3A_3026, %select_n3A_2986 : vector<16xi1>, vector<16xf32>
      %jit3A_3031 = arith.constant 53 : i32
      %broadcast_in_dim3A_3032 = vector.broadcast %jit3A_3031 : i32 to vector<16xi32>
      %select_n3A_3033 = arith.select %gt3A_3029, %broadcast_in_dim3A_3032, %select_n3A_2989 : vector<16xi1>, vector<16xi32>
      %get3A_3034 = arith.constant 864 : index
      %get3A_3035 = tpu.vector_load %arg4[%get3A_3034] {strides = array<i32>} : memref<5120xf32, #tpu.memory_space<vmem>>, vector<16xf32>,
      %get3A_3036 = arith.constant 2144 : index
      %get3A_3037 = tpu.vector_load %arg4[%get3A_3036] {strides = array<i32>} : memref<5120xf32, #tpu.memory_space<vmem>>, vector<16xf32>,
      %get3A_3038 = arith.constant 3424 : index
      %get3A_3039 = tpu.vector_load %arg4[%get3A_3038] {strides = array<i32>} : memref<5120xf32, #tpu.memory_space<vmem>>, vector<16xf32>,
      %get3A_3040 = arith.constant 4704 : index
      %get3A_3041 = tpu.vector_load %arg4[%get3A_3040] {strides = array<i32>} : memref<5120xf32, #tpu.memory_space<vmem>>, vector<16xf32>,
      %get3A_3042 = arith.constant 864 : index
      %get3A_3043 = tpu.vector_load %arg6[%get3A_3042] {strides = array<i32>} : memref<1280xf32, #tpu.memory_space<vmem>>, vector<16xf32>,
      %get3A_3044 = arith.constant 864 : index
      %get3A_3045 = tpu.vector_load %arg5[%get3A_3044] {strides = array<i32>} : memref<1280xf32, #tpu.memory_space<vmem>>, vector<16xf32>,
      %min3A_3046 = arith.minimumf %get3A_3039, %gather3A_640 : vector<16xf32>
      %max3A_3047 = arith.maximumf %get3A_3035, %gather3A_632 : vector<16xf32>
      %sub3A_3048 = arith.subf %min3A_3046, %max3A_3047 : vector<16xf32>
      %max3A_3049 = arith.constant 0.000000e+00 : f32
      %max3A_3050 = vector.broadcast %max3A_3049 : f32 to vector<16xf32>
      %max3A_3051 = arith.maximumf %sub3A_3048, %max3A_3050 : vector<16xf32>
      %min3A_3052 = arith.minimumf %get3A_3041, %gather3A_644 : vector<16xf32>
      %max3A_3053 = arith.maximumf %get3A_3037, %gather3A_636 : vector<16xf32>
      %sub3A_3054 = arith.subf %min3A_3052, %max3A_3053 : vector<16xf32>
      %max3A_3055 = arith.constant 0.000000e+00 : f32
      %max3A_3056 = vector.broadcast %max3A_3055 : f32 to vector<16xf32>
      %max3A_3057 = arith.maximumf %sub3A_3054, %max3A_3056 : vector<16xf32>
      %mul3A_3058 = arith.mulf %max3A_3051, %max3A_3057 : vector<16xf32>
      %add3A_3059 = arith.addf %mul3A_646, %get3A_3043 : vector<16xf32>
      %sub3A_3060 = arith.subf %add3A_3059, %mul3A_3058 : vector<16xf32>
      %add3A_3061 = arith.constant 9.99999997E-7 : f32
      %add3A_3062 = vector.broadcast %add3A_3061 : f32 to vector<16xf32>
      %add3A_3063 = arith.addf %sub3A_3060, %add3A_3062 : vector<16xf32>
      %div3A_3064 = arith.divf %mul3A_3058, %add3A_3063 : vector<16xf32>
      %ge3A_3065 = arith.constant 5.000000e-01 : f32
      %ge3A_3066 = vector.broadcast %ge3A_3065 : f32 to vector<16xf32>
      %ge3A_3067 = arith.cmpf oge, %div3A_3064, %ge3A_3066 : vector<16xf32>
      %jit3A_3068 = arith.constant -1.000000e+00 : f32
      %broadcast_in_dim3A_3069 = vector.broadcast %jit3A_3068 : f32 to vector<16xf32>
      %select_n3A_3070 = arith.select %ge3A_3067, %broadcast_in_dim3A_3069, %get3A_3045 : vector<16xi1>, vector<16xf32>
      %swap3A_3071 = arith.constant 864 : index
      %swap3A_3072 = tpu.vector_load %arg5[%swap3A_3071] {strides = array<i32>} : memref<1280xf32, #tpu.memory_space<vmem>>, vector<16xf32>,
      tpu.vector_store %arg5[%swap3A_3071], %select_n3A_3070 {strides = array<i32>} : memref<1280xf32, #tpu.memory_space<vmem>>, vector<16xf32>,
      %gt3A_3073 = arith.cmpf ogt, %select_n3A_3070, %select_n3A_3030 : vector<16xf32>
      %select_n3A_3074 = arith.select %gt3A_3073, %select_n3A_3070, %select_n3A_3030 : vector<16xi1>, vector<16xf32>
      %jit3A_3075 = arith.constant 54 : i32
      %broadcast_in_dim3A_3076 = vector.broadcast %jit3A_3075 : i32 to vector<16xi32>
      %select_n3A_3077 = arith.select %gt3A_3073, %broadcast_in_dim3A_3076, %select_n3A_3033 : vector<16xi1>, vector<16xi32>
      %get3A_3078 = arith.constant 880 : index
      %get3A_3079 = tpu.vector_load %arg4[%get3A_3078] {strides = array<i32>} : memref<5120xf32, #tpu.memory_space<vmem>>, vector<16xf32>,
      %get3A_3080 = arith.constant 2160 : index
      %get3A_3081 = tpu.vector_load %arg4[%get3A_3080] {strides = array<i32>} : memref<5120xf32, #tpu.memory_space<vmem>>, vector<16xf32>,
      %get3A_3082 = arith.constant 3440 : index
      %get3A_3083 = tpu.vector_load %arg4[%get3A_3082] {strides = array<i32>} : memref<5120xf32, #tpu.memory_space<vmem>>, vector<16xf32>,
      %get3A_3084 = arith.constant 4720 : index
      %get3A_3085 = tpu.vector_load %arg4[%get3A_3084] {strides = array<i32>} : memref<5120xf32, #tpu.memory_space<vmem>>, vector<16xf32>,
      %get3A_3086 = arith.constant 880 : index
      %get3A_3087 = tpu.vector_load %arg6[%get3A_3086] {strides = array<i32>} : memref<1280xf32, #tpu.memory_space<vmem>>, vector<16xf32>,
      %get3A_3088 = arith.constant 880 : index
      %get3A_3089 = tpu.vector_load %arg5[%get3A_3088] {strides = array<i32>} : memref<1280xf32, #tpu.memory_space<vmem>>, vector<16xf32>,
      %min3A_3090 = arith.minimumf %get3A_3083, %gather3A_640 : vector<16xf32>
      %max3A_3091 = arith.maximumf %get3A_3079, %gather3A_632 : vector<16xf32>
      %sub3A_3092 = arith.subf %min3A_3090, %max3A_3091 : vector<16xf32>
      %max3A_3093 = arith.constant 0.000000e+00 : f32
      %max3A_3094 = vector.broadcast %max3A_3093 : f32 to vector<16xf32>
      %max3A_3095 = arith.maximumf %sub3A_3092, %max3A_3094 : vector<16xf32>
      %min3A_3096 = arith.minimumf %get3A_3085, %gather3A_644 : vector<16xf32>
      %max3A_3097 = arith.maximumf %get3A_3081, %gather3A_636 : vector<16xf32>
      %sub3A_3098 = arith.subf %min3A_3096, %max3A_3097 : vector<16xf32>
      %max3A_3099 = arith.constant 0.000000e+00 : f32
      %max3A_3100 = vector.broadcast %max3A_3099 : f32 to vector<16xf32>
      %max3A_3101 = arith.maximumf %sub3A_3098, %max3A_3100 : vector<16xf32>
      %mul3A_3102 = arith.mulf %max3A_3095, %max3A_3101 : vector<16xf32>
      %add3A_3103 = arith.addf %mul3A_646, %get3A_3087 : vector<16xf32>
      %sub3A_3104 = arith.subf %add3A_3103, %mul3A_3102 : vector<16xf32>
      %add3A_3105 = arith.constant 9.99999997E-7 : f32
      %add3A_3106 = vector.broadcast %add3A_3105 : f32 to vector<16xf32>
      %add3A_3107 = arith.addf %sub3A_3104, %add3A_3106 : vector<16xf32>
      %div3A_3108 = arith.divf %mul3A_3102, %add3A_3107 : vector<16xf32>
      %ge3A_3109 = arith.constant 5.000000e-01 : f32
      %ge3A_3110 = vector.broadcast %ge3A_3109 : f32 to vector<16xf32>
      %ge3A_3111 = arith.cmpf oge, %div3A_3108, %ge3A_3110 : vector<16xf32>
      %jit3A_3112 = arith.constant -1.000000e+00 : f32
      %broadcast_in_dim3A_3113 = vector.broadcast %jit3A_3112 : f32 to vector<16xf32>
      %select_n3A_3114 = arith.select %ge3A_3111, %broadcast_in_dim3A_3113, %get3A_3089 : vector<16xi1>, vector<16xf32>
      %swap3A_3115 = arith.constant 880 : index
      %swap3A_3116 = tpu.vector_load %arg5[%swap3A_3115] {strides = array<i32>} : memref<1280xf32, #tpu.memory_space<vmem>>, vector<16xf32>,
      tpu.vector_store %arg5[%swap3A_3115], %select_n3A_3114 {strides = array<i32>} : memref<1280xf32, #tpu.memory_space<vmem>>, vector<16xf32>,
      %gt3A_3117 = arith.cmpf ogt, %select_n3A_3114, %select_n3A_3074 : vector<16xf32>
      %select_n3A_3118 = arith.select %gt3A_3117, %select_n3A_3114, %select_n3A_3074 : vector<16xi1>, vector<16xf32>
      %jit3A_3119 = arith.constant 55 : i32
      %broadcast_in_dim3A_3120 = vector.broadcast %jit3A_3119 : i32 to vector<16xi32>
      %select_n3A_3121 = arith.select %gt3A_3117, %broadcast_in_dim3A_3120, %select_n3A_3077 : vector<16xi1>, vector<16xi32>
      %get3A_3122 = arith.constant 896 : index
      %get3A_3123 = tpu.vector_load %arg4[%get3A_3122] {strides = array<i32>} : memref<5120xf32, #tpu.memory_space<vmem>>, vector<16xf32>,
      %get3A_3124 = arith.constant 2176 : index
      %get3A_3125 = tpu.vector_load %arg4[%get3A_3124] {strides = array<i32>} : memref<5120xf32, #tpu.memory_space<vmem>>, vector<16xf32>,
      %get3A_3126 = arith.constant 3456 : index
      %get3A_3127 = tpu.vector_load %arg4[%get3A_3126] {strides = array<i32>} : memref<5120xf32, #tpu.memory_space<vmem>>, vector<16xf32>,
      %get3A_3128 = arith.constant 4736 : index
      %get3A_3129 = tpu.vector_load %arg4[%get3A_3128] {strides = array<i32>} : memref<5120xf32, #tpu.memory_space<vmem>>, vector<16xf32>,
      %get3A_3130 = arith.constant 896 : index
      %get3A_3131 = tpu.vector_load %arg6[%get3A_3130] {strides = array<i32>} : memref<1280xf32, #tpu.memory_space<vmem>>, vector<16xf32>,
      %get3A_3132 = arith.constant 896 : index
      %get3A_3133 = tpu.vector_load %arg5[%get3A_3132] {strides = array<i32>} : memref<1280xf32, #tpu.memory_space<vmem>>, vector<16xf32>,
      %min3A_3134 = arith.minimumf %get3A_3127, %gather3A_640 : vector<16xf32>
      %max3A_3135 = arith.maximumf %get3A_3123, %gather3A_632 : vector<16xf32>
      %sub3A_3136 = arith.subf %min3A_3134, %max3A_3135 : vector<16xf32>
      %max3A_3137 = arith.constant 0.000000e+00 : f32
      %max3A_3138 = vector.broadcast %max3A_3137 : f32 to vector<16xf32>
      %max3A_3139 = arith.maximumf %sub3A_3136, %max3A_3138 : vector<16xf32>
      %min3A_3140 = arith.minimumf %get3A_3129, %gather3A_644 : vector<16xf32>
      %max3A_3141 = arith.maximumf %get3A_3125, %gather3A_636 : vector<16xf32>
      %sub3A_3142 = arith.subf %min3A_3140, %max3A_3141 : vector<16xf32>
      %max3A_3143 = arith.constant 0.000000e+00 : f32
      %max3A_3144 = vector.broadcast %max3A_3143 : f32 to vector<16xf32>
      %max3A_3145 = arith.maximumf %sub3A_3142, %max3A_3144 : vector<16xf32>
      %mul3A_3146 = arith.mulf %max3A_3139, %max3A_3145 : vector<16xf32>
      %add3A_3147 = arith.addf %mul3A_646, %get3A_3131 : vector<16xf32>
      %sub3A_3148 = arith.subf %add3A_3147, %mul3A_3146 : vector<16xf32>
      %add3A_3149 = arith.constant 9.99999997E-7 : f32
      %add3A_3150 = vector.broadcast %add3A_3149 : f32 to vector<16xf32>
      %add3A_3151 = arith.addf %sub3A_3148, %add3A_3150 : vector<16xf32>
      %div3A_3152 = arith.divf %mul3A_3146, %add3A_3151 : vector<16xf32>
      %ge3A_3153 = arith.constant 5.000000e-01 : f32
      %ge3A_3154 = vector.broadcast %ge3A_3153 : f32 to vector<16xf32>
      %ge3A_3155 = arith.cmpf oge, %div3A_3152, %ge3A_3154 : vector<16xf32>
      %jit3A_3156 = arith.constant -1.000000e+00 : f32
      %broadcast_in_dim3A_3157 = vector.broadcast %jit3A_3156 : f32 to vector<16xf32>
      %select_n3A_3158 = arith.select %ge3A_3155, %broadcast_in_dim3A_3157, %get3A_3133 : vector<16xi1>, vector<16xf32>
      %swap3A_3159 = arith.constant 896 : index
      %swap3A_3160 = tpu.vector_load %arg5[%swap3A_3159] {strides = array<i32>} : memref<1280xf32, #tpu.memory_space<vmem>>, vector<16xf32>,
      tpu.vector_store %arg5[%swap3A_3159], %select_n3A_3158 {strides = array<i32>} : memref<1280xf32, #tpu.memory_space<vmem>>, vector<16xf32>,
      %gt3A_3161 = arith.cmpf ogt, %select_n3A_3158, %select_n3A_3118 : vector<16xf32>
      %select_n3A_3162 = arith.select %gt3A_3161, %select_n3A_3158, %select_n3A_3118 : vector<16xi1>, vector<16xf32>
      %jit3A_3163 = arith.constant 56 : i32
      %broadcast_in_dim3A_3164 = vector.broadcast %jit3A_3163 : i32 to vector<16xi32>
      %select_n3A_3165 = arith.select %gt3A_3161, %broadcast_in_dim3A_3164, %select_n3A_3121 : vector<16xi1>, vector<16xi32>
      %get3A_3166 = arith.constant 912 : index
      %get3A_3167 = tpu.vector_load %arg4[%get3A_3166] {strides = array<i32>} : memref<5120xf32, #tpu.memory_space<vmem>>, vector<16xf32>,
      %get3A_3168 = arith.constant 2192 : index
      %get3A_3169 = tpu.vector_load %arg4[%get3A_3168] {strides = array<i32>} : memref<5120xf32, #tpu.memory_space<vmem>>, vector<16xf32>,
      %get3A_3170 = arith.constant 3472 : index
      %get3A_3171 = tpu.vector_load %arg4[%get3A_3170] {strides = array<i32>} : memref<5120xf32, #tpu.memory_space<vmem>>, vector<16xf32>,
      %get3A_3172 = arith.constant 4752 : index
      %get3A_3173 = tpu.vector_load %arg4[%get3A_3172] {strides = array<i32>} : memref<5120xf32, #tpu.memory_space<vmem>>, vector<16xf32>,
      %get3A_3174 = arith.constant 912 : index
      %get3A_3175 = tpu.vector_load %arg6[%get3A_3174] {strides = array<i32>} : memref<1280xf32, #tpu.memory_space<vmem>>, vector<16xf32>,
      %get3A_3176 = arith.constant 912 : index
      %get3A_3177 = tpu.vector_load %arg5[%get3A_3176] {strides = array<i32>} : memref<1280xf32, #tpu.memory_space<vmem>>, vector<16xf32>,
      %min3A_3178 = arith.minimumf %get3A_3171, %gather3A_640 : vector<16xf32>
      %max3A_3179 = arith.maximumf %get3A_3167, %gather3A_632 : vector<16xf32>
      %sub3A_3180 = arith.subf %min3A_3178, %max3A_3179 : vector<16xf32>
      %max3A_3181 = arith.constant 0.000000e+00 : f32
      %max3A_3182 = vector.broadcast %max3A_3181 : f32 to vector<16xf32>
      %max3A_3183 = arith.maximumf %sub3A_3180, %max3A_3182 : vector<16xf32>
      %min3A_3184 = arith.minimumf %get3A_3173, %gather3A_644 : vector<16xf32>
      %max3A_3185 = arith.maximumf %get3A_3169, %gather3A_636 : vector<16xf32>
      %sub3A_3186 = arith.subf %min3A_3184, %max3A_3185 : vector<16xf32>
      %max3A_3187 = arith.constant 0.000000e+00 : f32
      %max3A_3188 = vector.broadcast %max3A_3187 : f32 to vector<16xf32>
      %max3A_3189 = arith.maximumf %sub3A_3186, %max3A_3188 : vector<16xf32>
      %mul3A_3190 = arith.mulf %max3A_3183, %max3A_3189 : vector<16xf32>
      %add3A_3191 = arith.addf %mul3A_646, %get3A_3175 : vector<16xf32>
      %sub3A_3192 = arith.subf %add3A_3191, %mul3A_3190 : vector<16xf32>
      %add3A_3193 = arith.constant 9.99999997E-7 : f32
      %add3A_3194 = vector.broadcast %add3A_3193 : f32 to vector<16xf32>
      %add3A_3195 = arith.addf %sub3A_3192, %add3A_3194 : vector<16xf32>
      %div3A_3196 = arith.divf %mul3A_3190, %add3A_3195 : vector<16xf32>
      %ge3A_3197 = arith.constant 5.000000e-01 : f32
      %ge3A_3198 = vector.broadcast %ge3A_3197 : f32 to vector<16xf32>
      %ge3A_3199 = arith.cmpf oge, %div3A_3196, %ge3A_3198 : vector<16xf32>
      %jit3A_3200 = arith.constant -1.000000e+00 : f32
      %broadcast_in_dim3A_3201 = vector.broadcast %jit3A_3200 : f32 to vector<16xf32>
      %select_n3A_3202 = arith.select %ge3A_3199, %broadcast_in_dim3A_3201, %get3A_3177 : vector<16xi1>, vector<16xf32>
      %swap3A_3203 = arith.constant 912 : index
      %swap3A_3204 = tpu.vector_load %arg5[%swap3A_3203] {strides = array<i32>} : memref<1280xf32, #tpu.memory_space<vmem>>, vector<16xf32>,
      tpu.vector_store %arg5[%swap3A_3203], %select_n3A_3202 {strides = array<i32>} : memref<1280xf32, #tpu.memory_space<vmem>>, vector<16xf32>,
      %gt3A_3205 = arith.cmpf ogt, %select_n3A_3202, %select_n3A_3162 : vector<16xf32>
      %select_n3A_3206 = arith.select %gt3A_3205, %select_n3A_3202, %select_n3A_3162 : vector<16xi1>, vector<16xf32>
      %jit3A_3207 = arith.constant 57 : i32
      %broadcast_in_dim3A_3208 = vector.broadcast %jit3A_3207 : i32 to vector<16xi32>
      %select_n3A_3209 = arith.select %gt3A_3205, %broadcast_in_dim3A_3208, %select_n3A_3165 : vector<16xi1>, vector<16xi32>
      %get3A_3210 = arith.constant 928 : index
      %get3A_3211 = tpu.vector_load %arg4[%get3A_3210] {strides = array<i32>} : memref<5120xf32, #tpu.memory_space<vmem>>, vector<16xf32>,
      %get3A_3212 = arith.constant 2208 : index
      %get3A_3213 = tpu.vector_load %arg4[%get3A_3212] {strides = array<i32>} : memref<5120xf32, #tpu.memory_space<vmem>>, vector<16xf32>,
      %get3A_3214 = arith.constant 3488 : index
      %get3A_3215 = tpu.vector_load %arg4[%get3A_3214] {strides = array<i32>} : memref<5120xf32, #tpu.memory_space<vmem>>, vector<16xf32>,
      %get3A_3216 = arith.constant 4768 : index
      %get3A_3217 = tpu.vector_load %arg4[%get3A_3216] {strides = array<i32>} : memref<5120xf32, #tpu.memory_space<vmem>>, vector<16xf32>,
      %get3A_3218 = arith.constant 928 : index
      %get3A_3219 = tpu.vector_load %arg6[%get3A_3218] {strides = array<i32>} : memref<1280xf32, #tpu.memory_space<vmem>>, vector<16xf32>,
      %get3A_3220 = arith.constant 928 : index
      %get3A_3221 = tpu.vector_load %arg5[%get3A_3220] {strides = array<i32>} : memref<1280xf32, #tpu.memory_space<vmem>>, vector<16xf32>,
      %min3A_3222 = arith.minimumf %get3A_3215, %gather3A_640 : vector<16xf32>
      %max3A_3223 = arith.maximumf %get3A_3211, %gather3A_632 : vector<16xf32>
      %sub3A_3224 = arith.subf %min3A_3222, %max3A_3223 : vector<16xf32>
      %max3A_3225 = arith.constant 0.000000e+00 : f32
      %max3A_3226 = vector.broadcast %max3A_3225 : f32 to vector<16xf32>
      %max3A_3227 = arith.maximumf %sub3A_3224, %max3A_3226 : vector<16xf32>
      %min3A_3228 = arith.minimumf %get3A_3217, %gather3A_644 : vector<16xf32>
      %max3A_3229 = arith.maximumf %get3A_3213, %gather3A_636 : vector<16xf32>
      %sub3A_3230 = arith.subf %min3A_3228, %max3A_3229 : vector<16xf32>
      %max3A_3231 = arith.constant 0.000000e+00 : f32
      %max3A_3232 = vector.broadcast %max3A_3231 : f32 to vector<16xf32>
      %max3A_3233 = arith.maximumf %sub3A_3230, %max3A_3232 : vector<16xf32>
      %mul3A_3234 = arith.mulf %max3A_3227, %max3A_3233 : vector<16xf32>
      %add3A_3235 = arith.addf %mul3A_646, %get3A_3219 : vector<16xf32>
      %sub3A_3236 = arith.subf %add3A_3235, %mul3A_3234 : vector<16xf32>
      %add3A_3237 = arith.constant 9.99999997E-7 : f32
      %add3A_3238 = vector.broadcast %add3A_3237 : f32 to vector<16xf32>
      %add3A_3239 = arith.addf %sub3A_3236, %add3A_3238 : vector<16xf32>
      %div3A_3240 = arith.divf %mul3A_3234, %add3A_3239 : vector<16xf32>
      %ge3A_3241 = arith.constant 5.000000e-01 : f32
      %ge3A_3242 = vector.broadcast %ge3A_3241 : f32 to vector<16xf32>
      %ge3A_3243 = arith.cmpf oge, %div3A_3240, %ge3A_3242 : vector<16xf32>
      %jit3A_3244 = arith.constant -1.000000e+00 : f32
      %broadcast_in_dim3A_3245 = vector.broadcast %jit3A_3244 : f32 to vector<16xf32>
      %select_n3A_3246 = arith.select %ge3A_3243, %broadcast_in_dim3A_3245, %get3A_3221 : vector<16xi1>, vector<16xf32>
      %swap3A_3247 = arith.constant 928 : index
      %swap3A_3248 = tpu.vector_load %arg5[%swap3A_3247] {strides = array<i32>} : memref<1280xf32, #tpu.memory_space<vmem>>, vector<16xf32>,
      tpu.vector_store %arg5[%swap3A_3247], %select_n3A_3246 {strides = array<i32>} : memref<1280xf32, #tpu.memory_space<vmem>>, vector<16xf32>,
      %gt3A_3249 = arith.cmpf ogt, %select_n3A_3246, %select_n3A_3206 : vector<16xf32>
      %select_n3A_3250 = arith.select %gt3A_3249, %select_n3A_3246, %select_n3A_3206 : vector<16xi1>, vector<16xf32>
      %jit3A_3251 = arith.constant 58 : i32
      %broadcast_in_dim3A_3252 = vector.broadcast %jit3A_3251 : i32 to vector<16xi32>
      %select_n3A_3253 = arith.select %gt3A_3249, %broadcast_in_dim3A_3252, %select_n3A_3209 : vector<16xi1>, vector<16xi32>
      %get3A_3254 = arith.constant 944 : index
      %get3A_3255 = tpu.vector_load %arg4[%get3A_3254] {strides = array<i32>} : memref<5120xf32, #tpu.memory_space<vmem>>, vector<16xf32>,
      %get3A_3256 = arith.constant 2224 : index
      %get3A_3257 = tpu.vector_load %arg4[%get3A_3256] {strides = array<i32>} : memref<5120xf32, #tpu.memory_space<vmem>>, vector<16xf32>,
      %get3A_3258 = arith.constant 3504 : index
      %get3A_3259 = tpu.vector_load %arg4[%get3A_3258] {strides = array<i32>} : memref<5120xf32, #tpu.memory_space<vmem>>, vector<16xf32>,
      %get3A_3260 = arith.constant 4784 : index
      %get3A_3261 = tpu.vector_load %arg4[%get3A_3260] {strides = array<i32>} : memref<5120xf32, #tpu.memory_space<vmem>>, vector<16xf32>,
      %get3A_3262 = arith.constant 944 : index
      %get3A_3263 = tpu.vector_load %arg6[%get3A_3262] {strides = array<i32>} : memref<1280xf32, #tpu.memory_space<vmem>>, vector<16xf32>,
      %get3A_3264 = arith.constant 944 : index
      %get3A_3265 = tpu.vector_load %arg5[%get3A_3264] {strides = array<i32>} : memref<1280xf32, #tpu.memory_space<vmem>>, vector<16xf32>,
      %min3A_3266 = arith.minimumf %get3A_3259, %gather3A_640 : vector<16xf32>
      %max3A_3267 = arith.maximumf %get3A_3255, %gather3A_632 : vector<16xf32>
      %sub3A_3268 = arith.subf %min3A_3266, %max3A_3267 : vector<16xf32>
      %max3A_3269 = arith.constant 0.000000e+00 : f32
      %max3A_3270 = vector.broadcast %max3A_3269 : f32 to vector<16xf32>
      %max3A_3271 = arith.maximumf %sub3A_3268, %max3A_3270 : vector<16xf32>
      %min3A_3272 = arith.minimumf %get3A_3261, %gather3A_644 : vector<16xf32>
      %max3A_3273 = arith.maximumf %get3A_3257, %gather3A_636 : vector<16xf32>
      %sub3A_3274 = arith.subf %min3A_3272, %max3A_3273 : vector<16xf32>
      %max3A_3275 = arith.constant 0.000000e+00 : f32
      %max3A_3276 = vector.broadcast %max3A_3275 : f32 to vector<16xf32>
      %max3A_3277 = arith.maximumf %sub3A_3274, %max3A_3276 : vector<16xf32>
      %mul3A_3278 = arith.mulf %max3A_3271, %max3A_3277 : vector<16xf32>
      %add3A_3279 = arith.addf %mul3A_646, %get3A_3263 : vector<16xf32>
      %sub3A_3280 = arith.subf %add3A_3279, %mul3A_3278 : vector<16xf32>
      %add3A_3281 = arith.constant 9.99999997E-7 : f32
      %add3A_3282 = vector.broadcast %add3A_3281 : f32 to vector<16xf32>
      %add3A_3283 = arith.addf %sub3A_3280, %add3A_3282 : vector<16xf32>
      %div3A_3284 = arith.divf %mul3A_3278, %add3A_3283 : vector<16xf32>
      %ge3A_3285 = arith.constant 5.000000e-01 : f32
      %ge3A_3286 = vector.broadcast %ge3A_3285 : f32 to vector<16xf32>
      %ge3A_3287 = arith.cmpf oge, %div3A_3284, %ge3A_3286 : vector<16xf32>
      %jit3A_3288 = arith.constant -1.000000e+00 : f32
      %broadcast_in_dim3A_3289 = vector.broadcast %jit3A_3288 : f32 to vector<16xf32>
      %select_n3A_3290 = arith.select %ge3A_3287, %broadcast_in_dim3A_3289, %get3A_3265 : vector<16xi1>, vector<16xf32>
      %swap3A_3291 = arith.constant 944 : index
      %swap3A_3292 = tpu.vector_load %arg5[%swap3A_3291] {strides = array<i32>} : memref<1280xf32, #tpu.memory_space<vmem>>, vector<16xf32>,
      tpu.vector_store %arg5[%swap3A_3291], %select_n3A_3290 {strides = array<i32>} : memref<1280xf32, #tpu.memory_space<vmem>>, vector<16xf32>,
      %gt3A_3293 = arith.cmpf ogt, %select_n3A_3290, %select_n3A_3250 : vector<16xf32>
      %select_n3A_3294 = arith.select %gt3A_3293, %select_n3A_3290, %select_n3A_3250 : vector<16xi1>, vector<16xf32>
      %jit3A_3295 = arith.constant 59 : i32
      %broadcast_in_dim3A_3296 = vector.broadcast %jit3A_3295 : i32 to vector<16xi32>
      %select_n3A_3297 = arith.select %gt3A_3293, %broadcast_in_dim3A_3296, %select_n3A_3253 : vector<16xi1>, vector<16xi32>
      %get3A_3298 = arith.constant 960 : index
      %get3A_3299 = tpu.vector_load %arg4[%get3A_3298] {strides = array<i32>} : memref<5120xf32, #tpu.memory_space<vmem>>, vector<16xf32>,
      %get3A_3300 = arith.constant 2240 : index
      %get3A_3301 = tpu.vector_load %arg4[%get3A_3300] {strides = array<i32>} : memref<5120xf32, #tpu.memory_space<vmem>>, vector<16xf32>,
      %get3A_3302 = arith.constant 3520 : index
      %get3A_3303 = tpu.vector_load %arg4[%get3A_3302] {strides = array<i32>} : memref<5120xf32, #tpu.memory_space<vmem>>, vector<16xf32>,
      %get3A_3304 = arith.constant 4800 : index
      %get3A_3305 = tpu.vector_load %arg4[%get3A_3304] {strides = array<i32>} : memref<5120xf32, #tpu.memory_space<vmem>>, vector<16xf32>,
      %get3A_3306 = arith.constant 960 : index
      %get3A_3307 = tpu.vector_load %arg6[%get3A_3306] {strides = array<i32>} : memref<1280xf32, #tpu.memory_space<vmem>>, vector<16xf32>,
      %get3A_3308 = arith.constant 960 : index
      %get3A_3309 = tpu.vector_load %arg5[%get3A_3308] {strides = array<i32>} : memref<1280xf32, #tpu.memory_space<vmem>>, vector<16xf32>,
      %min3A_3310 = arith.minimumf %get3A_3303, %gather3A_640 : vector<16xf32>
      %max3A_3311 = arith.maximumf %get3A_3299, %gather3A_632 : vector<16xf32>
      %sub3A_3312 = arith.subf %min3A_3310, %max3A_3311 : vector<16xf32>
      %max3A_3313 = arith.constant 0.000000e+00 : f32
      %max3A_3314 = vector.broadcast %max3A_3313 : f32 to vector<16xf32>
      %max3A_3315 = arith.maximumf %sub3A_3312, %max3A_3314 : vector<16xf32>
      %min3A_3316 = arith.minimumf %get3A_3305, %gather3A_644 : vector<16xf32>
      %max3A_3317 = arith.maximumf %get3A_3301, %gather3A_636 : vector<16xf32>
      %sub3A_3318 = arith.subf %min3A_3316, %max3A_3317 : vector<16xf32>
      %max3A_3319 = arith.constant 0.000000e+00 : f32
      %max3A_3320 = vector.broadcast %max3A_3319 : f32 to vector<16xf32>
      %max3A_3321 = arith.maximumf %sub3A_3318, %max3A_3320 : vector<16xf32>
      %mul3A_3322 = arith.mulf %max3A_3315, %max3A_3321 : vector<16xf32>
      %add3A_3323 = arith.addf %mul3A_646, %get3A_3307 : vector<16xf32>
      %sub3A_3324 = arith.subf %add3A_3323, %mul3A_3322 : vector<16xf32>
      %add3A_3325 = arith.constant 9.99999997E-7 : f32
      %add3A_3326 = vector.broadcast %add3A_3325 : f32 to vector<16xf32>
      %add3A_3327 = arith.addf %sub3A_3324, %add3A_3326 : vector<16xf32>
      %div3A_3328 = arith.divf %mul3A_3322, %add3A_3327 : vector<16xf32>
      %ge3A_3329 = arith.constant 5.000000e-01 : f32
      %ge3A_3330 = vector.broadcast %ge3A_3329 : f32 to vector<16xf32>
      %ge3A_3331 = arith.cmpf oge, %div3A_3328, %ge3A_3330 : vector<16xf32>
      %jit3A_3332 = arith.constant -1.000000e+00 : f32
      %broadcast_in_dim3A_3333 = vector.broadcast %jit3A_3332 : f32 to vector<16xf32>
      %select_n3A_3334 = arith.select %ge3A_3331, %broadcast_in_dim3A_3333, %get3A_3309 : vector<16xi1>, vector<16xf32>
      %swap3A_3335 = arith.constant 960 : index
      %swap3A_3336 = tpu.vector_load %arg5[%swap3A_3335] {strides = array<i32>} : memref<1280xf32, #tpu.memory_space<vmem>>, vector<16xf32>,
      tpu.vector_store %arg5[%swap3A_3335], %select_n3A_3334 {strides = array<i32>} : memref<1280xf32, #tpu.memory_space<vmem>>, vector<16xf32>,
      %gt3A_3337 = arith.cmpf ogt, %select_n3A_3334, %select_n3A_3294 : vector<16xf32>
      %select_n3A_3338 = arith.select %gt3A_3337, %select_n3A_3334, %select_n3A_3294 : vector<16xi1>, vector<16xf32>
      %jit3A_3339 = arith.constant 60 : i32
      %broadcast_in_dim3A_3340 = vector.broadcast %jit3A_3339 : i32 to vector<16xi32>
      %select_n3A_3341 = arith.select %gt3A_3337, %broadcast_in_dim3A_3340, %select_n3A_3297 : vector<16xi1>, vector<16xi32>
      %get3A_3342 = arith.constant 976 : index
      %get3A_3343 = tpu.vector_load %arg4[%get3A_3342] {strides = array<i32>} : memref<5120xf32, #tpu.memory_space<vmem>>, vector<16xf32>,
      %get3A_3344 = arith.constant 2256 : index
      %get3A_3345 = tpu.vector_load %arg4[%get3A_3344] {strides = array<i32>} : memref<5120xf32, #tpu.memory_space<vmem>>, vector<16xf32>,
      %get3A_3346 = arith.constant 3536 : index
      %get3A_3347 = tpu.vector_load %arg4[%get3A_3346] {strides = array<i32>} : memref<5120xf32, #tpu.memory_space<vmem>>, vector<16xf32>,
      %get3A_3348 = arith.constant 4816 : index
      %get3A_3349 = tpu.vector_load %arg4[%get3A_3348] {strides = array<i32>} : memref<5120xf32, #tpu.memory_space<vmem>>, vector<16xf32>,
      %get3A_3350 = arith.constant 976 : index
      %get3A_3351 = tpu.vector_load %arg6[%get3A_3350] {strides = array<i32>} : memref<1280xf32, #tpu.memory_space<vmem>>, vector<16xf32>,
      %get3A_3352 = arith.constant 976 : index
      %get3A_3353 = tpu.vector_load %arg5[%get3A_3352] {strides = array<i32>} : memref<1280xf32, #tpu.memory_space<vmem>>, vector<16xf32>,
      %min3A_3354 = arith.minimumf %get3A_3347, %gather3A_640 : vector<16xf32>
      %max3A_3355 = arith.maximumf %get3A_3343, %gather3A_632 : vector<16xf32>
      %sub3A_3356 = arith.subf %min3A_3354, %max3A_3355 : vector<16xf32>
      %max3A_3357 = arith.constant 0.000000e+00 : f32
      %max3A_3358 = vector.broadcast %max3A_3357 : f32 to vector<16xf32>
      %max3A_3359 = arith.maximumf %sub3A_3356, %max3A_3358 : vector<16xf32>
      %min3A_3360 = arith.minimumf %get3A_3349, %gather3A_644 : vector<16xf32>
      %max3A_3361 = arith.maximumf %get3A_3345, %gather3A_636 : vector<16xf32>
      %sub3A_3362 = arith.subf %min3A_3360, %max3A_3361 : vector<16xf32>
      %max3A_3363 = arith.constant 0.000000e+00 : f32
      %max3A_3364 = vector.broadcast %max3A_3363 : f32 to vector<16xf32>
      %max3A_3365 = arith.maximumf %sub3A_3362, %max3A_3364 : vector<16xf32>
      %mul3A_3366 = arith.mulf %max3A_3359, %max3A_3365 : vector<16xf32>
      %add3A_3367 = arith.addf %mul3A_646, %get3A_3351 : vector<16xf32>
      %sub3A_3368 = arith.subf %add3A_3367, %mul3A_3366 : vector<16xf32>
      %add3A_3369 = arith.constant 9.99999997E-7 : f32
      %add3A_3370 = vector.broadcast %add3A_3369 : f32 to vector<16xf32>
      %add3A_3371 = arith.addf %sub3A_3368, %add3A_3370 : vector<16xf32>
      %div3A_3372 = arith.divf %mul3A_3366, %add3A_3371 : vector<16xf32>
      %ge3A_3373 = arith.constant 5.000000e-01 : f32
      %ge3A_3374 = vector.broadcast %ge3A_3373 : f32 to vector<16xf32>
      %ge3A_3375 = arith.cmpf oge, %div3A_3372, %ge3A_3374 : vector<16xf32>
      %jit3A_3376 = arith.constant -1.000000e+00 : f32
      %broadcast_in_dim3A_3377 = vector.broadcast %jit3A_3376 : f32 to vector<16xf32>
      %select_n3A_3378 = arith.select %ge3A_3375, %broadcast_in_dim3A_3377, %get3A_3353 : vector<16xi1>, vector<16xf32>
      %swap3A_3379 = arith.constant 976 : index
      %swap3A_3380 = tpu.vector_load %arg5[%swap3A_3379] {strides = array<i32>} : memref<1280xf32, #tpu.memory_space<vmem>>, vector<16xf32>,
      tpu.vector_store %arg5[%swap3A_3379], %select_n3A_3378 {strides = array<i32>} : memref<1280xf32, #tpu.memory_space<vmem>>, vector<16xf32>,
      %gt3A_3381 = arith.cmpf ogt, %select_n3A_3378, %select_n3A_3338 : vector<16xf32>
      %select_n3A_3382 = arith.select %gt3A_3381, %select_n3A_3378, %select_n3A_3338 : vector<16xi1>, vector<16xf32>
      %jit3A_3383 = arith.constant 61 : i32
      %broadcast_in_dim3A_3384 = vector.broadcast %jit3A_3383 : i32 to vector<16xi32>
      %select_n3A_3385 = arith.select %gt3A_3381, %broadcast_in_dim3A_3384, %select_n3A_3341 : vector<16xi1>, vector<16xi32>
      %get3A_3386 = arith.constant 992 : index
      %get3A_3387 = tpu.vector_load %arg4[%get3A_3386] {strides = array<i32>} : memref<5120xf32, #tpu.memory_space<vmem>>, vector<16xf32>,
      %get3A_3388 = arith.constant 2272 : index
      %get3A_3389 = tpu.vector_load %arg4[%get3A_3388] {strides = array<i32>} : memref<5120xf32, #tpu.memory_space<vmem>>, vector<16xf32>,
      %get3A_3390 = arith.constant 3552 : index
      %get3A_3391 = tpu.vector_load %arg4[%get3A_3390] {strides = array<i32>} : memref<5120xf32, #tpu.memory_space<vmem>>, vector<16xf32>,
      %get3A_3392 = arith.constant 4832 : index
      %get3A_3393 = tpu.vector_load %arg4[%get3A_3392] {strides = array<i32>} : memref<5120xf32, #tpu.memory_space<vmem>>, vector<16xf32>,
      %get3A_3394 = arith.constant 992 : index
      %get3A_3395 = tpu.vector_load %arg6[%get3A_3394] {strides = array<i32>} : memref<1280xf32, #tpu.memory_space<vmem>>, vector<16xf32>,
      %get3A_3396 = arith.constant 992 : index
      %get3A_3397 = tpu.vector_load %arg5[%get3A_3396] {strides = array<i32>} : memref<1280xf32, #tpu.memory_space<vmem>>, vector<16xf32>,
      %min3A_3398 = arith.minimumf %get3A_3391, %gather3A_640 : vector<16xf32>
      %max3A_3399 = arith.maximumf %get3A_3387, %gather3A_632 : vector<16xf32>
      %sub3A_3400 = arith.subf %min3A_3398, %max3A_3399 : vector<16xf32>
      %max3A_3401 = arith.constant 0.000000e+00 : f32
      %max3A_3402 = vector.broadcast %max3A_3401 : f32 to vector<16xf32>
      %max3A_3403 = arith.maximumf %sub3A_3400, %max3A_3402 : vector<16xf32>
      %min3A_3404 = arith.minimumf %get3A_3393, %gather3A_644 : vector<16xf32>
      %max3A_3405 = arith.maximumf %get3A_3389, %gather3A_636 : vector<16xf32>
      %sub3A_3406 = arith.subf %min3A_3404, %max3A_3405 : vector<16xf32>
      %max3A_3407 = arith.constant 0.000000e+00 : f32
      %max3A_3408 = vector.broadcast %max3A_3407 : f32 to vector<16xf32>
      %max3A_3409 = arith.maximumf %sub3A_3406, %max3A_3408 : vector<16xf32>
      %mul3A_3410 = arith.mulf %max3A_3403, %max3A_3409 : vector<16xf32>
      %add3A_3411 = arith.addf %mul3A_646, %get3A_3395 : vector<16xf32>
      %sub3A_3412 = arith.subf %add3A_3411, %mul3A_3410 : vector<16xf32>
      %add3A_3413 = arith.constant 9.99999997E-7 : f32
      %add3A_3414 = vector.broadcast %add3A_3413 : f32 to vector<16xf32>
      %add3A_3415 = arith.addf %sub3A_3412, %add3A_3414 : vector<16xf32>
      %div3A_3416 = arith.divf %mul3A_3410, %add3A_3415 : vector<16xf32>
      %ge3A_3417 = arith.constant 5.000000e-01 : f32
      %ge3A_3418 = vector.broadcast %ge3A_3417 : f32 to vector<16xf32>
      %ge3A_3419 = arith.cmpf oge, %div3A_3416, %ge3A_3418 : vector<16xf32>
      %jit3A_3420 = arith.constant -1.000000e+00 : f32
      %broadcast_in_dim3A_3421 = vector.broadcast %jit3A_3420 : f32 to vector<16xf32>
      %select_n3A_3422 = arith.select %ge3A_3419, %broadcast_in_dim3A_3421, %get3A_3397 : vector<16xi1>, vector<16xf32>
      %swap3A_3423 = arith.constant 992 : index
      %swap3A_3424 = tpu.vector_load %arg5[%swap3A_3423] {strides = array<i32>} : memref<1280xf32, #tpu.memory_space<vmem>>, vector<16xf32>,
      tpu.vector_store %arg5[%swap3A_3423], %select_n3A_3422 {strides = array<i32>} : memref<1280xf32, #tpu.memory_space<vmem>>, vector<16xf32>,
      %gt3A_3425 = arith.cmpf ogt, %select_n3A_3422, %select_n3A_3382 : vector<16xf32>
      %select_n3A_3426 = arith.select %gt3A_3425, %select_n3A_3422, %select_n3A_3382 : vector<16xi1>, vector<16xf32>
      %jit3A_3427 = arith.constant 62 : i32
      %broadcast_in_dim3A_3428 = vector.broadcast %jit3A_3427 : i32 to vector<16xi32>
      %select_n3A_3429 = arith.select %gt3A_3425, %broadcast_in_dim3A_3428, %select_n3A_3385 : vector<16xi1>, vector<16xi32>
      %get3A_3430 = arith.constant 1008 : index
      %get3A_3431 = tpu.vector_load %arg4[%get3A_3430] {strides = array<i32>} : memref<5120xf32, #tpu.memory_space<vmem>>, vector<16xf32>,
      %get3A_3432 = arith.constant 2288 : index
      %get3A_3433 = tpu.vector_load %arg4[%get3A_3432] {strides = array<i32>} : memref<5120xf32, #tpu.memory_space<vmem>>, vector<16xf32>,
      %get3A_3434 = arith.constant 3568 : index
      %get3A_3435 = tpu.vector_load %arg4[%get3A_3434] {strides = array<i32>} : memref<5120xf32, #tpu.memory_space<vmem>>, vector<16xf32>,
      %get3A_3436 = arith.constant 4848 : index
      %get3A_3437 = tpu.vector_load %arg4[%get3A_3436] {strides = array<i32>} : memref<5120xf32, #tpu.memory_space<vmem>>, vector<16xf32>,
      %get3A_3438 = arith.constant 1008 : index
      %get3A_3439 = tpu.vector_load %arg6[%get3A_3438] {strides = array<i32>} : memref<1280xf32, #tpu.memory_space<vmem>>, vector<16xf32>,
      %get3A_3440 = arith.constant 1008 : index
      %get3A_3441 = tpu.vector_load %arg5[%get3A_3440] {strides = array<i32>} : memref<1280xf32, #tpu.memory_space<vmem>>, vector<16xf32>,
      %min3A_3442 = arith.minimumf %get3A_3435, %gather3A_640 : vector<16xf32>
      %max3A_3443 = arith.maximumf %get3A_3431, %gather3A_632 : vector<16xf32>
      %sub3A_3444 = arith.subf %min3A_3442, %max3A_3443 : vector<16xf32>
      %max3A_3445 = arith.constant 0.000000e+00 : f32
      %max3A_3446 = vector.broadcast %max3A_3445 : f32 to vector<16xf32>
      %max3A_3447 = arith.maximumf %sub3A_3444, %max3A_3446 : vector<16xf32>
      %min3A_3448 = arith.minimumf %get3A_3437, %gather3A_644 : vector<16xf32>
      %max3A_3449 = arith.maximumf %get3A_3433, %gather3A_636 : vector<16xf32>
      %sub3A_3450 = arith.subf %min3A_3448, %max3A_3449 : vector<16xf32>
      %max3A_3451 = arith.constant 0.000000e+00 : f32
      %max3A_3452 = vector.broadcast %max3A_3451 : f32 to vector<16xf32>
      %max3A_3453 = arith.maximumf %sub3A_3450, %max3A_3452 : vector<16xf32>
      %mul3A_3454 = arith.mulf %max3A_3447, %max3A_3453 : vector<16xf32>
      %add3A_3455 = arith.addf %mul3A_646, %get3A_3439 : vector<16xf32>
      %sub3A_3456 = arith.subf %add3A_3455, %mul3A_3454 : vector<16xf32>
      %add3A_3457 = arith.constant 9.99999997E-7 : f32
      %add3A_3458 = vector.broadcast %add3A_3457 : f32 to vector<16xf32>
      %add3A_3459 = arith.addf %sub3A_3456, %add3A_3458 : vector<16xf32>
      %div3A_3460 = arith.divf %mul3A_3454, %add3A_3459 : vector<16xf32>
      %ge3A_3461 = arith.constant 5.000000e-01 : f32
      %ge3A_3462 = vector.broadcast %ge3A_3461 : f32 to vector<16xf32>
      %ge3A_3463 = arith.cmpf oge, %div3A_3460, %ge3A_3462 : vector<16xf32>
      %jit3A_3464 = arith.constant -1.000000e+00 : f32
      %broadcast_in_dim3A_3465 = vector.broadcast %jit3A_3464 : f32 to vector<16xf32>
      %select_n3A_3466 = arith.select %ge3A_3463, %broadcast_in_dim3A_3465, %get3A_3441 : vector<16xi1>, vector<16xf32>
      %swap3A_3467 = arith.constant 1008 : index
      %swap3A_3468 = tpu.vector_load %arg5[%swap3A_3467] {strides = array<i32>} : memref<1280xf32, #tpu.memory_space<vmem>>, vector<16xf32>,
      tpu.vector_store %arg5[%swap3A_3467], %select_n3A_3466 {strides = array<i32>} : memref<1280xf32, #tpu.memory_space<vmem>>, vector<16xf32>,
      %gt3A_3469 = arith.cmpf ogt, %select_n3A_3466, %select_n3A_3426 : vector<16xf32>
      %select_n3A_3470 = arith.select %gt3A_3469, %select_n3A_3466, %select_n3A_3426 : vector<16xi1>, vector<16xf32>
      %jit3A_3471 = arith.constant 63 : i32
      %broadcast_in_dim3A_3472 = vector.broadcast %jit3A_3471 : i32 to vector<16xi32>
      %select_n3A_3473 = arith.select %gt3A_3469, %broadcast_in_dim3A_3472, %select_n3A_3429 : vector<16xi1>, vector<16xi32>
      %get3A_3474 = arith.constant 1024 : index
      %get3A_3475 = tpu.vector_load %arg4[%get3A_3474] {strides = array<i32>} : memref<5120xf32, #tpu.memory_space<vmem>>, vector<16xf32>,
      %get3A_3476 = arith.constant 2304 : index
      %get3A_3477 = tpu.vector_load %arg4[%get3A_3476] {strides = array<i32>} : memref<5120xf32, #tpu.memory_space<vmem>>, vector<16xf32>,
      %get3A_3478 = arith.constant 3584 : index
      %get3A_3479 = tpu.vector_load %arg4[%get3A_3478] {strides = array<i32>} : memref<5120xf32, #tpu.memory_space<vmem>>, vector<16xf32>,
      %get3A_3480 = arith.constant 4864 : index
      %get3A_3481 = tpu.vector_load %arg4[%get3A_3480] {strides = array<i32>} : memref<5120xf32, #tpu.memory_space<vmem>>, vector<16xf32>,
      %get3A_3482 = arith.constant 1024 : index
      %get3A_3483 = tpu.vector_load %arg6[%get3A_3482] {strides = array<i32>} : memref<1280xf32, #tpu.memory_space<vmem>>, vector<16xf32>,
      %get3A_3484 = arith.constant 1024 : index
      %get3A_3485 = tpu.vector_load %arg5[%get3A_3484] {strides = array<i32>} : memref<1280xf32, #tpu.memory_space<vmem>>, vector<16xf32>,
      %min3A_3486 = arith.minimumf %get3A_3479, %gather3A_640 : vector<16xf32>
      %max3A_3487 = arith.maximumf %get3A_3475, %gather3A_632 : vector<16xf32>
      %sub3A_3488 = arith.subf %min3A_3486, %max3A_3487 : vector<16xf32>
      %max3A_3489 = arith.constant 0.000000e+00 : f32
      %max3A_3490 = vector.broadcast %max3A_3489 : f32 to vector<16xf32>
      %max3A_3491 = arith.maximumf %sub3A_3488, %max3A_3490 : vector<16xf32>
      %min3A_3492 = arith.minimumf %get3A_3481, %gather3A_644 : vector<16xf32>
      %max3A_3493 = arith.maximumf %get3A_3477, %gather3A_636 : vector<16xf32>
      %sub3A_3494 = arith.subf %min3A_3492, %max3A_3493 : vector<16xf32>
      %max3A_3495 = arith.constant 0.000000e+00 : f32
      %max3A_3496 = vector.broadcast %max3A_3495 : f32 to vector<16xf32>
      %max3A_3497 = arith.maximumf %sub3A_3494, %max3A_3496 : vector<16xf32>
      %mul3A_3498 = arith.mulf %max3A_3491, %max3A_3497 : vector<16xf32>
      %add3A_3499 = arith.addf %mul3A_646, %get3A_3483 : vector<16xf32>
      %sub3A_3500 = arith.subf %add3A_3499, %mul3A_3498 : vector<16xf32>
      %add3A_3501 = arith.constant 9.99999997E-7 : f32
      %add3A_3502 = vector.broadcast %add3A_3501 : f32 to vector<16xf32>
      %add3A_3503 = arith.addf %sub3A_3500, %add3A_3502 : vector<16xf32>
      %div3A_3504 = arith.divf %mul3A_3498, %add3A_3503 : vector<16xf32>
      %ge3A_3505 = arith.constant 5.000000e-01 : f32
      %ge3A_3506 = vector.broadcast %ge3A_3505 : f32 to vector<16xf32>
      %ge3A_3507 = arith.cmpf oge, %div3A_3504, %ge3A_3506 : vector<16xf32>
      %jit3A_3508 = arith.constant -1.000000e+00 : f32
      %broadcast_in_dim3A_3509 = vector.broadcast %jit3A_3508 : f32 to vector<16xf32>
      %select_n3A_3510 = arith.select %ge3A_3507, %broadcast_in_dim3A_3509, %get3A_3485 : vector<16xi1>, vector<16xf32>
      %swap3A_3511 = arith.constant 1024 : index
      %swap3A_3512 = tpu.vector_load %arg5[%swap3A_3511] {strides = array<i32>} : memref<1280xf32, #tpu.memory_space<vmem>>, vector<16xf32>,
      tpu.vector_store %arg5[%swap3A_3511], %select_n3A_3510 {strides = array<i32>} : memref<1280xf32, #tpu.memory_space<vmem>>, vector<16xf32>,
      %gt3A_3513 = arith.cmpf ogt, %select_n3A_3510, %select_n3A_3470 : vector<16xf32>
      %select_n3A_3514 = arith.select %gt3A_3513, %select_n3A_3510, %select_n3A_3470 : vector<16xi1>, vector<16xf32>
      %jit3A_3515 = arith.constant 64 : i32
      %broadcast_in_dim3A_3516 = vector.broadcast %jit3A_3515 : i32 to vector<16xi32>
      %select_n3A_3517 = arith.select %gt3A_3513, %broadcast_in_dim3A_3516, %select_n3A_3473 : vector<16xi1>, vector<16xi32>
      %get3A_3518 = arith.constant 1040 : index
      %get3A_3519 = tpu.vector_load %arg4[%get3A_3518] {strides = array<i32>} : memref<5120xf32, #tpu.memory_space<vmem>>, vector<16xf32>,
      %get3A_3520 = arith.constant 2320 : index
      %get3A_3521 = tpu.vector_load %arg4[%get3A_3520] {strides = array<i32>} : memref<5120xf32, #tpu.memory_space<vmem>>, vector<16xf32>,
      %get3A_3522 = arith.constant 3600 : index
      %get3A_3523 = tpu.vector_load %arg4[%get3A_3522] {strides = array<i32>} : memref<5120xf32, #tpu.memory_space<vmem>>, vector<16xf32>,
      %get3A_3524 = arith.constant 4880 : index
      %get3A_3525 = tpu.vector_load %arg4[%get3A_3524] {strides = array<i32>} : memref<5120xf32, #tpu.memory_space<vmem>>, vector<16xf32>,
      %get3A_3526 = arith.constant 1040 : index
      %get3A_3527 = tpu.vector_load %arg6[%get3A_3526] {strides = array<i32>} : memref<1280xf32, #tpu.memory_space<vmem>>, vector<16xf32>,
      %get3A_3528 = arith.constant 1040 : index
      %get3A_3529 = tpu.vector_load %arg5[%get3A_3528] {strides = array<i32>} : memref<1280xf32, #tpu.memory_space<vmem>>, vector<16xf32>,
      %min3A_3530 = arith.minimumf %get3A_3523, %gather3A_640 : vector<16xf32>
      %max3A_3531 = arith.maximumf %get3A_3519, %gather3A_632 : vector<16xf32>
      %sub3A_3532 = arith.subf %min3A_3530, %max3A_3531 : vector<16xf32>
      %max3A_3533 = arith.constant 0.000000e+00 : f32
      %max3A_3534 = vector.broadcast %max3A_3533 : f32 to vector<16xf32>
      %max3A_3535 = arith.maximumf %sub3A_3532, %max3A_3534 : vector<16xf32>
      %min3A_3536 = arith.minimumf %get3A_3525, %gather3A_644 : vector<16xf32>
      %max3A_3537 = arith.maximumf %get3A_3521, %gather3A_636 : vector<16xf32>
      %sub3A_3538 = arith.subf %min3A_3536, %max3A_3537 : vector<16xf32>
      %max3A_3539 = arith.constant 0.000000e+00 : f32
      %max3A_3540 = vector.broadcast %max3A_3539 : f32 to vector<16xf32>
      %max3A_3541 = arith.maximumf %sub3A_3538, %max3A_3540 : vector<16xf32>
      %mul3A_3542 = arith.mulf %max3A_3535, %max3A_3541 : vector<16xf32>
      %add3A_3543 = arith.addf %mul3A_646, %get3A_3527 : vector<16xf32>
      %sub3A_3544 = arith.subf %add3A_3543, %mul3A_3542 : vector<16xf32>
      %add3A_3545 = arith.constant 9.99999997E-7 : f32
      %add3A_3546 = vector.broadcast %add3A_3545 : f32 to vector<16xf32>
      %add3A_3547 = arith.addf %sub3A_3544, %add3A_3546 : vector<16xf32>
      %div3A_3548 = arith.divf %mul3A_3542, %add3A_3547 : vector<16xf32>
      %ge3A_3549 = arith.constant 5.000000e-01 : f32
      %ge3A_3550 = vector.broadcast %ge3A_3549 : f32 to vector<16xf32>
      %ge3A_3551 = arith.cmpf oge, %div3A_3548, %ge3A_3550 : vector<16xf32>
      %jit3A_3552 = arith.constant -1.000000e+00 : f32
      %broadcast_in_dim3A_3553 = vector.broadcast %jit3A_3552 : f32 to vector<16xf32>
      %select_n3A_3554 = arith.select %ge3A_3551, %broadcast_in_dim3A_3553, %get3A_3529 : vector<16xi1>, vector<16xf32>
      %swap3A_3555 = arith.constant 1040 : index
      %swap3A_3556 = tpu.vector_load %arg5[%swap3A_3555] {strides = array<i32>} : memref<1280xf32, #tpu.memory_space<vmem>>, vector<16xf32>,
      tpu.vector_store %arg5[%swap3A_3555], %select_n3A_3554 {strides = array<i32>} : memref<1280xf32, #tpu.memory_space<vmem>>, vector<16xf32>,
      %gt3A_3557 = arith.cmpf ogt, %select_n3A_3554, %select_n3A_3514 : vector<16xf32>
      %select_n3A_3558 = arith.select %gt3A_3557, %select_n3A_3554, %select_n3A_3514 : vector<16xi1>, vector<16xf32>
      %jit3A_3559 = arith.constant 65 : i32
      %broadcast_in_dim3A_3560 = vector.broadcast %jit3A_3559 : i32 to vector<16xi32>
      %select_n3A_3561 = arith.select %gt3A_3557, %broadcast_in_dim3A_3560, %select_n3A_3517 : vector<16xi1>, vector<16xi32>
      %get3A_3562 = arith.constant 1056 : index
      %get3A_3563 = tpu.vector_load %arg4[%get3A_3562] {strides = array<i32>} : memref<5120xf32, #tpu.memory_space<vmem>>, vector<16xf32>,
      %get3A_3564 = arith.constant 2336 : index
      %get3A_3565 = tpu.vector_load %arg4[%get3A_3564] {strides = array<i32>} : memref<5120xf32, #tpu.memory_space<vmem>>, vector<16xf32>,
      %get3A_3566 = arith.constant 3616 : index
      %get3A_3567 = tpu.vector_load %arg4[%get3A_3566] {strides = array<i32>} : memref<5120xf32, #tpu.memory_space<vmem>>, vector<16xf32>,
      %get3A_3568 = arith.constant 4896 : index
      %get3A_3569 = tpu.vector_load %arg4[%get3A_3568] {strides = array<i32>} : memref<5120xf32, #tpu.memory_space<vmem>>, vector<16xf32>,
      %get3A_3570 = arith.constant 1056 : index
      %get3A_3571 = tpu.vector_load %arg6[%get3A_3570] {strides = array<i32>} : memref<1280xf32, #tpu.memory_space<vmem>>, vector<16xf32>,
      %get3A_3572 = arith.constant 1056 : index
      %get3A_3573 = tpu.vector_load %arg5[%get3A_3572] {strides = array<i32>} : memref<1280xf32, #tpu.memory_space<vmem>>, vector<16xf32>,
      %min3A_3574 = arith.minimumf %get3A_3567, %gather3A_640 : vector<16xf32>
      %max3A_3575 = arith.maximumf %get3A_3563, %gather3A_632 : vector<16xf32>
      %sub3A_3576 = arith.subf %min3A_3574, %max3A_3575 : vector<16xf32>
      %max3A_3577 = arith.constant 0.000000e+00 : f32
      %max3A_3578 = vector.broadcast %max3A_3577 : f32 to vector<16xf32>
      %max3A_3579 = arith.maximumf %sub3A_3576, %max3A_3578 : vector<16xf32>
      %min3A_3580 = arith.minimumf %get3A_3569, %gather3A_644 : vector<16xf32>
      %max3A_3581 = arith.maximumf %get3A_3565, %gather3A_636 : vector<16xf32>
      %sub3A_3582 = arith.subf %min3A_3580, %max3A_3581 : vector<16xf32>
      %max3A_3583 = arith.constant 0.000000e+00 : f32
      %max3A_3584 = vector.broadcast %max3A_3583 : f32 to vector<16xf32>
      %max3A_3585 = arith.maximumf %sub3A_3582, %max3A_3584 : vector<16xf32>
      %mul3A_3586 = arith.mulf %max3A_3579, %max3A_3585 : vector<16xf32>
      %add3A_3587 = arith.addf %mul3A_646, %get3A_3571 : vector<16xf32>
      %sub3A_3588 = arith.subf %add3A_3587, %mul3A_3586 : vector<16xf32>
      %add3A_3589 = arith.constant 9.99999997E-7 : f32
      %add3A_3590 = vector.broadcast %add3A_3589 : f32 to vector<16xf32>
      %add3A_3591 = arith.addf %sub3A_3588, %add3A_3590 : vector<16xf32>
      %div3A_3592 = arith.divf %mul3A_3586, %add3A_3591 : vector<16xf32>
      %ge3A_3593 = arith.constant 5.000000e-01 : f32
      %ge3A_3594 = vector.broadcast %ge3A_3593 : f32 to vector<16xf32>
      %ge3A_3595 = arith.cmpf oge, %div3A_3592, %ge3A_3594 : vector<16xf32>
      %jit3A_3596 = arith.constant -1.000000e+00 : f32
      %broadcast_in_dim3A_3597 = vector.broadcast %jit3A_3596 : f32 to vector<16xf32>
      %select_n3A_3598 = arith.select %ge3A_3595, %broadcast_in_dim3A_3597, %get3A_3573 : vector<16xi1>, vector<16xf32>
      %swap3A_3599 = arith.constant 1056 : index
      %swap3A_3600 = tpu.vector_load %arg5[%swap3A_3599] {strides = array<i32>} : memref<1280xf32, #tpu.memory_space<vmem>>, vector<16xf32>,
      tpu.vector_store %arg5[%swap3A_3599], %select_n3A_3598 {strides = array<i32>} : memref<1280xf32, #tpu.memory_space<vmem>>, vector<16xf32>,
      %gt3A_3601 = arith.cmpf ogt, %select_n3A_3598, %select_n3A_3558 : vector<16xf32>
      %select_n3A_3602 = arith.select %gt3A_3601, %select_n3A_3598, %select_n3A_3558 : vector<16xi1>, vector<16xf32>
      %jit3A_3603 = arith.constant 66 : i32
      %broadcast_in_dim3A_3604 = vector.broadcast %jit3A_3603 : i32 to vector<16xi32>
      %select_n3A_3605 = arith.select %gt3A_3601, %broadcast_in_dim3A_3604, %select_n3A_3561 : vector<16xi1>, vector<16xi32>
      %get3A_3606 = arith.constant 1072 : index
      %get3A_3607 = tpu.vector_load %arg4[%get3A_3606] {strides = array<i32>} : memref<5120xf32, #tpu.memory_space<vmem>>, vector<16xf32>,
      %get3A_3608 = arith.constant 2352 : index
      %get3A_3609 = tpu.vector_load %arg4[%get3A_3608] {strides = array<i32>} : memref<5120xf32, #tpu.memory_space<vmem>>, vector<16xf32>,
      %get3A_3610 = arith.constant 3632 : index
      %get3A_3611 = tpu.vector_load %arg4[%get3A_3610] {strides = array<i32>} : memref<5120xf32, #tpu.memory_space<vmem>>, vector<16xf32>,
      %get3A_3612 = arith.constant 4912 : index
      %get3A_3613 = tpu.vector_load %arg4[%get3A_3612] {strides = array<i32>} : memref<5120xf32, #tpu.memory_space<vmem>>, vector<16xf32>,
      %get3A_3614 = arith.constant 1072 : index
      %get3A_3615 = tpu.vector_load %arg6[%get3A_3614] {strides = array<i32>} : memref<1280xf32, #tpu.memory_space<vmem>>, vector<16xf32>,
      %get3A_3616 = arith.constant 1072 : index
      %get3A_3617 = tpu.vector_load %arg5[%get3A_3616] {strides = array<i32>} : memref<1280xf32, #tpu.memory_space<vmem>>, vector<16xf32>,
      %min3A_3618 = arith.minimumf %get3A_3611, %gather3A_640 : vector<16xf32>
      %max3A_3619 = arith.maximumf %get3A_3607, %gather3A_632 : vector<16xf32>
      %sub3A_3620 = arith.subf %min3A_3618, %max3A_3619 : vector<16xf32>
      %max3A_3621 = arith.constant 0.000000e+00 : f32
      %max3A_3622 = vector.broadcast %max3A_3621 : f32 to vector<16xf32>
      %max3A_3623 = arith.maximumf %sub3A_3620, %max3A_3622 : vector<16xf32>
      %min3A_3624 = arith.minimumf %get3A_3613, %gather3A_644 : vector<16xf32>
      %max3A_3625 = arith.maximumf %get3A_3609, %gather3A_636 : vector<16xf32>
      %sub3A_3626 = arith.subf %min3A_3624, %max3A_3625 : vector<16xf32>
      %max3A_3627 = arith.constant 0.000000e+00 : f32
      %max3A_3628 = vector.broadcast %max3A_3627 : f32 to vector<16xf32>
      %max3A_3629 = arith.maximumf %sub3A_3626, %max3A_3628 : vector<16xf32>
      %mul3A_3630 = arith.mulf %max3A_3623, %max3A_3629 : vector<16xf32>
      %add3A_3631 = arith.addf %mul3A_646, %get3A_3615 : vector<16xf32>
      %sub3A_3632 = arith.subf %add3A_3631, %mul3A_3630 : vector<16xf32>
      %add3A_3633 = arith.constant 9.99999997E-7 : f32
      %add3A_3634 = vector.broadcast %add3A_3633 : f32 to vector<16xf32>
      %add3A_3635 = arith.addf %sub3A_3632, %add3A_3634 : vector<16xf32>
      %div3A_3636 = arith.divf %mul3A_3630, %add3A_3635 : vector<16xf32>
      %ge3A_3637 = arith.constant 5.000000e-01 : f32
      %ge3A_3638 = vector.broadcast %ge3A_3637 : f32 to vector<16xf32>
      %ge3A_3639 = arith.cmpf oge, %div3A_3636, %ge3A_3638 : vector<16xf32>
      %jit3A_3640 = arith.constant -1.000000e+00 : f32
      %broadcast_in_dim3A_3641 = vector.broadcast %jit3A_3640 : f32 to vector<16xf32>
      %select_n3A_3642 = arith.select %ge3A_3639, %broadcast_in_dim3A_3641, %get3A_3617 : vector<16xi1>, vector<16xf32>
      %swap3A_3643 = arith.constant 1072 : index
      %swap3A_3644 = tpu.vector_load %arg5[%swap3A_3643] {strides = array<i32>} : memref<1280xf32, #tpu.memory_space<vmem>>, vector<16xf32>,
      tpu.vector_store %arg5[%swap3A_3643], %select_n3A_3642 {strides = array<i32>} : memref<1280xf32, #tpu.memory_space<vmem>>, vector<16xf32>,
      %gt3A_3645 = arith.cmpf ogt, %select_n3A_3642, %select_n3A_3602 : vector<16xf32>
      %select_n3A_3646 = arith.select %gt3A_3645, %select_n3A_3642, %select_n3A_3602 : vector<16xi1>, vector<16xf32>
      %jit3A_3647 = arith.constant 67 : i32
      %broadcast_in_dim3A_3648 = vector.broadcast %jit3A_3647 : i32 to vector<16xi32>
      %select_n3A_3649 = arith.select %gt3A_3645, %broadcast_in_dim3A_3648, %select_n3A_3605 : vector<16xi1>, vector<16xi32>
      %get3A_3650 = arith.constant 1088 : index
      %get3A_3651 = tpu.vector_load %arg4[%get3A_3650] {strides = array<i32>} : memref<5120xf32, #tpu.memory_space<vmem>>, vector<16xf32>,
      %get3A_3652 = arith.constant 2368 : index
      %get3A_3653 = tpu.vector_load %arg4[%get3A_3652] {strides = array<i32>} : memref<5120xf32, #tpu.memory_space<vmem>>, vector<16xf32>,
      %get3A_3654 = arith.constant 3648 : index
      %get3A_3655 = tpu.vector_load %arg4[%get3A_3654] {strides = array<i32>} : memref<5120xf32, #tpu.memory_space<vmem>>, vector<16xf32>,
      %get3A_3656 = arith.constant 4928 : index
      %get3A_3657 = tpu.vector_load %arg4[%get3A_3656] {strides = array<i32>} : memref<5120xf32, #tpu.memory_space<vmem>>, vector<16xf32>,
      %get3A_3658 = arith.constant 1088 : index
      %get3A_3659 = tpu.vector_load %arg6[%get3A_3658] {strides = array<i32>} : memref<1280xf32, #tpu.memory_space<vmem>>, vector<16xf32>,
      %get3A_3660 = arith.constant 1088 : index
      %get3A_3661 = tpu.vector_load %arg5[%get3A_3660] {strides = array<i32>} : memref<1280xf32, #tpu.memory_space<vmem>>, vector<16xf32>,
      %min3A_3662 = arith.minimumf %get3A_3655, %gather3A_640 : vector<16xf32>
      %max3A_3663 = arith.maximumf %get3A_3651, %gather3A_632 : vector<16xf32>
      %sub3A_3664 = arith.subf %min3A_3662, %max3A_3663 : vector<16xf32>
      %max3A_3665 = arith.constant 0.000000e+00 : f32
      %max3A_3666 = vector.broadcast %max3A_3665 : f32 to vector<16xf32>
      %max3A_3667 = arith.maximumf %sub3A_3664, %max3A_3666 : vector<16xf32>
      %min3A_3668 = arith.minimumf %get3A_3657, %gather3A_644 : vector<16xf32>
      %max3A_3669 = arith.maximumf %get3A_3653, %gather3A_636 : vector<16xf32>
      %sub3A_3670 = arith.subf %min3A_3668, %max3A_3669 : vector<16xf32>
      %max3A_3671 = arith.constant 0.000000e+00 : f32
      %max3A_3672 = vector.broadcast %max3A_3671 : f32 to vector<16xf32>
      %max3A_3673 = arith.maximumf %sub3A_3670, %max3A_3672 : vector<16xf32>
      %mul3A_3674 = arith.mulf %max3A_3667, %max3A_3673 : vector<16xf32>
      %add3A_3675 = arith.addf %mul3A_646, %get3A_3659 : vector<16xf32>
      %sub3A_3676 = arith.subf %add3A_3675, %mul3A_3674 : vector<16xf32>
      %add3A_3677 = arith.constant 9.99999997E-7 : f32
      %add3A_3678 = vector.broadcast %add3A_3677 : f32 to vector<16xf32>
      %add3A_3679 = arith.addf %sub3A_3676, %add3A_3678 : vector<16xf32>
      %div3A_3680 = arith.divf %mul3A_3674, %add3A_3679 : vector<16xf32>
      %ge3A_3681 = arith.constant 5.000000e-01 : f32
      %ge3A_3682 = vector.broadcast %ge3A_3681 : f32 to vector<16xf32>
      %ge3A_3683 = arith.cmpf oge, %div3A_3680, %ge3A_3682 : vector<16xf32>
      %jit3A_3684 = arith.constant -1.000000e+00 : f32
      %broadcast_in_dim3A_3685 = vector.broadcast %jit3A_3684 : f32 to vector<16xf32>
      %select_n3A_3686 = arith.select %ge3A_3683, %broadcast_in_dim3A_3685, %get3A_3661 : vector<16xi1>, vector<16xf32>
      %swap3A_3687 = arith.constant 1088 : index
      %swap3A_3688 = tpu.vector_load %arg5[%swap3A_3687] {strides = array<i32>} : memref<1280xf32, #tpu.memory_space<vmem>>, vector<16xf32>,
      tpu.vector_store %arg5[%swap3A_3687], %select_n3A_3686 {strides = array<i32>} : memref<1280xf32, #tpu.memory_space<vmem>>, vector<16xf32>,
      %gt3A_3689 = arith.cmpf ogt, %select_n3A_3686, %select_n3A_3646 : vector<16xf32>
      %select_n3A_3690 = arith.select %gt3A_3689, %select_n3A_3686, %select_n3A_3646 : vector<16xi1>, vector<16xf32>
      %jit3A_3691 = arith.constant 68 : i32
      %broadcast_in_dim3A_3692 = vector.broadcast %jit3A_3691 : i32 to vector<16xi32>
      %select_n3A_3693 = arith.select %gt3A_3689, %broadcast_in_dim3A_3692, %select_n3A_3649 : vector<16xi1>, vector<16xi32>
      %get3A_3694 = arith.constant 1104 : index
      %get3A_3695 = tpu.vector_load %arg4[%get3A_3694] {strides = array<i32>} : memref<5120xf32, #tpu.memory_space<vmem>>, vector<16xf32>,
      %get3A_3696 = arith.constant 2384 : index
      %get3A_3697 = tpu.vector_load %arg4[%get3A_3696] {strides = array<i32>} : memref<5120xf32, #tpu.memory_space<vmem>>, vector<16xf32>,
      %get3A_3698 = arith.constant 3664 : index
      %get3A_3699 = tpu.vector_load %arg4[%get3A_3698] {strides = array<i32>} : memref<5120xf32, #tpu.memory_space<vmem>>, vector<16xf32>,
      %get3A_3700 = arith.constant 4944 : index
      %get3A_3701 = tpu.vector_load %arg4[%get3A_3700] {strides = array<i32>} : memref<5120xf32, #tpu.memory_space<vmem>>, vector<16xf32>,
      %get3A_3702 = arith.constant 1104 : index
      %get3A_3703 = tpu.vector_load %arg6[%get3A_3702] {strides = array<i32>} : memref<1280xf32, #tpu.memory_space<vmem>>, vector<16xf32>,
      %get3A_3704 = arith.constant 1104 : index
      %get3A_3705 = tpu.vector_load %arg5[%get3A_3704] {strides = array<i32>} : memref<1280xf32, #tpu.memory_space<vmem>>, vector<16xf32>,
      %min3A_3706 = arith.minimumf %get3A_3699, %gather3A_640 : vector<16xf32>
      %max3A_3707 = arith.maximumf %get3A_3695, %gather3A_632 : vector<16xf32>
      %sub3A_3708 = arith.subf %min3A_3706, %max3A_3707 : vector<16xf32>
      %max3A_3709 = arith.constant 0.000000e+00 : f32
      %max3A_3710 = vector.broadcast %max3A_3709 : f32 to vector<16xf32>
      %max3A_3711 = arith.maximumf %sub3A_3708, %max3A_3710 : vector<16xf32>
      %min3A_3712 = arith.minimumf %get3A_3701, %gather3A_644 : vector<16xf32>
      %max3A_3713 = arith.maximumf %get3A_3697, %gather3A_636 : vector<16xf32>
      %sub3A_3714 = arith.subf %min3A_3712, %max3A_3713 : vector<16xf32>
      %max3A_3715 = arith.constant 0.000000e+00 : f32
      %max3A_3716 = vector.broadcast %max3A_3715 : f32 to vector<16xf32>
      %max3A_3717 = arith.maximumf %sub3A_3714, %max3A_3716 : vector<16xf32>
      %mul3A_3718 = arith.mulf %max3A_3711, %max3A_3717 : vector<16xf32>
      %add3A_3719 = arith.addf %mul3A_646, %get3A_3703 : vector<16xf32>
      %sub3A_3720 = arith.subf %add3A_3719, %mul3A_3718 : vector<16xf32>
      %add3A_3721 = arith.constant 9.99999997E-7 : f32
      %add3A_3722 = vector.broadcast %add3A_3721 : f32 to vector<16xf32>
      %add3A_3723 = arith.addf %sub3A_3720, %add3A_3722 : vector<16xf32>
      %div3A_3724 = arith.divf %mul3A_3718, %add3A_3723 : vector<16xf32>
      %ge3A_3725 = arith.constant 5.000000e-01 : f32
      %ge3A_3726 = vector.broadcast %ge3A_3725 : f32 to vector<16xf32>
      %ge3A_3727 = arith.cmpf oge, %div3A_3724, %ge3A_3726 : vector<16xf32>
      %jit3A_3728 = arith.constant -1.000000e+00 : f32
      %broadcast_in_dim3A_3729 = vector.broadcast %jit3A_3728 : f32 to vector<16xf32>
      %select_n3A_3730 = arith.select %ge3A_3727, %broadcast_in_dim3A_3729, %get3A_3705 : vector<16xi1>, vector<16xf32>
      %swap3A_3731 = arith.constant 1104 : index
      %swap3A_3732 = tpu.vector_load %arg5[%swap3A_3731] {strides = array<i32>} : memref<1280xf32, #tpu.memory_space<vmem>>, vector<16xf32>,
      tpu.vector_store %arg5[%swap3A_3731], %select_n3A_3730 {strides = array<i32>} : memref<1280xf32, #tpu.memory_space<vmem>>, vector<16xf32>,
      %gt3A_3733 = arith.cmpf ogt, %select_n3A_3730, %select_n3A_3690 : vector<16xf32>
      %select_n3A_3734 = arith.select %gt3A_3733, %select_n3A_3730, %select_n3A_3690 : vector<16xi1>, vector<16xf32>
      %jit3A_3735 = arith.constant 69 : i32
      %broadcast_in_dim3A_3736 = vector.broadcast %jit3A_3735 : i32 to vector<16xi32>
      %select_n3A_3737 = arith.select %gt3A_3733, %broadcast_in_dim3A_3736, %select_n3A_3693 : vector<16xi1>, vector<16xi32>
      %get3A_3738 = arith.constant 1120 : index
      %get3A_3739 = tpu.vector_load %arg4[%get3A_3738] {strides = array<i32>} : memref<5120xf32, #tpu.memory_space<vmem>>, vector<16xf32>,
      %get3A_3740 = arith.constant 2400 : index
      %get3A_3741 = tpu.vector_load %arg4[%get3A_3740] {strides = array<i32>} : memref<5120xf32, #tpu.memory_space<vmem>>, vector<16xf32>,
      %get3A_3742 = arith.constant 3680 : index
      %get3A_3743 = tpu.vector_load %arg4[%get3A_3742] {strides = array<i32>} : memref<5120xf32, #tpu.memory_space<vmem>>, vector<16xf32>,
      %get3A_3744 = arith.constant 4960 : index
      %get3A_3745 = tpu.vector_load %arg4[%get3A_3744] {strides = array<i32>} : memref<5120xf32, #tpu.memory_space<vmem>>, vector<16xf32>,
      %get3A_3746 = arith.constant 1120 : index
      %get3A_3747 = tpu.vector_load %arg6[%get3A_3746] {strides = array<i32>} : memref<1280xf32, #tpu.memory_space<vmem>>, vector<16xf32>,
      %get3A_3748 = arith.constant 1120 : index
      %get3A_3749 = tpu.vector_load %arg5[%get3A_3748] {strides = array<i32>} : memref<1280xf32, #tpu.memory_space<vmem>>, vector<16xf32>,
      %min3A_3750 = arith.minimumf %get3A_3743, %gather3A_640 : vector<16xf32>
      %max3A_3751 = arith.maximumf %get3A_3739, %gather3A_632 : vector<16xf32>
      %sub3A_3752 = arith.subf %min3A_3750, %max3A_3751 : vector<16xf32>
      %max3A_3753 = arith.constant 0.000000e+00 : f32
      %max3A_3754 = vector.broadcast %max3A_3753 : f32 to vector<16xf32>
      %max3A_3755 = arith.maximumf %sub3A_3752, %max3A_3754 : vector<16xf32>
      %min3A_3756 = arith.minimumf %get3A_3745, %gather3A_644 : vector<16xf32>
      %max3A_3757 = arith.maximumf %get3A_3741, %gather3A_636 : vector<16xf32>
      %sub3A_3758 = arith.subf %min3A_3756, %max3A_3757 : vector<16xf32>
      %max3A_3759 = arith.constant 0.000000e+00 : f32
      %max3A_3760 = vector.broadcast %max3A_3759 : f32 to vector<16xf32>
      %max3A_3761 = arith.maximumf %sub3A_3758, %max3A_3760 : vector<16xf32>
      %mul3A_3762 = arith.mulf %max3A_3755, %max3A_3761 : vector<16xf32>
      %add3A_3763 = arith.addf %mul3A_646, %get3A_3747 : vector<16xf32>
      %sub3A_3764 = arith.subf %add3A_3763, %mul3A_3762 : vector<16xf32>
      %add3A_3765 = arith.constant 9.99999997E-7 : f32
      %add3A_3766 = vector.broadcast %add3A_3765 : f32 to vector<16xf32>
      %add3A_3767 = arith.addf %sub3A_3764, %add3A_3766 : vector<16xf32>
      %div3A_3768 = arith.divf %mul3A_3762, %add3A_3767 : vector<16xf32>
      %ge3A_3769 = arith.constant 5.000000e-01 : f32
      %ge3A_3770 = vector.broadcast %ge3A_3769 : f32 to vector<16xf32>
      %ge3A_3771 = arith.cmpf oge, %div3A_3768, %ge3A_3770 : vector<16xf32>
      %jit3A_3772 = arith.constant -1.000000e+00 : f32
      %broadcast_in_dim3A_3773 = vector.broadcast %jit3A_3772 : f32 to vector<16xf32>
      %select_n3A_3774 = arith.select %ge3A_3771, %broadcast_in_dim3A_3773, %get3A_3749 : vector<16xi1>, vector<16xf32>
      %swap3A_3775 = arith.constant 1120 : index
      %swap3A_3776 = tpu.vector_load %arg5[%swap3A_3775] {strides = array<i32>} : memref<1280xf32, #tpu.memory_space<vmem>>, vector<16xf32>,
      tpu.vector_store %arg5[%swap3A_3775], %select_n3A_3774 {strides = array<i32>} : memref<1280xf32, #tpu.memory_space<vmem>>, vector<16xf32>,
      %gt3A_3777 = arith.cmpf ogt, %select_n3A_3774, %select_n3A_3734 : vector<16xf32>
      %select_n3A_3778 = arith.select %gt3A_3777, %select_n3A_3774, %select_n3A_3734 : vector<16xi1>, vector<16xf32>
      %jit3A_3779 = arith.constant 70 : i32
      %broadcast_in_dim3A_3780 = vector.broadcast %jit3A_3779 : i32 to vector<16xi32>
      %select_n3A_3781 = arith.select %gt3A_3777, %broadcast_in_dim3A_3780, %select_n3A_3737 : vector<16xi1>, vector<16xi32>
      %get3A_3782 = arith.constant 1136 : index
      %get3A_3783 = tpu.vector_load %arg4[%get3A_3782] {strides = array<i32>} : memref<5120xf32, #tpu.memory_space<vmem>>, vector<16xf32>,
      %get3A_3784 = arith.constant 2416 : index
      %get3A_3785 = tpu.vector_load %arg4[%get3A_3784] {strides = array<i32>} : memref<5120xf32, #tpu.memory_space<vmem>>, vector<16xf32>,
      %get3A_3786 = arith.constant 3696 : index
      %get3A_3787 = tpu.vector_load %arg4[%get3A_3786] {strides = array<i32>} : memref<5120xf32, #tpu.memory_space<vmem>>, vector<16xf32>,
      %get3A_3788 = arith.constant 4976 : index
      %get3A_3789 = tpu.vector_load %arg4[%get3A_3788] {strides = array<i32>} : memref<5120xf32, #tpu.memory_space<vmem>>, vector<16xf32>,
      %get3A_3790 = arith.constant 1136 : index
      %get3A_3791 = tpu.vector_load %arg6[%get3A_3790] {strides = array<i32>} : memref<1280xf32, #tpu.memory_space<vmem>>, vector<16xf32>,
      %get3A_3792 = arith.constant 1136 : index
      %get3A_3793 = tpu.vector_load %arg5[%get3A_3792] {strides = array<i32>} : memref<1280xf32, #tpu.memory_space<vmem>>, vector<16xf32>,
      %min3A_3794 = arith.minimumf %get3A_3787, %gather3A_640 : vector<16xf32>
      %max3A_3795 = arith.maximumf %get3A_3783, %gather3A_632 : vector<16xf32>
      %sub3A_3796 = arith.subf %min3A_3794, %max3A_3795 : vector<16xf32>
      %max3A_3797 = arith.constant 0.000000e+00 : f32
      %max3A_3798 = vector.broadcast %max3A_3797 : f32 to vector<16xf32>
      %max3A_3799 = arith.maximumf %sub3A_3796, %max3A_3798 : vector<16xf32>
      %min3A_3800 = arith.minimumf %get3A_3789, %gather3A_644 : vector<16xf32>
      %max3A_3801 = arith.maximumf %get3A_3785, %gather3A_636 : vector<16xf32>
      %sub3A_3802 = arith.subf %min3A_3800, %max3A_3801 : vector<16xf32>
      %max3A_3803 = arith.constant 0.000000e+00 : f32
      %max3A_3804 = vector.broadcast %max3A_3803 : f32 to vector<16xf32>
      %max3A_3805 = arith.maximumf %sub3A_3802, %max3A_3804 : vector<16xf32>
      %mul3A_3806 = arith.mulf %max3A_3799, %max3A_3805 : vector<16xf32>
      %add3A_3807 = arith.addf %mul3A_646, %get3A_3791 : vector<16xf32>
      %sub3A_3808 = arith.subf %add3A_3807, %mul3A_3806 : vector<16xf32>
      %add3A_3809 = arith.constant 9.99999997E-7 : f32
      %add3A_3810 = vector.broadcast %add3A_3809 : f32 to vector<16xf32>
      %add3A_3811 = arith.addf %sub3A_3808, %add3A_3810 : vector<16xf32>
      %div3A_3812 = arith.divf %mul3A_3806, %add3A_3811 : vector<16xf32>
      %ge3A_3813 = arith.constant 5.000000e-01 : f32
      %ge3A_3814 = vector.broadcast %ge3A_3813 : f32 to vector<16xf32>
      %ge3A_3815 = arith.cmpf oge, %div3A_3812, %ge3A_3814 : vector<16xf32>
      %jit3A_3816 = arith.constant -1.000000e+00 : f32
      %broadcast_in_dim3A_3817 = vector.broadcast %jit3A_3816 : f32 to vector<16xf32>
      %select_n3A_3818 = arith.select %ge3A_3815, %broadcast_in_dim3A_3817, %get3A_3793 : vector<16xi1>, vector<16xf32>
      %swap3A_3819 = arith.constant 1136 : index
      %swap3A_3820 = tpu.vector_load %arg5[%swap3A_3819] {strides = array<i32>} : memref<1280xf32, #tpu.memory_space<vmem>>, vector<16xf32>,
      tpu.vector_store %arg5[%swap3A_3819], %select_n3A_3818 {strides = array<i32>} : memref<1280xf32, #tpu.memory_space<vmem>>, vector<16xf32>,
      %gt3A_3821 = arith.cmpf ogt, %select_n3A_3818, %select_n3A_3778 : vector<16xf32>
      %select_n3A_3822 = arith.select %gt3A_3821, %select_n3A_3818, %select_n3A_3778 : vector<16xi1>, vector<16xf32>
      %jit3A_3823 = arith.constant 71 : i32
      %broadcast_in_dim3A_3824 = vector.broadcast %jit3A_3823 : i32 to vector<16xi32>
      %select_n3A_3825 = arith.select %gt3A_3821, %broadcast_in_dim3A_3824, %select_n3A_3781 : vector<16xi1>, vector<16xi32>
      %get3A_3826 = arith.constant 1152 : index
      %get3A_3827 = tpu.vector_load %arg4[%get3A_3826] {strides = array<i32>} : memref<5120xf32, #tpu.memory_space<vmem>>, vector<16xf32>,
      %get3A_3828 = arith.constant 2432 : index
      %get3A_3829 = tpu.vector_load %arg4[%get3A_3828] {strides = array<i32>} : memref<5120xf32, #tpu.memory_space<vmem>>, vector<16xf32>,
      %get3A_3830 = arith.constant 3712 : index
      %get3A_3831 = tpu.vector_load %arg4[%get3A_3830] {strides = array<i32>} : memref<5120xf32, #tpu.memory_space<vmem>>, vector<16xf32>,
      %get3A_3832 = arith.constant 4992 : index
      %get3A_3833 = tpu.vector_load %arg4[%get3A_3832] {strides = array<i32>} : memref<5120xf32, #tpu.memory_space<vmem>>, vector<16xf32>,
      %get3A_3834 = arith.constant 1152 : index
      %get3A_3835 = tpu.vector_load %arg6[%get3A_3834] {strides = array<i32>} : memref<1280xf32, #tpu.memory_space<vmem>>, vector<16xf32>,
      %get3A_3836 = arith.constant 1152 : index
      %get3A_3837 = tpu.vector_load %arg5[%get3A_3836] {strides = array<i32>} : memref<1280xf32, #tpu.memory_space<vmem>>, vector<16xf32>,
      %min3A_3838 = arith.minimumf %get3A_3831, %gather3A_640 : vector<16xf32>
      %max3A_3839 = arith.maximumf %get3A_3827, %gather3A_632 : vector<16xf32>
      %sub3A_3840 = arith.subf %min3A_3838, %max3A_3839 : vector<16xf32>
      %max3A_3841 = arith.constant 0.000000e+00 : f32
      %max3A_3842 = vector.broadcast %max3A_3841 : f32 to vector<16xf32>
      %max3A_3843 = arith.maximumf %sub3A_3840, %max3A_3842 : vector<16xf32>
      %min3A_3844 = arith.minimumf %get3A_3833, %gather3A_644 : vector<16xf32>
      %max3A_3845 = arith.maximumf %get3A_3829, %gather3A_636 : vector<16xf32>
      %sub3A_3846 = arith.subf %min3A_3844, %max3A_3845 : vector<16xf32>
      %max3A_3847 = arith.constant 0.000000e+00 : f32
      %max3A_3848 = vector.broadcast %max3A_3847 : f32 to vector<16xf32>
      %max3A_3849 = arith.maximumf %sub3A_3846, %max3A_3848 : vector<16xf32>
      %mul3A_3850 = arith.mulf %max3A_3843, %max3A_3849 : vector<16xf32>
      %add3A_3851 = arith.addf %mul3A_646, %get3A_3835 : vector<16xf32>
      %sub3A_3852 = arith.subf %add3A_3851, %mul3A_3850 : vector<16xf32>
      %add3A_3853 = arith.constant 9.99999997E-7 : f32
      %add3A_3854 = vector.broadcast %add3A_3853 : f32 to vector<16xf32>
      %add3A_3855 = arith.addf %sub3A_3852, %add3A_3854 : vector<16xf32>
      %div3A_3856 = arith.divf %mul3A_3850, %add3A_3855 : vector<16xf32>
      %ge3A_3857 = arith.constant 5.000000e-01 : f32
      %ge3A_3858 = vector.broadcast %ge3A_3857 : f32 to vector<16xf32>
      %ge3A_3859 = arith.cmpf oge, %div3A_3856, %ge3A_3858 : vector<16xf32>
      %jit3A_3860 = arith.constant -1.000000e+00 : f32
      %broadcast_in_dim3A_3861 = vector.broadcast %jit3A_3860 : f32 to vector<16xf32>
      %select_n3A_3862 = arith.select %ge3A_3859, %broadcast_in_dim3A_3861, %get3A_3837 : vector<16xi1>, vector<16xf32>
      %swap3A_3863 = arith.constant 1152 : index
      %swap3A_3864 = tpu.vector_load %arg5[%swap3A_3863] {strides = array<i32>} : memref<1280xf32, #tpu.memory_space<vmem>>, vector<16xf32>,
      tpu.vector_store %arg5[%swap3A_3863], %select_n3A_3862 {strides = array<i32>} : memref<1280xf32, #tpu.memory_space<vmem>>, vector<16xf32>,
      %gt3A_3865 = arith.cmpf ogt, %select_n3A_3862, %select_n3A_3822 : vector<16xf32>
      %select_n3A_3866 = arith.select %gt3A_3865, %select_n3A_3862, %select_n3A_3822 : vector<16xi1>, vector<16xf32>
      %jit3A_3867 = arith.constant 72 : i32
      %broadcast_in_dim3A_3868 = vector.broadcast %jit3A_3867 : i32 to vector<16xi32>
      %select_n3A_3869 = arith.select %gt3A_3865, %broadcast_in_dim3A_3868, %select_n3A_3825 : vector<16xi1>, vector<16xi32>
      %get3A_3870 = arith.constant 1168 : index
      %get3A_3871 = tpu.vector_load %arg4[%get3A_3870] {strides = array<i32>} : memref<5120xf32, #tpu.memory_space<vmem>>, vector<16xf32>,
      %get3A_3872 = arith.constant 2448 : index
      %get3A_3873 = tpu.vector_load %arg4[%get3A_3872] {strides = array<i32>} : memref<5120xf32, #tpu.memory_space<vmem>>, vector<16xf32>,
      %get3A_3874 = arith.constant 3728 : index
      %get3A_3875 = tpu.vector_load %arg4[%get3A_3874] {strides = array<i32>} : memref<5120xf32, #tpu.memory_space<vmem>>, vector<16xf32>,
      %get3A_3876 = arith.constant 5008 : index
      %get3A_3877 = tpu.vector_load %arg4[%get3A_3876] {strides = array<i32>} : memref<5120xf32, #tpu.memory_space<vmem>>, vector<16xf32>,
      %get3A_3878 = arith.constant 1168 : index
      %get3A_3879 = tpu.vector_load %arg6[%get3A_3878] {strides = array<i32>} : memref<1280xf32, #tpu.memory_space<vmem>>, vector<16xf32>,
      %get3A_3880 = arith.constant 1168 : index
      %get3A_3881 = tpu.vector_load %arg5[%get3A_3880] {strides = array<i32>} : memref<1280xf32, #tpu.memory_space<vmem>>, vector<16xf32>,
      %min3A_3882 = arith.minimumf %get3A_3875, %gather3A_640 : vector<16xf32>
      %max3A_3883 = arith.maximumf %get3A_3871, %gather3A_632 : vector<16xf32>
      %sub3A_3884 = arith.subf %min3A_3882, %max3A_3883 : vector<16xf32>
      %max3A_3885 = arith.constant 0.000000e+00 : f32
      %max3A_3886 = vector.broadcast %max3A_3885 : f32 to vector<16xf32>
      %max3A_3887 = arith.maximumf %sub3A_3884, %max3A_3886 : vector<16xf32>
      %min3A_3888 = arith.minimumf %get3A_3877, %gather3A_644 : vector<16xf32>
      %max3A_3889 = arith.maximumf %get3A_3873, %gather3A_636 : vector<16xf32>
      %sub3A_3890 = arith.subf %min3A_3888, %max3A_3889 : vector<16xf32>
      %max3A_3891 = arith.constant 0.000000e+00 : f32
      %max3A_3892 = vector.broadcast %max3A_3891 : f32 to vector<16xf32>
      %max3A_3893 = arith.maximumf %sub3A_3890, %max3A_3892 : vector<16xf32>
      %mul3A_3894 = arith.mulf %max3A_3887, %max3A_3893 : vector<16xf32>
      %add3A_3895 = arith.addf %mul3A_646, %get3A_3879 : vector<16xf32>
      %sub3A_3896 = arith.subf %add3A_3895, %mul3A_3894 : vector<16xf32>
      %add3A_3897 = arith.constant 9.99999997E-7 : f32
      %add3A_3898 = vector.broadcast %add3A_3897 : f32 to vector<16xf32>
      %add3A_3899 = arith.addf %sub3A_3896, %add3A_3898 : vector<16xf32>
      %div3A_3900 = arith.divf %mul3A_3894, %add3A_3899 : vector<16xf32>
      %ge3A_3901 = arith.constant 5.000000e-01 : f32
      %ge3A_3902 = vector.broadcast %ge3A_3901 : f32 to vector<16xf32>
      %ge3A_3903 = arith.cmpf oge, %div3A_3900, %ge3A_3902 : vector<16xf32>
      %jit3A_3904 = arith.constant -1.000000e+00 : f32
      %broadcast_in_dim3A_3905 = vector.broadcast %jit3A_3904 : f32 to vector<16xf32>
      %select_n3A_3906 = arith.select %ge3A_3903, %broadcast_in_dim3A_3905, %get3A_3881 : vector<16xi1>, vector<16xf32>
      %swap3A_3907 = arith.constant 1168 : index
      %swap3A_3908 = tpu.vector_load %arg5[%swap3A_3907] {strides = array<i32>} : memref<1280xf32, #tpu.memory_space<vmem>>, vector<16xf32>,
      tpu.vector_store %arg5[%swap3A_3907], %select_n3A_3906 {strides = array<i32>} : memref<1280xf32, #tpu.memory_space<vmem>>, vector<16xf32>,
      %gt3A_3909 = arith.cmpf ogt, %select_n3A_3906, %select_n3A_3866 : vector<16xf32>
      %select_n3A_3910 = arith.select %gt3A_3909, %select_n3A_3906, %select_n3A_3866 : vector<16xi1>, vector<16xf32>
      %jit3A_3911 = arith.constant 73 : i32
      %broadcast_in_dim3A_3912 = vector.broadcast %jit3A_3911 : i32 to vector<16xi32>
      %select_n3A_3913 = arith.select %gt3A_3909, %broadcast_in_dim3A_3912, %select_n3A_3869 : vector<16xi1>, vector<16xi32>
      %get3A_3914 = arith.constant 1184 : index
      %get3A_3915 = tpu.vector_load %arg4[%get3A_3914] {strides = array<i32>} : memref<5120xf32, #tpu.memory_space<vmem>>, vector<16xf32>,
      %get3A_3916 = arith.constant 2464 : index
      %get3A_3917 = tpu.vector_load %arg4[%get3A_3916] {strides = array<i32>} : memref<5120xf32, #tpu.memory_space<vmem>>, vector<16xf32>,
      %get3A_3918 = arith.constant 3744 : index
      %get3A_3919 = tpu.vector_load %arg4[%get3A_3918] {strides = array<i32>} : memref<5120xf32, #tpu.memory_space<vmem>>, vector<16xf32>,
      %get3A_3920 = arith.constant 5024 : index
      %get3A_3921 = tpu.vector_load %arg4[%get3A_3920] {strides = array<i32>} : memref<5120xf32, #tpu.memory_space<vmem>>, vector<16xf32>,
      %get3A_3922 = arith.constant 1184 : index
      %get3A_3923 = tpu.vector_load %arg6[%get3A_3922] {strides = array<i32>} : memref<1280xf32, #tpu.memory_space<vmem>>, vector<16xf32>,
      %get3A_3924 = arith.constant 1184 : index
      %get3A_3925 = tpu.vector_load %arg5[%get3A_3924] {strides = array<i32>} : memref<1280xf32, #tpu.memory_space<vmem>>, vector<16xf32>,
      %min3A_3926 = arith.minimumf %get3A_3919, %gather3A_640 : vector<16xf32>
      %max3A_3927 = arith.maximumf %get3A_3915, %gather3A_632 : vector<16xf32>
      %sub3A_3928 = arith.subf %min3A_3926, %max3A_3927 : vector<16xf32>
      %max3A_3929 = arith.constant 0.000000e+00 : f32
      %max3A_3930 = vector.broadcast %max3A_3929 : f32 to vector<16xf32>
      %max3A_3931 = arith.maximumf %sub3A_3928, %max3A_3930 : vector<16xf32>
      %min3A_3932 = arith.minimumf %get3A_3921, %gather3A_644 : vector<16xf32>
      %max3A_3933 = arith.maximumf %get3A_3917, %gather3A_636 : vector<16xf32>
      %sub3A_3934 = arith.subf %min3A_3932, %max3A_3933 : vector<16xf32>
      %max3A_3935 = arith.constant 0.000000e+00 : f32
      %max3A_3936 = vector.broadcast %max3A_3935 : f32 to vector<16xf32>
      %max3A_3937 = arith.maximumf %sub3A_3934, %max3A_3936 : vector<16xf32>
      %mul3A_3938 = arith.mulf %max3A_3931, %max3A_3937 : vector<16xf32>
      %add3A_3939 = arith.addf %mul3A_646, %get3A_3923 : vector<16xf32>
      %sub3A_3940 = arith.subf %add3A_3939, %mul3A_3938 : vector<16xf32>
      %add3A_3941 = arith.constant 9.99999997E-7 : f32
      %add3A_3942 = vector.broadcast %add3A_3941 : f32 to vector<16xf32>
      %add3A_3943 = arith.addf %sub3A_3940, %add3A_3942 : vector<16xf32>
      %div3A_3944 = arith.divf %mul3A_3938, %add3A_3943 : vector<16xf32>
      %ge3A_3945 = arith.constant 5.000000e-01 : f32
      %ge3A_3946 = vector.broadcast %ge3A_3945 : f32 to vector<16xf32>
      %ge3A_3947 = arith.cmpf oge, %div3A_3944, %ge3A_3946 : vector<16xf32>
      %jit3A_3948 = arith.constant -1.000000e+00 : f32
      %broadcast_in_dim3A_3949 = vector.broadcast %jit3A_3948 : f32 to vector<16xf32>
      %select_n3A_3950 = arith.select %ge3A_3947, %broadcast_in_dim3A_3949, %get3A_3925 : vector<16xi1>, vector<16xf32>
      %swap3A_3951 = arith.constant 1184 : index
      %swap3A_3952 = tpu.vector_load %arg5[%swap3A_3951] {strides = array<i32>} : memref<1280xf32, #tpu.memory_space<vmem>>, vector<16xf32>,
      tpu.vector_store %arg5[%swap3A_3951], %select_n3A_3950 {strides = array<i32>} : memref<1280xf32, #tpu.memory_space<vmem>>, vector<16xf32>,
      %gt3A_3953 = arith.cmpf ogt, %select_n3A_3950, %select_n3A_3910 : vector<16xf32>
      %select_n3A_3954 = arith.select %gt3A_3953, %select_n3A_3950, %select_n3A_3910 : vector<16xi1>, vector<16xf32>
      %jit3A_3955 = arith.constant 74 : i32
      %broadcast_in_dim3A_3956 = vector.broadcast %jit3A_3955 : i32 to vector<16xi32>
      %select_n3A_3957 = arith.select %gt3A_3953, %broadcast_in_dim3A_3956, %select_n3A_3913 : vector<16xi1>, vector<16xi32>
      %get3A_3958 = arith.constant 1200 : index
      %get3A_3959 = tpu.vector_load %arg4[%get3A_3958] {strides = array<i32>} : memref<5120xf32, #tpu.memory_space<vmem>>, vector<16xf32>,
      %get3A_3960 = arith.constant 2480 : index
      %get3A_3961 = tpu.vector_load %arg4[%get3A_3960] {strides = array<i32>} : memref<5120xf32, #tpu.memory_space<vmem>>, vector<16xf32>,
      %get3A_3962 = arith.constant 3760 : index
      %get3A_3963 = tpu.vector_load %arg4[%get3A_3962] {strides = array<i32>} : memref<5120xf32, #tpu.memory_space<vmem>>, vector<16xf32>,
      %get3A_3964 = arith.constant 5040 : index
      %get3A_3965 = tpu.vector_load %arg4[%get3A_3964] {strides = array<i32>} : memref<5120xf32, #tpu.memory_space<vmem>>, vector<16xf32>,
      %get3A_3966 = arith.constant 1200 : index
      %get3A_3967 = tpu.vector_load %arg6[%get3A_3966] {strides = array<i32>} : memref<1280xf32, #tpu.memory_space<vmem>>, vector<16xf32>,
      %get3A_3968 = arith.constant 1200 : index
      %get3A_3969 = tpu.vector_load %arg5[%get3A_3968] {strides = array<i32>} : memref<1280xf32, #tpu.memory_space<vmem>>, vector<16xf32>,
      %min3A_3970 = arith.minimumf %get3A_3963, %gather3A_640 : vector<16xf32>
      %max3A_3971 = arith.maximumf %get3A_3959, %gather3A_632 : vector<16xf32>
      %sub3A_3972 = arith.subf %min3A_3970, %max3A_3971 : vector<16xf32>
      %max3A_3973 = arith.constant 0.000000e+00 : f32
      %max3A_3974 = vector.broadcast %max3A_3973 : f32 to vector<16xf32>
      %max3A_3975 = arith.maximumf %sub3A_3972, %max3A_3974 : vector<16xf32>
      %min3A_3976 = arith.minimumf %get3A_3965, %gather3A_644 : vector<16xf32>
      %max3A_3977 = arith.maximumf %get3A_3961, %gather3A_636 : vector<16xf32>
      %sub3A_3978 = arith.subf %min3A_3976, %max3A_3977 : vector<16xf32>
      %max3A_3979 = arith.constant 0.000000e+00 : f32
      %max3A_3980 = vector.broadcast %max3A_3979 : f32 to vector<16xf32>
      %max3A_3981 = arith.maximumf %sub3A_3978, %max3A_3980 : vector<16xf32>
      %mul3A_3982 = arith.mulf %max3A_3975, %max3A_3981 : vector<16xf32>
      %add3A_3983 = arith.addf %mul3A_646, %get3A_3967 : vector<16xf32>
      %sub3A_3984 = arith.subf %add3A_3983, %mul3A_3982 : vector<16xf32>
      %add3A_3985 = arith.constant 9.99999997E-7 : f32
      %add3A_3986 = vector.broadcast %add3A_3985 : f32 to vector<16xf32>
      %add3A_3987 = arith.addf %sub3A_3984, %add3A_3986 : vector<16xf32>
      %div3A_3988 = arith.divf %mul3A_3982, %add3A_3987 : vector<16xf32>
      %ge3A_3989 = arith.constant 5.000000e-01 : f32
      %ge3A_3990 = vector.broadcast %ge3A_3989 : f32 to vector<16xf32>
      %ge3A_3991 = arith.cmpf oge, %div3A_3988, %ge3A_3990 : vector<16xf32>
      %jit3A_3992 = arith.constant -1.000000e+00 : f32
      %broadcast_in_dim3A_3993 = vector.broadcast %jit3A_3992 : f32 to vector<16xf32>
      %select_n3A_3994 = arith.select %ge3A_3991, %broadcast_in_dim3A_3993, %get3A_3969 : vector<16xi1>, vector<16xf32>
      %swap3A_3995 = arith.constant 1200 : index
      %swap3A_3996 = tpu.vector_load %arg5[%swap3A_3995] {strides = array<i32>} : memref<1280xf32, #tpu.memory_space<vmem>>, vector<16xf32>,
      tpu.vector_store %arg5[%swap3A_3995], %select_n3A_3994 {strides = array<i32>} : memref<1280xf32, #tpu.memory_space<vmem>>, vector<16xf32>,
      %gt3A_3997 = arith.cmpf ogt, %select_n3A_3994, %select_n3A_3954 : vector<16xf32>
      %select_n3A_3998 = arith.select %gt3A_3997, %select_n3A_3994, %select_n3A_3954 : vector<16xi1>, vector<16xf32>
      %jit3A_3999 = arith.constant 75 : i32
      %broadcast_in_dim3A_4000 = vector.broadcast %jit3A_3999 : i32 to vector<16xi32>
      %select_n3A_4001 = arith.select %gt3A_3997, %broadcast_in_dim3A_4000, %select_n3A_3957 : vector<16xi1>, vector<16xi32>
      %get3A_4002 = arith.constant 1216 : index
      %get3A_4003 = tpu.vector_load %arg4[%get3A_4002] {strides = array<i32>} : memref<5120xf32, #tpu.memory_space<vmem>>, vector<16xf32>,
      %get3A_4004 = arith.constant 2496 : index
      %get3A_4005 = tpu.vector_load %arg4[%get3A_4004] {strides = array<i32>} : memref<5120xf32, #tpu.memory_space<vmem>>, vector<16xf32>,
      %get3A_4006 = arith.constant 3776 : index
      %get3A_4007 = tpu.vector_load %arg4[%get3A_4006] {strides = array<i32>} : memref<5120xf32, #tpu.memory_space<vmem>>, vector<16xf32>,
      %get3A_4008 = arith.constant 5056 : index
      %get3A_4009 = tpu.vector_load %arg4[%get3A_4008] {strides = array<i32>} : memref<5120xf32, #tpu.memory_space<vmem>>, vector<16xf32>,
      %get3A_4010 = arith.constant 1216 : index
      %get3A_4011 = tpu.vector_load %arg6[%get3A_4010] {strides = array<i32>} : memref<1280xf32, #tpu.memory_space<vmem>>, vector<16xf32>,
      %get3A_4012 = arith.constant 1216 : index
      %get3A_4013 = tpu.vector_load %arg5[%get3A_4012] {strides = array<i32>} : memref<1280xf32, #tpu.memory_space<vmem>>, vector<16xf32>,
      %min3A_4014 = arith.minimumf %get3A_4007, %gather3A_640 : vector<16xf32>
      %max3A_4015 = arith.maximumf %get3A_4003, %gather3A_632 : vector<16xf32>
      %sub3A_4016 = arith.subf %min3A_4014, %max3A_4015 : vector<16xf32>
      %max3A_4017 = arith.constant 0.000000e+00 : f32
      %max3A_4018 = vector.broadcast %max3A_4017 : f32 to vector<16xf32>
      %max3A_4019 = arith.maximumf %sub3A_4016, %max3A_4018 : vector<16xf32>
      %min3A_4020 = arith.minimumf %get3A_4009, %gather3A_644 : vector<16xf32>
      %max3A_4021 = arith.maximumf %get3A_4005, %gather3A_636 : vector<16xf32>
      %sub3A_4022 = arith.subf %min3A_4020, %max3A_4021 : vector<16xf32>
      %max3A_4023 = arith.constant 0.000000e+00 : f32
      %max3A_4024 = vector.broadcast %max3A_4023 : f32 to vector<16xf32>
      %max3A_4025 = arith.maximumf %sub3A_4022, %max3A_4024 : vector<16xf32>
      %mul3A_4026 = arith.mulf %max3A_4019, %max3A_4025 : vector<16xf32>
      %add3A_4027 = arith.addf %mul3A_646, %get3A_4011 : vector<16xf32>
      %sub3A_4028 = arith.subf %add3A_4027, %mul3A_4026 : vector<16xf32>
      %add3A_4029 = arith.constant 9.99999997E-7 : f32
      %add3A_4030 = vector.broadcast %add3A_4029 : f32 to vector<16xf32>
      %add3A_4031 = arith.addf %sub3A_4028, %add3A_4030 : vector<16xf32>
      %div3A_4032 = arith.divf %mul3A_4026, %add3A_4031 : vector<16xf32>
      %ge3A_4033 = arith.constant 5.000000e-01 : f32
      %ge3A_4034 = vector.broadcast %ge3A_4033 : f32 to vector<16xf32>
      %ge3A_4035 = arith.cmpf oge, %div3A_4032, %ge3A_4034 : vector<16xf32>
      %jit3A_4036 = arith.constant -1.000000e+00 : f32
      %broadcast_in_dim3A_4037 = vector.broadcast %jit3A_4036 : f32 to vector<16xf32>
      %select_n3A_4038 = arith.select %ge3A_4035, %broadcast_in_dim3A_4037, %get3A_4013 : vector<16xi1>, vector<16xf32>
      %swap3A_4039 = arith.constant 1216 : index
      %swap3A_4040 = tpu.vector_load %arg5[%swap3A_4039] {strides = array<i32>} : memref<1280xf32, #tpu.memory_space<vmem>>, vector<16xf32>,
      tpu.vector_store %arg5[%swap3A_4039], %select_n3A_4038 {strides = array<i32>} : memref<1280xf32, #tpu.memory_space<vmem>>, vector<16xf32>,
      %gt3A_4041 = arith.cmpf ogt, %select_n3A_4038, %select_n3A_3998 : vector<16xf32>
      %select_n3A_4042 = arith.select %gt3A_4041, %select_n3A_4038, %select_n3A_3998 : vector<16xi1>, vector<16xf32>
      %jit3A_4043 = arith.constant 76 : i32
      %broadcast_in_dim3A_4044 = vector.broadcast %jit3A_4043 : i32 to vector<16xi32>
      %select_n3A_4045 = arith.select %gt3A_4041, %broadcast_in_dim3A_4044, %select_n3A_4001 : vector<16xi1>, vector<16xi32>
      %get3A_4046 = arith.constant 1232 : index
      %get3A_4047 = tpu.vector_load %arg4[%get3A_4046] {strides = array<i32>} : memref<5120xf32, #tpu.memory_space<vmem>>, vector<16xf32>,
      %get3A_4048 = arith.constant 2512 : index
      %get3A_4049 = tpu.vector_load %arg4[%get3A_4048] {strides = array<i32>} : memref<5120xf32, #tpu.memory_space<vmem>>, vector<16xf32>,
      %get3A_4050 = arith.constant 3792 : index
      %get3A_4051 = tpu.vector_load %arg4[%get3A_4050] {strides = array<i32>} : memref<5120xf32, #tpu.memory_space<vmem>>, vector<16xf32>,
      %get3A_4052 = arith.constant 5072 : index
      %get3A_4053 = tpu.vector_load %arg4[%get3A_4052] {strides = array<i32>} : memref<5120xf32, #tpu.memory_space<vmem>>, vector<16xf32>,
      %get3A_4054 = arith.constant 1232 : index
      %get3A_4055 = tpu.vector_load %arg6[%get3A_4054] {strides = array<i32>} : memref<1280xf32, #tpu.memory_space<vmem>>, vector<16xf32>,
      %get3A_4056 = arith.constant 1232 : index
      %get3A_4057 = tpu.vector_load %arg5[%get3A_4056] {strides = array<i32>} : memref<1280xf32, #tpu.memory_space<vmem>>, vector<16xf32>,
      %min3A_4058 = arith.minimumf %get3A_4051, %gather3A_640 : vector<16xf32>
      %max3A_4059 = arith.maximumf %get3A_4047, %gather3A_632 : vector<16xf32>
      %sub3A_4060 = arith.subf %min3A_4058, %max3A_4059 : vector<16xf32>
      %max3A_4061 = arith.constant 0.000000e+00 : f32
      %max3A_4062 = vector.broadcast %max3A_4061 : f32 to vector<16xf32>
      %max3A_4063 = arith.maximumf %sub3A_4060, %max3A_4062 : vector<16xf32>
      %min3A_4064 = arith.minimumf %get3A_4053, %gather3A_644 : vector<16xf32>
      %max3A_4065 = arith.maximumf %get3A_4049, %gather3A_636 : vector<16xf32>
      %sub3A_4066 = arith.subf %min3A_4064, %max3A_4065 : vector<16xf32>
      %max3A_4067 = arith.constant 0.000000e+00 : f32
      %max3A_4068 = vector.broadcast %max3A_4067 : f32 to vector<16xf32>
      %max3A_4069 = arith.maximumf %sub3A_4066, %max3A_4068 : vector<16xf32>
      %mul3A_4070 = arith.mulf %max3A_4063, %max3A_4069 : vector<16xf32>
      %add3A_4071 = arith.addf %mul3A_646, %get3A_4055 : vector<16xf32>
      %sub3A_4072 = arith.subf %add3A_4071, %mul3A_4070 : vector<16xf32>
      %add3A_4073 = arith.constant 9.99999997E-7 : f32
      %add3A_4074 = vector.broadcast %add3A_4073 : f32 to vector<16xf32>
      %add3A_4075 = arith.addf %sub3A_4072, %add3A_4074 : vector<16xf32>
      %div3A_4076 = arith.divf %mul3A_4070, %add3A_4075 : vector<16xf32>
      %ge3A_4077 = arith.constant 5.000000e-01 : f32
      %ge3A_4078 = vector.broadcast %ge3A_4077 : f32 to vector<16xf32>
      %ge3A_4079 = arith.cmpf oge, %div3A_4076, %ge3A_4078 : vector<16xf32>
      %jit3A_4080 = arith.constant -1.000000e+00 : f32
      %broadcast_in_dim3A_4081 = vector.broadcast %jit3A_4080 : f32 to vector<16xf32>
      %select_n3A_4082 = arith.select %ge3A_4079, %broadcast_in_dim3A_4081, %get3A_4057 : vector<16xi1>, vector<16xf32>
      %swap3A_4083 = arith.constant 1232 : index
      %swap3A_4084 = tpu.vector_load %arg5[%swap3A_4083] {strides = array<i32>} : memref<1280xf32, #tpu.memory_space<vmem>>, vector<16xf32>,
      tpu.vector_store %arg5[%swap3A_4083], %select_n3A_4082 {strides = array<i32>} : memref<1280xf32, #tpu.memory_space<vmem>>, vector<16xf32>,
      %gt3A_4085 = arith.cmpf ogt, %select_n3A_4082, %select_n3A_4042 : vector<16xf32>
      %select_n3A_4086 = arith.select %gt3A_4085, %select_n3A_4082, %select_n3A_4042 : vector<16xi1>, vector<16xf32>
      %jit3A_4087 = arith.constant 77 : i32
      %broadcast_in_dim3A_4088 = vector.broadcast %jit3A_4087 : i32 to vector<16xi32>
      %select_n3A_4089 = arith.select %gt3A_4085, %broadcast_in_dim3A_4088, %select_n3A_4045 : vector<16xi1>, vector<16xi32>
      %get3A_4090 = arith.constant 1248 : index
      %get3A_4091 = tpu.vector_load %arg4[%get3A_4090] {strides = array<i32>} : memref<5120xf32, #tpu.memory_space<vmem>>, vector<16xf32>,
      %get3A_4092 = arith.constant 2528 : index
      %get3A_4093 = tpu.vector_load %arg4[%get3A_4092] {strides = array<i32>} : memref<5120xf32, #tpu.memory_space<vmem>>, vector<16xf32>,
      %get3A_4094 = arith.constant 3808 : index
      %get3A_4095 = tpu.vector_load %arg4[%get3A_4094] {strides = array<i32>} : memref<5120xf32, #tpu.memory_space<vmem>>, vector<16xf32>,
      %get3A_4096 = arith.constant 5088 : index
      %get3A_4097 = tpu.vector_load %arg4[%get3A_4096] {strides = array<i32>} : memref<5120xf32, #tpu.memory_space<vmem>>, vector<16xf32>,
      %get3A_4098 = arith.constant 1248 : index
      %get3A_4099 = tpu.vector_load %arg6[%get3A_4098] {strides = array<i32>} : memref<1280xf32, #tpu.memory_space<vmem>>, vector<16xf32>,
      %get3A_4100 = arith.constant 1248 : index
      %get3A_4101 = tpu.vector_load %arg5[%get3A_4100] {strides = array<i32>} : memref<1280xf32, #tpu.memory_space<vmem>>, vector<16xf32>,
      %min3A_4102 = arith.minimumf %get3A_4095, %gather3A_640 : vector<16xf32>
      %max3A_4103 = arith.maximumf %get3A_4091, %gather3A_632 : vector<16xf32>
      %sub3A_4104 = arith.subf %min3A_4102, %max3A_4103 : vector<16xf32>
      %max3A_4105 = arith.constant 0.000000e+00 : f32
      %max3A_4106 = vector.broadcast %max3A_4105 : f32 to vector<16xf32>
      %max3A_4107 = arith.maximumf %sub3A_4104, %max3A_4106 : vector<16xf32>
      %min3A_4108 = arith.minimumf %get3A_4097, %gather3A_644 : vector<16xf32>
      %max3A_4109 = arith.maximumf %get3A_4093, %gather3A_636 : vector<16xf32>
      %sub3A_4110 = arith.subf %min3A_4108, %max3A_4109 : vector<16xf32>
      %max3A_4111 = arith.constant 0.000000e+00 : f32
      %max3A_4112 = vector.broadcast %max3A_4111 : f32 to vector<16xf32>
      %max3A_4113 = arith.maximumf %sub3A_4110, %max3A_4112 : vector<16xf32>
      %mul3A_4114 = arith.mulf %max3A_4107, %max3A_4113 : vector<16xf32>
      %add3A_4115 = arith.addf %mul3A_646, %get3A_4099 : vector<16xf32>
      %sub3A_4116 = arith.subf %add3A_4115, %mul3A_4114 : vector<16xf32>
      %add3A_4117 = arith.constant 9.99999997E-7 : f32
      %add3A_4118 = vector.broadcast %add3A_4117 : f32 to vector<16xf32>
      %add3A_4119 = arith.addf %sub3A_4116, %add3A_4118 : vector<16xf32>
      %div3A_4120 = arith.divf %mul3A_4114, %add3A_4119 : vector<16xf32>
      %ge3A_4121 = arith.constant 5.000000e-01 : f32
      %ge3A_4122 = vector.broadcast %ge3A_4121 : f32 to vector<16xf32>
      %ge3A_4123 = arith.cmpf oge, %div3A_4120, %ge3A_4122 : vector<16xf32>
      %jit3A_4124 = arith.constant -1.000000e+00 : f32
      %broadcast_in_dim3A_4125 = vector.broadcast %jit3A_4124 : f32 to vector<16xf32>
      %select_n3A_4126 = arith.select %ge3A_4123, %broadcast_in_dim3A_4125, %get3A_4101 : vector<16xi1>, vector<16xf32>
      %swap3A_4127 = arith.constant 1248 : index
      %swap3A_4128 = tpu.vector_load %arg5[%swap3A_4127] {strides = array<i32>} : memref<1280xf32, #tpu.memory_space<vmem>>, vector<16xf32>,
      tpu.vector_store %arg5[%swap3A_4127], %select_n3A_4126 {strides = array<i32>} : memref<1280xf32, #tpu.memory_space<vmem>>, vector<16xf32>,
      %gt3A_4129 = arith.cmpf ogt, %select_n3A_4126, %select_n3A_4086 : vector<16xf32>
      %select_n3A_4130 = arith.select %gt3A_4129, %select_n3A_4126, %select_n3A_4086 : vector<16xi1>, vector<16xf32>
      %jit3A_4131 = arith.constant 78 : i32
      %broadcast_in_dim3A_4132 = vector.broadcast %jit3A_4131 : i32 to vector<16xi32>
      %select_n3A_4133 = arith.select %gt3A_4129, %broadcast_in_dim3A_4132, %select_n3A_4089 : vector<16xi1>, vector<16xi32>
      %get3A_4134 = arith.constant 1264 : index
      %get3A_4135 = tpu.vector_load %arg4[%get3A_4134] {strides = array<i32>} : memref<5120xf32, #tpu.memory_space<vmem>>, vector<16xf32>,
      %get3A_4136 = arith.constant 2544 : index
      %get3A_4137 = tpu.vector_load %arg4[%get3A_4136] {strides = array<i32>} : memref<5120xf32, #tpu.memory_space<vmem>>, vector<16xf32>,
      %get3A_4138 = arith.constant 3824 : index
      %get3A_4139 = tpu.vector_load %arg4[%get3A_4138] {strides = array<i32>} : memref<5120xf32, #tpu.memory_space<vmem>>, vector<16xf32>,
      %get3A_4140 = arith.constant 5104 : index
      %get3A_4141 = tpu.vector_load %arg4[%get3A_4140] {strides = array<i32>} : memref<5120xf32, #tpu.memory_space<vmem>>, vector<16xf32>,
      %get3A_4142 = arith.constant 1264 : index
      %get3A_4143 = tpu.vector_load %arg6[%get3A_4142] {strides = array<i32>} : memref<1280xf32, #tpu.memory_space<vmem>>, vector<16xf32>,
      %get3A_4144 = arith.constant 1264 : index
      %get3A_4145 = tpu.vector_load %arg5[%get3A_4144] {strides = array<i32>} : memref<1280xf32, #tpu.memory_space<vmem>>, vector<16xf32>,
      %min3A_4146 = arith.minimumf %get3A_4139, %gather3A_640 : vector<16xf32>
      %max3A_4147 = arith.maximumf %get3A_4135, %gather3A_632 : vector<16xf32>
      %sub3A_4148 = arith.subf %min3A_4146, %max3A_4147 : vector<16xf32>
      %max3A_4149 = arith.constant 0.000000e+00 : f32
      %max3A_4150 = vector.broadcast %max3A_4149 : f32 to vector<16xf32>
      %max3A_4151 = arith.maximumf %sub3A_4148, %max3A_4150 : vector<16xf32>
      %min3A_4152 = arith.minimumf %get3A_4141, %gather3A_644 : vector<16xf32>
      %max3A_4153 = arith.maximumf %get3A_4137, %gather3A_636 : vector<16xf32>
      %sub3A_4154 = arith.subf %min3A_4152, %max3A_4153 : vector<16xf32>
      %max3A_4155 = arith.constant 0.000000e+00 : f32
      %max3A_4156 = vector.broadcast %max3A_4155 : f32 to vector<16xf32>
      %max3A_4157 = arith.maximumf %sub3A_4154, %max3A_4156 : vector<16xf32>
      %mul3A_4158 = arith.mulf %max3A_4151, %max3A_4157 : vector<16xf32>
      %add3A_4159 = arith.addf %mul3A_646, %get3A_4143 : vector<16xf32>
      %sub3A_4160 = arith.subf %add3A_4159, %mul3A_4158 : vector<16xf32>
      %add3A_4161 = arith.constant 9.99999997E-7 : f32
      %add3A_4162 = vector.broadcast %add3A_4161 : f32 to vector<16xf32>
      %add3A_4163 = arith.addf %sub3A_4160, %add3A_4162 : vector<16xf32>
      %div3A_4164 = arith.divf %mul3A_4158, %add3A_4163 : vector<16xf32>
      %ge3A_4165 = arith.constant 5.000000e-01 : f32
      %ge3A_4166 = vector.broadcast %ge3A_4165 : f32 to vector<16xf32>
      %ge3A_4167 = arith.cmpf oge, %div3A_4164, %ge3A_4166 : vector<16xf32>
      %jit3A_4168 = arith.constant -1.000000e+00 : f32
      %broadcast_in_dim3A_4169 = vector.broadcast %jit3A_4168 : f32 to vector<16xf32>
      %select_n3A_4170 = arith.select %ge3A_4167, %broadcast_in_dim3A_4169, %get3A_4145 : vector<16xi1>, vector<16xf32>
      %swap3A_4171 = arith.constant 1264 : index
      %swap3A_4172 = tpu.vector_load %arg5[%swap3A_4171] {strides = array<i32>} : memref<1280xf32, #tpu.memory_space<vmem>>, vector<16xf32>,
      tpu.vector_store %arg5[%swap3A_4171], %select_n3A_4170 {strides = array<i32>} : memref<1280xf32, #tpu.memory_space<vmem>>, vector<16xf32>,
      %gt3A_4173 = arith.cmpf ogt, %select_n3A_4170, %select_n3A_4130 : vector<16xf32>
      %select_n3A_4174 = arith.select %gt3A_4173, %select_n3A_4170, %select_n3A_4130 : vector<16xi1>, vector<16xf32>
      %jit3A_4175 = arith.constant 79 : i32
      %broadcast_in_dim3A_4176 = vector.broadcast %jit3A_4175 : i32 to vector<16xi32>
      %select_n3A_4177 = arith.select %gt3A_4173, %broadcast_in_dim3A_4176, %select_n3A_4133 : vector<16xi1>, vector<16xi32>
      scf.yield %select_n3A_4174, %select_n3A_4177 : vector<16xf32>, vector<16xi32>
    }
    %scan3A_562 = arith.constant 100 : i32
    %eq3A = arith.constant 0 : i32
    %eq3A_563 = arith.cmpi eq, %arg1, %eq3A : i32
    %convert_element_type3A = arith.extui %eq3A_563 : i1 to i32
    %cond3A = arith.constant 0 : i32
    %cond3A_564 = arith.cmpi ne, %convert_element_type3A, %cond3A : i32
    scf.if %cond3A_564 {
      "tpu.region"() ({
        %run_scoped3A_565 = tpu.sem_alloc : memref<!tpu.dma_semaphore, #tpu.memory_space<semaphore_mem>>
        %dma_start3A = arith.constant 0 : i32
        %dma_start3A_566 = tpu.memref_slice %arg3[%arg0, %dma_start3A] : memref<2x1600xf32, #tpu.memory_space<hbm>> -> memref<1x1600xf32, #tpu.memory_space<hbm>>
        %dma_start3A_567 = tpu.memref_squeeze %dma_start3A_566 : memref<1x1600xf32, #tpu.memory_space<hbm>> -> memref<1600xf32, #tpu.memory_space<hbm>>
        %dma_start3A_568 = arith.constant 0 : i32
        %dma_start3A_569 = tpu.memref_slice %arg3[%arg0, %dma_start3A_568] : memref<2x1600xf32, #tpu.memory_space<hbm>> -> memref<1x1600xf32, #tpu.memory_space<hbm>>
        %dma_start3A_570 = tpu.memref_squeeze %dma_start3A_569 : memref<1x1600xf32, #tpu.memory_space<hbm>> -> memref<1600xf32, #tpu.memory_space<hbm>>
        tpu.enqueue_dma source(%arg9 : memref<1600xf32, #tpu.memory_space<vmem>>) target(%dma_start3A_570 : memref<1600xf32, #tpu.memory_space<hbm>>) target_semaphore(%run_scoped3A_565 : memref<!tpu.dma_semaphore, #tpu.memory_space<semaphore_mem>>)
        %dma_wait3A = arith.constant 0 : i32
        %dma_wait3A_571 = tpu.memref_slice %arg3[%arg0, %dma_wait3A] : memref<2x1600xf32, #tpu.memory_space<hbm>> -> memref<1x1600xf32, #tpu.memory_space<hbm>>
        %dma_wait3A_572 = tpu.memref_squeeze %dma_wait3A_571 : memref<1x1600xf32, #tpu.memory_space<hbm>> -> memref<1600xf32, #tpu.memory_space<hbm>>
        %dma_wait3A_573 = arith.constant 0 : i32
        %dma_wait3A_574 = tpu.memref_slice %arg3[%arg0, %dma_wait3A_573] : memref<2x1600xf32, #tpu.memory_space<hbm>> -> memref<1x1600xf32, #tpu.memory_space<hbm>>
        %dma_wait3A_575 = tpu.memref_squeeze %dma_wait3A_574 : memref<1x1600xf32, #tpu.memory_space<hbm>> -> memref<1600xf32, #tpu.memory_space<hbm>>
        tpu.wait_dma2 semaphore(%run_scoped3A_565 : memref<!tpu.dma_semaphore, #tpu.memory_space<semaphore_mem>>) src(%arg9 : memref<1600xf32, #tpu.memory_space<vmem>>) dst(%dma_wait3A_575 : memref<1600xf32, #tpu.memory_space<hbm>>)
        tpu.yield
      }) : () -> ()
    } else {
    }
    return
  }
}

module attributes {stable_mosaic.version = 14 : i64} {
  func.func @_prep_body(%arg0: memref<1x1xf32, #tpu.memory_space<vmem>>, %arg1: memref<3x160x128xf32, #tpu.memory_space<vmem>>, %arg2: memref<8x160x128xf32, #tpu.memory_space<vmem>>, %arg3: memref<4x160x128xf32, #tpu.memory_space<vmem>>, %arg4: memref<2x6x160x128xf32, #tpu.memory_space<vmem>>) attributes {dimension_semantics = [], scalar_prefetch = 0 : i64, scratch_operands = 0 : i64, tpu.core_type = #tpu.core_type<tc>} {
    %get3A = arith.constant 0 : index
    %get3A_0 = arith.constant 0 : index
    %get3A_1 = vector.load %arg0[%get3A, %get3A_0] : memref<1x1xf32, #tpu.memory_space<vmem>>, vector<1x1xf32>
    %get3A_2 = vector.extract %get3A_1[0, 0] : f32 from vector<1x1xf32>
    %get3A_3 = arith.constant 0 : index
    %get3A_4 = arith.constant 0 : index
    %get3A_5 = arith.constant 0 : index
    %get3A_6 = vector.load %arg1[%get3A_3, %get3A_4, %get3A_5] : memref<3x160x128xf32, #tpu.memory_space<vmem>>, vector<1x160x128xf32>
    %get3A_7 = vector.shape_cast %get3A_6 : vector<1x160x128xf32> to vector<160x128xf32>
    %get3A_8 = arith.constant 1 : index
    %get3A_9 = arith.constant 0 : index
    %get3A_10 = arith.constant 0 : index
    %get3A_11 = vector.load %arg1[%get3A_8, %get3A_9, %get3A_10] : memref<3x160x128xf32, #tpu.memory_space<vmem>>, vector<1x160x128xf32>
    %get3A_12 = vector.shape_cast %get3A_11 : vector<1x160x128xf32> to vector<160x128xf32>
    %get3A_13 = arith.constant 2 : index
    %get3A_14 = arith.constant 0 : index
    %get3A_15 = arith.constant 0 : index
    %get3A_16 = vector.load %arg1[%get3A_13, %get3A_14, %get3A_15] : memref<3x160x128xf32, #tpu.memory_space<vmem>>, vector<1x160x128xf32>
    %get3A_17 = vector.shape_cast %get3A_16 : vector<1x160x128xf32> to vector<160x128xf32>
    %max3A = arith.maximumf %get3A_7, %get3A_12 : vector<160x128xf32>
    %max3A_18 = arith.maximumf %max3A, %get3A_17 : vector<160x128xf32>
    %sub3A = arith.subf %get3A_7, %max3A_18 : vector<160x128xf32>
    %exp3A = math.exp %sub3A : vector<160x128xf32>
    %sub3A_19 = arith.subf %get3A_12, %max3A_18 : vector<160x128xf32>
    %exp3A_20 = math.exp %sub3A_19 : vector<160x128xf32>
    %sub3A_21 = arith.subf %get3A_17, %max3A_18 : vector<160x128xf32>
    %exp3A_22 = math.exp %sub3A_21 : vector<160x128xf32>
    %add3A = arith.addf %exp3A, %exp3A_20 : vector<160x128xf32>
    %add3A_23 = arith.addf %add3A, %exp3A_22 : vector<160x128xf32>
    %get3A_24 = arith.constant 0 : index
    %get3A_25 = arith.constant 0 : index
    %get3A_26 = arith.constant 0 : index
    %get3A_27 = vector.load %arg3[%get3A_24, %get3A_25, %get3A_26] : memref<4x160x128xf32, #tpu.memory_space<vmem>>, vector<1x160x128xf32>
    %get3A_28 = vector.shape_cast %get3A_27 : vector<1x160x128xf32> to vector<160x128xf32>
    %get3A_29 = arith.constant 1 : index
    %get3A_30 = arith.constant 0 : index
    %get3A_31 = arith.constant 0 : index
    %get3A_32 = vector.load %arg3[%get3A_29, %get3A_30, %get3A_31] : memref<4x160x128xf32, #tpu.memory_space<vmem>>, vector<1x160x128xf32>
    %get3A_33 = vector.shape_cast %get3A_32 : vector<1x160x128xf32> to vector<160x128xf32>
    %get3A_34 = arith.constant 2 : index
    %get3A_35 = arith.constant 0 : index
    %get3A_36 = arith.constant 0 : index
    %get3A_37 = vector.load %arg3[%get3A_34, %get3A_35, %get3A_36] : memref<4x160x128xf32, #tpu.memory_space<vmem>>, vector<1x160x128xf32>
    %get3A_38 = vector.shape_cast %get3A_37 : vector<1x160x128xf32> to vector<160x128xf32>
    %get3A_39 = arith.constant 3 : index
    %get3A_40 = arith.constant 0 : index
    %get3A_41 = arith.constant 0 : index
    %get3A_42 = vector.load %arg3[%get3A_39, %get3A_40, %get3A_41] : memref<4x160x128xf32, #tpu.memory_space<vmem>>, vector<1x160x128xf32>
    %get3A_43 = vector.shape_cast %get3A_42 : vector<1x160x128xf32> to vector<160x128xf32>
    %sub3A_44 = arith.subf %get3A_38, %get3A_28 : vector<160x128xf32>
    %sub3A_45 = arith.subf %get3A_43, %get3A_33 : vector<160x128xf32>
    %mul3A = arith.constant 5.000000e-01 : f32
    %mul3A_46 = vector.broadcast %mul3A : f32 to vector<160x128xf32>
    %mul3A_47 = arith.mulf %mul3A_46, %sub3A_44 : vector<160x128xf32>
    %add3A_48 = arith.addf %get3A_28, %mul3A_47 : vector<160x128xf32>
    %mul3A_49 = arith.constant 5.000000e-01 : f32
    %mul3A_50 = vector.broadcast %mul3A_49 : f32 to vector<160x128xf32>
    %mul3A_51 = arith.mulf %mul3A_50, %sub3A_45 : vector<160x128xf32>
    %add3A_52 = arith.addf %get3A_33, %mul3A_51 : vector<160x128xf32>
    %iota3A = tpu.iota {dimensions = array<i32: 0>} : vector<160x128xi32>
    %iota3A_53 = tpu.iota {dimensions = array<i32: 1>} : vector<160x128xi32>
    %mul3A_54 = arith.constant 128 : i32
    %mul3A_55 = vector.broadcast %mul3A_54 : i32 to vector<160x128xi32>
    %mul3A_56 = arith.muli %iota3A, %mul3A_55 : vector<160x128xi32>
    %add3A_57 = arith.addi %mul3A_56, %iota3A_53 : vector<160x128xi32>
    %lt3A = arith.constant 20000 : i32
    %lt3A_58 = vector.broadcast %lt3A : i32 to vector<160x128xi32>
    %lt3A_59 = arith.cmpi slt, %add3A_57, %lt3A_58 : vector<160x128xi32>
    %div3A = arith.divf %exp3A_20, %add3A_23 : vector<160x128xf32>
    %gt3A = arith.constant 5.000000e-02 : f32
    %gt3A_60 = vector.broadcast %gt3A : f32 to vector<160x128xf32>
    %gt3A_61 = arith.cmpf ogt, %div3A, %gt3A_60 : vector<160x128xf32>
    %jit3A = arith.constant -1.000000e+00 : f32
    %broadcast_in_dim3A = vector.broadcast %jit3A : f32 to vector<160x128xf32>
    %select_n3A = arith.select %gt3A_61, %div3A, %broadcast_in_dim3A : vector<160x128xi1>, vector<160x128xf32>
    %jit3A_62 = arith.constant -3.000000e+00 : f32
    %broadcast_in_dim3A_63 = vector.broadcast %jit3A_62 : f32 to vector<160x128xf32>
    %select_n3A_64 = arith.select %lt3A_59, %select_n3A, %broadcast_in_dim3A_63 : vector<160x128xi1>, vector<160x128xf32>
    %get3A_65 = arith.constant 0 : index
    %get3A_66 = arith.constant 0 : index
    %get3A_67 = arith.constant 0 : index
    %get3A_68 = vector.load %arg2[%get3A_65, %get3A_66, %get3A_67] : memref<8x160x128xf32, #tpu.memory_space<vmem>>, vector<1x160x128xf32>
    %get3A_69 = vector.shape_cast %get3A_68 : vector<1x160x128xf32> to vector<160x128xf32>
    %div3A_70 = arith.constant 1.000000e+01 : f32
    %div3A_71 = vector.broadcast %div3A_70 : f32 to vector<160x128xf32>
    %div3A_72 = arith.divf %get3A_69, %div3A_71 : vector<160x128xf32>
    %get3A_73 = arith.constant 1 : index
    %get3A_74 = arith.constant 0 : index
    %get3A_75 = arith.constant 0 : index
    %get3A_76 = vector.load %arg2[%get3A_73, %get3A_74, %get3A_75] : memref<8x160x128xf32, #tpu.memory_space<vmem>>, vector<1x160x128xf32>
    %get3A_77 = vector.shape_cast %get3A_76 : vector<1x160x128xf32> to vector<160x128xf32>
    %div3A_78 = arith.constant 1.000000e+01 : f32
    %div3A_79 = vector.broadcast %div3A_78 : f32 to vector<160x128xf32>
    %div3A_80 = arith.divf %get3A_77, %div3A_79 : vector<160x128xf32>
    %get3A_81 = arith.constant 2 : index
    %get3A_82 = arith.constant 0 : index
    %get3A_83 = arith.constant 0 : index
    %get3A_84 = vector.load %arg2[%get3A_81, %get3A_82, %get3A_83] : memref<8x160x128xf32, #tpu.memory_space<vmem>>, vector<1x160x128xf32>
    %get3A_85 = vector.shape_cast %get3A_84 : vector<1x160x128xf32> to vector<160x128xf32>
    %div3A_86 = arith.constant 5.000000e+00 : f32
    %div3A_87 = vector.broadcast %div3A_86 : f32 to vector<160x128xf32>
    %div3A_88 = arith.divf %get3A_85, %div3A_87 : vector<160x128xf32>
    %min3A = arith.constant 4.13516665 : f32
    %min3A_89 = vector.broadcast %min3A : f32 to vector<160x128xf32>
    %min3A_90 = arith.minimumf %div3A_88, %min3A_89 : vector<160x128xf32>
    %get3A_91 = arith.constant 3 : index
    %get3A_92 = arith.constant 0 : index
    %get3A_93 = arith.constant 0 : index
    %get3A_94 = vector.load %arg2[%get3A_91, %get3A_92, %get3A_93] : memref<8x160x128xf32, #tpu.memory_space<vmem>>, vector<1x160x128xf32>
    %get3A_95 = vector.shape_cast %get3A_94 : vector<1x160x128xf32> to vector<160x128xf32>
    %div3A_96 = arith.constant 5.000000e+00 : f32
    %div3A_97 = vector.broadcast %div3A_96 : f32 to vector<160x128xf32>
    %div3A_98 = arith.divf %get3A_95, %div3A_97 : vector<160x128xf32>
    %min3A_99 = arith.constant 4.13516665 : f32
    %min3A_100 = vector.broadcast %min3A_99 : f32 to vector<160x128xf32>
    %min3A_101 = arith.minimumf %div3A_98, %min3A_100 : vector<160x128xf32>
    %mul3A_102 = arith.mulf %div3A_72, %sub3A_44 : vector<160x128xf32>
    %add3A_103 = arith.addf %mul3A_102, %add3A_48 : vector<160x128xf32>
    %mul3A_104 = arith.mulf %div3A_80, %sub3A_45 : vector<160x128xf32>
    %add3A_105 = arith.addf %mul3A_104, %add3A_52 : vector<160x128xf32>
    %exp3A_106 = math.exp %min3A_90 : vector<160x128xf32>
    %mul3A_107 = arith.mulf %exp3A_106, %sub3A_44 : vector<160x128xf32>
    %exp3A_108 = math.exp %min3A_101 : vector<160x128xf32>
    %mul3A_109 = arith.mulf %exp3A_108, %sub3A_45 : vector<160x128xf32>
    %mul3A_110 = arith.constant 5.000000e-01 : f32
    %mul3A_111 = vector.broadcast %mul3A_110 : f32 to vector<160x128xf32>
    %mul3A_112 = arith.mulf %mul3A_111, %mul3A_107 : vector<160x128xf32>
    %sub3A_113 = arith.subf %add3A_103, %mul3A_112 : vector<160x128xf32>
    %jit3A_114 = arith.constant 0.000000e+00 : f32
    %max3A_115 = vector.broadcast %jit3A_114 : f32 to vector<160x128xf32>
    %max3A_116 = arith.maximumf %max3A_115, %sub3A_113 : vector<160x128xf32>
    %min3A_117 = vector.broadcast %get3A_2 : f32 to vector<160x128xf32>
    %min3A_118 = arith.minimumf %min3A_117, %max3A_116 : vector<160x128xf32>
    %mul3A_119 = arith.constant 5.000000e-01 : f32
    %mul3A_120 = vector.broadcast %mul3A_119 : f32 to vector<160x128xf32>
    %mul3A_121 = arith.mulf %mul3A_120, %mul3A_109 : vector<160x128xf32>
    %sub3A_122 = arith.subf %add3A_105, %mul3A_121 : vector<160x128xf32>
    %jit3A_123 = arith.constant 0.000000e+00 : f32
    %max3A_124 = vector.broadcast %jit3A_123 : f32 to vector<160x128xf32>
    %max3A_125 = arith.maximumf %max3A_124, %sub3A_122 : vector<160x128xf32>
    %min3A_126 = vector.broadcast %get3A_2 : f32 to vector<160x128xf32>
    %min3A_127 = arith.minimumf %min3A_126, %max3A_125 : vector<160x128xf32>
    %mul3A_128 = arith.constant 5.000000e-01 : f32
    %mul3A_129 = vector.broadcast %mul3A_128 : f32 to vector<160x128xf32>
    %mul3A_130 = arith.mulf %mul3A_129, %mul3A_107 : vector<160x128xf32>
    %add3A_131 = arith.addf %add3A_103, %mul3A_130 : vector<160x128xf32>
    %jit3A_132 = arith.constant 0.000000e+00 : f32
    %max3A_133 = vector.broadcast %jit3A_132 : f32 to vector<160x128xf32>
    %max3A_134 = arith.maximumf %max3A_133, %add3A_131 : vector<160x128xf32>
    %min3A_135 = vector.broadcast %get3A_2 : f32 to vector<160x128xf32>
    %min3A_136 = arith.minimumf %min3A_135, %max3A_134 : vector<160x128xf32>
    %mul3A_137 = arith.constant 5.000000e-01 : f32
    %mul3A_138 = vector.broadcast %mul3A_137 : f32 to vector<160x128xf32>
    %mul3A_139 = arith.mulf %mul3A_138, %mul3A_109 : vector<160x128xf32>
    %add3A_140 = arith.addf %add3A_105, %mul3A_139 : vector<160x128xf32>
    %jit3A_141 = arith.constant 0.000000e+00 : f32
    %max3A_142 = vector.broadcast %jit3A_141 : f32 to vector<160x128xf32>
    %max3A_143 = arith.maximumf %max3A_142, %add3A_140 : vector<160x128xf32>
    %min3A_144 = vector.broadcast %get3A_2 : f32 to vector<160x128xf32>
    %min3A_145 = arith.minimumf %min3A_144, %max3A_143 : vector<160x128xf32>
    %swap3A = arith.constant 0 : index
    %swap3A_146 = arith.constant 0 : index
    %swap3A_147 = arith.constant 0 : index
    %swap3A_148 = arith.constant 0 : index
    %swap3A_149 = vector.load %arg4[%swap3A, %swap3A_146, %swap3A_147, %swap3A_148] : memref<2x6x160x128xf32, #tpu.memory_space<vmem>>, vector<1x1x160x128xf32>
    %swap3A_150 = vector.shape_cast %swap3A_149 : vector<1x1x160x128xf32> to vector<160x128xf32>
    %swap3A_151 = vector.shape_cast %min3A_118 : vector<160x128xf32> to vector<1x1x160x128xf32>
    tpu.vector_store %arg4[%swap3A, %swap3A_146, %swap3A_147, %swap3A_148], %swap3A_151 {strides = array<i32>} : memref<2x6x160x128xf32, #tpu.memory_space<vmem>>, vector<1x1x160x128xf32>,
    %swap3A_152 = arith.constant 0 : index
    %swap3A_153 = arith.constant 1 : index
    %swap3A_154 = arith.constant 0 : index
    %swap3A_155 = arith.constant 0 : index
    %swap3A_156 = vector.load %arg4[%swap3A_152, %swap3A_153, %swap3A_154, %swap3A_155] : memref<2x6x160x128xf32, #tpu.memory_space<vmem>>, vector<1x1x160x128xf32>
    %swap3A_157 = vector.shape_cast %swap3A_156 : vector<1x1x160x128xf32> to vector<160x128xf32>
    %swap3A_158 = vector.shape_cast %min3A_127 : vector<160x128xf32> to vector<1x1x160x128xf32>
    tpu.vector_store %arg4[%swap3A_152, %swap3A_153, %swap3A_154, %swap3A_155], %swap3A_158 {strides = array<i32>} : memref<2x6x160x128xf32, #tpu.memory_space<vmem>>, vector<1x1x160x128xf32>,
    %swap3A_159 = arith.constant 0 : index
    %swap3A_160 = arith.constant 2 : index
    %swap3A_161 = arith.constant 0 : index
    %swap3A_162 = arith.constant 0 : index
    %swap3A_163 = vector.load %arg4[%swap3A_159, %swap3A_160, %swap3A_161, %swap3A_162] : memref<2x6x160x128xf32, #tpu.memory_space<vmem>>, vector<1x1x160x128xf32>
    %swap3A_164 = vector.shape_cast %swap3A_163 : vector<1x1x160x128xf32> to vector<160x128xf32>
    %swap3A_165 = vector.shape_cast %min3A_136 : vector<160x128xf32> to vector<1x1x160x128xf32>
    tpu.vector_store %arg4[%swap3A_159, %swap3A_160, %swap3A_161, %swap3A_162], %swap3A_165 {strides = array<i32>} : memref<2x6x160x128xf32, #tpu.memory_space<vmem>>, vector<1x1x160x128xf32>,
    %swap3A_166 = arith.constant 0 : index
    %swap3A_167 = arith.constant 3 : index
    %swap3A_168 = arith.constant 0 : index
    %swap3A_169 = arith.constant 0 : index
    %swap3A_170 = vector.load %arg4[%swap3A_166, %swap3A_167, %swap3A_168, %swap3A_169] : memref<2x6x160x128xf32, #tpu.memory_space<vmem>>, vector<1x1x160x128xf32>
    %swap3A_171 = vector.shape_cast %swap3A_170 : vector<1x1x160x128xf32> to vector<160x128xf32>
    %swap3A_172 = vector.shape_cast %min3A_145 : vector<160x128xf32> to vector<1x1x160x128xf32>
    tpu.vector_store %arg4[%swap3A_166, %swap3A_167, %swap3A_168, %swap3A_169], %swap3A_172 {strides = array<i32>} : memref<2x6x160x128xf32, #tpu.memory_space<vmem>>, vector<1x1x160x128xf32>,
    %swap3A_173 = arith.constant 0 : index
    %swap3A_174 = arith.constant 4 : index
    %swap3A_175 = arith.constant 0 : index
    %swap3A_176 = arith.constant 0 : index
    %swap3A_177 = vector.load %arg4[%swap3A_173, %swap3A_174, %swap3A_175, %swap3A_176] : memref<2x6x160x128xf32, #tpu.memory_space<vmem>>, vector<1x1x160x128xf32>
    %swap3A_178 = vector.shape_cast %swap3A_177 : vector<1x1x160x128xf32> to vector<160x128xf32>
    %swap3A_179 = vector.shape_cast %select_n3A_64 : vector<160x128xf32> to vector<1x1x160x128xf32>
    tpu.vector_store %arg4[%swap3A_173, %swap3A_174, %swap3A_175, %swap3A_176], %swap3A_179 {strides = array<i32>} : memref<2x6x160x128xf32, #tpu.memory_space<vmem>>, vector<1x1x160x128xf32>,
    %sub3A_180 = arith.subf %min3A_136, %min3A_118 : vector<160x128xf32>
    %sub3A_181 = arith.subf %min3A_145, %min3A_127 : vector<160x128xf32>
    %mul3A_182 = arith.mulf %sub3A_180, %sub3A_181 : vector<160x128xf32>
    %swap3A_183 = arith.constant 0 : index
    %swap3A_184 = arith.constant 5 : index
    %swap3A_185 = arith.constant 0 : index
    %swap3A_186 = arith.constant 0 : index
    %swap3A_187 = vector.load %arg4[%swap3A_183, %swap3A_184, %swap3A_185, %swap3A_186] : memref<2x6x160x128xf32, #tpu.memory_space<vmem>>, vector<1x1x160x128xf32>
    %swap3A_188 = vector.shape_cast %swap3A_187 : vector<1x1x160x128xf32> to vector<160x128xf32>
    %swap3A_189 = vector.shape_cast %mul3A_182 : vector<160x128xf32> to vector<1x1x160x128xf32>
    tpu.vector_store %arg4[%swap3A_183, %swap3A_184, %swap3A_185, %swap3A_186], %swap3A_189 {strides = array<i32>} : memref<2x6x160x128xf32, #tpu.memory_space<vmem>>, vector<1x1x160x128xf32>,
    %div3A_190 = arith.divf %exp3A_22, %add3A_23 : vector<160x128xf32>
    %gt3A_191 = arith.constant 5.000000e-02 : f32
    %gt3A_192 = vector.broadcast %gt3A_191 : f32 to vector<160x128xf32>
    %gt3A_193 = arith.cmpf ogt, %div3A_190, %gt3A_192 : vector<160x128xf32>
    %jit3A_194 = arith.constant -1.000000e+00 : f32
    %broadcast_in_dim3A_195 = vector.broadcast %jit3A_194 : f32 to vector<160x128xf32>
    %select_n3A_196 = arith.select %gt3A_193, %div3A_190, %broadcast_in_dim3A_195 : vector<160x128xi1>, vector<160x128xf32>
    %jit3A_197 = arith.constant -3.000000e+00 : f32
    %broadcast_in_dim3A_198 = vector.broadcast %jit3A_197 : f32 to vector<160x128xf32>
    %select_n3A_199 = arith.select %lt3A_59, %select_n3A_196, %broadcast_in_dim3A_198 : vector<160x128xi1>, vector<160x128xf32>
    %get3A_200 = arith.constant 4 : index
    %get3A_201 = arith.constant 0 : index
    %get3A_202 = arith.constant 0 : index
    %get3A_203 = vector.load %arg2[%get3A_200, %get3A_201, %get3A_202] : memref<8x160x128xf32, #tpu.memory_space<vmem>>, vector<1x160x128xf32>
    %get3A_204 = vector.shape_cast %get3A_203 : vector<1x160x128xf32> to vector<160x128xf32>
    %div3A_205 = arith.constant 1.000000e+01 : f32
    %div3A_206 = vector.broadcast %div3A_205 : f32 to vector<160x128xf32>
    %div3A_207 = arith.divf %get3A_204, %div3A_206 : vector<160x128xf32>
    %get3A_208 = arith.constant 5 : index
    %get3A_209 = arith.constant 0 : index
    %get3A_210 = arith.constant 0 : index
    %get3A_211 = vector.load %arg2[%get3A_208, %get3A_209, %get3A_210] : memref<8x160x128xf32, #tpu.memory_space<vmem>>, vector<1x160x128xf32>
    %get3A_212 = vector.shape_cast %get3A_211 : vector<1x160x128xf32> to vector<160x128xf32>
    %div3A_213 = arith.constant 1.000000e+01 : f32
    %div3A_214 = vector.broadcast %div3A_213 : f32 to vector<160x128xf32>
    %div3A_215 = arith.divf %get3A_212, %div3A_214 : vector<160x128xf32>
    %get3A_216 = arith.constant 6 : index
    %get3A_217 = arith.constant 0 : index
    %get3A_218 = arith.constant 0 : index
    %get3A_219 = vector.load %arg2[%get3A_216, %get3A_217, %get3A_218] : memref<8x160x128xf32, #tpu.memory_space<vmem>>, vector<1x160x128xf32>
    %get3A_220 = vector.shape_cast %get3A_219 : vector<1x160x128xf32> to vector<160x128xf32>
    %div3A_221 = arith.constant 5.000000e+00 : f32
    %div3A_222 = vector.broadcast %div3A_221 : f32 to vector<160x128xf32>
    %div3A_223 = arith.divf %get3A_220, %div3A_222 : vector<160x128xf32>
    %min3A_224 = arith.constant 4.13516665 : f32
    %min3A_225 = vector.broadcast %min3A_224 : f32 to vector<160x128xf32>
    %min3A_226 = arith.minimumf %div3A_223, %min3A_225 : vector<160x128xf32>
    %get3A_227 = arith.constant 7 : index
    %get3A_228 = arith.constant 0 : index
    %get3A_229 = arith.constant 0 : index
    %get3A_230 = vector.load %arg2[%get3A_227, %get3A_228, %get3A_229] : memref<8x160x128xf32, #tpu.memory_space<vmem>>, vector<1x160x128xf32>
    %get3A_231 = vector.shape_cast %get3A_230 : vector<1x160x128xf32> to vector<160x128xf32>
    %div3A_232 = arith.constant 5.000000e+00 : f32
    %div3A_233 = vector.broadcast %div3A_232 : f32 to vector<160x128xf32>
    %div3A_234 = arith.divf %get3A_231, %div3A_233 : vector<160x128xf32>
    %min3A_235 = arith.constant 4.13516665 : f32
    %min3A_236 = vector.broadcast %min3A_235 : f32 to vector<160x128xf32>
    %min3A_237 = arith.minimumf %div3A_234, %min3A_236 : vector<160x128xf32>
    %mul3A_238 = arith.mulf %div3A_207, %sub3A_44 : vector<160x128xf32>
    %add3A_239 = arith.addf %mul3A_238, %add3A_48 : vector<160x128xf32>
    %mul3A_240 = arith.mulf %div3A_215, %sub3A_45 : vector<160x128xf32>
    %add3A_241 = arith.addf %mul3A_240, %add3A_52 : vector<160x128xf32>
    %exp3A_242 = math.exp %min3A_226 : vector<160x128xf32>
    %mul3A_243 = arith.mulf %exp3A_242, %sub3A_44 : vector<160x128xf32>
    %exp3A_244 = math.exp %min3A_237 : vector<160x128xf32>
    %mul3A_245 = arith.mulf %exp3A_244, %sub3A_45 : vector<160x128xf32>
    %mul3A_246 = arith.constant 5.000000e-01 : f32
    %mul3A_247 = vector.broadcast %mul3A_246 : f32 to vector<160x128xf32>
    %mul3A_248 = arith.mulf %mul3A_247, %mul3A_243 : vector<160x128xf32>
    %sub3A_249 = arith.subf %add3A_239, %mul3A_248 : vector<160x128xf32>
    %jit3A_250 = arith.constant 0.000000e+00 : f32
    %max3A_251 = vector.broadcast %jit3A_250 : f32 to vector<160x128xf32>
    %max3A_252 = arith.maximumf %max3A_251, %sub3A_249 : vector<160x128xf32>
    %min3A_253 = vector.broadcast %get3A_2 : f32 to vector<160x128xf32>
    %min3A_254 = arith.minimumf %min3A_253, %max3A_252 : vector<160x128xf32>
    %mul3A_255 = arith.constant 5.000000e-01 : f32
    %mul3A_256 = vector.broadcast %mul3A_255 : f32 to vector<160x128xf32>
    %mul3A_257 = arith.mulf %mul3A_256, %mul3A_245 : vector<160x128xf32>
    %sub3A_258 = arith.subf %add3A_241, %mul3A_257 : vector<160x128xf32>
    %jit3A_259 = arith.constant 0.000000e+00 : f32
    %max3A_260 = vector.broadcast %jit3A_259 : f32 to vector<160x128xf32>
    %max3A_261 = arith.maximumf %max3A_260, %sub3A_258 : vector<160x128xf32>
    %min3A_262 = vector.broadcast %get3A_2 : f32 to vector<160x128xf32>
    %min3A_263 = arith.minimumf %min3A_262, %max3A_261 : vector<160x128xf32>
    %mul3A_264 = arith.constant 5.000000e-01 : f32
    %mul3A_265 = vector.broadcast %mul3A_264 : f32 to vector<160x128xf32>
    %mul3A_266 = arith.mulf %mul3A_265, %mul3A_243 : vector<160x128xf32>
    %add3A_267 = arith.addf %add3A_239, %mul3A_266 : vector<160x128xf32>
    %jit3A_268 = arith.constant 0.000000e+00 : f32
    %max3A_269 = vector.broadcast %jit3A_268 : f32 to vector<160x128xf32>
    %max3A_270 = arith.maximumf %max3A_269, %add3A_267 : vector<160x128xf32>
    %min3A_271 = vector.broadcast %get3A_2 : f32 to vector<160x128xf32>
    %min3A_272 = arith.minimumf %min3A_271, %max3A_270 : vector<160x128xf32>
    %mul3A_273 = arith.constant 5.000000e-01 : f32
    %mul3A_274 = vector.broadcast %mul3A_273 : f32 to vector<160x128xf32>
    %mul3A_275 = arith.mulf %mul3A_274, %mul3A_245 : vector<160x128xf32>
    %add3A_276 = arith.addf %add3A_241, %mul3A_275 : vector<160x128xf32>
    %jit3A_277 = arith.constant 0.000000e+00 : f32
    %max3A_278 = vector.broadcast %jit3A_277 : f32 to vector<160x128xf32>
    %max3A_279 = arith.maximumf %max3A_278, %add3A_276 : vector<160x128xf32>
    %min3A_280 = vector.broadcast %get3A_2 : f32 to vector<160x128xf32>
    %min3A_281 = arith.minimumf %min3A_280, %max3A_279 : vector<160x128xf32>
    %swap3A_282 = arith.constant 1 : index
    %swap3A_283 = arith.constant 0 : index
    %swap3A_284 = arith.constant 0 : index
    %swap3A_285 = arith.constant 0 : index
    %swap3A_286 = vector.load %arg4[%swap3A_282, %swap3A_283, %swap3A_284, %swap3A_285] : memref<2x6x160x128xf32, #tpu.memory_space<vmem>>, vector<1x1x160x128xf32>
    %swap3A_287 = vector.shape_cast %swap3A_286 : vector<1x1x160x128xf32> to vector<160x128xf32>
    %swap3A_288 = vector.shape_cast %min3A_254 : vector<160x128xf32> to vector<1x1x160x128xf32>
    tpu.vector_store %arg4[%swap3A_282, %swap3A_283, %swap3A_284, %swap3A_285], %swap3A_288 {strides = array<i32>} : memref<2x6x160x128xf32, #tpu.memory_space<vmem>>, vector<1x1x160x128xf32>,
    %swap3A_289 = arith.constant 1 : index
    %swap3A_290 = arith.constant 1 : index
    %swap3A_291 = arith.constant 0 : index
    %swap3A_292 = arith.constant 0 : index
    %swap3A_293 = vector.load %arg4[%swap3A_289, %swap3A_290, %swap3A_291, %swap3A_292] : memref<2x6x160x128xf32, #tpu.memory_space<vmem>>, vector<1x1x160x128xf32>
    %swap3A_294 = vector.shape_cast %swap3A_293 : vector<1x1x160x128xf32> to vector<160x128xf32>
    %swap3A_295 = vector.shape_cast %min3A_263 : vector<160x128xf32> to vector<1x1x160x128xf32>
    tpu.vector_store %arg4[%swap3A_289, %swap3A_290, %swap3A_291, %swap3A_292], %swap3A_295 {strides = array<i32>} : memref<2x6x160x128xf32, #tpu.memory_space<vmem>>, vector<1x1x160x128xf32>,
    %swap3A_296 = arith.constant 1 : index
    %swap3A_297 = arith.constant 2 : index
    %swap3A_298 = arith.constant 0 : index
    %swap3A_299 = arith.constant 0 : index
    %swap3A_300 = vector.load %arg4[%swap3A_296, %swap3A_297, %swap3A_298, %swap3A_299] : memref<2x6x160x128xf32, #tpu.memory_space<vmem>>, vector<1x1x160x128xf32>
    %swap3A_301 = vector.shape_cast %swap3A_300 : vector<1x1x160x128xf32> to vector<160x128xf32>
    %swap3A_302 = vector.shape_cast %min3A_272 : vector<160x128xf32> to vector<1x1x160x128xf32>
    tpu.vector_store %arg4[%swap3A_296, %swap3A_297, %swap3A_298, %swap3A_299], %swap3A_302 {strides = array<i32>} : memref<2x6x160x128xf32, #tpu.memory_space<vmem>>, vector<1x1x160x128xf32>,
    %swap3A_303 = arith.constant 1 : index
    %swap3A_304 = arith.constant 3 : index
    %swap3A_305 = arith.constant 0 : index
    %swap3A_306 = arith.constant 0 : index
    %swap3A_307 = vector.load %arg4[%swap3A_303, %swap3A_304, %swap3A_305, %swap3A_306] : memref<2x6x160x128xf32, #tpu.memory_space<vmem>>, vector<1x1x160x128xf32>
    %swap3A_308 = vector.shape_cast %swap3A_307 : vector<1x1x160x128xf32> to vector<160x128xf32>
    %swap3A_309 = vector.shape_cast %min3A_281 : vector<160x128xf32> to vector<1x1x160x128xf32>
    tpu.vector_store %arg4[%swap3A_303, %swap3A_304, %swap3A_305, %swap3A_306], %swap3A_309 {strides = array<i32>} : memref<2x6x160x128xf32, #tpu.memory_space<vmem>>, vector<1x1x160x128xf32>,
    %swap3A_310 = arith.constant 1 : index
    %swap3A_311 = arith.constant 4 : index
    %swap3A_312 = arith.constant 0 : index
    %swap3A_313 = arith.constant 0 : index
    %swap3A_314 = vector.load %arg4[%swap3A_310, %swap3A_311, %swap3A_312, %swap3A_313] : memref<2x6x160x128xf32, #tpu.memory_space<vmem>>, vector<1x1x160x128xf32>
    %swap3A_315 = vector.shape_cast %swap3A_314 : vector<1x1x160x128xf32> to vector<160x128xf32>
    %swap3A_316 = vector.shape_cast %select_n3A_199 : vector<160x128xf32> to vector<1x1x160x128xf32>
    tpu.vector_store %arg4[%swap3A_310, %swap3A_311, %swap3A_312, %swap3A_313], %swap3A_316 {strides = array<i32>} : memref<2x6x160x128xf32, #tpu.memory_space<vmem>>, vector<1x1x160x128xf32>,
    %sub3A_317 = arith.subf %min3A_272, %min3A_254 : vector<160x128xf32>
    %sub3A_318 = arith.subf %min3A_281, %min3A_263 : vector<160x128xf32>
    %mul3A_319 = arith.mulf %sub3A_317, %sub3A_318 : vector<160x128xf32>
    %swap3A_320 = arith.constant 1 : index
    %swap3A_321 = arith.constant 5 : index
    %swap3A_322 = arith.constant 0 : index
    %swap3A_323 = arith.constant 0 : index
    %swap3A_324 = vector.load %arg4[%swap3A_320, %swap3A_321, %swap3A_322, %swap3A_323] : memref<2x6x160x128xf32, #tpu.memory_space<vmem>>, vector<1x1x160x128xf32>
    %swap3A_325 = vector.shape_cast %swap3A_324 : vector<1x1x160x128xf32> to vector<160x128xf32>
    %swap3A_326 = vector.shape_cast %mul3A_319 : vector<160x128xf32> to vector<1x1x160x128xf32>
    tpu.vector_store %arg4[%swap3A_320, %swap3A_321, %swap3A_322, %swap3A_323], %swap3A_326 {strides = array<i32>} : memref<2x6x160x128xf32, #tpu.memory_space<vmem>>, vector<1x1x160x128xf32>,
    return
  }
}

</mosaic_0001>

<sc_bundles>
// kernel: kernel.4.cloned.1.call-start
scs
__scs_entry_jumppad:
0x0: {  	(pc) =	sbr.rel $0x88, $3  }
0x1: {  	(tag) =	ssettag $0x0;
	lr =	simm.s32 $0x1  }
0x2: {  	[smem:$0x3F9D] =	sst lr;
	_ =	strace $0xD0000000  }
0x3: {  	_ = 	snop  }
0x4: {  	_ = 	snop  }
0x5: {  	_ = 	snop  }
0x6: {  	_ = 	snop  }
0x7: {  	_ = 	snop  }
__scs_overlays_trampoline_lowered:
0x8: {  	[smem:$0x3FAC] =	sst s0  }
0x9: {  	[smem:$0x3FAD] =	sst s1  }
0xa: {  	[smem:$0x3FAE] =	sst s2  }
0xb: {  	[smem:$0x3FAF] =	sst s3  }
0xc: {  	[smem:$0x3FB0] =	sst s4  }
0xd: {  	[smem:$0x3FB1] =	sst s5  }
0xe: {  	[smem:$0x3FB2] =	sst s6  }
0xf: {  	[smem:$0x3FB3] =	sst s7  }
0x10: {  	[smem:$0x3FB4] =	sst s8  }
0x11: {  	[smem:$0x3FB5] =	sst s9;
	s0 =	simm.s32 @!p0 $0x0  }
0x12: {  	s1 =	sld [smem:$0x3F9B];
	s0 =	simm.s32 @p0 $0x1  }
0x13: {  	[smem:$0x3FB6] =	sst s0;
	s0 =	simm.s32 @!p1 $0x0  }
0x14: {  	s2 =	sld [smem:$0x3F9A];
	s0 =	simm.s32 @p1 $0x1  }
0x15: {  	[smem:$0x3FB7] =	sst s0;
	s0 =	simm.s32 @!p2 $0x0  }
0x16: {  	s3 =	sld [smem:$0x3FDB];
	s0 =	simm.s32 @p2 $0x1  }
0x17: {  	s4 =	simm.s32 $0x1BF5;
	[smem:$0x3FB9] =	sst s0  }
0x18: {  	s0 =	sld [smem:$0x3F9C];
	_ =	swait.ge [sflag:s4], $0x0  }
0x19: {  	s7 =	sld [smem:$0x3F9D]  }
0x1a: {  	s8 =	sadd.s32 $0xFFFFE003, lr  }
0x1b: {  	s9 =	sadd.s32 $0xFFFFFEF7, lr;
	s5 =	simm.s32 $0xFFFFFFFF;
	p2 =	slt.u32 s8, $0xFFFFF086  }
0x1c: {  	p1 =	slt.u32 s9, $0xF7A;
	s5 =	simm.s32 @!p2 $0x0  }
0x1d: {  	s5 =	simm.s32 @p1 $0x1;
	p0 =	seq.s32 s7, s2  }
0x1e: {  	s7 =	smul.u32 @!p0 $0xF7A, s2;
	p2 =	seq.s32 @!p0 s5, $0x0  }
0x1f: {  	s9 =	smul.u32 $0xF7A, s1;
	s8 =	simm.s32 @!p0 $0x1BF5;
	p2 =	por !p2, p0  }
0x20: {  	[sflag:s8] =	ssyncset.s32 @!p0 $0xFFFFF086;
	s6 =	sadd.s32 @!p0 s3, s7;
	s7 =	simm.s32 @!p0 $0x108  }
0x21: {  	s3 =	sadd.s32 s3, s9;
	s6 =	sadd.s32 @!p0 $0x88, s6;
	s7 =	simm.s32 @p2 $0x1082  }
0x22: {  	[simem:s7], [sflag:s8] =	dma.local @!p0 [hbm:s6], $0xF7A  }
0x23: {  	s9 =	sor.u32 $0xD0000000, s2;
	s6 =	simm.s32 $0x108;
	_ =	swait.ge @!p0 [sflag:s8], $0x0  }
0x24: {  	s3 =	sadd.s32 $0x88, s3;
	s6 =	simm.s32 @!p1 $0x1082;
	[sflag:s4] =	ssyncset.s32 $0xFFFFF086  }
0x25: {  	[simem:s6], [sflag:s4] =	dma.local [hbm:s3], $0xF7A  }
0x26: {  	[smem:$0x3F9D] =	sst s1;
	(tag) =	ssettag s2;
	_ =	strace s9  }
0x27: {  	s1 =	sld [smem:$0x3FAD]  }
0x28: {  	s2 =	sld [smem:$0x3FAE]  }
0x29: {  	s4 =	sld [smem:$0x3FB0]  }
0x2a: {  	p0 =	seq.s32 s5, $0x0;
	s5 =	sld [smem:$0x3FB1]  }
0x2b: {  	s6 =	sld [smem:$0x3FB2]  }
0x2c: {  	s7 =	sld [smem:$0x3FB3]  }
0x2d: {  	s3 =	simm.s32 $0x108;
	s8 =	sld [smem:$0x3FB4]  }
0x2e: {  	s3 =	simm.s32 @!p0 $0x1082;
	s9 =	sld [smem:$0x3FB5]  }
0x2f: {  	lr =	sadd.s32 s0, s3;
	s0 =	sld [smem:$0x3FAC]  }
0x30: {  	s3 =	sld [smem:$0x3FAF]  }
0x31: {  	[smem:$0x3FB8] =	sst s10  }
0x32: {  	s10 =	sld [smem:$0x3FB6];
	_ =	sdelay $0x3  }
0x33: {  	p0 =	seq.s32 s10, $0x1;
	s10 =	sld [smem:$0x3FB8];
	_ =	sdelay $0x3  }
0x34: {  	[smem:$0x3FB8] =	sst s10  }
0x35: {  	s10 =	sld [smem:$0x3FB7];
	_ =	sdelay $0x3  }
0x36: {  	p1 =	seq.s32 s10, $0x1;
	s10 =	sld [smem:$0x3FB8];
	_ =	sdelay $0x3  }
0x37: {  	[smem:$0x3FB8] =	sst s10  }
0x38: {  	s10 =	sld [smem:$0x3FB9]  }
0x39: {  	_ = 	snop;
	(pc) =	sbr.ind lr, $3  }
0x3a: {  	_ = 	snop  }
0x3b: {  	_ = 	snop  }
0x3c: {  	p2 =	seq.s32 s10, $0x1;
	s10 =	sld [smem:$0x3FB8]  }
0x3d: {  	_ =	shalt  }
0x3e: {  	_ =	shalt  }
0x3f: {  	_ =	shalt  }
0x40: {  	_ =	shalt  }
0x41: {  	_ =	shalt  }
0x42: {  	_ =	shalt  }
0x43: {  	_ =	shalt  }
0x44: {  	_ =	shalt  }
0x45: {  	_ =	shalt  }
0x46: {  	_ =	shalt  }
0x47: {  	_ =	shalt  }
0x48: {  	_ =	shalt  }
0x49: {  	_ =	shalt  }
0x4a: {  	_ =	shalt  }
0x4b: {  	_ =	shalt  }
0x4c: {  	_ =	shalt  }
0x4d: {  	_ =	shalt  }
0x4e: {  	_ =	shalt  }
0x4f: {  	_ =	shalt  }
0x50: {  	_ =	shalt  }
0x51: {  	_ =	shalt  }
0x52: {  	_ =	shalt  }
0x53: {  	_ =	shalt  }
0x54: {  	_ =	shalt  }
0x55: {  	_ =	shalt  }
0x56: {  	_ =	shalt  }
0x57: {  	_ =	shalt  }
0x58: {  	_ =	shalt  }
0x59: {  	_ =	shalt  }
0x5a: {  	_ =	shalt  }
0x5b: {  	_ =	shalt  }
0x5c: {  	_ =	shalt  }
0x5d: {  	_ =	shalt  }
0x5e: {  	_ =	shalt  }
0x5f: {  	_ =	shalt  }
0x60: {  	_ =	shalt  }
0x61: {  	_ =	shalt  }
0x62: {  	_ =	shalt  }
0x63: {  	_ =	shalt  }
0x64: {  	_ =	shalt  }
0x65: {  	_ =	shalt  }
0x66: {  	_ =	shalt  }
0x67: {  	_ =	shalt  }
0x68: {  	_ =	shalt  }
0x69: {  	_ =	shalt  }
0x6a: {  	_ =	shalt  }
0x6b: {  	_ =	shalt  }
0x6c: {  	_ =	shalt  }
0x6d: {  	_ =	shalt  }
0x6e: {  	_ =	shalt  }
0x6f: {  	_ =	shalt  }
0x70: {  	_ =	shalt  }
0x71: {  	_ =	shalt  }
0x72: {  	_ =	shalt  }
0x73: {  	_ =	shalt  }
0x74: {  	_ =	shalt  }
0x75: {  	_ =	shalt  }
0x76: {  	_ =	shalt  }
0x77: {  	_ =	shalt  }
0x78: {  	_ =	shalt  }
0x79: {  	_ =	shalt  }
0x7a: {  	_ =	shalt  }
0x7b: {  	_ =	shalt  }
0x7c: {  	_ =	shalt  }
0x7d: {  	_ =	shalt  }
0x7e: {  	_ =	shalt  }
0x7f: {  	_ =	shalt  }
0x80: {  	_ =	shalt  }
0x81: {  	_ =	shalt  }
0x82: {  	_ =	shalt  }
0x83: {  	_ =	shalt  }
0x84: {  	_ =	shalt  }
0x85: {  	_ =	shalt  }
0x86: {  	_ =	shalt  }
0x87: {  	_ =	shalt  }
.Lfunc_end0:
.L_simem_size_0:
called_computation_lowered:
.L_overlay_start_0:
0x88: {  	s2 =	sld [smem:$0x3FD9]  }
0x89: {  	s3 =	sld [smem:$0x3FFE];
	_ =	sdelay $0x1  }
0x8a: {  	s1 =	srdreg.scid  }
0x8b: {  	s0 =	sand.u32 $0x1, s1  }
0x8c: {  	s16 =	sshll.u32 s0, $0xA;
	s2 =	sadd.s32 s3, s2  }
0x8d: {  	s2 =	sadd.s32 s2, s16  }
0x8e: {  	[smem:$0x3FC4] =	sst s2  }
0x8f: {  	_ = 	snop  }
0x90: {  	(tm) =	ssettm $0x1  }
0x91: {  	s17 =	sld [smem:$0x3FFB];
	_ =	sdelay $0x3  }
0x92: {  	_ =	strace s17  }
0x93: {  	s2 =	sld [smem:$0x3FFC];
	_ =	sdelay $0x3  }
0x94: {  	_ =	strace s2  }
0x95: {  	s2 =	sld [smem:$0x3FFD];
	_ =	sdelay $0x3  }
0x96: {  	_ =	strace s2  }
0x97: {  	_ =	strace $0x8FFFFFFF  }
0x98: {  	s18 =	sld [smem:$0x3FDB];
	_ =	sdelay $0x1  }
0x99: {  	s19 =	simm.s32 $_scs_section_size  }
0x9a: {  	s4 =	simm.s32 $_size__tile_overlayer_lowered;
	s5 =	simm.s32 $_tile_overlayer_lowered  }
0x9b: {  	s22 =	simm.s32 $0x1BFF;
	s21 =	sshll.u32 s5, $0x1;
	s2 =	sadd.s32 s19, s18  }
0x9c: {  	s6 =	simm.s32 $0x0;
	s20 =	sshll.u32 s4, $0x1;
	s4 =	sadd.s32 s21, s2  }
0x9d: {  	[timem:s6], [sflag:s22] =	dma.local [hbm:s4], s20  }
0x9e: {  	_ =	swait.ge [sflag:s22], s20  }
0x9f: {  	s3 =	ssub.s32 $0x0, s20;
	[sflag:s22] =	ssyncset.done $0x0  }
0xa0: {  	[sflag:s22] =	ssyncadd.s32 s3;
	_ =	sdelay $0x1  }
0xa1: {  	s23 =	simm.s32 $0x1B8B  }
0xa2: {  	_ =	swait.ge [sflag:s23], $0x1  }
0xa3: {  	[sflag:s23] =	ssyncset.done $0x0  }
0xa4: {  	s25 =	simm.s32 $0x1B8E;
	s24 =	sld [smem:$0x3FFE];
	[sflag:s23] =	ssyncadd.s32 $0xFFFFFFFF  }
0xa5: {  	s26 =	simm.s32 $execute0_lowered;
	[smem:$0x3FD2] =	sst s25  }
0xa6: {  	s4 =	sshll.u32 s26, $0x1;
	_ =	strace $0x80000046;
	[dreg:$0x1] =	wrdreg $0xFFFFFFFF  }
0xa7: {  	s28 =	simm.s32 $_size_execute0_lowered;
	s2 =	sadd.s32 s2, s4;
	[dreg:$0x0] =	wrdreg $0x0  }
0xa8: {  	s4 =	sshll.u32 s28, $0x1;
	[dreg:$0x2] =	wrdreg s2  }
0xa9: {  	[dreg:$0x3] =	wrdreg s4  }
0xaa: {  	[dreg:$0x4] =	wrdreg $0xC0  }
0xab: {  	_ =	task [dreg:s6], $0x5FFFF  }
0xac: {  	[dreg:$0x1] =	wrdreg $0xFFFFFFFF  }
0xad: {  	[dreg:$0x0] =	wrdreg $0x60  }
0xae: {  	[dreg:$0x2] =	wrdreg s24  }
0xaf: {  	[dreg:$0x3] =	wrdreg $0x26000  }
0xb0: {  	[dreg:$0x4] =	wrdreg $0x9  }
0xb1: {  	_ =	task.clear_ibuf [dreg:s6], $0x5FFFF;
	_ =	strace $0x90000046  }
0xb2: {  	s29 =	simm.s32 $0x9;
	_ =	strace $0x80000048  }
0xb3: {  	_ =	swait.ge [sflag:s29], $0x1  }
0xb4: {  	[sflag:s29] =	ssyncadd.s32 $0xFFFFFFFF  }
0xb5: {  	_ =	strace $0x90000048  }
0xb6: {  	_ =	sfence  }
0xb7: {  	s30 =	sld [smem:$0x0];
	_ =	sdelay $0x2  }
0xb8: {  	s31 =	sshll.u32 s1, $0xD;
	s1 =	sshrl.u32 s1, $0x2  }
0xb9: {  	s3 =	sand.u32 $0x4000, s31;
	s1 =	sadd.s32 s1, s30  }
0xba: {  	s0 =	sor.u32 s3, s0;
	s1 =	sshll.u32 s1, $0x11  }
0xbb: {  	s0 =	sor.u32 s1, s0  }
0xbc: {  	s0 =	sadd.s32 $0x8F2B, s0  }
0xbd: {  	[sflag:s0] =	ssyncadd.remote.s32 $0x1  }
0xbe: {  	_ =	sfence.sel $0xFFFF  }
0xbf: {  	[dreg:$0x0] =	wrdreg $0xFFFFFFFF;
	(pc) =	sbr.abs _section_cstart, $3  }
0xc0: {  	[dreg:$0x1] =	wrdreg $0xFFFFFFFF  }
0xc1: {  	_ =	task.clear_ibuf [dreg:s6], $0x2FFFF;
	_ =	strace $0x9FFFFFFF  }
0xc2: {  	(tm) =	ssettm $0x7FFFFFFF  }
0xc3: {  	_ =	shalt  }
tec
execute0_lowered:
.L_overlay_start_1:
0x0: {  	(tag) =	ssettag $0x1  }
0x1: {  	s0 =	srdreg.scid;
	s4 =	rddreg [dreg:$0x0]  }
0x2: {  	s1 =	stileid.u32;
	s2 =	rddreg [dreg:$0x1];
	s3 =	simm.s32 $0x0  }
0x3: {  	s12 =	simm.s32 $0x80;
	s13 =	simm.s32 $0x400;
	s14 =	simm.s32 $0x1  }
0x4: {  	s15 =	simm.s32 $0x500;
	s16 =	simm.s32 $0xA00;
	s17 =	simm.s32 $0xF00  }
0x5: {  	s18 =	simm.s32 $0x1400;
	s19 =	simm.s32 $0x1900;
	s21 =	simm.s32 $0x1E00  }
0x6: {  	s22 =	simm.s32 $0x1E80;
	s5 =	sand.u32 $0x1, s0;
	s0 =	rddreg [dreg:$0x2]  }
0x7: {  	s23 =	simm.s32 $0x0;
	s7 =	smul.u32 $0x2800, s1;
	[smem:$0x7FF] =	sst s3  }
0x8: {  	s20 =	sshll.u32 s1, $0x6;
	p0 =	sne.s32 s1, $0x0;
	s6 =	smul.u32 $0x28000, s5  }
0x9: {  	_ =	strace $0x80000047;
	s30 =	ssub.s32 $0x2, s5;
	s5 =	sshll.u32 s5, $0x4  }
0xa: {  	v0 =	vimm.s32 $0xF00;
	vm0 =	vcmask $0x300;
	s20 =	sshrl.u32 s20, $0x2;
	s31 =	sshrl.u32 s30, $0x1;
	s6 =	sadd.s32 s7, s6  }
0xb: {  	vm14 =	vcmask $0x704;
	v0 =	vsel vm0, $0x0, v0;
	s10 =	sadd.s32 s5, s4;
	s11 =	ssub.s32 s30, s31;
	s6 =	sshrl.u32 s6, $0x3  }
0xc: {  	vm15 =	vcmask $0xB08;
	v2 =	vsel vm14, $0x500, v0;
	s10 =	sadd.s32 $0xA800, s10;
	s11 =	smax.u32 s11, $0x1;
	s9 =	sadd.s32 s6, s4  }
0xd: {  	v2 =	vsel vm15, $0xA00, v2;
	s4 =	sadd.s32 $0x800, s9;
	s5 =	sadd.s32 $0x810, s9;
	s6 =	sadd.s32 $0x820, s9  }
0xe: {  	v1 =	vlaneseq.u32;
	v0 =	vimm.s32 $0x0;
	[tilespmem:$0x1FFF0] =	vst v2;
	s7 =	sadd.s32 $0x830, s9;
	s8 =	sadd.s32 $0x840, s9;
	s9 =	sadd.s32 $0x850, s9  }
.LBB2_1:
0xf: {  	[tilespmem:s3], [sflag:$0x1] =	stream.strided.gather [hbm4b:s4+s12], $0x500, s13, s12, $0x38;
	[tilespmem:$0x2620] =	vst v63  }
0x10: {  	_ =	swait.ge [sflag:s14], $0x500  }
0x11: {  	[sflag:s14] =	ssyncset.done $0x0  }
0x12: {  	[sflag:s14] =	ssyncadd.s32 $0xFFFFFB00  }
0x13: {  	[tilespmem:s15], [sflag:$0x1] =	stream.strided.gather [hbm4b:s5+s12], $0x500, s13, s12, $0x38;
	[tilespmem:$0x2620] =	vst v63  }
0x14: {  	_ =	swait.ge [sflag:s14], $0x500  }
0x15: {  	[sflag:s14] =	ssyncset.done $0x0  }
0x16: {  	[sflag:s14] =	ssyncadd.s32 $0xFFFFFB00  }
0x17: {  	[tilespmem:s16], [sflag:$0x1] =	stream.strided.gather [hbm4b:s6+s12], $0x500, s13, s12, $0x38;
	[tilespmem:$0x2620] =	vst v63  }
0x18: {  	_ =	swait.ge [sflag:s14], $0x500  }
0x19: {  	[sflag:s14] =	ssyncset.done $0x0  }
0x1a: {  	[sflag:s14] =	ssyncadd.s32 $0xFFFFFB00  }
0x1b: {  	[tilespmem:s17], [sflag:$0x1] =	stream.strided.gather [hbm4b:s7+s12], $0x500, s13, s12, $0x38;
	[tilespmem:$0x2620] =	vst v63  }
0x1c: {  	_ =	swait.ge [sflag:s14], $0x500  }
0x1d: {  	[sflag:s14] =	ssyncset.done $0x0  }
0x1e: {  	[sflag:s14] =	ssyncadd.s32 $0xFFFFFB00  }
0x1f: {  	[tilespmem:s18], [sflag:$0x1] =	stream.strided.gather [hbm4b:s8+s12], $0x500, s13, s12, $0x38;
	[tilespmem:$0x2620] =	vst v63  }
0x20: {  	_ =	swait.ge [sflag:s14], $0x500  }
0x21: {  	[sflag:s14] =	ssyncset.done $0x0  }
0x22: {  	[sflag:s14] =	ssyncadd.s32 $0xFFFFFB00  }
0x23: {  	[tilespmem:s19], [sflag:$0x1] =	stream.strided.gather [hbm4b:s9+s12], $0x500, s13, s12, $0x38;
	[tilespmem:$0x2620] =	vst v63  }
0x24: {  	_ =	swait.ge [sflag:s14], $0x500  }
0x25: {  	[sflag:s14] =	ssyncset.done $0x0  }
0x26: {  	[sflag:s14] =	ssyncadd.s32 $0xFFFFFB00  }
0x27: {  	v3 =	vld [tilespmem:$0x1400]  }
0x28: {  	v4 =	vld [tilespmem:$0x1410];
	_ =	sdelay $0x1  }
0x29: {  	v5 =	vld [tilespmem:$0x1420];
	_ =	sdelay $0x1  }
0x2a: {  	v6 =	vld [tilespmem:$0x1430]  }
0x2b: {  	vm0 =	vgt.f32 v4, v3  }
0x2c: {  	v7 =	vimm.s32 $0x0;
	v3 =	vsel vm0, v4, v3;
	v4 =	vld [tilespmem:$0x1440]  }
0x2d: {  	v7 =	vsel vm0, $0xFFFFFFFF, v7;
	vm0 =	vgt.f32 v5, v3  }
0x2e: {  	v3 =	vsel vm0, v5, v3;
	v5 =	vld [tilespmem:$0x1450]  }
0x2f: {  	vm2 =	vgt.f32 v6, v3  }
0x30: {  	v3 =	vsel vm2, v6, v3;
	v6 =	vld [tilespmem:$0x1460]  }
0x31: {  	vm3 =	vgt.f32 v4, v3  }
0x32: {  	v3 =	vsel vm3, v4, v3;
	v4 =	vld [tilespmem:$0x1470]  }
0x33: {  	vm4 =	vgt.f32 v5, v3  }
0x34: {  	v3 =	vsel vm4, v5, v3;
	v5 =	vld [tilespmem:$0x1480]  }
0x35: {  	vm5 =	vgt.f32 v6, v3  }
0x36: {  	v3 =	vsel vm5, v6, v3;
	v6 =	vld [tilespmem:$0x1490]  }
0x37: {  	vm6 =	vgt.f32 v4, v3  }
0x38: {  	v3 =	vsel vm6, v4, v3;
	v4 =	vld [tilespmem:$0x14A0]  }
0x39: {  	vm7 =	vgt.f32 v5, v3  }
0x3a: {  	v3 =	vsel vm7, v5, v3;
	v5 =	vld [tilespmem:$0x14B0]  }
0x3b: {  	vm8 =	vgt.f32 v6, v3  }
0x3c: {  	v3 =	vsel vm8, v6, v3;
	v6 =	vld [tilespmem:$0x14C0]  }
0x3d: {  	vm9 =	vgt.f32 v4, v3  }
0x3e: {  	v3 =	vsel vm9, v4, v3;
	v4 =	vld [tilespmem:$0x14D0]  }
0x3f: {  	vm10 =	vgt.f32 v5, v3  }
0x40: {  	v3 =	vsel vm10, v5, v3;
	v5 =	vld [tilespmem:$0x14E0]  }
0x41: {  	vm11 =	vgt.f32 v6, v3  }
0x42: {  	v3 =	vsel vm11, v6, v3;
	v6 =	vld [tilespmem:$0x14F0]  }
0x43: {  	vm12 =	vgt.f32 v4, v3  }
0x44: {  	v3 =	vsel vm12, v4, v3;
	v4 =	vld [tilespmem:$0x1500]  }
0x45: {  	vm13 =	vgt.f32 v5, v3  }
0x46: {  	v3 =	vsel vm13, v5, v3;
	v5 =	vld [tilespmem:$0x1510]  }
0x47: {  	vm14 =	vgt.f32 v6, v3  }
0x48: {  	v3 =	vsel vm14, v6, v3;
	v6 =	vld [tilespmem:$0x1520]  }
0x49: {  	[tilespmem:$0x1FDF0] =	vst v7;
	v7 =	vimm.s32 $0x0;
	vm15 =	vgt.f32 v4, v3  }
0x4a: {  	v7 =	vsel vm0, $0xFFFFFFFF, v7;
	v3 =	vsel vm15, v4, v3;
	v4 =	vld [tilespmem:$0x1530]  }
0x4b: {  	[tilespmem:$0x1FE00] =	vst v7;
	v7 =	vimm.s32 $0x0;
	vm0 =	vgt.f32 v5, v3  }
0x4c: {  	v7 =	vsel vm0, $0xFFFFFFFF, v7;
	v3 =	vsel vm0, v5, v3;
	v5 =	vld [tilespmem:$0x1540]  }
0x4d: {  	[tilespmem:$0x1FE10] =	vst v7;
	vm0 =	vgt.f32 v6, v3;
	v7 =	vimm.s32 $0x0  }
0x4e: {  	v7 =	vsel vm0, $0xFFFFFFFF, v7;
	v3 =	vsel vm0, v6, v3;
	v6 =	vld [tilespmem:$0x1550]  }
0x4f: {  	[tilespmem:$0x1FE20] =	vst v7;
	vm0 =	vgt.f32 v4, v3;
	v7 =	vimm.s32 $0x0  }
0x50: {  	v7 =	vsel vm0, $0xFFFFFFFF, v7;
	v3 =	vsel vm0, v4, v3;
	v4 =	vld [tilespmem:$0x1560]  }
0x51: {  	[tilespmem:$0x1FE30] =	vst v7;
	vm0 =	vgt.f32 v5, v3;
	v7 =	vimm.s32 $0x0  }
0x52: {  	v7 =	vsel vm0, $0xFFFFFFFF, v7;
	v3 =	vsel vm0, v5, v3;
	v5 =	vld [tilespmem:$0x1570]  }
0x53: {  	[tilespmem:$0x1FE40] =	vst v7;
	vm0 =	vgt.f32 v6, v3;
	v7 =	vimm.s32 $0x0  }
0x54: {  	v7 =	vsel vm0, $0xFFFFFFFF, v7;
	v3 =	vsel vm0, v6, v3;
	v6 =	vld [tilespmem:$0x1580]  }
0x55: {  	[tilespmem:$0x1FE50] =	vst v7;
	vm0 =	vgt.f32 v4, v3;
	v7 =	vimm.s32 $0x0  }
0x56: {  	v7 =	vsel vm0, $0xFFFFFFFF, v7;
	v3 =	vsel vm0, v4, v3;
	v4 =	vld [tilespmem:$0x1590]  }
0x57: {  	[tilespmem:$0x1FE60] =	vst v7;
	vm0 =	vgt.f32 v5, v3;
	v7 =	vimm.s32 $0x0  }
0x58: {  	v7 =	vsel vm0, $0xFFFFFFFF, v7;
	v3 =	vsel vm0, v5, v3;
	v5 =	vld [tilespmem:$0x15A0]  }
0x59: {  	[tilespmem:$0x1FE70] =	vst v7;
	vm0 =	vgt.f32 v6, v3;
	v7 =	vimm.s32 $0x0  }
0x5a: {  	v7 =	vsel vm0, $0xFFFFFFFF, v7;
	v3 =	vsel vm0, v6, v3;
	v6 =	vld [tilespmem:$0x15B0]  }
0x5b: {  	[tilespmem:$0x1FE80] =	vst v7;
	vm0 =	vgt.f32 v4, v3;
	v7 =	vimm.s32 $0x0  }
0x5c: {  	v7 =	vsel vm0, $0xFFFFFFFF, v7;
	v3 =	vsel vm0, v4, v3;
	v4 =	vld [tilespmem:$0x15C0]  }
0x5d: {  	[tilespmem:$0x1FE90] =	vst v7;
	vm0 =	vgt.f32 v5, v3;
	v7 =	vimm.s32 $0x0  }
0x5e: {  	v7 =	vsel vm0, $0xFFFFFFFF, v7;
	v3 =	vsel vm0, v5, v3;
	v5 =	vld [tilespmem:$0x15D0]  }
0x5f: {  	[tilespmem:$0x1FEA0] =	vst v7;
	vm0 =	vgt.f32 v6, v3;
	v7 =	vimm.s32 $0x0  }
0x60: {  	v7 =	vsel vm0, $0xFFFFFFFF, v7;
	v3 =	vsel vm0, v6, v3;
	v6 =	vld [tilespmem:$0x15E0]  }
0x61: {  	[tilespmem:$0x1FEB0] =	vst v7;
	vm0 =	vgt.f32 v4, v3;
	v7 =	vimm.s32 $0x0  }
0x62: {  	v7 =	vsel vm0, $0xFFFFFFFF, v7;
	v3 =	vsel vm0, v4, v3;
	v4 =	vld [tilespmem:$0x15F0]  }
0x63: {  	[tilespmem:$0x1FEC0] =	vst v7;
	vm0 =	vgt.f32 v5, v3;
	v7 =	vimm.s32 $0x0  }
0x64: {  	v7 =	vsel vm0, $0xFFFFFFFF, v7;
	v3 =	vsel vm0, v5, v3;
	v5 =	vld [tilespmem:$0x1600]  }
0x65: {  	[tilespmem:$0x1FED0] =	vst v7;
	vm0 =	vgt.f32 v6, v3;
	v7 =	vimm.s32 $0x0  }
0x66: {  	v7 =	vsel vm0, $0xFFFFFFFF, v7;
	v3 =	vsel vm0, v6, v3;
	v6 =	vld [tilespmem:$0x1610]  }
0x67: {  	[tilespmem:$0x1FEE0] =	vst v7;
	vm0 =	vgt.f32 v4, v3;
	v7 =	vimm.s32 $0x0  }
0x68: {  	v7 =	vsel vm0, $0xFFFFFFFF, v7;
	v3 =	vsel vm0, v4, v3;
	v4 =	vld [tilespmem:$0x1620]  }
0x69: {  	[tilespmem:$0x1FEF0] =	vst v7;
	vm0 =	vgt.f32 v5, v3;
	v7 =	vimm.s32 $0x0  }
0x6a: {  	v7 =	vsel vm0, $0xFFFFFFFF, v7;
	v3 =	vsel vm0, v5, v3;
	v5 =	vld [tilespmem:$0x1630]  }
0x6b: {  	[tilespmem:$0x1FF00] =	vst v7;
	vm0 =	vgt.f32 v6, v3;
	v7 =	vimm.s32 $0x0  }
0x6c: {  	v7 =	vsel vm0, $0xFFFFFFFF, v7;
	v3 =	vsel vm0, v6, v3;
	v6 =	vld [tilespmem:$0x1640]  }
0x6d: {  	[tilespmem:$0x1FF10] =	vst v7;
	vm0 =	vgt.f32 v4, v3;
	v7 =	vimm.s32 $0x0  }
0x6e: {  	v7 =	vsel vm0, $0xFFFFFFFF, v7;
	v3 =	vsel vm0, v4, v3;
	v4 =	vld [tilespmem:$0x1650]  }
0x6f: {  	[tilespmem:$0x1FF20] =	vst v7;
	vm0 =	vgt.f32 v5, v3;
	v7 =	vimm.s32 $0x0  }
0x70: {  	v7 =	vsel vm0, $0xFFFFFFFF, v7;
	v3 =	vsel vm0, v5, v3;
	v5 =	vld [tilespmem:$0x1660]  }
0x71: {  	[tilespmem:$0x1FF30] =	vst v7;
	vm0 =	vgt.f32 v6, v3;
	v7 =	vimm.s32 $0x0  }
0x72: {  	v7 =	vsel vm0, $0xFFFFFFFF, v7;
	v3 =	vsel vm0, v6, v3;
	v6 =	vld [tilespmem:$0x1670]  }
0x73: {  	v8 =	vld [tilespmem:$0x1FE00];
	[tilespmem:$0x1FF40] =	vst v7;
	vm0 =	vgt.f32 v4, v3;
	v7 =	vimm.s32 $0x0  }
0x74: {  	v7 =	vsel vm0, $0xFFFFFFFF, v7;
	v3 =	vsel vm0, v4, v3;
	v4 =	vld [tilespmem:$0x1680]  }
0x75: {  	v34 =	vld [tilespmem:$0x1FE10];
	[tilespmem:$0x1FF50] =	vst v7;
	vm0 =	vgt.f32 v5, v3;
	v7 =	vimm.s32 $0x0  }
0x76: {  	v35 =	vld [tilespmem:$0x1FE20];
	v7 =	vsel vm0, $0xFFFFFFFF, v7;
	v3 =	vsel vm0, v5, v3  }
0x77: {  	v36 =	vld [tilespmem:$0x1FE30];
	[tilespmem:$0x1FF60] =	vst v7;
	vm0 =	vgt.f32 v6, v3;
	v7 =	vimm.s32 $0x0  }
0x78: {  	v37 =	vld [tilespmem:$0x1FE40];
	v7 =	vsel vm0, $0xFFFFFFFF, v7;
	v3 =	vsel vm0, v6, v3  }
0x79: {  	v38 =	vld [tilespmem:$0x1FE50];
	[tilespmem:$0x1FF70] =	vst v7;
	vm1 =	vgt.f32 v4, v3;
	v7 =	vimm.s32 $0x0  }
0x7a: {  	v39 =	vld [tilespmem:$0x1FE60];
	v7 =	vsel vm1, $0xFFFFFFFF, v7  }
0x7b: {  	[tilespmem:$0x1FF80] =	vst v7;
	v7 =	vld [tilespmem:$0x1FDF0]  }
0x7c: {  	v40 =	vld [tilespmem:$0x1FE70]  }
0x7d: {  	v5 =	vld [tilespmem:$0x1690]  }
0x7e: {  	v41 =	vld [tilespmem:$0x1FE80]  }
0x7f: {  	v6 =	vld [tilespmem:$0x16A0]  }
0x80: {  	v42 =	vld [tilespmem:$0x1FE90];
	vm0 =	vnez.u8 v7  }
0x81: {  	v3 =	vsel vm1, v4, v3;
	v4 =	vld [tilespmem:$0x16B0];
	v7 =	vsel vm0, $0x1, v0;
	vm0 =	vnez.u8 v8  }
0x82: {  	v43 =	vld [tilespmem:$0x1FEA0];
	v7 =	vsel vm0, $0x2, v7;
	vm0 =	vgt.f32 v5, v3  }
0x83: {  	v7 =	vsel vm2, $0x3, v7;
	v3 =	vsel vm0, v5, v3;
	v5 =	vld [tilespmem:$0x16C0]  }
0x84: {  	v28 =	vimm.s32 $0x0;
	v44 =	vld [tilespmem:$0x1FEB0];
	v7 =	vsel vm3, $0x4, v7;
	vm2 =	vgt.f32 v6, v3  }
0x85: {  	v29 =	vimm.s32 $0x0;
	v7 =	vsel vm4, $0x5, v7;
	v3 =	vsel vm2, v6, v3;
	v6 =	vld [tilespmem:$0x16D0]  }
0x86: {  	v30 =	vimm.s32 $0x0;
	v45 =	vld [tilespmem:$0x1FEC0];
	v7 =	vsel vm5, $0x6, v7;
	vm5 =	vgt.f32 v4, v3  }
0x87: {  	v31 =	vimm.s32 $0x0;
	v7 =	vsel vm6, $0x7, v7;
	v3 =	vsel vm5, v4, v3;
	v4 =	vld [tilespmem:$0x16E0]  }
0x88: {  	v32 =	vimm.s32 $0x0;
	v46 =	vld [tilespmem:$0x1FED0];
	v7 =	vsel vm7, $0x8, v7;
	vm1 =	vgt.f32 v5, v3  }
0x89: {  	v33 =	vimm.s32 $0x0;
	v7 =	vsel vm8, $0x9, v7;
	v3 =	vsel vm1, v5, v3;
	v5 =	vld [tilespmem:$0x16F0]  }
0x8a: {  	v47 =	vld [tilespmem:$0x1FEE0];
	v8 =	vsel vm0, $0xFFFFFFFF, v28;
	v7 =	vsel vm9, $0xA, v7;
	vm9 =	vgt.f32 v6, v3  }
0x8b: {  	[tilespmem:$0x1FF90] =	vst v8;
	v8 =	vsel vm5, $0xFFFFFFFF, v29;
	v7 =	vsel vm10, $0xB, v7;
	v3 =	vsel vm9, v6, v3;
	v6 =	vld [tilespmem:$0x1700]  }
0x8c: {  	v48 =	vld [tilespmem:$0x1FEF0];
	vm5 =	vnez.u8 v34;
	v7 =	vsel vm11, $0xC, v7;
	vm0 =	vgt.f32 v4, v3  }
0x8d: {  	[tilespmem:$0x1FFA0] =	vst v8;
	v8 =	vsel vm9, $0xFFFFFFFF, v30;
	v7 =	vsel vm12, $0xD, v7;
	v3 =	vsel vm0, v4, v3;
	v4 =	vld [tilespmem:$0x1710]  }
0x8e: {  	v49 =	vld [tilespmem:$0x1FF00];
	[tilespmem:$0x1FFB0] =	vst v8;
	v8 =	vsel vm0, $0xFFFFFFFF, v31;
	v7 =	vsel vm13, $0xE, v7;
	vm0 =	vgt.f32 v5, v3  }
0x8f: {  	vm6 =	vnez.u8 v35;
	v7 =	vsel vm14, $0xF, v7;
	v3 =	vsel vm0, v5, v3;
	v5 =	vld [tilespmem:$0x1720]  }
0x90: {  	v50 =	vld [tilespmem:$0x1FF10];
	vm7 =	vnez.u8 v36;
	v7 =	vsel vm15, $0x10, v7;
	vm15 =	vgt.f32 v6, v3  }
0x91: {  	vm8 =	vnez.u8 v37;
	v7 =	vsel vm5, $0x11, v7;
	v3 =	vsel vm15, v6, v3;
	v6 =	vld [tilespmem:$0x1730]  }
0x92: {  	v51 =	vld [tilespmem:$0x1FF20];
	vm9 =	vnez.u8 v38;
	v7 =	vsel vm6, $0x12, v7;
	vm14 =	vgt.f32 v4, v3  }
0x93: {  	vm10 =	vnez.u8 v39;
	v7 =	vsel vm7, $0x13, v7;
	v3 =	vsel vm14, v4, v3;
	v4 =	vld [tilespmem:$0x1740]  }
0x94: {  	v52 =	vld [tilespmem:$0x1FF30];
	vm11 =	vnez.u8 v40;
	v7 =	vsel vm8, $0x14, v7;
	vm13 =	vgt.f32 v5, v3  }
0x95: {  	[tilespmem:$0x1FFC0] =	vst v8;
	v8 =	vsel vm0, $0xFFFFFFFF, v32;
	v7 =	vsel vm9, $0x15, v7;
	v3 =	vsel vm13, v5, v3;
	v5 =	vld [tilespmem:$0x1750]  }
0x96: {  	v53 =	vld [tilespmem:$0x1FF40];
	[tilespmem:$0x1FFD0] =	vst v8;
	v8 =	vsel vm15, $0xFFFFFFFF, v33;
	v7 =	vsel vm10, $0x16, v7;
	vm12 =	vgt.f32 v6, v3  }
0x97: {  	vm15 =	vnez.u8 v41;
	v7 =	vsel vm11, $0x17, v7;
	v3 =	vsel vm12, v6, v3;
	v6 =	vld [tilespmem:$0x1760]  }
0x98: {  	v54 =	vld [tilespmem:$0x1FF50];
	vm4 =	vnez.u8 v42;
	v7 =	vsel vm15, $0x18, v7;
	vm11 =	vgt.f32 v4, v3  }
0x99: {  	vm5 =	vnez.u8 v43;
	v7 =	vsel vm4, $0x19, v7;
	v3 =	vsel vm11, v4, v3;
	v4 =	vld [tilespmem:$0x1770]  }
0x9a: {  	v55 =	vld [tilespmem:$0x1FF60];
	vm6 =	vnez.u8 v44;
	v7 =	vsel vm5, $0x1A, v7;
	vm10 =	vgt.f32 v5, v3  }
0x9b: {  	vm7 =	vnez.u8 v45;
	v7 =	vsel vm6, $0x1B, v7;
	v3 =	vsel vm10, v5, v3;
	v5 =	vld [tilespmem:$0x1780]  }
0x9c: {  	v56 =	vld [tilespmem:$0x1FF70];
	vm8 =	vnez.u8 v46;
	v7 =	vsel vm7, $0x1C, v7;
	vm9 =	vgt.f32 v6, v3  }
0x9d: {  	vm15 =	vnez.u8 v47;
	v7 =	vsel vm8, $0x1D, v7;
	v3 =	vsel vm9, v6, v3;
	v6 =	vld [tilespmem:$0x1790]  }
0x9e: {  	v57 =	vld [tilespmem:$0x1FF80];
	vm4 =	vnez.u8 v48;
	v7 =	vsel vm15, $0x1E, v7;
	vm8 =	vgt.f32 v4, v3  }
0x9f: {  	vm5 =	vnez.u8 v49;
	v7 =	vsel vm4, $0x1F, v7;
	v3 =	vsel vm8, v4, v3;
	v4 =	vld [tilespmem:$0x17A0]  }
0xa0: {  	v58 =	vld [tilespmem:$0x1FF90];
	vm6 =	vnez.u8 v50;
	v7 =	vsel vm5, $0x20, v7;
	vm7 =	vgt.f32 v5, v3  }
0xa1: {  	vm15 =	vnez.u8 v51;
	v7 =	vsel vm6, $0x21, v7;
	v3 =	vsel vm7, v5, v3;
	v5 =	vld [tilespmem:$0x17B0]  }
0xa2: {  	v59 =	vld [tilespmem:$0x1FFA0];
	vm4 =	vnez.u8 v52;
	v7 =	vsel vm15, $0x22, v7;
	vm6 =	vgt.f32 v6, v3  }
0xa3: {  	vm5 =	vnez.u8 v53;
	v7 =	vsel vm4, $0x23, v7;
	v3 =	vsel vm6, v6, v3;
	v6 =	vld [tilespmem:$0x17C0]  }
0xa4: {  	v60 =	vld [tilespmem:$0x1FFB0];
	vm15 =	vnez.u8 v54;
	v7 =	vsel vm5, $0x24, v7;
	vm5 =	vgt.f32 v4, v3  }
0xa5: {  	vm4 =	vnez.u8 v55;
	v7 =	vsel vm15, $0x25, v7;
	v3 =	vsel vm5, v4, v3;
	v4 =	vld [tilespmem:$0x17D0]  }
0xa6: {  	v61 =	vld [tilespmem:$0x1FFC0];
	vm15 =	vnez.u8 v56;
	v7 =	vsel vm4, $0x26, v7;
	vm4 =	vgt.f32 v5, v3  }
0xa7: {  	v7 =	vsel vm15, $0x27, v7;
	v3 =	vsel vm4, v5, v3;
	v5 =	vld [tilespmem:$0x17E0];
	vm15 =	vnez.u8 v57  }
0xa8: {  	v62 =	vld [tilespmem:$0x1FFD0];
	v7 =	vsel vm15, $0x28, v7;
	vm3 =	vgt.f32 v6, v3;
	vm15 =	vnez.u8 v58  }
0xa9: {  	[tilespmem:$0x1FFE0] =	vst v8;
	v7 =	vsel vm15, $0x29, v7;
	v3 =	vsel vm3, v6, v3;
	v6 =	vld [tilespmem:$0x17F0]  }
0xaa: {  	v63 =	vld [tilespmem:$0x1FFE0];
	vm15 =	vnez.u8 v59;
	v7 =	vsel vm2, $0x2A, v7;
	vm2 =	vgt.f32 v4, v3  }
0xab: {  	v7 =	vsel vm15, $0x2B, v7;
	v3 =	vsel vm2, v4, v3;
	v4 =	vld [tilespmem:$0x1800]  }
0xac: {  	vm15 =	vnez.u8 v60;
	v7 =	vsel vm1, $0x2C, v7;
	vm1 =	vgt.f32 v5, v3  }
0xad: {  	v7 =	vsel vm15, $0x2D, v7;
	v3 =	vsel vm1, v5, v3;
	v5 =	vld [tilespmem:$0x1810];
	vm15 =	vnez.u8 v61  }
0xae: {  	v7 =	vsel vm15, $0x2E, v7;
	vm0 =	vgt.f32 v6, v3;
	vm15 =	vnez.u8 v62  }
0xaf: {  	v7 =	vsel vm15, $0x2F, v7;
	v3 =	vsel vm0, v6, v3;
	v6 =	vld [tilespmem:$0x1820];
	vm15 =	vnez.u8 v63  }
0xb0: {  	v7 =	vsel vm15, $0x30, v7;
	vm15 =	vgt.f32 v4, v3  }
0xb1: {  	v7 =	vsel vm14, $0x31, v7;
	v3 =	vsel vm15, v4, v3;
	v4 =	vld [tilespmem:$0x1830]  }
0xb2: {  	v7 =	vsel vm13, $0x32, v7;
	vm13 =	vgt.f32 v5, v3  }
0xb3: {  	v7 =	vsel vm12, $0x33, v7;
	v3 =	vsel vm13, v5, v3;
	v5 =	vld [tilespmem:$0x1840]  }
0xb4: {  	v7 =	vsel vm11, $0x34, v7;
	vm11 =	vgt.f32 v6, v3  }
0xb5: {  	v7 =	vsel vm10, $0x35, v7;
	v3 =	vsel vm11, v6, v3;
	v6 =	vld [tilespmem:$0x1850]  }
0xb6: {  	v7 =	vsel vm9, $0x36, v7;
	vm9 =	vgt.f32 v4, v3  }
0xb7: {  	v7 =	vsel vm8, $0x37, v7;
	v3 =	vsel vm9, v4, v3;
	v4 =	vld [tilespmem:$0x1860]  }
0xb8: {  	v7 =	vsel vm7, $0x38, v7;
	vm10 =	vgt.f32 v5, v3  }
0xb9: {  	v7 =	vsel vm6, $0x39, v7;
	v3 =	vsel vm10, v5, v3;
	v5 =	vld [tilespmem:$0x1870]  }
0xba: {  	v7 =	vsel vm5, $0x3A, v7;
	vm5 =	vgt.f32 v6, v3  }
0xbb: {  	v7 =	vsel vm4, $0x3B, v7;
	v3 =	vsel vm5, v6, v3;
	v6 =	vld [tilespmem:$0x1880]  }
0xbc: {  	v7 =	vsel vm3, $0x3C, v7;
	vm12 =	vgt.f32 v4, v3  }
0xbd: {  	v7 =	vsel vm2, $0x3D, v7;
	v3 =	vsel vm12, v4, v3;
	v4 =	vld [tilespmem:$0x1890]  }
0xbe: {  	v7 =	vsel vm1, $0x3E, v7;
	vm14 =	vgt.f32 v5, v3  }
0xbf: {  	v7 =	vsel vm0, $0x3F, v7;
	v3 =	vsel vm14, v5, v3;
	v5 =	vld [tilespmem:$0x18A0]  }
0xc0: {  	v7 =	vsel vm15, $0x40, v7;
	vm15 =	vgt.f32 v6, v3  }
0xc1: {  	v7 =	vsel vm13, $0x41, v7;
	v3 =	vsel vm15, v6, v3;
	v6 =	vld [tilespmem:$0x18B0]  }
0xc2: {  	v7 =	vsel vm11, $0x42, v7;
	vm8 =	vgt.f32 v4, v3  }
0xc3: {  	v7 =	vsel vm9, $0x43, v7;
	v3 =	vsel vm8, v4, v3;
	v4 =	vld [tilespmem:$0x18C0]  }
0xc4: {  	v7 =	vsel vm10, $0x44, v7;
	vm10 =	vgt.f32 v5, v3  }
0xc5: {  	v7 =	vsel vm5, $0x45, v7;
	v3 =	vsel vm10, v5, v3;
	v5 =	vld [tilespmem:$0x18D0]  }
0xc6: {  	v7 =	vsel vm12, $0x46, v7;
	vm11 =	vgt.f32 v6, v3  }
0xc7: {  	v7 =	vsel vm14, $0x47, v7;
	v3 =	vsel vm11, v6, v3;
	v6 =	vld [tilespmem:$0x18E0]  }
0xc8: {  	v7 =	vsel vm15, $0x48, v7;
	vm12 =	vgt.f32 v4, v3  }
0xc9: {  	v7 =	vsel vm8, $0x49, v7;
	v3 =	vsel vm12, v4, v3;
	v4 =	vld [tilespmem:$0x18F0]  }
0xca: {  	v7 =	vsel vm10, $0x4A, v7;
	vm13 =	vgt.f32 v5, v3  }
0xcb: {  	v7 =	vsel vm11, $0x4B, v7;
	v3 =	vsel vm13, v5, v3  }
0xcc: {  	v5 =	vsel vm12, $0x4C, v7;
	vm14 =	vgt.f32 v6, v3  }
0xcd: {  	v5 =	vsel vm13, $0x4D, v5;
	v3 =	vsel vm14, v6, v3  }
0xce: {  	v5 =	vsel vm14, $0x4E, v5;
	vm15 =	vgt.f32 v4, v3  }
0xcf: {  	s24 =	simm.s32 $0x0;
	s25 =	simm.s32 $0x0;
	v3 =	vsel vm15, v4, v3;
	v4 =	vsel vm15, $0x4F, v5  }
.LBB2_2:
0xd0: {  	(xrf0) =	vmax.scan.msk.f32 $0xffff, v3;
	_ =	sdelay $0x5  }
0xd1: {  	v5, _, _ =	vpop (xrf0)  }
0xd2: {  	v5 =	vbroadcast v5, $0xF  }
0xd3: {  	v4 =	vshll.u32 v4, $0x4;
	v6 =	vor.u32 $0x80000000, v1  }
0xd4: {  	vm0 =	veq.f32 v3, v5;
	v3 =	vor.u32 v6, v4  }
0xd5: {  	v3 =	vnsel vm0, $0xC0000000, v3  }
0xd6: {  	(xrf0) =	vmin.scan.msk.u32 $0xffff, v3;
	_ =	sdelay $0x5  }
0xd7: {  	v3, _, _ =	vpop (xrf0)  }
0xd8: {  	(v2sf) =	vpush v3, $0xF;
	_ =	sdelay $0xe  }
0xd9: {  	s26 =	spop (v2sf)  }
0xda: {  	s26 =	sxor.u32 $0x80000000, s26  }
0xdb: {  	v3 =	vadd.s32 s26, v2  }
0xdc: {  	v7 =	vmov s26;
	_ =	sdelay $0x3  }
0xdd: {  	v3 =	vld.idx.msk [tilespmem:v3+s3+$0x0], $0xffff  }
0xde: {  	v4 =	vld.idx.msk [tilespmem:v7+s18+$0x0], $0xffff;
	_ =	sdelay $0x3  }
0xdf: {  	vm4 =	vmmov $0xf;
	s30 =	sand.u32 $0x100, s25  }
0xe0: {  	s26 =	sadd.s32 s30, s2;
	v3 =	vsel vm4, v3, v4  }
0xe1: {  	s28 =	sadd.s32 s20, s26;
	[tilespmem:$0x1E00] =	vst v3  }
0xe2: {  	[spmem:s28] =	stream.linear.scatter [tilespmem:s21], [sflag:$0x1], $0x10, $0x38;
	[tilespmem:$0x2620] =	vst v63  }
0xe3: {  	_ =	swait.ge [sflag:s14], $0x10  }
0xe4: {  	v3 =	vmul.u32 $0x10, v1;
	[sflag:s14] =	ssyncset.done $0x0  }
0xe5: {  	[sflag:s14] =	ssyncadd.s32 $0xFFFFFFF0  }
0xe6: {  	v3 =	vor.u32 $0x4, v3;
	[bflag:$0x0] =	sbarrier.arrive $0xFFFF  }
0xe7: {  	[tilespmem:s22], [sflag:$0x1] =	stream.linear.gather [spmem:s26], $0x100, $0x38;
	[tilespmem:$0x2620] =	vst v63  }
0xe8: {  	_ =	swait.ge [sflag:s14], $0x100  }
0xe9: {  	[sflag:s14] =	ssyncset.done $0x0  }
0xea: {  	[sflag:s14] =	ssyncadd.s32 $0xFFFFFF00  }
0xeb: {  	v3 =	vld.idx.msk [tilespmem:v3+s22+$0x0], $0xffff;
	_ =	sdelay $0x4  }
0xec: {  	(xrf0) =	vmax.scan.msk.f32 $0xffff, v3;
	_ =	sdelay $0x5  }
0xed: {  	v4, _, _ =	vpop (xrf0)  }
0xee: {  	v5 =	vbroadcast v4, $0xF;
	_ =	sdelay $0x1  }
0xef: {  	vm5 =	veq.f32 v3, v5  }
0xf0: {  	v3 =	vnsel vm5, $0x8000003F, v6  }
0xf1: {  	(xrf0) =	vmin.scan.msk.u32 $0xffff, v3;
	_ =	sdelay $0x5  }
0xf2: {  	(v2sf) =	vpush v4, $0xF;
	v3, _, _ =	vpop (xrf0)  }
0xf3: {  	(v2sf) =	vpush v3, $0xF;
	_ =	sdelay $0xd  }
0xf4: {  	s26 =	spop (v2sf)  }
0xf5: {  	s28 =	spop (v2sf)  }
0xf6: {  	s29 =	sshll.u32 s28, $0x4  }
0xf7: {  	s31 =	sor.u32 $0x2, s29  }
0xf8: {  	s30 =	sor.u32 $0x1, s29;
	v5 =	vmov s29;
	s29 =	sor.u32 $0x3, s29;
	v4 =	vmov s31  }
0xf9: {  	v6 =	vbroadcast v4, $0x0;
	v4 =	vmov s29  }
0xfa: {  	v3 =	vmov s30;
	v8 =	vbroadcast v4, $0x0  }
0xfb: {  	v3 =	vbroadcast v3, $0x0  }
0xfc: {  	v9 =	vlaneseq.u32 @!p0  }
0xfd: {  	v10 =	vor.u32 @!p0 v9, v5  }
0xfe: {  	s28 =	sxor.u32 s1, s28;
	v4 =	vld.idx.msk [tilespmem:v5+s22+$0x0], $0xffff  }
0xff: {  	p1 =	sne.s32 s28, $0x80000000;
	v5 =	vld.idx.msk [tilespmem:v6+s22+$0x0], $0xffff  }
0x100: {  	s28 =	simm.s32 @!p1 $0x1400;
	v6 =	vld.idx.msk [tilespmem:v8+s22+$0x0], $0xffff;
	v8 =	vimm.f32 @!p1 $-1.000000000e+00  }
0x101: {  	v3 =	vld.idx.msk [tilespmem:v3+s22+$0x0], $0xffff;
	[tilespmem:v7+s28+$0x0] =	vst.idx.msk @!p1 $0x1, v8;
	s28 =	simm.s32 @!p0 $0x1E80  }
0x102: {  	v7 =	vld.idx.msk @!p0 [tilespmem:v10+s28+$0x0], $0xffff;
	_ =	sdelay $0x1  }
0x103: {  	p1 =	sgt.f32 @!p0 s26, $0.0e+00  }
0x104: {  	v8 =	vor.u32 @!p0 s24, v9  }
0x105: {  	vm0 =	vmmov @!p0 $0x1f;
	s26 =	simm.f32 @!p0 $1.000000000e+00;
	p1 =	por !p1, p0  }
0x106: {  	s26 =	simm.s32 @p1 $0x0;
	v7 =	vnsel @!p0 vm0, $0x0, v7  }
0x107: {  	v7 =	vmul.f32 @!p0 s26, v7  }
0x108: {  	s26 =	simm.s32 @!p0 $0x1F80  }
0x109: {  	[tilespmem:v8+s26+$0x0] =	vst.idx.msk @!p0 $0xffff, v7  }
0x10a: {  	v7 =	vld [tilespmem:$0x0]  }
0x10b: {  	v8 =	vld [tilespmem:$0x500]  }
0x10c: {  	v29 =	vld [tilespmem:$0xA00]  }
0x10d: {  	v30 =	vld [tilespmem:$0xF00]  }
0x10e: {  	v11 =	vld [tilespmem:$0x1900]  }
0x10f: {  	v12 =	vld [tilespmem:$0x10]  }
0x110: {  	v13 =	vld [tilespmem:$0x510]  }
0x111: {  	v16 =	vld [tilespmem:$0xA10]  }
0x112: {  	v17 =	vld [tilespmem:$0xF10]  }
0x113: {  	v32 =	vld [tilespmem:$0x1910]  }
0x114: {  	v34 =	vld [tilespmem:$0x1400]  }
0x115: {  	v37 =	vld [tilespmem:$0x20]  }
0x116: {  	v39 =	vld [tilespmem:$0xA20]  }
0x117: {  	v45 =	vld [tilespmem:$0x30]  }
0x118: {  	v20 =	vld [tilespmem:$0x530]  }
0x119: {  	v46 =	vld [tilespmem:$0xA30]  }
0x11a: {  	v47 =	vld [tilespmem:$0xF30]  }
0x11b: {  	v24 =	vld [tilespmem:$0xA40]  }
0x11c: {  	v14 =	vsub.f32 v5, v4;
	v15 =	vsub.f32 v6, v3;
	v25 =	vld [tilespmem:$0xF40]  }
0x11d: {  	v23 =	vld [tilespmem:$0x540];
	v9 =	vmin.f32 v29, v5;
	v7 =	vmax.f32 v7, v4;
	v10 =	vmin.f32 v30, v6  }
0x11e: {  	v38 =	vld [tilespmem:$0x520];
	v8 =	vmax.f32 v8, v3;
	v33 =	vmin.f32 v16, v5;
	v12 =	vmax.f32 v12, v4  }
0x11f: {  	v41 =	vld [tilespmem:$0xF20];
	v35 =	vmin.f32 v17, v6;
	v13 =	vmax.f32 v13, v3;
	v44 =	vmin.f32 v39, v5  }
0x120: {  	v18 =	vld [tilespmem:$0x1410];
	v52 =	vmin.f32 v46, v5;
	v53 =	vmax.f32 v45, v4;
	v57 =	vmin.f32 v47, v6  }
0x121: {  	v43 =	vld [tilespmem:$0x1920];
	v58 =	vmax.f32 v20, v3;
	v60 =	vmin.f32 v24, v5;
	v25 =	vmin.f32 v25, v6  }
0x122: {  	v19 =	vld [tilespmem:$0x1420];
	v23 =	vmax.f32 v23, v3;
	v9 =	vsub.f32 v9, v7;
	v8 =	vsub.f32 v10, v8  }
0x123: {  	v21 =	vld [tilespmem:$0x1930];
	v7 =	vmul.f32 v15, v14;
	v36 =	vsub.f32 v35, v13;
	v13 =	vmax.f32 v37, v4  }
0x124: {  	v54 =	vld [tilespmem:$0x50];
	v15 =	vmax.f32 v38, v3;
	v14 =	vsub.f32 v57, v58;
	v9 =	vmax.f32 v9, $0.0e+00  }
0x125: {  	v61 =	vld [tilespmem:$0xF50];
	v8 =	vmax.f32 v8, $0.0e+00;
	v31 =	vadd.f32 v11, v7;
	v11 =	vsub.f32 v33, v12  }
0x126: {  	v50 =	vld [tilespmem:$0x40];
	v62 =	vsub.f32 v25, v23;
	v12 =	vmax.f32 v36, $0.0e+00;
	v8 =	vmul.f32 v8, v9  }
0x127: {  	v26 =	vld [tilespmem:$0x1940];
	v10 =	vadd.f32 v32, v7;
	v49 =	vadd.f32 v43, v7;
	v11 =	vmax.f32 v11, $0.0e+00  }
0x128: {  	v56 =	vld [tilespmem:$0x550];
	v9 =	vsub.f32 v31, v8;
	v40 =	vmul.f32 v12, v11;
	v11 =	vmin.f32 v41, v6  }
0x129: {  	v28 =	vld [tilespmem:$0x1950];
	v16 =	vmax.f32 v54, v4;
	v12 =	vsub.f32 v44, v13;
	v11 =	vsub.f32 v11, v15  }
0x12a: {  	v24 =	vmin.f32 v61, v6;
	v37 =	vld [tilespmem:$0xA60];
	v9 =	vadd.f32 $9.999999970e-07, v9;
	v42 =	vsub.f32 v10, v40  }
0x12b: {  	v30 =	vld [tilespmem:$0x570];
	v29 =	vmax.f32 v14, $0.0e+00;
	v48 =	vmax.f32 v12, $0.0e+00;
	v11 =	vmax.f32 v11, $0.0e+00  }
0x12c: {  	v38 =	vld [tilespmem:$0xF60];
	(erf) = vrcp.f32 v9;
	v9 =	vadd.f32 $9.999999970e-07, v42;
	v22 =	vmul.f32 v11, v48  }
0x12d: {  	v21 =	vadd.f32 v21, v7;
	v33 =	vld [tilespmem:$0x60];
	v36 =	vadd.f32 v26, v7;
	v10 =	vmax.f32 v50, v4  }
0x12e: {  	v41 =	vld [tilespmem:$0x70];
	v10 =	vsub.f32 v60, v10;
	(erf) = vrcp.f32 v9;
	v9 =	vsub.f32 v49, v22  }
0x12f: {  	v47 =	vadd.f32 v28, v7;
	v13 =	vmax.f32 v56, v3;
	v26 =	vmin.f32 v37, v5;
	v31 =	vld [tilespmem:$0xA90]  }
0x130: {  	v15 =	vmax.f32 v62, $0.0e+00;
	v48 =	vld [tilespmem:$0x1970];
	v10 =	vmax.f32 v10, $0.0e+00;
	v9 =	vadd.f32 $9.999999970e-07, v9  }
0x131: {  	v54 =	vld [tilespmem:$0xF80];
	v25 =	vmin.f32 v38, v6;
	v13 =	vsub.f32 v24, v13;
	v15 =	vmul.f32 v15, v10  }
0x132: {  	v58 =	vld [tilespmem:$0x90];
	v23 =	vmax.f32 v33, v4;
	(erf) = vrcp.f32 v9;
	v9 =	vsub.f32 v52, v53  }
0x133: {  	v50 =	vmax.f32 v30, v3;
	v13 =	vmax.f32 v13, $0.0e+00;
	v39 =	vsub.f32 v36, v15;
	v36 =	vld [tilespmem:$0xA0]  }
0x134: {  	v59 =	vld [tilespmem:$0xA50];
	v23 =	vsub.f32 v26, v23;
	v20 =	vmax.f32 v41, v4;
	v9 =	vmax.f32 v9, $0.0e+00  }
0x135: {  	v46 =	vld [tilespmem:$0x1960];
	v62 =	vmin.f32 v31, v5;
	v57 =	vadd.f32 v48, v7;
	v51 =	vpop (erf);
	v63 =	vmul.f32 v29, v9  }
0x136: {  	v61 =	vld [tilespmem:$0x1990];
	v45 =	vadd.f32 $9.999999970e-07, v39;
	v53 =	vmax.f32 v23, $0.0e+00;
	v8 =	vmul.f32 v51, v8  }
0x137: {  	v52 =	vld [tilespmem:$0xA80];
	v23 =	vmin.f32 v54, v6;
	v29 =	vmax.f32 v58, v4;
	v55 =	vpop (erf);
	v21 =	vsub.f32 v21, v63  }
0x138: {  	v31 =	vmax.f32 v36, v4;
	v51 =	vld [tilespmem:$0x580];
	vm6 =	vge.f32 v8, $5.000000000e-01;
	v17 =	vmul.f32 v55, v40  }
0x139: {  	v44 =	vld [tilespmem:$0xF70];
	v40 =	vmin.f32 v59, v5;
	v8 =	vsel vm6, $0xBF800000, v34;
	v21 =	vadd.f32 $9.999999970e-07, v21  }
0x13a: {  	v59 =	vld [tilespmem:$0x590];
	v16 =	vsub.f32 v40, v16;
	vm0 =	vgt.f32 v8, $-4.000000000e+00;
	vm7 =	vge.f32 v17, $5.000000000e-01  }
0x13b: {  	v38 =	vsub.f32 v62, v29;
	v34 =	vld [tilespmem:$0x560];
	v27 =	vnsel vm0, $0xC0800000, v8;
	v9 =	vsel vm7, $0xBF800000, v18  }
0x13c: {  	v42 =	vld [tilespmem:$0xA70];
	v35 =	vpop (erf);
	(erf) = vrcp.f32 v21;
	v16 =	vmax.f32 v16, $0.0e+00;
	v21 =	vmin.f32 v52, v5  }
0x13d: {  	v49 =	vld [tilespmem:$0x80];
	v30 =	vmax.f32 v51, v3;
	vm0 =	vgt.f32 v9, v27;
	v22 =	vmul.f32 v35, v22  }
0x13e: {  	v55 =	vld [tilespmem:$0x1980];
	v16 =	vmul.f32 v13, v16;
	(erf) = vrcp.f32 v45;
	v23 =	vsub.f32 v23, v30  }
0x13f: {  	v14 =	vld [tilespmem:$0x1450];
	v43 =	vsel vm0, v9, v27;
	v27 =	vadd.f32 v46, v7;
	v26 =	vmax.f32 v59, v3  }
0x140: {  	v54 =	vld [tilespmem:$0xAC0];
	v46 =	vsel vm0, $0x1, v0;
	vm1 =	vge.f32 v22, $5.000000000e-01;
	v18 =	vmax.f32 v34, v3  }
0x141: {  	v28 =	vld [tilespmem:$0x1460];
	v22 =	vmin.f32 v42, v5;
	v13 =	vsub.f32 v47, v16;
	v23 =	vmax.f32 v23, $0.0e+00  }
0x142: {  	v35 =	vld [tilespmem:$0xFB0];
	v10 =	vsel vm1, $0xBF800000, v19;
	v18 =	vsub.f32 v25, v18;
	v19 =	vmin.f32 v44, v6  }
0x143: {  	v32 =	vld [tilespmem:$0xF90];
	v20 =	vsub.f32 v22, v20;
	v25 =	vmax.f32 v49, v4;
	v22 =	vadd.f32 v55, v7  }
0x144: {  	v12 =	vld [tilespmem:$0x1440];
	v44 =	vadd.f32 v61, v7;
	v19 =	vsub.f32 v19, v50;
	vm1 =	vgt.f32 v10, v43  }
0x145: {  	v45 =	vld [tilespmem:$0x19A0];
	v13 =	vadd.f32 $9.999999970e-07, v13;
	v21 =	vsub.f32 v21, v25;
	v25 =	vmin.f32 v54, v5  }
0x146: {  	v41 =	vld [tilespmem:$0xAA0];
	v18 =	vmax.f32 v18, $0.0e+00;
	v20 =	vmax.f32 v20, $0.0e+00;
	v24 =	vsel vm1, v10, v43  }
0x147: {  	v34 =	vld [tilespmem:$0x5B0];
	v30 =	vsel vm1, $0x2, v46;
	v46 =	vmin.f32 v35, v6;
	v18 =	vmul.f32 v18, v53  }
0x148: {  	v39 =	vld [tilespmem:$0x5A0];
	v19 =	vmax.f32 v19, $0.0e+00;
	(erf) = vrcp.f32 v13;
	v21 =	vmax.f32 v21, $0.0e+00  }
0x149: {  	v11 =	vld [tilespmem:$0x1430];
	v13 =	vmax.f32 v38, $0.0e+00;
	v19 =	vmul.f32 v19, v20;
	v21 =	vmul.f32 v23, v21;
	v56 =	vpop (erf)  }
0x14a: {  	v40 =	vld [tilespmem:$0xAB0];
	v53 =	vadd.f32 v45, v7;
	v27 =	vsub.f32 v27, v18;
	v17 =	vmul.f32 v56, v63  }
0x14b: {  	v43 =	vld [tilespmem:$0xFA0];
	v20 =	vsub.f32 v57, v19;
	v63 =	vmin.f32 v32, v6;
	v22 =	vsub.f32 v22, v21  }
0x14c: {  	v33 =	vld [tilespmem:$0x1470];
	v34 =	vmax.f32 v34, v3;
	v37 =	vpop (erf);
	v60 =	vadd.f32 $9.999999970e-07, v27;
	v26 =	vsub.f32 v63, v26  }
0x14d: {  	v48 =	vld [tilespmem:$0xB0];
	v15 =	vmul.f32 v37, v15;
	v63 =	vmin.f32 v41, v5;
	v27 =	vmax.f32 v39, v3  }
0x14e: {  	v29 =	vld [tilespmem:$0x19D0];
	vm2 =	vge.f32 v17, $5.000000000e-01;
	v20 =	vadd.f32 $9.999999970e-07, v20;
	v22 =	vadd.f32 $9.999999970e-07, v22  }
0x14f: {  	v51 =	vld [tilespmem:$0x5C0];
	(erf) = vrcp.f32 v60;
	v11 =	vsel vm2, $0xBF800000, v11;
	v42 =	vmax.f32 v26, $0.0e+00  }
0x150: {  	v61 =	vld [tilespmem:$0xAD0];
	vm8 =	vge.f32 v15, $5.000000000e-01;
	v26 =	vmin.f32 v43, v6;
	v43 =	vmin.f32 v40, v5  }
0x151: {  	v45 =	vld [tilespmem:$0xE0];
	(erf) = vrcp.f32 v20;
	v20 =	vmul.f32 v42, v13;
	vm2 =	vgt.f32 v11, v24  }
0x152: {  	v56 =	vld [tilespmem:$0xFC0];
	v13 =	vsel vm8, $0xBF800000, v12;
	v26 =	vsub.f32 v26, v27;
	(erf) = vrcp.f32 v22  }
0x153: {  	v27 =	vld [tilespmem:$0x19B0];
	v24 =	vsel vm2, v11, v24;
	v30 =	vsel vm2, $0x3, v30;
	v22 =	vmax.f32 v48, v4;
	v62 =	vpop (erf)  }
0x154: {  	v48 =	vld [tilespmem:$0xAE0];
	v47 =	vsub.f32 v44, v20;
	vm4 =	vgt.f32 v13, v24;
	v12 =	vmul.f32 v62, v16  }
0x155: {  	v50 =	vmax.f32 v26, $0.0e+00;
	v22 =	vsub.f32 v43, v22;
	v16 =	vsub.f32 v63, v31;
	v31 =	vld [tilespmem:$0x5D0]  }
0x156: {  	v42 =	vld [tilespmem:$0xC0];
	v26 =	vmax.f32 v51, v3;
	v24 =	vsel vm4, v13, v24;
	vm9 =	vge.f32 v12, $5.000000000e-01  }
0x157: {  	v30 =	vsel vm4, $0x4, v30;
	v15 =	vadd.f32 $9.999999970e-07, v47;
	v47 =	vld [tilespmem:$0x5E0];
	v14 =	vsel vm9, $0xBF800000, v14  }
0x158: {  	v23 =	vld [tilespmem:$0x1490];
	v22 =	vmax.f32 v22, $0.0e+00;
	v49 =	vmax.f32 v16, $0.0e+00;
	vm3 =	vgt.f32 v14, v24  }
0x159: {  	v32 =	vld [tilespmem:$0x14A0];
	(erf) = vrcp.f32 v15;
	v43 =	vmin.f32 v48, v5;
	v36 =	vpop (erf);
	v24 =	vsel vm3, v14, v24  }
0x15a: {  	v37 =	vld [tilespmem:$0x19C0];
	v31 =	vmax.f32 v31, v3;
	v41 =	vmul.f32 v36, v18;
	v36 =	vmul.f32 v50, v49  }
0x15b: {  	v48 =	vld [tilespmem:$0x610];
	v52 =	vpop (erf);
	v18 =	vmax.f32 v42, v4;
	v49 =	vadd.f32 v27, v7;
	v42 =	vadd.f32 v29, v7  }
0x15c: {  	v39 =	vld [tilespmem:$0xFE0];
	v35 =	vmax.f32 v47, v3;
	v55 =	vmul.f32 v52, v19;
	v19 =	vmin.f32 v56, v6  }
0x15d: {  	v17 =	vld [tilespmem:$0x1480];
	v57 =	vpop (erf);
	v25 =	vsub.f32 v25, v18;
	vm10 =	vge.f32 v41, $5.000000000e-01;
	v58 =	vsub.f32 v53, v36  }
0x15e: {  	v63 =	vld [tilespmem:$0xFD0];
	v59 =	vmul.f32 v57, v21;
	v19 =	vsub.f32 v19, v26;
	v15 =	vsel vm10, $0xBF800000, v28  }
0x15f: {  	v50 =	vld [tilespmem:$0xF0];
	vm11 =	vge.f32 v55, $5.000000000e-01;
	v51 =	vmax.f32 v25, $0.0e+00;
	v55 =	vadd.f32 v37, v7  }
0x160: {  	v56 =	vld [tilespmem:$0xAF0];
	v28 =	vmax.f32 v45, v4;
	v37 =	vmax.f32 v48, v3;
	vm0 =	vgt.f32 v15, v24  }
0x161: {  	v21 =	vld [tilespmem:$0xD0];
	v16 =	vsel vm11, $0xBF800000, v33;
	v60 =	vadd.f32 $9.999999970e-07, v58;
	vm12 =	vge.f32 v59, $5.000000000e-01  }
0x162: {  	v26 =	vld [tilespmem:$0x19E0];
	v19 =	vmax.f32 v19, $0.0e+00;
	v59 =	vmin.f32 v61, v5;
	v28 =	vsub.f32 v43, v28  }
0x163: {  	v41 =	vld [tilespmem:$0x100];
	v24 =	vsel vm0, v15, v24;
	v17 =	vsel vm12, $0xBF800000, v17;
	v19 =	vmul.f32 v19, v51  }
0x164: {  	v52 =	vld [tilespmem:$0x5F0];
	v27 =	vmax.f32 v50, v4;
	vm1 =	vgt.f32 v16, v24;
	(erf) = vrcp.f32 v60  }
0x165: {  	v45 =	vld [tilespmem:$0x110];
	v44 =	vpop (erf);
	v47 =	vmin.f32 v56, v5;
	v51 =	vmax.f32 v28, $0.0e+00;
	v62 =	vsel vm1, v16, v24  }
0x166: {  	v57 =	vld [tilespmem:$0xFF0];
	v12 =	vmul.f32 v44, v20;
	v20 =	vsub.f32 v46, v34;
	v58 =	vsub.f32 v55, v19  }
0x167: {  	v48 =	vld [tilespmem:$0x1030];
	v21 =	vmax.f32 v21, v4;
	v24 =	vmin.f32 v63, v6;
	v44 =	vmin.f32 v39, v6  }
0x168: {  	v61 =	vld [tilespmem:$0xB00];
	v27 =	vsub.f32 v47, v27;
	v26 =	vadd.f32 v26, v7;
	v41 =	vmax.f32 v41, v4  }
0x169: {  	v50 =	vld [tilespmem:$0x1010];
	vm2 =	vgt.f32 v17, v62;
	v21 =	vsub.f32 v59, v21;
	v24 =	vsub.f32 v24, v31  }
0x16a: {  	v60 =	vld [tilespmem:$0x19F0];
	v46 =	vsub.f32 v44, v35;
	v39 =	vmax.f32 v45, v4;
	v38 =	vsel vm2, v17, v62  }
0x16b: {  	v56 =	vld [tilespmem:$0x120];
	v20 =	vmax.f32 v20, $0.0e+00;
	vm13 =	vge.f32 v12, $5.000000000e-01;
	v12 =	vsel vm3, $0x5, v30  }
0x16c: {  	v34 =	vld [tilespmem:$0x1A00];
	v62 =	vadd.f32 $9.999999970e-07, v58;
	v30 =	vmin.f32 v57, v6;
	v40 =	vmul.f32 v20, v22  }
0x16d: {  	v43 =	vld [tilespmem:$0x620];
	v18 =	vsel vm13, $0xBF800000, v23;
	v21 =	vmax.f32 v21, $0.0e+00;
	v24 =	vmax.f32 v24, $0.0e+00  }
0x16e: {  	v31 =	vld [tilespmem:$0x600];
	v23 =	vmax.f32 v52, v3;
	v52 =	vmax.f32 v46, $0.0e+00;
	v35 =	vmin.f32 v50, v6  }
0x16f: {  	v63 =	vld [tilespmem:$0x1000];
	vm3 =	vgt.f32 v18, v38;
	v21 =	vmul.f32 v24, v21;
	v30 =	vsub.f32 v30, v23  }
0x170: {  	v59 =	vld [tilespmem:$0xB20];
	v23 =	vmul.f32 v52, v51;
	v33 =	vadd.f32 v60, v7;
	v35 =	vsub.f32 v35, v37  }
0x171: {  	v60 =	vld [tilespmem:$0x1020];
	v29 =	vmax.f32 v56, v4;
	v54 =	vsub.f32 v49, v40;
	v34 =	vadd.f32 v34, v7  }
0x172: {  	v51 =	vld [tilespmem:$0x1A30];
	v42 =	vsub.f32 v42, v21;
	v55 =	vmax.f32 v30, $0.0e+00;
	v26 =	vsub.f32 v26, v23  }
0x173: {  	v49 =	vld [tilespmem:$0xB10];
	v31 =	vmax.f32 v31, v3;
	v25 =	vadd.f32 $9.999999970e-07, v54;
	v54 =	vmax.f32 v27, $0.0e+00  }
0x174: {  	v46 =	vld [tilespmem:$0xB30];
	v50 =	vmax.f32 v35, $0.0e+00;
	v53 =	vpop (erf);
	v24 =	vmul.f32 v55, v54;
	v58 =	vadd.f32 $9.999999970e-07, v42  }
0x175: {  	v44 =	vld [tilespmem:$0x150];
	v47 =	vadd.f32 $9.999999970e-07, v26;
	v22 =	vmul.f32 v53, v36;
	(erf) = vrcp.f32 v25  }
0x176: {  	v42 =	vld [tilespmem:$0x1A20];
	v25 =	vmin.f32 v61, v5;
	v36 =	vmin.f32 v63, v6;
	v56 =	vmin.f32 v60, v6  }
0x177: {  	v55 =	vld [tilespmem:$0xB40];
	v35 =	vadd.f32 v51, v7;
	(erf) = vrcp.f32 v62;
	v33 =	vsub.f32 v33, v24  }
0x178: {  	v53 =	vld [tilespmem:$0x1A10];
	v25 =	vsub.f32 v25, v41;
	v31 =	vsub.f32 v36, v31;
	v61 =	vmin.f32 v49, v5  }
0x179: {  	v63 =	vld [tilespmem:$0x630];
	v36 =	vmin.f32 v46, v5;
	vm14 =	vge.f32 v22, $5.000000000e-01;
	v22 =	vsel vm3, v18, v38  }
0x17a: {  	v52 =	vld [tilespmem:$0x140];
	v45 =	vsub.f32 v61, v39;
	v39 =	vmin.f32 v48, v6;
	v20 =	vsel vm14, $0xBF800000, v32  }
0x17b: {  	v62 =	vld [tilespmem:$0x130];
	v33 =	vadd.f32 $9.999999970e-07, v33;
	v25 =	vmax.f32 v25, $0.0e+00;
	v49 =	vmax.f32 v31, $0.0e+00  }
0x17c: {  	v54 =	vld [tilespmem:$0x640];
	vm4 =	vgt.f32 v20, v22;
	v30 =	vmax.f32 v45, $0.0e+00;
	v26 =	vmul.f32 v49, v25  }
0x17d: {  	v61 =	vld [tilespmem:$0x650];
	v42 =	vadd.f32 v42, v7;
	v31 =	vmin.f32 v55, v5;
	v25 =	vmul.f32 v50, v30  }
0x17e: {  	v51 =	vld [tilespmem:$0x160];
	v28 =	vadd.f32 v53, v7;
	v53 =	vmin.f32 v59, v5;
	v41 =	vmax.f32 v63, v3  }
0x17f: {  	v45 =	vld [tilespmem:$0x660];
	v30 =	vmax.f32 v52, v4;
	v34 =	vsub.f32 v34, v26;
	v29 =	vsub.f32 v53, v29  }
0x180: {  	v59 =	vld [tilespmem:$0x1A40];
	v38 =	vmax.f32 v62, v4;
	v60 =	vsub.f32 v39, v41;
	v30 =	vsub.f32 v31, v30  }
0x181: {  	v32 =	vmax.f32 v54, v3;
	v63 =	vld [tilespmem:$0xB50];
	v28 =	vsub.f32 v28, v25;
	v36 =	vsub.f32 v36, v38  }
0x182: {  	v50 =	vld [tilespmem:$0x1050];
	v39 =	vmax.f32 v61, v3;
	v29 =	vmax.f32 v29, $0.0e+00;
	v34 =	vadd.f32 $9.999999970e-07, v34  }
0x183: {  	v53 =	vld [tilespmem:$0xB60];
	v49 =	vmax.f32 v60, $0.0e+00;
	v30 =	vmax.f32 v30, $0.0e+00;
	v57 =	vpop (erf);
	(erf) = vrcp.f32 v58  }
0x184: {  	v61 =	vld [tilespmem:$0x1070];
	v62 =	vadd.f32 $9.999999970e-07, v28;
	v48 =	vmax.f32 v36, $0.0e+00;
	v36 =	vmax.f32 v51, v4  }
0x185: {  	v58 =	vld [tilespmem:$0x1040];
	v27 =	vmul.f32 v57, v40;
	(erf) = vrcp.f32 v47;
	v57 =	vmax.f32 v43, v3  }
0x186: {  	v60 =	vld [tilespmem:$0xB70];
	v40 =	vadd.f32 v59, v7;
	v59 =	vmax.f32 v44, v4;
	v37 =	vsub.f32 v56, v57  }
0x187: {  	v51 =	vld [tilespmem:$0x1A70];
	v38 =	vmin.f32 v50, v6;
	v50 =	vmax.f32 v45, v3;
	(erf) = vrcp.f32 v33  }
0x188: {  	v56 =	vld [tilespmem:$0x1060];
	v38 =	vsub.f32 v38, v39;
	(erf) = vrcp.f32 v34;
	v37 =	vmax.f32 v37, $0.0e+00  }
0x189: {  	v57 =	vld [tilespmem:$0x170];
	vm5 =	vge.f32 v27, $5.000000000e-01;
	(erf) = vrcp.f32 v62;
	v28 =	vmul.f32 v37, v29  }
0x18a: {  	v29 =	vmul.f32 v49, v48;
	v43 =	vmin.f32 v58, v6;
	v37 =	vmin.f32 v63, v5  }
0x18b: {  	v48 =	vmax.f32 v38, $0.0e+00;
	v52 =	vsub.f32 v43, v32;
	v37 =	vsub.f32 v37, v59  }
0x18c: {  	v58 =	vld [tilespmem:$0x670];
	v32 =	vmin.f32 v53, v5;
	v59 =	vadd.f32 v51, v7;
	v54 =	vsub.f32 v42, v28  }
0x18d: {  	v63 =	vld [tilespmem:$0x1A50];
	v43 =	vmin.f32 v60, v5;
	v55 =	vsub.f32 v35, v29;
	v32 =	vsub.f32 v32, v36  }
0x18e: {  	v49 =	vld [tilespmem:$0x1A60];
	v35 =	vmin.f32 v56, v6;
	v41 =	vmax.f32 v57, v4;
	v42 =	vmin.f32 v61, v6  }
0x18f: {  	v31 =	vmax.f32 v52, $0.0e+00;
	v35 =	vsub.f32 v35, v50;
	v53 =	vsub.f32 v43, v41  }
0x190: {  	v37 =	vmax.f32 v37, $0.0e+00;
	v33 =	vadd.f32 $9.999999970e-07, v54;
	v34 =	vadd.f32 $9.999999970e-07, v55  }
0x191: {  	v30 =	vmul.f32 v31, v30;
	v32 =	vmax.f32 v32, $0.0e+00;
	v31 =	vmax.f32 v58, v3  }
0x192: {  	[tilespmem:$0x1410] =	vst v9;
	v57 =	vld [tilespmem:$0x14B0];
	v9 =	vmul.f32 v48, v37;
	v52 =	vmax.f32 v35, $0.0e+00;
	v31 =	vsub.f32 v42, v31  }
0x193: {  	[tilespmem:$0x1400] =	vst v8;
	v54 =	vadd.f32 v63, v7;
	v55 =	vadd.f32 v49, v7;
	v56 =	vmax.f32 v53, $0.0e+00  }
0x194: {  	[tilespmem:$0x1420] =	vst v10;
	v62 =	vsub.f32 v40, v30;
	v8 =	vmul.f32 v52, v32;
	v31 =	vmax.f32 v31, $0.0e+00  }
0x195: {  	[tilespmem:$0x1430] =	vst v11;
	(erf) = vrcp.f32 v33;
	v58 =	vsub.f32 v54, v9;
	v31 =	vmul.f32 v31, v56  }
0x196: {  	[tilespmem:$0x1440] =	vst v13;
	(erf) = vrcp.f32 v34;
	v60 =	vadd.f32 $9.999999970e-07, v62;
	v10 =	vsub.f32 v55, v8  }
0x197: {  	[tilespmem:$0x1450] =	vst v14;
	v63 =	vld [tilespmem:$0x14C0];
	v11 =	vsel vm5, $0xBF800000, v57;
	v61 =	vadd.f32 $9.999999970e-07, v58;
	v32 =	vsub.f32 v59, v31  }
0x198: {  	[tilespmem:$0x1460] =	vst v15;
	v37 =	vld [tilespmem:$0x14E0];
	v62 =	vsel vm4, v20, v22;
	v33 =	vpop (erf);
	(erf) = vrcp.f32 v60;
	v10 =	vadd.f32 $9.999999970e-07, v10  }
0x199: {  	[tilespmem:$0x1470] =	vst v16;
	v34 =	vld [tilespmem:$0x14D0];
	v13 =	vmul.f32 v33, v19;
	v36 =	vpop (erf);
	(erf) = vrcp.f32 v61;
	v35 =	vadd.f32 $9.999999970e-07, v32  }
0x19a: {  	[tilespmem:$0x1480] =	vst v17;
	v47 =	vld [tilespmem:$0x1510];
	vm5 =	vgt.f32 v11, v62;
	v38 =	vmul.f32 v36, v21;
	v39 =	vpop (erf);
	(erf) = vrcp.f32 v10  }
0x19b: {  	[tilespmem:$0x1490] =	vst v18;
	v40 =	vld [tilespmem:$0x14F0];
	vm6 =	vge.f32 v13, $5.000000000e-01;
	v42 =	vmul.f32 v39, v23;
	(erf) = vrcp.f32 v35  }
0x19c: {  	v12 =	vsel vm0, $0x6, v12;
	[tilespmem:$0x14A0] =	vst v20;
	v43 =	vld [tilespmem:$0x1500];
	v15 =	vsel vm5, v11, v62;
	v41 =	vpop (erf);
	v45 =	vsel vm6, $0xBF800000, v63  }
0x19d: {  	v50 =	vld [tilespmem:$0x1520];
	[tilespmem:$0x14B0] =	vst v11;
	v44 =	vpop (erf);
	vm15 =	vge.f32 v38, $5.000000000e-01;
	v46 =	vmul.f32 v41, v24;
	vm9 =	vge.f32 v42, $5.000000000e-01  }
0x19e: {  	v53 =	vld [tilespmem:$0x1530];
	v48 =	vpop (erf);
	[tilespmem:$0x14C0] =	vst v45;
	v16 =	vsel vm15, $0xBF800000, v34;
	v49 =	vmul.f32 v44, v26;
	v19 =	vsel vm9, $0xBF800000, v37  }
0x19f: {  	v56 =	vld [tilespmem:$0x1540];
	[tilespmem:$0x14D0] =	vst v16;
	vm10 =	vge.f32 v46, $5.000000000e-01;
	v52 =	vmul.f32 v48, v25;
	vm9 =	vgt.f32 v45, v15;
	v51 =	vpop (erf)  }
0x1a0: {  	v33 =	vld [tilespmem:$0x1080];
	[tilespmem:$0x14E0] =	vst v19;
	v18 =	vsel vm10, $0xBF800000, v40;
	vm11 =	vge.f32 v49, $5.000000000e-01;
	v54 =	vmul.f32 v51, v28;
	v55 =	vpop (erf)  }
0x1a1: {  	v59 =	vld [tilespmem:$0x1550];
	[tilespmem:$0x14F0] =	vst v18;
	v17 =	vsel vm11, $0xBF800000, v43;
	vm12 =	vge.f32 v52, $5.000000000e-01;
	v57 =	vmul.f32 v55, v29;
	v58 =	vpop (erf)  }
0x1a2: {  	v62 =	vld [tilespmem:$0x1560];
	[tilespmem:$0x1500] =	vst v17;
	v14 =	vsel vm12, $0xBF800000, v47;
	vm13 =	vge.f32 v54, $5.000000000e-01;
	v60 =	vmul.f32 v58, v30;
	v61 =	vpop (erf)  }
0x1a3: {  	v26 =	vld [tilespmem:$0x1570];
	[tilespmem:$0x1510] =	vst v14;
	v20 =	vsel vm13, $0xBF800000, v50;
	vm14 =	vge.f32 v57, $5.000000000e-01;
	v9 =	vmul.f32 v61, v9;
	v63 =	vpop (erf)  }
0x1a4: {  	v36 =	vld [tilespmem:$0x690];
	[tilespmem:$0x1520] =	vst v20;
	v21 =	vsel vm14, $0xBF800000, v53;
	vm15 =	vge.f32 v60, $5.000000000e-01;
	v8 =	vmul.f32 v63, v8;
	v27 =	vpop (erf)  }
0x1a5: {  	v32 =	vld [tilespmem:$0xB80];
	[tilespmem:$0x1530] =	vst v21;
	v13 =	vsel vm15, $0xBF800000, v56;
	vm7 =	vge.f32 v9, $5.000000000e-01;
	v28 =	vmul.f32 v27, v31  }
0x1a6: {  	v34 =	vld [tilespmem:$0x1A80];
	v11 =	vsel vm9, v45, v15;
	[tilespmem:$0x1540] =	vst v13;
	v29 =	vsel vm7, $0xBF800000, v59;
	vm10 =	vge.f32 v8, $5.000000000e-01  }
0x1a7: {  	v35 =	vld [tilespmem:$0x190];
	vm12 =	vgt.f32 v16, v11;
	[tilespmem:$0x1550] =	vst v29;
	v15 =	vsel vm10, $0xBF800000, v62;
	vm11 =	vge.f32 v28, $5.000000000e-01  }
0x1a8: {  	v12 =	vsel vm1, $0x7, v12;
	v11 =	vsel vm12, v16, v11;
	v30 =	vld [tilespmem:$0x180];
	[tilespmem:$0x1560] =	vst v15;
	v22 =	vsel vm11, $0xBF800000, v26  }
0x1a9: {  	v12 =	vsel vm2, $0x8, v12;
	vm13 =	vgt.f32 v19, v11;
	v31 =	vld [tilespmem:$0x680];
	[tilespmem:$0x1570] =	vst v22  }
0x1aa: {  	v12 =	vsel vm3, $0x9, v12;
	v11 =	vsel vm13, v19, v11;
	v37 =	vld [tilespmem:$0xB90]  }
0x1ab: {  	v12 =	vsel vm4, $0xA, v12;
	vm14 =	vgt.f32 v18, v11;
	v38 =	vld [tilespmem:$0x1090]  }
0x1ac: {  	v12 =	vsel vm5, $0xB, v12;
	v11 =	vsel vm14, v18, v11;
	v40 =	vld [tilespmem:$0x1A90]  }
0x1ad: {  	v12 =	vsel vm9, $0xC, v12;
	vm15 =	vgt.f32 v17, v11;
	v43 =	vld [tilespmem:$0x1A0]  }
0x1ae: {  	v42 =	vmax.f32 v36, v3;
	v23 =	vmin.f32 v32, v5;
	v11 =	vsel vm15, v17, v11;
	v47 =	vld [tilespmem:$0xBA0]  }
0x1af: {  	v16 =	vmin.f32 v33, v6;
	v12 =	vsel vm12, $0xD, v12;
	vm7 =	vgt.f32 v14, v11;
	v48 =	vld [tilespmem:$0x10A0]  }
0x1b0: {  	v39 =	vadd.f32 v34, v7;
	v12 =	vsel vm13, $0xE, v12;
	v11 =	vsel vm7, v14, v11;
	v50 =	vld [tilespmem:$0x1B0]  }
0x1b1: {  	v19 =	vmax.f32 v35, v4;
	v12 =	vsel vm14, $0xF, v12;
	vm8 =	vgt.f32 v20, v11;
	v51 =	vld [tilespmem:$0x6B0]  }
0x1b2: {  	v12 =	vsel vm15, $0x10, v12;
	v8 =	vmax.f32 v30, v4;
	v11 =	vsel vm8, v20, v11;
	v54 =	vld [tilespmem:$0x10B0]  }
0x1b3: {  	v8 =	vsub.f32 v23, v8;
	vm9 =	vgt.f32 v21, v11;
	v9 =	vmax.f32 v31, v3;
	v58 =	vld [tilespmem:$0x1AB0]  }
0x1b4: {  	v12 =	vsel vm7, $0x11, v12;
	v11 =	vsel vm9, v21, v11;
	v61 =	vld [tilespmem:$0x1C0];
	v9 =	vsub.f32 v16, v9  }
0x1b5: {  	v8 =	vmax.f32 v8, $0.0e+00;
	v12 =	vsel vm8, $0x12, v12;
	v27 =	vld [tilespmem:$0xBC0];
	vm10 =	vgt.f32 v13, v11  }
0x1b6: {  	v12 =	vsel vm9, $0x13, v12;
	v28 =	vld [tilespmem:$0x10C0];
	v11 =	vsel vm10, v13, v11;
	v9 =	vmax.f32 v9, $0.0e+00  }
0x1b7: {  	v36 =	vld [tilespmem:$0xBD0];
	v12 =	vsel vm10, $0x14, v12;
	vm11 =	vgt.f32 v29, v11;
	v8 =	vmul.f32 v9, v8  }
0x1b8: {  	v1 =	vld [tilespmem:$0xE50];
	v10 =	vsel vm11, v29, v11;
	v12 =	vsel vm11, $0x15, v12;
	v18 =	vmin.f32 v37, v5  }
0x1b9: {  	v2 =	vld [tilespmem:$0xE60];
	v41 =	vmin.f32 v38, v6;
	v17 =	vadd.f32 v40, v7;
	v14 =	vmin.f32 v47, v5  }
0x1ba: {  	v46 =	vld [tilespmem:$0x6A0];
	v53 =	vmax.f32 v43, v4;
	v55 =	vmin.f32 v48, v6;
	v20 =	vmax.f32 v50, v4  }
0x1bb: {  	v49 =	vld [tilespmem:$0x1AA0];
	v59 =	vmin.f32 v54, v6;
	v60 =	vmax.f32 v51, v3;
	v30 =	vadd.f32 v58, v7  }
0x1bc: {  	v52 =	vld [tilespmem:$0xBB0];
	vm12 =	vgt.f32 v15, v10;
	v37 =	vmin.f32 v27, v5;
	v38 =	vmax.f32 v61, v4  }
0x1bd: {  	v56 =	vld [tilespmem:$0x1580];
	v23 =	vmin.f32 v28, v6;
	v11 =	vmin.f32 v36, v5;
	v1 =	vmin.f32 v1, v5  }
0x1be: {  	v63 =	vld [tilespmem:$0x6C0];
	v2 =	vmin.f32 v2, v5;
	v44 =	vsub.f32 v18, v19;
	v45 =	vsub.f32 v41, v42  }
0x1bf: {  	v31 =	vld [tilespmem:$0x1AC0];
	v16 =	vsub.f32 v39, v8;
	v14 =	vsub.f32 v14, v53;
	v19 =	vmax.f32 v46, v3  }
0x1c0: {  	v51 =	vld [tilespmem:$0xBE0];
	v62 =	vsub.f32 v59, v60;
	v10 =	vsel vm12, v15, v10;
	v21 =	vsub.f32 v37, v38  }
0x1c1: {  	v54 =	vld [tilespmem:$0x1AE0];
	v12 =	vsel vm12, $0x16, v12;
	v19 =	vsub.f32 v55, v19;
	vm13 =	vgt.f32 v22, v10  }
0x1c2: {  	v36 =	vld [tilespmem:$0xC00];
	v9 =	vmax.f32 v44, $0.0e+00;
	v18 =	vmax.f32 v45, $0.0e+00;
	v16 =	vadd.f32 $9.999999970e-07, v16  }
0x1c3: {  	v39 =	vld [tilespmem:$0x10D0];
	v14 =	vmax.f32 v14, $0.0e+00;
	v10 =	vsel vm13, v22, v10;
	v42 =	vmax.f32 v21, $0.0e+00  }
0x1c4: {  	v38 =	vld [tilespmem:$0x1100];
	v12 =	vsel vm13, $0x17, v12;
	v9 =	vmul.f32 v18, v9;
	v57 =	vmax.f32 v19, $0.0e+00  }
0x1c5: {  	v44 =	vld [tilespmem:$0x1AD0];
	v18 =	vadd.f32 v49, v7;
	v19 =	vadd.f32 v31, v7;
	(erf) = vrcp.f32 v16  }
0x1c6: {  	v33 =	vld [tilespmem:$0x1D0];
	v16 =	vmin.f32 v52, v5;
	v14 =	vmul.f32 v57, v14;
	v31 =	vadd.f32 v54, v7  }
0x1c7: {  	v53 =	vld [tilespmem:$0x10E0];
	v59 =	vmin.f32 v51, v5;
	v17 =	vsub.f32 v17, v9;
	v16 =	vsub.f32 v16, v20  }
0x1c8: {  	v49 =	vld [tilespmem:$0x6E0];
	v20 =	vmax.f32 v63, v3;
	v46 =	vmin.f32 v39, v6;
	v18 =	vsub.f32 v18, v14  }
0x1c9: {  	v35 =	vld [tilespmem:$0x6D0];
	v25 =	vmin.f32 v38, v6;
	v20 =	vsub.f32 v23, v20;
	v17 =	vadd.f32 $9.999999970e-07, v17  }
0x1ca: {  	v60 =	vld [tilespmem:$0xBF0];
	v16 =	vmax.f32 v16, $0.0e+00;
	v52 =	vadd.f32 v44, v7;
	v44 =	vmin.f32 v36, v5  }
0x1cb: {  	v48 =	vld [tilespmem:$0x1E0];
	v32 =	vadd.f32 $9.999999970e-07, v18;
	v43 =	vmax.f32 v20, $0.0e+00;
	v18 =	vmax.f32 v33, v4  }
0x1cc: {  	v61 =	vld [tilespmem:$0x10F0];
	v20 =	vmin.f32 v53, v6;
	(erf) = vrcp.f32 v17;
	v17 =	vmax.f32 v62, $0.0e+00  }
0x1cd: {  	v33 =	vld [tilespmem:$0x200];
	v13 =	vmul.f32 v43, v42;
	v11 =	vsub.f32 v11, v18;
	v18 =	vmax.f32 v49, v3  }
0x1ce: {  	v16 =	vmul.f32 v17, v16;
	(erf) = vrcp.f32 v32;
	v17 =	vmax.f32 v35, v3;
	v35 =	vld [tilespmem:$0x700]  }
0x1cf: {  	v18 =	vsub.f32 v20, v18;
	v32 =	vmin.f32 v60, v5;
	v60 =	vld [tilespmem:$0x230];
	v19 =	vsub.f32 v19, v13  }
0x1d0: {  	v47 =	vsub.f32 v46, v17;
	v17 =	vmax.f32 v48, v4;
	v46 =	vld [tilespmem:$0x710];
	v34 =	vsub.f32 v30, v16  }
0x1d1: {  	v11 =	vmax.f32 v11, $0.0e+00;
	v48 =	vld [tilespmem:$0xC10];
	v17 =	vsub.f32 v59, v17;
	v29 =	vpop (erf);
	v19 =	vadd.f32 $9.999999970e-07, v19  }
0x1d2: {  	v58 =	vld [tilespmem:$0x6F0];
	v22 =	vmax.f32 v33, v4;
	v8 =	vmul.f32 v29, v8;
	v15 =	vadd.f32 $9.999999970e-07, v34  }
0x1d3: {  	v33 =	vld [tilespmem:$0x1B20];
	v28 =	vmax.f32 v17, $0.0e+00;
	v29 =	vmax.f32 v18, $0.0e+00;
	v34 =	vmin.f32 v61, v6  }
0x1d4: {  	v41 =	vld [tilespmem:$0x1590];
	v24 =	vmax.f32 v35, v3;
	v23 =	vmax.f32 v60, v4;
	vm14 =	vge.f32 v8, $5.000000000e-01  }
0x1d5: {  	v55 =	vld [tilespmem:$0x1F0];
	(erf) = vrcp.f32 v15;
	v15 =	vmax.f32 v47, $0.0e+00;
	v47 =	vsub.f32 v25, v24  }
0x1d6: {  	v45 =	vld [tilespmem:$0x15A0];
	v24 =	vmin.f32 v48, v5;
	v27 =	vmax.f32 v46, v3;
	v0 =	vsel vm14, $0xBF800000, v56  }
0x1d7: {  	v51 =	vld [tilespmem:$0x15E0];
	v15 =	vmul.f32 v15, v11;
	v40 =	vpop (erf);
	vm15 =	vgt.f32 v0, v10;
	(erf) = vrcp.f32 v19  }
0x1d8: {  	v30 =	vld [tilespmem:$0x1AF0];
	v19 =	vmax.f32 v58, v3;
	v38 =	vadd.f32 v33, v7;
	v9 =	vmul.f32 v40, v9;
	v50 =	vpop (erf)  }
0x1d9: {  	v62 =	vld [tilespmem:$0x15B0];
	v10 =	vsel vm15, v0, v10;
	v11 =	vsub.f32 v52, v15;
	v14 =	vmul.f32 v50, v14  }
0x1da: {  	v19 =	vsub.f32 v34, v19;
	v42 =	vsel vm15, $0x18, v12;
	v50 =	vld [tilespmem:$0x1110];
	vm8 =	vge.f32 v9, $5.000000000e-01  }
0x1db: {  	v59 =	vld [tilespmem:$0x1120];
	v11 =	vadd.f32 $9.999999970e-07, v11;
	vm9 =	vge.f32 v14, $5.000000000e-01;
	v14 =	vmax.f32 v55, v4  }
0x1dc: {  	v61 =	vld [tilespmem:$0x730];
	v19 =	vmax.f32 v19, $0.0e+00;
	v9 =	vmovc v0;
	v0 =	vsel vm8, $0xBF800000, v41;
	v14 =	vsub.f32 v32, v14  }
0x1dd: {  	v43 =	vld [tilespmem:$0x1B00];
	(erf) = vrcp.f32 v11;
	v41 =	vadd.f32 v30, v7;
	vm3 =	vgt.f32 v0, v10  }
0x1de: {  	v55 =	vld [tilespmem:$0x720];
	v56 =	vsel vm3, v0, v10;
	v10 =	vsel vm9, $0xBF800000, v45;
	v57 =	vpop (erf);
	v14 =	vmax.f32 v14, $0.0e+00  }
0x1df: {  	v52 =	vld [tilespmem:$0x1B10];
	v17 =	vsel vm3, $0x19, v42;
	v26 =	vmin.f32 v50, v6;
	v16 =	vmul.f32 v57, v16  }
0x1e0: {  	v34 =	vld [tilespmem:$0x1B30];
	vm4 =	vgt.f32 v10, v56;
	v19 =	vmul.f32 v19, v14;
	v58 =	vsub.f32 v26, v27  }
0x1e1: {  	v45 =	vld [tilespmem:$0x210];
	v26 =	vmin.f32 v59, v6;
	v27 =	vmax.f32 v61, v3;
	v63 =	vsel vm4, v10, v56  }
0x1e2: {  	[tilespmem:$0x1FDE0] =	vst v0;
	v0 =	vld [tilespmem:$0x430];
	v37 =	vpop (erf);
	v17 =	vsel vm4, $0x1A, v17;
	vm10 =	vge.f32 v16, $5.000000000e-01;
	v16 =	vmul.f32 v29, v28  }
0x1e3: {  	v39 =	vld [tilespmem:$0x15C0];
	v13 =	vmul.f32 v37, v13;
	v14 =	vsub.f32 v41, v19;
	v28 =	vmax.f32 v55, v3  }
0x1e4: {  	v36 =	vld [tilespmem:$0x240];
	v11 =	vsel vm10, $0xBF800000, v62;
	v62 =	vadd.f32 v52, v7;
	v26 =	vsub.f32 v26, v28  }
0x1e5: {  	v56 =	vld [tilespmem:$0xC20];
	vm1 =	vgt.f32 v11, v63;
	v18 =	vsub.f32 v31, v16;
	vm11 =	vge.f32 v13, $5.000000000e-01  }
0x1e6: {  	v53 =	vld [tilespmem:$0x220];
	v14 =	vadd.f32 $9.999999970e-07, v14;
	v13 =	vadd.f32 v43, v7;
	v21 =	vmax.f32 v45, v4  }
0x1e7: {  	v60 =	vld [tilespmem:$0x1B50];
	v43 =	vadd.f32 v34, v7;
	v0 =	vmax.f32 v0, v4;
	v20 =	vsel vm1, v11, v63  }
0x1e8: {  	v12 =	vsel vm11, $0xBF800000, v39;
	v21 =	vsub.f32 v24, v21;
	v17 =	vsel vm1, $0x1B, v17;
	v63 =	vld [tilespmem:$0xC30]  }
0x1e9: {  	v24 =	vmax.f32 v58, $0.0e+00;
	v26 =	vmax.f32 v26, $0.0e+00;
	v39 =	vld [tilespmem:$0x740];
	v18 =	vadd.f32 $9.999999970e-07, v18;
	v49 =	vpop (erf)  }
0x1ea: {  	v40 =	vld [tilespmem:$0x15D0];
	vm0 =	vgt.f32 v12, v20;
	v29 =	vmin.f32 v56, v5;
	v15 =	vmul.f32 v49, v15  }
0x1eb: {  	v20 =	vsel vm0, v12, v20;
	v21 =	vmax.f32 v21, $0.0e+00;
	v17 =	vsel vm0, $0x1C, v17;
	v49 =	vld [tilespmem:$0x750]  }
0x1ec: {  	[tilespmem:$0x15C0] =	vst v12;
	v12 =	vld [tilespmem:$0x9C0];
	(erf) = vrcp.f32 v18;
	v18 =	vsub.f32 v44, v22;
	v22 =	vmax.f32 v47, $0.0e+00  }
0x1ed: {  	v41 =	vld [tilespmem:$0xC40];
	v21 =	vmul.f32 v24, v21;
	(erf) = vrcp.f32 v14;
	vm12 =	vge.f32 v15, $5.000000000e-01  }
0x1ee: {  	v44 =	vld [tilespmem:$0x1140];
	v18 =	vmax.f32 v18, $0.0e+00;
	v24 =	vmin.f32 v63, v5;
	v25 =	vmax.f32 v39, v3  }
0x1ef: {  	v52 =	vld [tilespmem:$0x1150];
	v39 =	vadd.f32 v60, v7;
	v18 =	vmul.f32 v22, v18;
	v22 =	vmax.f32 v53, v4  }
0x1f0: {  	v35 =	vld [tilespmem:$0x15F0];
	v23 =	vsub.f32 v24, v23;
	v24 =	vmax.f32 v36, v4;
	v22 =	vsub.f32 v29, v22  }
0x1f1: {  	v48 =	vld [tilespmem:$0x250];
	v30 =	vmax.f32 v49, v3;
	v12 =	vmax.f32 v12, v3;
	v54 =	vsub.f32 v13, v18  }
0x1f2: {  	v8 =	vld [tilespmem:$0x1130];
	v13 =	vsel vm12, $0xBF800000, v40;
	v40 =	vmax.f32 v23, $0.0e+00;
	v23 =	vmin.f32 v41, v5  }
0x1f3: {  	v46 =	vld [tilespmem:$0x1B40];
	v28 =	vmin.f32 v44, v6;
	vm13 =	vgt.f32 v13, v20;
	v22 =	vmax.f32 v22, $0.0e+00  }
0x1f4: {  	v44 =	vld [tilespmem:$0x770];
	v23 =	vsub.f32 v23, v24;
	v50 =	vsub.f32 v28, v25;
	v28 =	vmin.f32 v52, v6  }
0x1f5: {  	v45 =	vld [tilespmem:$0x1600];
	v15 =	vadd.f32 $9.999999970e-07, v54;
	v20 =	vsel vm13, v13, v20;
	v37 =	vmul.f32 v26, v22  }
0x1f6: {  	v63 =	vld [tilespmem:$0x260];
	v17 =	vsel vm13, $0x1D, v17;
	v26 =	vmax.f32 v48, v4;
	v55 =	vmax.f32 v23, $0.0e+00  }
0x1f7: {  	v60 =	vld [tilespmem:$0x290];
	v57 =	vpop (erf);
	(erf) = vrcp.f32 v15;
	v15 =	vmin.f32 v8, v6;
	v22 =	vsub.f32 v38, v37  }
0x1f8: {  	v53 =	vld [tilespmem:$0x1610];
	v56 =	vmax.f32 v50, $0.0e+00;
	v16 =	vmul.f32 v57, v16;
	v32 =	vpop (erf);
	v15 =	vsub.f32 v15, v27  }
0x1f9: {  	v8 =	vld [tilespmem:$0x760];
	v33 =	vmax.f32 v44, v3;
	v19 =	vmul.f32 v32, v19;
	v22 =	vadd.f32 $9.999999970e-07, v22  }
0x1fa: {  	v49 =	vld [tilespmem:$0x280];
	vm14 =	vge.f32 v16, $5.000000000e-01;
	v16 =	vsub.f32 v62, v21;
	v15 =	vmax.f32 v15, $0.0e+00  }
0x1fb: {  	v62 =	vsub.f32 v28, v30;
	v28 =	vmax.f32 v63, v4;
	v63 =	vld [tilespmem:$0x790];
	v14 =	vsel vm14, $0xBF800000, v51  }
0x1fc: {  	vm15 =	vge.f32 v19, $5.000000000e-01;
	v27 =	vmul.f32 v15, v40;
	v51 =	vld [tilespmem:$0xC50];
	vm2 =	vgt.f32 v14, v20  }
0x1fd: {  	v38 =	vld [tilespmem:$0xC60];
	v16 =	vadd.f32 $9.999999970e-07, v16;
	v15 =	vsel vm15, $0xBF800000, v35;
	v20 =	vsel vm2, v14, v20  }
0x1fe: {  	v48 =	vld [tilespmem:$0x1B70];
	v29 =	vmax.f32 v8, v3;
	v58 =	vsel vm2, $0x1E, v17;
	vm3 =	vgt.f32 v15, v20  }
0x1ff: {  	[tilespmem:$0x15E0] =	vst v14;
	v14 =	vld [tilespmem:$0xEC0];
	(erf) = vrcp.f32 v16;
	v16 =	vsub.f32 v43, v27;
	v20 =	vsel vm3, v15, v20  }
0x200: {  	(erf) = vrcp.f32 v22;
	v22 =	vmul.f32 v56, v55;
	v23 =	vsel vm3, $0x1F, v58;
	v56 =	vld [tilespmem:$0x1180]  }
0x201: {  	[tilespmem:$0x15F0] =	vst v15;
	v30 =	vmax.f32 v63, v3;
	v15 =	vld [tilespmem:$0x13C0];
	v42 =	vpop (erf);
	v47 =	vadd.f32 $9.999999970e-07, v16;
	v25 =	vmin.f32 v51, v5  }
0x202: {  	v51 =	vld [tilespmem:$0x780];
	v18 =	vmul.f32 v42, v18;
	v25 =	vsub.f32 v25, v26;
	v26 =	vmin.f32 v38, v5  }
0x203: {  	v42 =	vld [tilespmem:$0x1B60];
	(erf) = vrcp.f32 v47;
	v26 =	vsub.f32 v26, v28;
	v28 =	vadd.f32 v48, v7  }
0x204: {  	v48 =	vld [tilespmem:$0xCA0];
	v14 =	vmin.f32 v14, v5;
	vm4 =	vge.f32 v18, $5.000000000e-01;
	v18 =	vadd.f32 v46, v7  }
0x205: {  	v63 =	vld [tilespmem:$0x1BB0];
	v36 =	vmax.f32 v25, $0.0e+00;
	v16 =	vsel vm4, $0xBF800000, v45;
	v50 =	vmax.f32 v26, $0.0e+00  }
0x206: {  	v47 =	vld [tilespmem:$0x1170];
	v15 =	vmin.f32 v15, v6;
	vm0 =	vgt.f32 v16, v20;
	v18 =	vsub.f32 v18, v22  }
0x207: {  	v40 =	vld [tilespmem:$0x1160];
	v26 =	vmax.f32 v51, v3;
	v20 =	vsel vm0, v16, v20;
	v23 =	vsel vm0, $0x20, v23  }
0x208: {  	v46 =	vld [tilespmem:$0xC70];
	v52 =	vadd.f32 v42, v7;
	v42 =	vmin.f32 v56, v6;
	v54 =	vpop (erf);
	v35 =	vadd.f32 $9.999999970e-07, v18  }
0x209: {  	v57 =	vld [tilespmem:$0x1620];
	v44 =	vsub.f32 v42, v26;
	v38 =	vmin.f32 v48, v5;
	v21 =	vmul.f32 v54, v21;
	v61 =	vpop (erf)  }
0x20a: {  	v43 =	vld [tilespmem:$0x270];
	v48 =	vadd.f32 v63, v7;
	v19 =	vmul.f32 v61, v37;
	v37 =	vmax.f32 v62, $0.0e+00  }
0x20b: {  	v58 =	vld [tilespmem:$0x1B80];
	(erf) = vrcp.f32 v35;
	v35 =	vmin.f32 v47, v6;
	vm5 =	vge.f32 v21, $5.000000000e-01  }
0x20c: {  	v25 =	vmul.f32 v37, v36;
	v21 =	vmin.f32 v40, v6;
	v17 =	vsel vm5, $0xBF800000, v53  }
0x20d: {  	v54 =	vld [tilespmem:$0xC80];
	vm7 =	vge.f32 v19, $5.000000000e-01;
	v21 =	vsub.f32 v21, v29;
	v53 =	vmin.f32 v46, v5  }
0x20e: {  	v41 =	vpop (erf);
	v29 =	vmax.f32 v49, v4;
	vm6 =	vgt.f32 v17, v20;
	v18 =	vsel vm7, $0xBF800000, v57  }
0x20f: {  	v47 =	vld [tilespmem:$0x7A0];
	v24 =	vmul.f32 v41, v27;
	v19 =	vsub.f32 v39, v25;
	v27 =	vmax.f32 v43, v4  }
0x210: {  	v59 =	vld [tilespmem:$0x1630];
	v57 =	vsub.f32 v35, v33;
	v33 =	vadd.f32 v58, v7;
	v35 =	vmax.f32 v60, v4  }
0x211: {  	v32 =	vld [tilespmem:$0x1640];
	v20 =	vsel vm6, v17, v20;
	v23 =	vsel vm6, $0x21, v23;
	v21 =	vmax.f32 v21, $0.0e+00  }
0x212: {  	v46 =	vld [tilespmem:$0x2A0];
	v27 =	vsub.f32 v53, v27;
	v31 =	vmin.f32 v54, v5;
	vm1 =	vgt.f32 v18, v20  }
0x213: {  	v8 =	vld [tilespmem:$0xC90];
	vm8 =	vge.f32 v24, $5.000000000e-01;
	v45 =	vadd.f32 $9.999999970e-07, v19;
	v24 =	vmul.f32 v21, v50  }
0x214: {  	v58 =	vld [tilespmem:$0xCB0];
	v62 =	vmax.f32 v57, $0.0e+00;
	v29 =	vsub.f32 v31, v29;
	v36 =	vmax.f32 v47, v3  }
0x215: {  	v40 =	vld [tilespmem:$0x1190];
	v20 =	vsel vm1, v18, v20;
	v19 =	vsel vm8, $0xBF800000, v59;
	v23 =	vsel vm1, $0x22, v23  }
0x216: {  	v54 =	vld [tilespmem:$0x2B0];
	v61 =	vmax.f32 v27, $0.0e+00;
	vm0 =	vgt.f32 v19, v20;
	v21 =	vsub.f32 v52, v24  }
0x217: {  	(erf) = vrcp.f32 v45;
	v27 =	vmul.f32 v62, v61;
	v45 =	vld [tilespmem:$0x1B90];
	v31 =	vmax.f32 v46, v4  }
0x218: {  	v29 =	vmax.f32 v29, $0.0e+00;
	v62 =	vld [tilespmem:$0x1BA0];
	v31 =	vsub.f32 v38, v31;
	v21 =	vadd.f32 $9.999999970e-07, v21  }
0x219: {  	v46 =	vld [tilespmem:$0xCC0];
	v59 =	vsel vm0, v19, v20;
	v26 =	vmin.f32 v58, v5;
	v55 =	vpop (erf);
	v28 =	vsub.f32 v28, v27  }
0x21a: {  	v56 =	vld [tilespmem:$0x7B0];
	v22 =	vmul.f32 v55, v22;
	v31 =	vmax.f32 v31, $0.0e+00;
	(erf) = vrcp.f32 v21  }
0x21b: {  	v21 =	vmax.f32 v44, $0.0e+00;
	v53 =	vadd.f32 $9.999999970e-07, v28;
	v28 =	vmax.f32 v54, v4  }
0x21c: {  	v51 =	vld [tilespmem:$0x11A0];
	vm9 =	vge.f32 v22, $5.000000000e-01;
	v22 =	vmin.f32 v8, v5;
	v57 =	vadd.f32 v45, v7  }
0x21d: {  	v29 =	vmul.f32 v21, v29;
	v26 =	vsub.f32 v26, v28;
	v42 =	vadd.f32 v62, v7  }
0x21e: {  	v60 =	vld [tilespmem:$0x11B0];
	v28 =	vmin.f32 v46, v5;
	v20 =	vsel vm9, $0xBF800000, v32;
	v32 =	vmin.f32 v40, v6  }
0x21f: {  	v49 =	vsub.f32 v22, v35;
	(erf) = vrcp.f32 v53;
	v35 =	vmax.f32 v56, v3  }
0x220: {  	vm1 =	vgt.f32 v20, v59;
	v50 =	vsub.f32 v32, v30;
	v33 =	vsub.f32 v33, v29  }
0x221: {  	v41 =	vld [tilespmem:$0x1650];
	v30 =	vmin.f32 v51, v6;
	v52 =	vsel vm1, v20, v59;
	v55 =	vmax.f32 v49, $0.0e+00  }
0x222: {  	v30 =	vsub.f32 v30, v36;
	v49 =	vld [tilespmem:$0x11C0];
	v43 =	vpop (erf);
	v22 =	vmax.f32 v50, $0.0e+00;
	v59 =	vadd.f32 $9.999999970e-07, v33  }
0x223: {  	v58 =	vld [tilespmem:$0x2D0];
	v33 =	vmin.f32 v60, v6;
	v25 =	vmul.f32 v43, v25;
	v34 =	vmul.f32 v22, v55  }
0x224: {  	v44 =	vmax.f32 v26, $0.0e+00;
	v30 =	vmax.f32 v30, $0.0e+00;
	v40 =	vsub.f32 v33, v35;
	v43 =	vld [tilespmem:$0x7C0]  }
0x225: {  	v55 =	vld [tilespmem:$0x1BC0];
	v30 =	vmul.f32 v30, v31;
	vm10 =	vge.f32 v25, $5.000000000e-01;
	v22 =	vsub.f32 v57, v34  }
0x226: {  	v8 =	vld [tilespmem:$0x1660];
	v45 =	vmax.f32 v40, $0.0e+00;
	v21 =	vsel vm10, $0xBF800000, v41;
	v61 =	vpop (erf);
	(erf) = vrcp.f32 v59  }
0x227: {  	v53 =	vld [tilespmem:$0x1680];
	v26 =	vmul.f32 v45, v44;
	v36 =	vmin.f32 v49, v6;
	vm2 =	vgt.f32 v21, v52  }
0x228: {  	v41 =	vld [tilespmem:$0x2C0];
	v24 =	vmul.f32 v61, v24;
	v22 =	vadd.f32 $9.999999970e-07, v22;
	v32 =	vsel vm2, v21, v52  }
0x229: {  	v59 =	vld [tilespmem:$0x7D0];
	v51 =	vsub.f32 v48, v26;
	v52 =	vsel vm0, $0x23, v23;
	v25 =	vmax.f32 v43, v3  }
0x22a: {  	v45 =	vld [tilespmem:$0x1BD0];
	v47 =	vpop (erf);
	v60 =	vadd.f32 v55, v7;
	vm11 =	vge.f32 v24, $5.000000000e-01;
	(erf) = vrcp.f32 v22  }
0x22b: {  	v50 =	vld [tilespmem:$0x1670];
	v24 =	vsub.f32 v42, v30;
	v27 =	vmul.f32 v47, v27;
	v25 =	vsub.f32 v36, v25  }
0x22c: {  	v61 =	vld [tilespmem:$0x11D0];
	v35 =	vsel vm1, $0x24, v52;
	v22 =	vsel vm11, $0xBF800000, v8;
	v54 =	vadd.f32 $9.999999970e-07, v51  }
0x22d: {  	v56 =	vld [tilespmem:$0x1690];
	v63 =	vsel vm2, $0x25, v35;
	vm3 =	vgt.f32 v22, v32;
	v24 =	vadd.f32 $9.999999970e-07, v24  }
0x22e: {  	v48 =	vld [tilespmem:$0xCD0];
	vm12 =	vge.f32 v27, $5.000000000e-01;
	v33 =	vmax.f32 v41, v4;
	v25 =	vmax.f32 v25, $0.0e+00  }
0x22f: {  	v51 =	vld [tilespmem:$0x2E0];
	v36 =	vmax.f32 v59, v3;
	v55 =	vadd.f32 v45, v7;
	v32 =	vsel vm3, v22, v32  }
0x230: {  	v59 =	vld [tilespmem:$0x7F0];
	v23 =	vsel vm12, $0xBF800000, v50;
	v28 =	vsub.f32 v28, v33;
	v33 =	vmax.f32 v58, v4  }
0x231: {  	v31 =	vmin.f32 v61, v6;
	v61 =	vld [tilespmem:$0x11F0];
	(erf) = vrcp.f32 v24;
	vm0 =	vgt.f32 v23, v32  }
0x232: {  	v44 =	vld [tilespmem:$0x16B0];
	v31 =	vsub.f32 v31, v36;
	v47 =	vmax.f32 v28, $0.0e+00;
	v32 =	vsel vm0, v23, v32  }
0x233: {  	v52 =	vld [tilespmem:$0x7E0];
	v28 =	vmin.f32 v48, v5;
	v57 =	vpop (erf);
	(erf) = vrcp.f32 v54;
	v50 =	vmul.f32 v25, v47  }
0x234: {  	v28 =	vsub.f32 v28, v33;
	v31 =	vmax.f32 v31, $0.0e+00;
	v54 =	vld [tilespmem:$0xCE0];
	v29 =	vmul.f32 v57, v29  }
0x235: {  	v8 =	vld [tilespmem:$0x16A0];
	v33 =	vmax.f32 v51, v4;
	v39 =	vmax.f32 v59, v3;
	v43 =	vsub.f32 v60, v50  }
0x236: {  	v57 =	vld [tilespmem:$0x1BE0];
	v28 =	vmax.f32 v28, $0.0e+00;
	v42 =	vmin.f32 v61, v6;
	vm13 =	vge.f32 v29, $5.000000000e-01  }
0x237: {  	v58 =	vld [tilespmem:$0x2F0];
	v49 =	vpop (erf);
	v29 =	vsel vm3, $0x26, v63;
	v31 =	vmul.f32 v31, v28;
	v24 =	vsel vm13, $0xBF800000, v53  }
0x238: {  	v47 =	vld [tilespmem:$0x16C0];
	v62 =	vmul.f32 v49, v34;
	v35 =	vadd.f32 $9.999999970e-07, v43;
	v29 =	vsel vm0, $0x27, v29  }
0x239: {  	v60 =	vld [tilespmem:$0xCF0];
	vm1 =	vgt.f32 v24, v32;
	v28 =	vsub.f32 v55, v31;
	v36 =	vmin.f32 v54, v5  }
0x23a: {  	v59 =	vld [tilespmem:$0x16D0];
	v54 =	vsub.f32 v42, v39;
	v32 =	vsel vm1, v24, v32;
	vm14 =	vge.f32 v62, $5.000000000e-01  }
0x23b: {  	v55 =	vld [tilespmem:$0x310];
	v29 =	vsel vm1, $0x28, v29;
	v62 =	vsub.f32 v36, v33;
	v34 =	vadd.f32 v57, v7  }
0x23c: {  	v25 =	vsel vm14, $0xBF800000, v56;
	v46 =	vpop (erf);
	(erf) = vrcp.f32 v35;
	v56 =	vld [tilespmem:$0x11E0];
	v28 =	vadd.f32 $9.999999970e-07, v28  }
0x23d: {  	v35 =	vmax.f32 v52, v3;
	v52 =	vld [tilespmem:$0xD00];
	v30 =	vmul.f32 v46, v30;
	vm15 =	vgt.f32 v25, v32  }
0x23e: {  	v61 =	vld [tilespmem:$0x1C00];
	v51 =	vmin.f32 v60, v5;
	v53 =	vpop (erf);
	v32 =	vsel vm15, v25, v32;
	v29 =	vsel vm15, $0x29, v29  }
0x23f: {  	v49 =	vld [tilespmem:$0x300];
	(erf) = vrcp.f32 v28;
	vm4 =	vge.f32 v30, $5.000000000e-01;
	v30 =	vmul.f32 v53, v26  }
0x240: {  	v57 =	vld [tilespmem:$0xD10];
	v28 =	vmax.f32 v62, $0.0e+00;
	v39 =	vmax.f32 v55, v4;
	v26 =	vsel vm4, $0xBF800000, v8  }
0x241: {  	v53 =	vld [tilespmem:$0x1200];
	vm5 =	vgt.f32 v26, v32;
	vm6 =	vge.f32 v30, $5.000000000e-01;
	v38 =	vmin.f32 v56, v6  }
0x242: {  	v8 =	vld [tilespmem:$0x1BF0];
	v30 =	vmax.f32 v58, v4;
	v41 =	vmin.f32 v52, v5;
	v32 =	vsel vm5, v26, v32  }
0x243: {  	v46 =	vld [tilespmem:$0x1230];
	v27 =	vsel vm6, $0xBF800000, v44;
	v63 =	vsub.f32 v38, v35;
	v29 =	vsel vm5, $0x2A, v29  }
0x244: {  	v56 =	vld [tilespmem:$0x810];
	v30 =	vsub.f32 v51, v30;
	v38 =	vmax.f32 v49, v4;
	vm7 =	vgt.f32 v27, v32  }
0x245: {  	v49 =	vld [tilespmem:$0x820];
	v51 =	vadd.f32 v61, v7;
	v38 =	vsub.f32 v41, v38;
	v32 =	vsel vm7, v27, v32  }
0x246: {  	v58 =	vld [tilespmem:$0x1210];
	v33 =	vmax.f32 v63, $0.0e+00;
	v29 =	vsel vm7, $0x2B, v29;
	v30 =	vmax.f32 v30, $0.0e+00  }
0x247: {  	v52 =	vld [tilespmem:$0x1220];
	v62 =	vmin.f32 v53, v6;
	v48 =	vpop (erf);
	v33 =	vmul.f32 v33, v28;
	v35 =	vadd.f32 v8, v7  }
0x248: {  	v63 =	vld [tilespmem:$0x1C10];
	v38 =	vmax.f32 v38, $0.0e+00;
	v8 =	vmin.f32 v57, v5;
	v36 =	vmul.f32 v48, v50  }
0x249: {  	v50 =	vld [tilespmem:$0x800];
	v40 =	vmax.f32 v56, v3;
	v39 =	vsub.f32 v8, v39;
	v34 =	vsub.f32 v34, v33  }
0x24a: {  	v48 =	vld [tilespmem:$0x320];
	v60 =	vpop (erf);
	v45 =	vmax.f32 v49, v3;
	vm8 =	vge.f32 v36, $5.000000000e-01;
	v36 =	vmax.f32 v54, $0.0e+00  }
0x24b: {  	v56 =	vld [tilespmem:$0x330];
	v31 =	vmul.f32 v60, v31;
	v53 =	vmax.f32 v39, $0.0e+00;
	v28 =	vsel vm8, $0xBF800000, v47  }
0x24c: {  	v8 =	vld [tilespmem:$0x340];
	v34 =	vadd.f32 $9.999999970e-07, v34;
	v36 =	vmul.f32 v36, v30;
	v30 =	vmin.f32 v58, v6  }
0x24d: {  	v55 =	vadd.f32 v63, v7;
	vm9 =	vgt.f32 v28, v32;
	v30 =	vsub.f32 v30, v40  }
0x24e: {  	v49 =	vld [tilespmem:$0x840];
	vm10 =	vge.f32 v31, $5.000000000e-01;
	v32 =	vsel vm9, v28, v32;
	(erf) = vrcp.f32 v34  }
0x24f: {  	v54 =	vld [tilespmem:$0x1C20];
	v35 =	vsub.f32 v35, v36;
	v37 =	vmax.f32 v50, v3;
	v43 =	vsel vm9, $0x2C, v29  }
0x250: {  	v58 =	vld [tilespmem:$0xD30];
	v29 =	vsel vm10, $0xBF800000, v59;
	v42 =	vmax.f32 v48, v4;
	v34 =	vmin.f32 v52, v6  }
0x251: {  	v50 =	vld [tilespmem:$0xD20];
	v41 =	vmax.f32 v56, v4;
	v48 =	vmin.f32 v46, v6;
	v44 =	vmax.f32 v8, v4  }
0x252: {  	v57 =	vld [tilespmem:$0x830];
	v37 =	vsub.f32 v62, v37;
	v30 =	vmax.f32 v30, $0.0e+00;
	vm11 =	vgt.f32 v29, v32  }
0x253: {  	v34 =	vsub.f32 v34, v45;
	v46 =	vmax.f32 v49, v3;
	v35 =	vadd.f32 $9.999999970e-07, v35  }
0x254: {  	v32 =	vsel vm11, v29, v32;
	v39 =	vadd.f32 v54, v7;
	v37 =	vmax.f32 v37, $0.0e+00  }
0x255: {  	v62 =	vld [tilespmem:$0x1C30];
	v34 =	vmax.f32 v34, $0.0e+00;
	v63 =	vmin.f32 v58, v5;
	v37 =	vmul.f32 v37, v38  }
0x256: {  	v38 =	vmul.f32 v30, v53;
	(erf) = vrcp.f32 v35;
	v40 =	vmin.f32 v50, v5  }
0x257: {  	v35 =	vmax.f32 v57, v3;
	v31 =	vsub.f32 v51, v37;
	v40 =	vsub.f32 v40, v42;
	v51 =	vld [tilespmem:$0xD40]  }
0x258: {  	v53 =	vld [tilespmem:$0x1240];
	v57 =	vsel vm11, $0x2D, v43;
	v50 =	vsub.f32 v63, v41;
	v30 =	vsub.f32 v55, v38  }
0x259: {  	v59 =	vld [tilespmem:$0x16E0];
	v35 =	vsub.f32 v48, v35;
	v31 =	vadd.f32 $9.999999970e-07, v31;
	v61 =	vmax.f32 v40, $0.0e+00  }
0x25a: {  	v56 =	vadd.f32 v62, v7;
	v60 =	vadd.f32 $9.999999970e-07, v30;
	v47 =	vpop (erf);
	v34 =	vmul.f32 v34, v61  }
0x25b: {  	v35 =	vmax.f32 v35, $0.0e+00;
	v33 =	vmul.f32 v47, v33;
	(erf) = vrcp.f32 v31  }
0x25c: {  	v8 =	vld [tilespmem:$0x350];
	(erf) = vrcp.f32 v60;
	v52 =	vsub.f32 v39, v34;
	v60 =	vmin.f32 v51, v5  }
0x25d: {  	v54 =	vld [tilespmem:$0x16F0];
	v39 =	vmin.f32 v53, v6;
	vm12 =	vge.f32 v33, $5.000000000e-01;
	v33 =	vmax.f32 v50, $0.0e+00  }
0x25e: {  	v44 =	vsub.f32 v60, v44;
	v30 =	vsel vm12, $0xBF800000, v59;
	v31 =	vadd.f32 $9.999999970e-07, v52;
	v59 =	vld [tilespmem:$0x1C40]  }
0x25f: {  	v53 =	vld [tilespmem:$0x850];
	v39 =	vsub.f32 v39, v46;
	v55 =	vpop (erf);
	v35 =	vmul.f32 v35, v33;
	vm1 =	vgt.f32 v30, v32  }
0x260: {  	v49 =	vld [tilespmem:$0x860];
	v36 =	vmul.f32 v55, v36;
	v63 =	vmax.f32 v44, $0.0e+00;
	(erf) = vrcp.f32 v31  }
0x261: {  	v58 =	vld [tilespmem:$0x1700];
	v39 =	vmax.f32 v39, $0.0e+00;
	v44 =	vmax.f32 v8, v4;
	v32 =	vsel vm1, v30, v32  }
0x262: {  	v55 =	vld [tilespmem:$0xD50];
	v33 =	vsub.f32 v56, v35;
	v40 =	vsel vm1, $0x2E, v57;
	vm13 =	vge.f32 v36, $5.000000000e-01  }
0x263: {  	v61 =	vld [tilespmem:$0x1710];
	v39 =	vmul.f32 v39, v63;
	v31 =	vsel vm13, $0xBF800000, v54;
	v52 =	vadd.f32 v59, v7  }
0x264: {  	v42 =	vmax.f32 v53, v3;
	v33 =	vadd.f32 $9.999999970e-07, v33;
	vm0 =	vgt.f32 v31, v32;
	v59 =	vld [tilespmem:$0x1C50];
	v62 =	vpop (erf)  }
0x265: {  	v46 =	vld [tilespmem:$0x1730];
	v56 =	vsel vm0, v31, v32;
	v37 =	vmul.f32 v62, v37;
	v51 =	vpop (erf);
	v57 =	vsub.f32 v52, v39  }
0x266: {  	v63 =	vld [tilespmem:$0x1260];
	v40 =	vsel vm0, $0x2F, v40;
	(erf) = vrcp.f32 v33;
	v54 =	vmul.f32 v51, v38  }
0x267: {  	v62 =	vld [tilespmem:$0xD60];
	v38 =	vmin.f32 v55, v5;
	vm14 =	vge.f32 v37, $5.000000000e-01;
	v60 =	vadd.f32 $9.999999970e-07, v57  }
0x268: {  	v38 =	vsub.f32 v38, v44;
	v32 =	vsel vm14, $0xBF800000, v58;
	v58 =	vld [tilespmem:$0x1250];
	vm4 =	vge.f32 v54, $5.000000000e-01  }
0x269: {  	v36 =	vld [tilespmem:$0x1720];
	v52 =	vadd.f32 v59, v7;
	v59 =	vmax.f32 v49, v3;
	vm15 =	vgt.f32 v32, v56;
	v48 =	vpop (erf)  }
0x26a: {  	v33 =	vsel vm4, $0xBF800000, v61;
	v61 =	vld [tilespmem:$0x360];
	(erf) = vrcp.f32 v60;
	v34 =	vmul.f32 v48, v34  }
0x26b: {  	v55 =	vmax.f32 v38, $0.0e+00;
	v60 =	vld [tilespmem:$0x870];
	v45 =	vsel vm15, v32, v56;
	v40 =	vsel vm15, $0x30, v40  }
0x26c: {  	v50 =	vld [tilespmem:$0x1740];
	v53 =	vmin.f32 v62, v5;
	vm5 =	vgt.f32 v33, v45;
	vm6 =	vge.f32 v34, $5.000000000e-01  }
0x26d: {  	v62 =	vld [tilespmem:$0xD70];
	v8 =	vsel vm5, v33, v45;
	v40 =	vsel vm5, $0x31, v40;
	v47 =	vmin.f32 v58, v6  }
0x26e: {  	v57 =	vld [tilespmem:$0x1C60];
	v34 =	vsel vm6, $0xBF800000, v36;
	v58 =	vmin.f32 v63, v6;
	v42 =	vsub.f32 v47, v42  }
0x26f: {  	v63 =	vld [tilespmem:$0x1270];
	v54 =	vpop (erf);
	v43 =	vmax.f32 v61, v4;
	vm7 =	vgt.f32 v34, v8;
	v61 =	vsub.f32 v58, v59  }
0x270: {  	v59 =	vld [tilespmem:$0xD80];
	v49 =	vmax.f32 v60, v3;
	v35 =	vmul.f32 v54, v35;
	v37 =	vsub.f32 v53, v43  }
0x271: {  	v54 =	vld [tilespmem:$0x370];
	v44 =	vsel vm7, v34, v8;
	v40 =	vsel vm7, $0x32, v40;
	v56 =	vmax.f32 v42, $0.0e+00  }
0x272: {  	v8 =	vld [tilespmem:$0x1C70];
	v58 =	vmin.f32 v62, v5;
	v43 =	vmax.f32 v61, $0.0e+00;
	v38 =	vmul.f32 v56, v55  }
0x273: {  	v53 =	vld [tilespmem:$0x1290];
	vm8 =	vge.f32 v35, $5.000000000e-01;
	v37 =	vmax.f32 v37, $0.0e+00;
	v55 =	vadd.f32 v57, v7  }
0x274: {  	v56 =	vld [tilespmem:$0x380];
	v35 =	vsel vm8, $0xBF800000, v46;
	v51 =	vpop (erf);
	v43 =	vmul.f32 v43, v37;
	v48 =	vmin.f32 v63, v6  }
0x275: {  	v57 =	vld [tilespmem:$0x880];
	v36 =	vsub.f32 v52, v38;
	vm9 =	vgt.f32 v35, v44;
	v39 =	vmul.f32 v51, v39  }
0x276: {  	v52 =	vld [tilespmem:$0x1280];
	v61 =	vsub.f32 v48, v49;
	v63 =	vmin.f32 v59, v5;
	v37 =	vsub.f32 v55, v43  }
0x277: {  	v48 =	vld [tilespmem:$0x1C80];
	v41 =	vmax.f32 v54, v4;
	v44 =	vsel vm9, v35, v44;
	v40 =	vsel vm9, $0x33, v40  }
0x278: {  	v49 =	vld [tilespmem:$0x390];
	v62 =	vadd.f32 v8, v7;
	v36 =	vadd.f32 $9.999999970e-07, v36;
	vm10 =	vge.f32 v39, $5.000000000e-01  }
0x279: {  	v59 =	vld [tilespmem:$0x3A0];
	v60 =	vsub.f32 v58, v41;
	v41 =	vmax.f32 v61, $0.0e+00;
	v37 =	vadd.f32 $9.999999970e-07, v37  }
0x27a: {  	v8 =	vld [tilespmem:$0xD90];
	v42 =	vmax.f32 v56, v4;
	v51 =	vmax.f32 v57, v3;
	(erf) = vrcp.f32 v36  }
0x27b: {  	v61 =	vld [tilespmem:$0xDA0];
	v36 =	vsel vm10, $0xBF800000, v50;
	v39 =	vmax.f32 v60, $0.0e+00;
	v42 =	vsub.f32 v63, v42  }
0x27c: {  	v57 =	vld [tilespmem:$0x1C90];
	v63 =	vmin.f32 v53, v6;
	v39 =	vmul.f32 v41, v39;
	v52 =	vmin.f32 v52, v6  }
0x27d: {  	v50 =	vld [tilespmem:$0x890];
	vm11 =	vgt.f32 v36, v44;
	(erf) = vrcp.f32 v37;
	v48 =	vadd.f32 v48, v7  }
0x27e: {  	v49 =	vmax.f32 v49, v4;
	v41 =	vmax.f32 v59, v4;
	v56 =	vsub.f32 v52, v51  }
0x27f: {  	v54 =	vld [tilespmem:$0x8A0];
	v44 =	vsel vm11, v36, v44;
	v47 =	vmin.f32 v8, v5;
	v58 =	vsub.f32 v62, v39  }
0x280: {  	v40 =	vsel vm11, $0x34, v40;
	v42 =	vmax.f32 v42, $0.0e+00;
	v62 =	vld [tilespmem:$0x12A0];
	v47 =	vsub.f32 v47, v49  }
0x281: {  	v46 =	vmax.f32 v56, $0.0e+00;
	v8 =	vadd.f32 v57, v7;
	v57 =	vld [tilespmem:$0x1CA0];
	v37 =	vadd.f32 $9.999999970e-07, v58  }
0x282: {  	v42 =	vmul.f32 v46, v42;
	v50 =	vmax.f32 v50, v3;
	v46 =	vmin.f32 v61, v5;
	v61 =	vld [tilespmem:$0x12B0]  }
0x283: {  	v45 =	vld [tilespmem:$0x1750];
	v47 =	vmax.f32 v47, $0.0e+00;
	v49 =	vsub.f32 v63, v50;
	v41 =	vsub.f32 v46, v41  }
0x284: {  	v51 =	vld [tilespmem:$0x1CB0];
	v58 =	vmax.f32 v54, v3;
	(erf) = vrcp.f32 v37;
	v48 =	vsub.f32 v48, v42  }
0x285: {  	v54 =	vld [tilespmem:$0x3B0];
	v49 =	vmax.f32 v49, $0.0e+00;
	v52 =	vmin.f32 v62, v6;
	v41 =	vmax.f32 v41, $0.0e+00  }
0x286: {  	v60 =	vpop (erf);
	v47 =	vmul.f32 v49, v47;
	v59 =	vsub.f32 v52, v58;
	v49 =	vld [tilespmem:$0x8B0];
	v48 =	vadd.f32 $9.999999970e-07, v48  }
0x287: {  	v62 =	vadd.f32 v57, v7;
	v57 =	vld [tilespmem:$0xDC0];
	v38 =	vmul.f32 v60, v38;
	v55 =	vpop (erf);
	v61 =	vmin.f32 v61, v6  }
0x288: {  	v60 =	vld [tilespmem:$0xDB0];
	v43 =	vmul.f32 v55, v43;
	v50 =	vsub.f32 v8, v47;
	v46 =	vmax.f32 v59, $0.0e+00  }
0x289: {  	(erf) = vrcp.f32 v48;
	v48 =	vld [tilespmem:$0x3C0];
	vm12 =	vge.f32 v38, $5.000000000e-01;
	v46 =	vmul.f32 v46, v41  }
0x28a: {  	v55 =	vld [tilespmem:$0x8C0];
	v59 =	vmax.f32 v54, v4;
	v37 =	vsel vm12, $0xBF800000, v45;
	vm13 =	vge.f32 v43, $5.000000000e-01  }
0x28b: {  	v38 =	vld [tilespmem:$0x1760];
	v63 =	vadd.f32 $9.999999970e-07, v50;
	vm0 =	vgt.f32 v37, v44;
	v41 =	vsub.f32 v62, v46  }
0x28c: {  	v49 =	vmax.f32 v49, v3;
	v43 =	vmin.f32 v57, v5;
	v44 =	vsel vm0, v37, v44  }
0x28d: {  	v45 =	vld [tilespmem:$0x1770];
	v40 =	vsel vm0, $0x35, v40;
	(erf) = vrcp.f32 v63;
	v49 =	vsub.f32 v61, v49  }
0x28e: {  	v58 =	vmin.f32 v60, v5;
	v60 =	vld [tilespmem:$0x12C0];
	v63 =	vadd.f32 v51, v7;
	v41 =	vadd.f32 $9.999999970e-07, v41  }
0x28f: {  	v51 =	vld [tilespmem:$0x3E0];
	v8 =	vpop (erf);
	v50 =	vsub.f32 v58, v59;
	v48 =	vmax.f32 v48, v4;
	v55 =	vmax.f32 v55, v3  }
0x290: {  	v38 =	vsel vm13, $0xBF800000, v38;
	v39 =	vmul.f32 v8, v39;
	v49 =	vmax.f32 v49, $0.0e+00  }
0x291: {  	v8 =	vld [tilespmem:$0x1CC0];
	v58 =	vsub.f32 v43, v48;
	vm14 =	vgt.f32 v38, v44;
	(erf) = vrcp.f32 v41  }
0x292: {  	v53 =	vld [tilespmem:$0x1780];
	v62 =	vmax.f32 v50, $0.0e+00;
	v44 =	vsel vm14, v38, v44;
	vm15 =	vge.f32 v39, $5.000000000e-01  }
0x293: {  	v48 =	vld [tilespmem:$0x3D0];
	v49 =	vmul.f32 v49, v62;
	v41 =	vmax.f32 v58, $0.0e+00;
	v54 =	vmin.f32 v60, v6  }
0x294: {  	v62 =	vld [tilespmem:$0x12D0];
	v39 =	vsel vm15, $0xBF800000, v45;
	v56 =	vpop (erf);
	v51 =	vmax.f32 v51, v4;
	v59 =	vsub.f32 v54, v55  }
0x295: {  	v54 =	vsel vm14, $0x36, v40;
	vm4 =	vgt.f32 v39, v44;
	v60 =	vmul.f32 v56, v42;
	v42 =	vld [tilespmem:$0x8D0]  }
0x296: {  	v50 =	vsub.f32 v63, v49;
	v55 =	vld [tilespmem:$0xDD0];
	v61 =	vadd.f32 v8, v7;
	v44 =	vsel vm4, v39, v44  }
0x297: {  	v57 =	vld [tilespmem:$0xDE0];
	v54 =	vsel vm4, $0x37, v54;
	v43 =	vmax.f32 v59, $0.0e+00;
	vm5 =	vge.f32 v60, $5.000000000e-01  }
0x298: {  	v45 =	vld [tilespmem:$0x1790];
	v50 =	vadd.f32 $9.999999970e-07, v50;
	v56 =	vmul.f32 v43, v41;
	v40 =	vsel vm5, $0xBF800000, v53  }
0x299: {  	v58 =	vld [tilespmem:$0x12E0];
	v48 =	vmax.f32 v48, v4;
	v63 =	vpop (erf);
	v43 =	vmin.f32 v62, v6;
	vm1 =	vgt.f32 v40, v44  }
0x29a: {  	v8 =	vld [tilespmem:$0x1CD0];
	v47 =	vmul.f32 v63, v47;
	(erf) = vrcp.f32 v50;
	v41 =	vsub.f32 v61, v56  }
0x29b: {  	v53 =	vld [tilespmem:$0x400];
	v44 =	vsel vm1, v40, v44;
	v55 =	vmin.f32 v55, v5;
	v42 =	vmax.f32 v42, v3  }
0x29c: {  	v50 =	vld [tilespmem:$0x8E0];
	vm6 =	vge.f32 v47, $5.000000000e-01;
	v48 =	vsub.f32 v55, v48;
	v42 =	vsub.f32 v43, v42  }
0x29d: {  	v52 =	vld [tilespmem:$0x17A0];
	v61 =	vpop (erf);
	v43 =	vsel vm1, $0x38, v54;
	v60 =	vadd.f32 $9.999999970e-07, v41;
	v41 =	vsel vm6, $0xBF800000, v45  }
0x29e: {  	v63 =	vld [tilespmem:$0x1CE0];
	v45 =	vmul.f32 v61, v46;
	vm0 =	vgt.f32 v41, v44;
	v62 =	vmax.f32 v48, $0.0e+00  }
0x29f: {  	v59 =	vld [tilespmem:$0x17B0];
	v42 =	vmax.f32 v42, $0.0e+00;
	v48 =	vadd.f32 v8, v7;
	v8 =	vmin.f32 v57, v5  }
0x2a0: {  	v55 =	vld [tilespmem:$0xDF0];
	v53 =	vmax.f32 v53, v4;
	(erf) = vrcp.f32 v60;
	v47 =	vmul.f32 v42, v62  }
0x2a1: {  	v57 =	vld [tilespmem:$0x3F0];
	v60 =	vmin.f32 v58, v6;
	v50 =	vmax.f32 v50, v3;
	vm7 =	vge.f32 v45, $5.000000000e-01  }
0x2a2: {  	v61 =	vsub.f32 v8, v51;
	v51 =	vld [tilespmem:$0x8F0];
	v44 =	vsel vm0, v41, v44;
	v50 =	vsub.f32 v60, v50  }
0x2a3: {  	v63 =	vadd.f32 v63, v7;
	v43 =	vsel vm0, $0x39, v43;
	v58 =	vld [tilespmem:$0x900];
	v48 =	vsub.f32 v48, v47  }
0x2a4: {  	v42 =	vsel vm7, $0xBF800000, v52;
	v52 =	vld [tilespmem:$0x12F0];
	v45 =	vmax.f32 v61, $0.0e+00;
	v50 =	vmax.f32 v50, $0.0e+00  }
0x2a5: {  	v54 =	vld [tilespmem:$0x17D0];
	vm8 =	vgt.f32 v42, v44;
	v48 =	vadd.f32 $9.999999970e-07, v48;
	v50 =	vmul.f32 v50, v45  }
0x2a6: {  	v8 =	vld [tilespmem:$0x1300];
	v55 =	vmin.f32 v55, v5;
	v44 =	vsel vm8, v42, v44;
	v62 =	vpop (erf);
	v57 =	vmax.f32 v57, v4  }
0x2a7: {  	v61 =	vld [tilespmem:$0x1CF0];
	v49 =	vmul.f32 v62, v49;
	(erf) = vrcp.f32 v48;
	v45 =	vsub.f32 v63, v50  }
0x2a8: {  	v55 =	vsub.f32 v55, v57;
	v51 =	vmax.f32 v51, v3;
	v58 =	vmax.f32 v58, v3;
	v48 =	vld [tilespmem:$0xE00]  }
0x2a9: {  	v46 =	vld [tilespmem:$0x17C0];
	v62 =	vmin.f32 v52, v6;
	vm9 =	vge.f32 v49, $5.000000000e-01;
	v45 =	vadd.f32 $9.999999970e-07, v45  }
0x2aa: {  	v57 =	vld [tilespmem:$0x1D00];
	v49 =	vsel vm8, $0x3A, v43;
	v55 =	vmax.f32 v55, $0.0e+00;
	v43 =	vsel vm9, $0xBF800000, v59  }
0x2ab: {  	v52 =	vld [tilespmem:$0x410];
	v59 =	vmin.f32 v8, v6;
	(erf) = vrcp.f32 v45;
	v45 =	vsub.f32 v62, v51  }
0x2ac: {  	v8 =	vadd.f32 v61, v7;
	v61 =	vld [tilespmem:$0x420];
	v60 =	vpop (erf);
	vm10 =	vgt.f32 v43, v44;
	v63 =	vsub.f32 v59, v58  }
0x2ad: {  	v56 =	vmul.f32 v60, v56;
	v51 =	vld [tilespmem:$0x910];
	v48 =	vmin.f32 v48, v5;
	v45 =	vmax.f32 v45, $0.0e+00  }
0x2ae: {  	v60 =	vld [tilespmem:$0xE10];
	v59 =	vsel vm10, v43, v44;
	v48 =	vsub.f32 v48, v53;
	v55 =	vmul.f32 v45, v55  }
0x2af: {  	v58 =	vld [tilespmem:$0x1310];
	v49 =	vsel vm10, $0x3B, v49;
	vm11 =	vge.f32 v56, $5.000000000e-01;
	v53 =	vmax.f32 v63, $0.0e+00  }
0x2b0: {  	v56 =	vld [tilespmem:$0x1D10];
	v63 =	vadd.f32 v57, v7;
	v48 =	vmax.f32 v48, $0.0e+00;
	v44 =	vpop (erf);
	v8 =	vsub.f32 v8, v55  }
0x2b1: {  	v57 =	vld [tilespmem:$0xE20];
	v62 =	vmul.f32 v44, v47;
	v47 =	vmul.f32 v53, v48;
	v44 =	vsel vm11, $0xBF800000, v46  }
0x2b2: {  	v52 =	vmax.f32 v52, v4;
	v51 =	vmax.f32 v51, v3;
	v53 =	vld [tilespmem:$0x920];
	vm12 =	vgt.f32 v44, v59  }
0x2b3: {  	v46 =	vadd.f32 $9.999999970e-07, v8;
	v8 =	vmin.f32 v60, v5;
	v60 =	vld [tilespmem:$0xE30];
	v48 =	vsub.f32 v63, v47  }
0x2b4: {  	vm13 =	vge.f32 v62, $5.000000000e-01;
	v62 =	vld [tilespmem:$0x1320];
	v59 =	vsel vm12, v44, v59;
	v49 =	vsel vm12, $0x3C, v49  }
0x2b5: {  	v45 =	vsel vm13, $0xBF800000, v54;
	v54 =	vld [tilespmem:$0x1D20];
	v63 =	vpop (erf);
	(erf) = vrcp.f32 v46;
	v48 =	vadd.f32 $9.999999970e-07, v48  }
0x2b6: {  	v46 =	vld [tilespmem:$0x930];
	vm14 =	vgt.f32 v45, v59;
	v50 =	vmul.f32 v63, v50;
	v63 =	vmin.f32 v58, v6  }
0x2b7: {  	v58 =	vld [tilespmem:$0x1330];
	v51 =	vsub.f32 v63, v51;
	v53 =	vmax.f32 v53, v3;
	(erf) = vrcp.f32 v48  }
0x2b8: {  	v48 =	vsub.f32 v8, v52;
	v52 =	vmin.f32 v57, v5;
	v8 =	vmax.f32 v61, v4;
	v61 =	vld [tilespmem:$0x440]  }
0x2b9: {  	v57 =	vld [tilespmem:$0xE40];
	v60 =	vmin.f32 v60, v5;
	vm15 =	vge.f32 v50, $5.000000000e-01;
	v52 =	vsub.f32 v52, v8  }
0x2ba: {  	v8 =	vmin.f32 v62, v6;
	v62 =	vld [tilespmem:$0x940];
	v51 =	vmax.f32 v51, $0.0e+00;
	v0 =	vsub.f32 v60, v0  }
0x2bb: {  	v60 =	vld [tilespmem:$0x450];
	v48 =	vmax.f32 v48, $0.0e+00;
	v53 =	vsub.f32 v8, v53;
	v54 =	vadd.f32 v54, v7  }
0x2bc: {  	v46 =	vmax.f32 v46, v3;
	v51 =	vmul.f32 v51, v48;
	v48 =	vadd.f32 v56, v7;
	v56 =	vld [tilespmem:$0x1340]  }
0x2bd: {  	v8 =	vld [tilespmem:$0x1D30];
	v52 =	vmax.f32 v52, $0.0e+00;
	v58 =	vmin.f32 v58, v6;
	v53 =	vmax.f32 v53, $0.0e+00  }
0x2be: {  	v46 =	vsub.f32 v58, v46;
	v58 =	vld [tilespmem:$0x950];
	v57 =	vmin.f32 v57, v5;
	v61 =	vmax.f32 v61, v4  }
0x2bf: {  	v0 =	vmax.f32 v0, $0.0e+00;
	v52 =	vmul.f32 v53, v52;
	v57 =	vsub.f32 v57, v61;
	v61 =	vld [tilespmem:$0x1350]  }
0x2c0: {  	v48 =	vsub.f32 v48, v51;
	v53 =	vld [tilespmem:$0x1D40];
	v62 =	vmax.f32 v62, v3;
	v46 =	vmax.f32 v46, $0.0e+00  }
0x2c1: {  	v60 =	vmax.f32 v60, v4;
	v54 =	vsub.f32 v54, v52;
	v56 =	vmin.f32 v56, v6  }
0x2c2: {  	v63 =	vld [tilespmem:$0x460];
	v0 =	vmul.f32 v46, v0;
	v8 =	vadd.f32 v8, v7;
	v56 =	vsub.f32 v56, v62  }
0x2c3: {  	v48 =	vadd.f32 $9.999999970e-07, v48;
	v1 =	vsub.f32 v1, v60;
	v57 =	vmax.f32 v57, $0.0e+00;
	v62 =	vld [tilespmem:$0x1D50]  }
0x2c4: {  	v54 =	vadd.f32 $9.999999970e-07, v54;
	v56 =	vmax.f32 v56, $0.0e+00;
	v60 =	vmin.f32 v61, v6;
	v61 =	vld [tilespmem:$0x1360]  }
0x2c5: {  	v58 =	vmax.f32 v58, v3;
	v53 =	vadd.f32 v53, v7;
	v56 =	vmul.f32 v56, v57;
	v57 =	vld [tilespmem:$0x960]  }
0x2c6: {  	[tilespmem:$0x1600] =	vst v16;
	v16 =	vld [tilespmem:$0x1840];
	v46 =	vsub.f32 v8, v0;
	(erf) = vrcp.f32 v48;
	v58 =	vsub.f32 v60, v58  }
0x2c7: {  	v8 =	vld [tilespmem:$0x17E0];
	v1 =	vmax.f32 v1, $0.0e+00;
	(erf) = vrcp.f32 v54;
	v53 =	vsub.f32 v53, v56  }
0x2c8: {  	[tilespmem:$0x1620] =	vst v18;
	v18 =	vld [tilespmem:$0x1DB0];
	v60 =	vmax.f32 v58, $0.0e+00;
	v54 =	vadd.f32 v62, v7;
	v62 =	vmax.f32 v63, v4  }
0x2c9: {  	[tilespmem:$0x1640] =	vst v20;
	v20 =	vld [tilespmem:$0x4D0];
	v50 =	vadd.f32 $9.999999970e-07, v46;
	v1 =	vmul.f32 v60, v1;
	v2 =	vsub.f32 v2, v62  }
0x2ca: {  	v58 =	vld [tilespmem:$0x1D60];
	v53 =	vadd.f32 $9.999999970e-07, v53;
	v61 =	vmin.f32 v61, v6;
	v57 =	vmax.f32 v57, v3  }
0x2cb: {  	[tilespmem:$0x1720] =	vst v34;
	v34 =	vld [tilespmem:$0x1DE0];
	v59 =	vsel vm14, v45, v59;
	v62 =	vsub.f32 v54, v1;
	v57 =	vsub.f32 v61, v57  }
0x2cc: {  	v49 =	vsel vm14, $0x3D, v49;
	(erf) = vrcp.f32 v50;
	v46 =	vsel vm15, $0xBF800000, v8;
	v8 =	vpop (erf);
	v60 =	vld [tilespmem:$0x17F0]  }
0x2cd: {  	v63 =	vld [tilespmem:$0x1800];
	v48 =	vmul.f32 v8, v55;
	(erf) = vrcp.f32 v53;
	v8 =	vmax.f32 v57, $0.0e+00  }
0x2ce: {  	v55 =	vld [tilespmem:$0x1810];
	vm4 =	vgt.f32 v46, v59;
	v2 =	vmax.f32 v2, $0.0e+00;
	v50 =	vadd.f32 $9.999999970e-07, v62  }
0x2cf: {  	v59 =	vsel vm4, v46, v59;
	v54 =	vld [tilespmem:$0x1820];
	v61 =	vadd.f32 v58, v7;
	v2 =	vmul.f32 v8, v2;
	v62 =	vpop (erf)  }
0x2d0: {  	vm5 =	vge.f32 v48, $5.000000000e-01;
	v53 =	vld [tilespmem:$0x970];
	(erf) = vrcp.f32 v50;
	v48 =	vmul.f32 v62, v47;
	v8 =	vpop (erf)  }
0x2d1: {  	v58 =	vld [tilespmem:$0x470];
	v47 =	vsel vm5, $0xBF800000, v60;
	v50 =	vsub.f32 v61, v2;
	v51 =	vmul.f32 v8, v51  }
0x2d2: {  	v18 =	vadd.f32 v18, v7;
	v49 =	vsel vm4, $0x3E, v49;
	v60 =	vld [tilespmem:$0xE70];
	vm6 =	vgt.f32 v47, v59  }
0x2d3: {  	v62 =	vld [tilespmem:$0x1370];
	vm7 =	vge.f32 v48, $5.000000000e-01;
	v8 =	vpop (erf);
	v49 =	vsel vm6, $0x3F, v49;
	v50 =	vadd.f32 $9.999999970e-07, v50  }
0x2d4: {  	v61 =	vld [tilespmem:$0x980];
	v59 =	vsel vm6, v47, v59;
	v48 =	vsel vm7, $0xBF800000, v63;
	v52 =	vmul.f32 v8, v52  }
0x2d5: {  	v63 =	vld [tilespmem:$0x1D70];
	vm1 =	vgt.f32 v48, v59;
	vm8 =	vge.f32 v51, $5.000000000e-01;
	(erf) = vrcp.f32 v50;
	v51 =	vpop (erf)  }
0x2d6: {  	v50 =	vld [tilespmem:$0x480];
	v8 =	vsel vm1, $0x40, v49;
	vm9 =	vge.f32 v52, $5.000000000e-01;
	v0 =	vmul.f32 v51, v0;
	v49 =	vpop (erf)  }
0x2d7: {  	v51 =	vld [tilespmem:$0xE80];
	v52 =	vmul.f32 v49, v56;
	v49 =	vmin.f32 v60, v5;
	v60 =	vmax.f32 v58, v4  }
0x2d8: {  	v53 =	vmax.f32 v53, v3;
	v59 =	vsel vm1, v48, v59;
	v58 =	vld [tilespmem:$0x1380];
	v56 =	vsub.f32 v49, v60  }
0x2d9: {  	v60 =	vmin.f32 v62, v6;
	v62 =	vld [tilespmem:$0x1D80];
	v49 =	vsel vm8, $0xBF800000, v55;
	vm10 =	vge.f32 v0, $5.000000000e-01  }
0x2da: {  	v55 =	vld [tilespmem:$0x490];
	v53 =	vsub.f32 v60, v53;
	vm11 =	vge.f32 v52, $5.000000000e-01;
	vm12 =	vgt.f32 v49, v59  }
0x2db: {  	v50 =	vmax.f32 v50, v4;
	v60 =	vld [tilespmem:$0x1390];
	v0 =	vpop (erf);
	v59 =	vsel vm12, v49, v59;
	v8 =	vsel vm12, $0x41, v8  }
0x2dc: {  	v52 =	vld [tilespmem:$0x990];
	v0 =	vmul.f32 v0, v1;
	v53 =	vmax.f32 v53, $0.0e+00;
	v51 =	vmin.f32 v51, v5  }
0x2dd: {  	v1 =	vmax.f32 v56, $0.0e+00;
	v56 =	vld [tilespmem:$0xE90];
	v50 =	vsub.f32 v51, v50;
	v51 =	vmin.f32 v58, v6  }
0x2de: {  	v58 =	vmax.f32 v61, v3;
	v1 =	vmul.f32 v53, v1;
	v61 =	vadd.f32 v63, v7;
	v63 =	vld [tilespmem:$0xEA0]  }
0x2df: {  	v51 =	vsub.f32 v51, v58;
	v58 =	vld [tilespmem:$0x1D90];
	vm13 =	vge.f32 v0, $5.000000000e-01;
	v62 =	vadd.f32 v62, v7;
	v53 =	vpop (erf)  }
0x2e0: {  	v50 =	vmax.f32 v50, $0.0e+00;
	v60 =	vmin.f32 v60, v6;
	v0 =	vmul.f32 v53, v2;
	v2 =	vld [tilespmem:$0x4A0]  }
0x2e1: {  	v52 =	vmax.f32 v52, v3;
	v53 =	vsub.f32 v61, v1;
	v51 =	vmax.f32 v51, $0.0e+00;
	v61 =	vld [tilespmem:$0x9A0]  }
0x2e2: {  	[tilespmem:$0x15A0] =	vst v10;
	v10 =	vsub.f32 v60, v52;
	v52 =	vld [tilespmem:$0x13B0];
	v51 =	vmul.f32 v51, v50;
	v50 =	vsel vm9, $0xBF800000, v54  }
0x2e3: {  	[tilespmem:$0x1580] =	vst v9;
	vm14 =	vge.f32 v0, $5.000000000e-01;
	v0 =	vadd.f32 $9.999999970e-07, v53;
	v53 =	vld [tilespmem:$0x13A0];
	vm15 =	vgt.f32 v50, v59  }
0x2e4: {  	v20 =	vmax.f32 v20, v4;
	[tilespmem:$0x1770] =	vst v39;
	v39 =	vadd.f32 v34, v7;
	v9 =	vsel vm15, $0x42, v8;
	v8 =	vld [tilespmem:$0x1FDE0]  }
0x2e5: {  	v16 =	vsel vm11, $0xBF800000, v16;
	v55 =	vmax.f32 v55, v4;
	v54 =	vsub.f32 v62, v51;
	v62 =	vld [tilespmem:$0x1DA0]  }
0x2e6: {  	v60 =	vmin.f32 v63, v5;
	v10 =	vmax.f32 v10, $0.0e+00;
	(erf) = vrcp.f32 v0;
	v0 =	vld [tilespmem:$0x4B0]  }
0x2e7: {  	v57 =	vld [tilespmem:$0x1830];
	v59 =	vsel vm15, v50, v59;
	v54 =	vadd.f32 $9.999999970e-07, v54;
	v2 =	vmax.f32 v2, v4  }
0x2e8: {  	[tilespmem:$0x15B0] =	vst v11;
	v63 =	vmax.f32 v61, v3;
	v61 =	vadd.f32 v58, v7;
	v11 =	vmin.f32 v53, v6;
	v53 =	vld [tilespmem:$0x4C0]  }
0x2e9: {  	v52 =	vmin.f32 v52, v6;
	v2 =	vsub.f32 v60, v2;
	[tilespmem:$0x1590] =	vst v8;
	v8 =	vmin.f32 v56, v5;
	v56 =	vld [tilespmem:$0x9B0]  }
0x2ea: {  	(erf) = vrcp.f32 v54;
	v11 =	vsub.f32 v11, v63;
	v8 =	vsub.f32 v8, v55;
	v55 =	vld [tilespmem:$0xEB0]  }
0x2eb: {  	[tilespmem:$0x1610] =	vst v17;
	v2 =	vmax.f32 v2, $0.0e+00;
	v17 =	vadd.f32 v62, v7;
	v0 =	vmax.f32 v0, v4  }
0x2ec: {  	v11 =	vmax.f32 v11, $0.0e+00;
	v60 =	vmax.f32 v8, $0.0e+00;
	v8 =	vsel vm10, $0xBF800000, v57  }
0x2ed: {  	v2 =	vmul.f32 v11, v2;
	v10 =	vmul.f32 v10, v60;
	v53 =	vmax.f32 v53, v4  }
0x2ee: {  	[tilespmem:$0x15D0] =	vst v13;
	v13 =	vld [tilespmem:$0x1850];
	vm3 =	vgt.f32 v8, v59;
	v58 =	vmax.f32 v56, v3;
	v14 =	vsub.f32 v14, v53  }
0x2ef: {  	[tilespmem:$0x1650] =	vst v21;
	v17 =	vsub.f32 v17, v2;
	v63 =	vsub.f32 v61, v10;
	v57 =	vmin.f32 v55, v5;
	v61 =	vld [tilespmem:$0x1DC0]  }
0x2f0: {  	[tilespmem:$0x16E0] =	vst v30;
	v30 =	vld [tilespmem:$0x13F0];
	v21 =	vsel vm3, v8, v59;
	v60 =	vsub.f32 v52, v58;
	v0 =	vsub.f32 v57, v0  }
0x2f1: {  	v56 =	vld [tilespmem:$0x13D0];
	v9 =	vsel vm3, $0x43, v9;
	v62 =	vadd.f32 $9.999999970e-07, v63;
	v63 =	vsub.f32 v15, v12  }
0x2f2: {  	v59 =	vld [tilespmem:$0x9E0];
	vm9 =	vgt.f32 v16, v21;
	v54 =	vmax.f32 v60, $0.0e+00;
	v0 =	vmax.f32 v0, $0.0e+00  }
0x2f3: {  	[tilespmem:$0x1630] =	vst v19;
	v55 =	vld [tilespmem:$0xED0];
	v12 =	vmul.f32 v54, v0;
	v0 =	vmax.f32 v14, $0.0e+00;
	v11 =	vmax.f32 v63, $0.0e+00  }
0x2f4: {  	[tilespmem:$0x1660] =	vst v22;
	v58 =	vld [tilespmem:$0x4E0];
	v17 =	vadd.f32 $9.999999970e-07, v17;
	v11 =	vmul.f32 v11, v0;
	v0 =	vadd.f32 v61, v7  }
0x2f5: {  	[tilespmem:$0x1760] =	vst v38;
	v38 =	vsel vm9, v16, v21;
	v9 =	vsel vm9, $0x44, v9;
	v15 =	vld [tilespmem:$0x9D0];
	v57 =	vpop (erf);
	v18 =	vsub.f32 v18, v12  }
0x2f6: {  	[tilespmem:$0x1670] =	vst v23;
	v1 =	vmul.f32 v57, v1;
	(erf) = vrcp.f32 v62;
	v62 =	vld [tilespmem:$0x13E0];
	v0 =	vsub.f32 v0, v11  }
0x2f7: {  	[tilespmem:$0x1680] =	vst v24;
	v63 =	vld [tilespmem:$0x4F0];
	v14 =	vmin.f32 v56, v6;
	v22 =	vmax.f32 v59, v3;
	v18 =	vadd.f32 $9.999999970e-07, v18  }
0x2f8: {  	[tilespmem:$0x1690] =	vst v25;
	v60 =	vpop (erf);
	v61 =	vld [tilespmem:$0xEE0];
	(erf) = vrcp.f32 v17;
	v19 =	vmin.f32 v55, v5;
	v0 =	vadd.f32 $9.999999970e-07, v0  }
0x2f9: {  	[tilespmem:$0x16C0] =	vst v28;
	v28 =	vld [tilespmem:$0xEF0];
	vm7 =	vge.f32 v1, $5.000000000e-01;
	v1 =	vmul.f32 v60, v51;
	(erf) = vrcp.f32 v18  }
0x2fa: {  	[tilespmem:$0x16D0] =	vst v29;
	v23 =	vmax.f32 v58, v4;
	v15 =	vmax.f32 v15, v3;
	(erf) = vrcp.f32 v0;
	v0 =	vld [tilespmem:$0x9F0]  }
0x2fb: {  	[tilespmem:$0x1700] =	vst v32;
	v32 =	vld [tilespmem:$0x1DD0];
	v29 =	vsub.f32 v19, v20;
	v14 =	vsub.f32 v14, v15;
	vm8 =	vge.f32 v1, $5.000000000e-01  }
0x2fc: {  	[tilespmem:$0x16A0] =	vst v26;
	v17 =	vmin.f32 v62, v6;
	v4 =	vmax.f32 v63, v4;
	v6 =	vmin.f32 v30, v6  }
0x2fd: {  	[tilespmem:$0x16F0] =	vst v31;
	v18 =	vmax.f32 v29, $0.0e+00;
	v14 =	vmax.f32 v14, $0.0e+00;
	v31 =	vmin.f32 v61, v5  }
0x2fe: {  	[tilespmem:$0x1730] =	vst v35;
	v35 =	vld [tilespmem:$0x1DF0];
	v17 =	vsub.f32 v17, v22;
	v5 =	vmin.f32 v28, v5;
	v14 =	vmul.f32 v14, v18  }
0x2ff: {  	[tilespmem:$0x1710] =	vst v33;
	v1 =	vld [tilespmem:$0x1860];
	v33 =	vsub.f32 v31, v23;
	v4 =	vsub.f32 v5, v4;
	v0 =	vmax.f32 v0, v3  }
0x300: {  	[tilespmem:$0x16B0] =	vst v27;
	v5 =	vsel vm13, $0xBF800000, v13;
	v0 =	vsub.f32 v6, v0;
	v6 =	vadd.f32 v32, v7  }
0x301: {  	[tilespmem:$0x1740] =	vst v36;
	v17 =	vmax.f32 v17, $0.0e+00;
	v4 =	vmax.f32 v4, $0.0e+00;
	v3 =	vmax.f32 v33, $0.0e+00  }
0x302: {  	[tilespmem:$0x1780] =	vst v40;
	v40 =	vld [tilespmem:$0x1870];
	v3 =	vmul.f32 v17, v3;
	v6 =	vsub.f32 v6, v14;
	v0 =	vmax.f32 v0, $0.0e+00  }
0x303: {  	[tilespmem:$0x1750] =	vst v37;
	v51 =	vld [tilespmem:$0x1880];
	vm10 =	vgt.f32 v5, v38;
	v7 =	vadd.f32 v35, v7;
	v0 =	vmul.f32 v0, v4  }
0x304: {  	[tilespmem:$0x1790] =	vst v41;
	v1 =	vsel vm14, $0xBF800000, v1;
	v17 =	vsub.f32 v39, v3;
	v4 =	vpop (erf);
	v6 =	vadd.f32 $9.999999970e-07, v6  }
0x305: {  	[tilespmem:$0x17A0] =	vst v42;
	v13 =	vsel vm10, v5, v38;
	v4 =	vmul.f32 v4, v10;
	v7 =	vsub.f32 v7, v0  }
0x306: {  	[tilespmem:$0x17B0] =	vst v43;
	vm11 =	vgt.f32 v1, v13;
	v52 =	vadd.f32 $9.999999970e-07, v17;
	(erf) = vrcp.f32 v6;
	v6 =	vld [tilespmem:$0x1890]  }
0x307: {  	[tilespmem:$0x17C0] =	vst v44;
	v15 =	vsel vm7, $0xBF800000, v40;
	v13 =	vsel vm11, v1, v13;
	v7 =	vadd.f32 $9.999999970e-07, v7  }
0x308: {  	[tilespmem:$0x17D0] =	vst v45;
	v53 =	vld [tilespmem:$0x18A0];
	v54 =	vsel vm8, $0xBF800000, v51;
	vm12 =	vgt.f32 v15, v13;
	(erf) = vrcp.f32 v52  }
0x309: {  	[tilespmem:$0x17E0] =	vst v46;
	v9 =	vsel vm10, $0x45, v9;
	v13 =	vsel vm12, v15, v13;
	vm13 =	vge.f32 v4, $5.000000000e-01;
	v4 =	vpop (erf)  }
0x30a: {  	[tilespmem:$0x17F0] =	vst v47;
	vm14 =	vgt.f32 v54, v13;
	v2 =	vmul.f32 v4, v2;
	v4 =	vld [tilespmem:$0x18B0];
	(erf) = vrcp.f32 v7  }
0x30b: {  	[tilespmem:$0x1800] =	vst v48;
	v9 =	vsel vm11, $0x46, v9;
	v13 =	vsel vm14, v54, v13;
	v7 =	vpop (erf);
	v6 =	vsel vm13, $0xBF800000, v6  }
0x30c: {  	[tilespmem:$0x1810] =	vst v49;
	vm5 =	vge.f32 v2, $5.000000000e-01;
	vm15 =	vgt.f32 v6, v13;
	v2 =	vmul.f32 v7, v12;
	v7 =	vld [tilespmem:$0x18C0]  }
0x30d: {  	[tilespmem:$0x1840] =	vst v16;
	v56 =	vsel vm12, $0x47, v9;
	v55 =	vpop (erf);
	v10 =	vsel vm5, $0xBF800000, v53;
	v57 =	vsel vm15, v6, v13  }
0x30e: {  	[tilespmem:$0x1820] =	vst v50;
	v58 =	vld [tilespmem:$0x18D0];
	vm6 =	vgt.f32 v10, v57;
	vm7 =	vge.f32 v2, $5.000000000e-01;
	v2 =	vmul.f32 v55, v11  }
0x30f: {  	[tilespmem:$0x1850] =	vst v5;
	v5 =	vsel vm14, $0x48, v56;
	v59 =	vpop (erf);
	v60 =	vsel vm6, v10, v57;
	v4 =	vsel vm7, $0xBF800000, v4  }
0x310: {  	[tilespmem:$0x1860] =	vst v1;
	vm2 =	vgt.f32 v4, v60;
	vm8 =	vge.f32 v2, $5.000000000e-01;
	v1 =	vmul.f32 v59, v14;
	v2 =	vld [tilespmem:$0x18E0]  }
0x311: {  	[tilespmem:$0x1830] =	vst v8;
	v5 =	vsel vm15, $0x49, v5;
	v61 =	vpop (erf);
	v7 =	vsel vm8, $0xBF800000, v7;
	v8 =	vsel vm2, v4, v60  }
0x312: {  	[tilespmem:$0x1870] =	vst v15;
	vm9 =	vgt.f32 v7, v8;
	vm10 =	vge.f32 v1, $5.000000000e-01;
	v1 =	vmul.f32 v61, v3;
	v3 =	vld [tilespmem:$0x18F0]  }
0x313: {  	[tilespmem:$0x1890] =	vst v6;
	v5 =	vsel vm6, $0x4A, v5;
	v63 =	vpop (erf);
	v6 =	vsel vm9, v7, v8;
	v62 =	vsel vm10, $0xBF800000, v58  }
0x314: {  	s25 =	sadd.s32 $0x100, s25;
	[tilespmem:$0x1880] =	vst v54;
	v0 =	vmul.f32 v63, v0;
	vm11 =	vgt.f32 v62, v6;
	vm12 =	vge.f32 v1, $5.000000000e-01  }
0x315: {  	p1 =	sne.s32 s25, $0x6400;
	[tilespmem:$0x18B0] =	vst v4;
	v1 =	vsel vm2, $0x4B, v5;
	v4 =	vsel vm11, v62, v6;
	v2 =	vsel vm12, $0xBF800000, v2  }
.Ltmp0:
0x316: {  	[tilespmem:$0x18A0] =	vst v10;
	v1 =	vsel vm9, $0x4C, v1;
	vm14 =	vge.f32 v0, $5.000000000e-01;
	vm13 =	vgt.f32 v2, v4;
	(pc) =	sbr.rel @p1 .LBB2_2-.Ltmp0, $4  }
0x317: {  	[tilespmem:$0x18C0] =	vst v7;
	v0 =	vsel vm11, $0x4D, v1;
	v1 =	vsel vm14, $0xBF800000, v3;
	v3 =	vsel vm13, v2, v4  }
0x318: {  	[tilespmem:$0x18D0] =	vst v62;
	vm15 =	vgt.f32 v1, v3  }
0x319: {  	[tilespmem:$0x18E0] =	vst v2;
	v0 =	vsel vm13, $0x4E, v0;
	v3 =	vsel vm15, v1, v3  }
0x31a: {  	s24 =	sadd.s32 $0x10, s24;
	v2 =	vld [tilespmem:$0x1FFF0];
	[tilespmem:$0x18F0] =	vst v1;
	v1 =	vlaneseq.u32;
	v4 =	vsel vm15, $0x4F, v0;
	v0 =	vimm.s32 $0x0  }
0x31b: {  	s24 =	simm.s32 @!p0 $0x80;
	s25 =	simm.s32 @!p0 $0x100;
	s23 =	sadd.s32 $0x1, s23  }
0x31c: {  	[hbm4b:s10+s24] =	stream.strided.scatter @!p0 [tilespmem:s26], [sflag:$0x1], $0x680, s25, s24, $0x38;
	[tilespmem:$0x2620] =	vst v63  }
0x31d: {  	p1 =	sne.s32 s23, s11  }
.Ltmp1:
0x31e: {  	_ = 	snop;
	(pc) =	sbr.rel @p1 .LBB2_1-.Ltmp1, $4  }
0x31f: {  	s24 =	simm.s32 @!p0 $0x1  }
0x320: {  	_ =	swait.ge @!p0 [sflag:s24], $0x680  }
0x321: {  	[sflag:s24] =	ssyncset.done @!p0 $0x0  }
0x322: {  	[sflag:s24] =	ssyncadd.s32 @!p0 $0xFFFFF980  }
0x323: {  	_ =	sfence.sel $0x180000  }
0x324: {  	[bflag:$0x0] =	sbarrier.arrive $0xFFFF  }
0x325: {  	_ =	strace $0x90000047  }
0x326: {  	s0 =	sadd.s32 @!p0 $0x100000, s0;
	[bflag:$0x2] =	sbarrier.arrive $0xFFFF  }
0x327: {  	[sflag:s0] =	ssyncadd.tile.s32 @!p0 $0x1;
	_ =	shalt  }
.Lfunc_end2:
_tile_overlayer_lowered:
.L_overlay_start_2:
0x328: {  	(tag) =	ssettag $0x2  }
0x329: {  	s0 =	rddreg [dreg:$0x0];
	s2 =	stileid.u32  }
0x32a: {  	s1 =	rddreg [dreg:$0x1];
	p0 =	sne.s32 s2, $0x0  }
0x32b: {  	s3 =	rddreg [dreg:$0x2];
	[bflag:$0x3] =	sbarrier.arrive $0xFFFF;
	s2 =	simm.s32 @!p0 $0x1C01  }
0x32c: {  	[timem:s3], [sflag:s2] =	dma.local @!p0 [hbm:s0], s1  }
0x32d: {  	s0 =	simm.s32 @!p0 $0x1  }
0x32e: {  	_ =	swait.ge @!p0 [sflag:s0], s1  }
0x32f: {  	s1 =	ssub.s32 @!p0 $0x0, s1;
	[sflag:s0] =	ssyncset.done @!p0 $0x0  }
0x330: {  	[sflag:s0] =	ssyncadd.s32 @!p0 s1  }
0x331: {  	[bflag:$0x3] =	sbarrier.arrive $0xFFFF  }
0x332: {  	_ =	shalt  }

</sc_bundles>
